<compile_context>
chip_gen: v7x
topology: tpu7x:2x2x1
jax: 0.10.2.dev20260603
libtpu: 0.0.44.dev20260713+nightly
codegen_flags: <defaults>
</compile_context>

<pallas_src>
import functools

import jax
import jax.numpy as jnp
from jax import lax
from jax.experimental import pallas as pl
from jax.experimental.pallas import tpu as pltpu
from jax.experimental.pallas import tpu_sc as plsc

N_NODES = 10000
D = 128
NC = 2
NS = 16
NW = NC * NS
CHUNK = 64
G = 16
NBUF = 4
N_PAD = 10240
ROWS_PER_TILE = N_PAD // NS


def _sc_aggregate(feature, src3, dst4, zeros, ng):
    mesh = plsc.VectorSubcoreMesh(core_axis_name="c", subcore_axis_name="s")

    @functools.partial(
        pl.kernel,
        mesh=mesh,
        out_type=(jax.ShapeDtypeStruct((N_PAD, D), jnp.float32),
                  jax.ShapeDtypeStruct((N_PAD, D), jnp.float32)),
        scratch_types=[
            pltpu.VMEM((G * CHUNK,), jnp.int32),
            pltpu.VMEM((G * CHUNK,), jnp.int32),
            pltpu.VMEM((G, CHUNK), jnp.int32),
            pltpu.VMEM((G, CHUNK), jnp.int32),
            pltpu.VMEM((CHUNK, D), jnp.float32),
            pltpu.VMEM((CHUNK, D), jnp.float32),
            pltpu.VMEM((CHUNK, D), jnp.float32),
            pltpu.VMEM((CHUNK, D), jnp.float32),
            pltpu.VMEM_SHARED((N_PAD, D), jnp.float32),
            pltpu.SemaphoreType.DMA,
            pltpu.SemaphoreType.DMA,
            pltpu.SemaphoreType.DMA,
            pltpu.SemaphoreType.DMA,
            pltpu.SemaphoreType.DMA,
            pltpu.SemaphoreType.DMA,
            pltpu.SemaphoreType.DMA,
        ],
    )
    def agg(feat_hbm, src_hbm, dst_hbm, zer_hbm, out0_hbm, out1_hbm,
            src_g0, src_g1, dst_g0, dst_g1, rows_0, rows_1, rows_2, rows_3,
            h_sh, sem_0, sem_1, sem_2, sem_3, sem_i0, sem_i1, sem_z):
        c = lax.axis_index("c")
        s = lax.axis_index("s")
        wid = s * NC + c

        src_bufs = (src_g0, src_g1)
        dst_bufs = (dst_g0, dst_g1)
        idx_sems = (sem_i0, sem_i1)
        row_bufs = (rows_0, rows_1, rows_2, rows_3)
        row_sems = (sem_0, sem_1, sem_2, sem_3)

        def idx_start(g, p):
            pltpu.async_copy(src_hbm.at[wid * ng + g], src_bufs[p], idx_sems[p])
            pltpu.async_copy(dst_hbm.at[wid * ng + g], dst_bufs[p], idx_sems[p])

        def idx_drain(g, p):
            pltpu.make_async_copy(
                src_hbm.at[wid * ng + g], src_bufs[p], idx_sems[p]).wait()
            pltpu.make_async_copy(
                dst_hbm.at[wid * ng + g], dst_bufs[p], idx_sems[p]).wait()

        def gather_start(p_idx, k, p_row):
            pltpu.async_copy(
                feat_hbm.at[src_bufs[p_idx].at[pl.ds(k * CHUNK, CHUNK)]],
                row_bufs[p_row], row_sems[p_row])

        def gather_wait(p_idx, k, p_row):
            pltpu.make_async_copy(
                feat_hbm.at[src_bufs[p_idx].at[pl.ds(k * CHUNK, CHUNK)]],
                row_bufs[p_row], row_sems[p_row]).wait()

        def scatter_add(p_idx, k, p_row):
            pltpu.sync_copy(row_bufs[p_row], h_sh.at[dst_bufs[p_idx].at[k]],
                            add=True)

        def group(g, p, nxt, last=False):
            for k in range(G):
                j = k + NBUF - 1
                if j < G:
                    gather_start(p, j, j % NBUF)
                elif not last:
                    if j == G:
                        idx_drain(*nxt)
                    gather_start(nxt[1], j - G, j % NBUF)
                gather_wait(p, k, k % NBUF)
                scatter_add(p, k, k % NBUF)

        idx_start(0, 0)
        idx_start(1, 1)

        zdst = h_sh.at[pl.ds(s * ROWS_PER_TILE, ROWS_PER_TILE)]
        pltpu.async_copy(zer_hbm, zdst, sem_z)
        pltpu.make_async_copy(zer_hbm, zdst, sem_z).wait()

        idx_drain(0, 0)
        for j in range(NBUF - 1):
            gather_start(0, j, j)
        plsc.subcore_barrier()

        def pair(t, _):
            g0 = 2 * t
            group(g0, 0, (g0 + 1, 1))
            idx_start(g0 + 2, 0)
            group(g0 + 1, 1, (g0 + 2, 0))
            idx_start(g0 + 3, 1)
            return 0

        lax.fori_loop(0, ng // 2 - 1, pair, 0)

        group(ng - 2, 0, (ng - 1, 1))
        group(ng - 1, 1, None, last=True)
        plsc.subcore_barrier()

        rows = h_sh.at[pl.ds(s * ROWS_PER_TILE, ROWS_PER_TILE)]

        @pl.when(c == 0)
        def _():
            pltpu.sync_copy(rows, out0_hbm.at[pl.ds(s * ROWS_PER_TILE,
                                                    ROWS_PER_TILE)])

        @pl.when(c == 1)
        def _():
            pltpu.sync_copy(rows, out1_hbm.at[pl.ds(s * ROWS_PER_TILE,
                                                    ROWS_PER_TILE)])

    return agg(feature, src3, dst4, zeros)


def _tc_linear(h0, h1, W, b2):
    nblk = 5
    R = N_NODES // nblk

    def mm(h0_ref, h1_ref, w_ref, b_ref, o_ref):
        h = h0_ref[...] + h1_ref[...]
        acc = lax.dot_general(
            h, w_ref[...], (((1,), (1,)), ((), ())),
            preferred_element_type=jnp.float32,
        )
        o_ref[...] = jnp.maximum(acc + b_ref[...], 0.0)

    return pl.pallas_call(
        mm,
        grid=(nblk,),
        in_specs=[
            pl.BlockSpec((R, D), lambda i: (i, 0)),
            pl.BlockSpec((R, D), lambda i: (i, 0)),
            pl.BlockSpec((D, D), lambda i: (0, 0)),
            pl.BlockSpec((1, D), lambda i: (0, 0)),
        ],
        out_specs=pl.BlockSpec((R, D), lambda i: (i, 0)),
        out_shape=jax.ShapeDtypeStruct((N_NODES, D), jnp.float32),
    )(h0, h1, W, b2)


def kernel(feature, edge_index, W, b):
    E = edge_index.shape[1]
    gc = G * CHUNK
    ng = -(-E // (NW * gc))
    ng += ng % 2
    e_pad = NW * ng * gc

    src = edge_index[0].astype(jnp.int32)
    dst = edge_index[1].astype(jnp.int32)
    pad = e_pad - E
    if pad:
        r = jnp.arange(pad, dtype=jnp.int32)
        src = jnp.concatenate([src, r % N_NODES])
        dst = jnp.concatenate([dst, N_NODES + r % (N_PAD - N_NODES)])
    src3 = src.reshape(NW * ng, gc)
    dst4 = dst.reshape(NW * ng, G, CHUNK)

    zeros = jnp.zeros((ROWS_PER_TILE, D), jnp.float32)
    h0, h1 = _sc_aggregate(feature, src3, dst4, zeros, ng)
    return _tc_linear(h0, h1, W, b.reshape(1, D))

# --- scband reference (transcript-rebuilt; emitter-appended) ---
"""Pipeline reference for scband-gcn-43447889166447 (READ-ONLY COPY).

The authoritative reference and input builder live on the scoring server;
editing this copy changes nothing except your own understanding.
"""

import jax, jax.numpy as jnp
import numpy as np

N_NODES = 10000
N_EDGES = 320000
D_FEAT = 128
D_OUT = 128

def setup_inputs(seed: int = 0) -> dict:
    key = jax.random.key(seed)
    k1, k2, k3 = jax.random.split(key, 3)
    feature = jax.random.normal(k1, (N_NODES, D_FEAT), dtype=jnp.float32)
    edge_index = jax.random.randint(k2, (2, N_EDGES), 0, N_NODES, dtype=jnp.int64)
    # nn.Linear(in_feats, out_feats): W is [out, in], b is [out]
    W = jax.random.normal(k3, (D_OUT, D_FEAT), dtype=jnp.float32) * (1.0 / np.sqrt(D_FEAT))
    b = jnp.zeros((D_OUT,), dtype=jnp.float32)
    return {"feature": feature, "edge_index": edge_index, "W": W, "b": b}

def reference(feature, edge_index, W, b):
    # DGL update_all(copy_u('h','m'), sum('m','h')):
    # messages = h[src]; aggregated at dst via scatter-add (segment sum)
    src = edge_index[0]
    dst = edge_index[1]
    messages = jnp.take(feature, src, axis=0)              # gather  [E, d]
    h = jax.ops.segment_sum(messages, dst, num_segments=N_NODES)  # scatter-add [N, d]
    # linear layer: h @ W.T + b
    out = h @ W.T + b
    # activation = relu
    out = jax.nn.relu(out)
    return out

if __name__ == "__main__":
    import jax
    _d = setup_inputs()
    print(jax.jit(kernel)(*tuple(_d.values())))

</pallas_src>

<mosaic_0001>
#map = affine_map<(d0, d1) -> (0, 0)>
#map1 = affine_map<(d0, d1) -> (0, 0, 0)>
module attributes {stable_mosaic.version = 14 : i64} {
  func.func @agg(%arg0: i32, %arg1: i32, %arg2: memref<10000x128xf32, #tpu.memory_space<hbm>>, %arg3: memref<320x1024xi32, #tpu.memory_space<hbm>>, %arg4: memref<320x16x64xi32, #tpu.memory_space<hbm>>, %arg5: memref<640x128xf32, #tpu.memory_space<hbm>>, %arg6: memref<10240x128xf32, #tpu.memory_space<hbm>>, %arg7: memref<10240x128xf32, #tpu.memory_space<hbm>>, %arg8: memref<1024xi32, #tpu.memory_space<vmem>>, %arg9: memref<1024xi32, #tpu.memory_space<vmem>>, %arg10: memref<16x64xi32, #tpu.memory_space<vmem>>, %arg11: memref<16x64xi32, #tpu.memory_space<vmem>>, %arg12: memref<64x128xf32, #tpu.memory_space<vmem>>, %arg13: memref<64x128xf32, #tpu.memory_space<vmem>>, %arg14: memref<64x128xf32, #tpu.memory_space<vmem>>, %arg15: memref<64x128xf32, #tpu.memory_space<vmem>>, %arg16: memref<10240x128xf32, #tpu.memory_space<vmem_shared>>, %arg17: memref<!tpu.dma_semaphore, #tpu.memory_space<semaphore_mem>>, %arg18: memref<!tpu.dma_semaphore, #tpu.memory_space<semaphore_mem>>, %arg19: memref<!tpu.dma_semaphore, #tpu.memory_space<semaphore_mem>>, %arg20: memref<!tpu.dma_semaphore, #tpu.memory_space<semaphore_mem>>, %arg21: memref<!tpu.dma_semaphore, #tpu.memory_space<semaphore_mem>>, %arg22: memref<!tpu.dma_semaphore, #tpu.memory_space<semaphore_mem>>, %arg23: memref<!tpu.dma_semaphore, #tpu.memory_space<semaphore_mem>>) attributes {dimension_semantics = [#tpu.dimension_semantics<core_parallel>, #tpu.dimension_semantics<subcore_parallel>], iteration_bounds = array<i64: 2, 16>, scalar_prefetch = 0 : i64, scratch_operands = 16 : i64, tpu.core_type = #tpu.core_type<sc_vector_subcore>, window_params = [{transform_indices = #map}, {transform_indices = #map}, {transform_indices = #map1}, {transform_indices = #map}, {transform_indices = #map}, {transform_indices = #map}]} {
    %mul3A = arith.constant 2 : i32
    %mul3A_0 = arith.muli %arg1, %mul3A : i32
    %add3A = arith.addi %mul3A_0, %arg0 : i32
    %mul3A_1 = arith.constant 10 : i32
    %mul3A_2 = arith.muli %add3A, %mul3A_1 : i32
    %add3A_3 = arith.constant 0 : i32
    %add3A_4 = arith.addi %mul3A_2, %add3A_3 : i32
    %dma_start3A = arith.constant 0 : i32
    %dma_start3A_5 = tpu.memref_slice %arg3[%add3A_4, %dma_start3A] : memref<320x1024xi32, #tpu.memory_space<hbm>> -> memref<1x1024xi32, #tpu.memory_space<hbm>>
    %dma_start3A_6 = tpu.memref_squeeze %dma_start3A_5 : memref<1x1024xi32, #tpu.memory_space<hbm>> -> memref<1024xi32, #tpu.memory_space<hbm>>
    %dma_start3A_7 = arith.constant 0 : i32
    %dma_start3A_8 = tpu.memref_slice %arg3[%add3A_4, %dma_start3A_7] : memref<320x1024xi32, #tpu.memory_space<hbm>> -> memref<1x1024xi32, #tpu.memory_space<hbm>>
    %dma_start3A_9 = tpu.memref_squeeze %dma_start3A_8 : memref<1x1024xi32, #tpu.memory_space<hbm>> -> memref<1024xi32, #tpu.memory_space<hbm>>
    tpu.enqueue_dma source(%dma_start3A_9 : memref<1024xi32, #tpu.memory_space<hbm>>) target(%arg8 : memref<1024xi32, #tpu.memory_space<vmem>>) target_semaphore(%arg21 : memref<!tpu.dma_semaphore, #tpu.memory_space<semaphore_mem>>)
    %mul3A_10 = arith.constant 10 : i32
    %mul3A_11 = arith.muli %add3A, %mul3A_10 : i32
    %add3A_12 = arith.constant 0 : i32
    %add3A_13 = arith.addi %mul3A_11, %add3A_12 : i32
    %dma_start3A_14 = arith.constant 0 : i32
    %dma_start3A_15 = arith.constant 0 : i32
    %dma_start3A_16 = tpu.memref_slice %arg4[%add3A_13, %dma_start3A_14, %dma_start3A_15] : memref<320x16x64xi32, #tpu.memory_space<hbm>> -> memref<1x16x64xi32, #tpu.memory_space<hbm>>
    %dma_start3A_17 = tpu.memref_squeeze %dma_start3A_16 : memref<1x16x64xi32, #tpu.memory_space<hbm>> -> memref<16x64xi32, #tpu.memory_space<hbm>>
    %dma_start3A_18 = arith.constant 0 : i32
    %dma_start3A_19 = arith.constant 0 : i32
    %dma_start3A_20 = tpu.memref_slice %arg4[%add3A_13, %dma_start3A_18, %dma_start3A_19] : memref<320x16x64xi32, #tpu.memory_space<hbm>> -> memref<1x16x64xi32, #tpu.memory_space<hbm>>
    %dma_start3A_21 = tpu.memref_squeeze %dma_start3A_20 : memref<1x16x64xi32, #tpu.memory_space<hbm>> -> memref<16x64xi32, #tpu.memory_space<hbm>>
    tpu.enqueue_dma source(%dma_start3A_21 : memref<16x64xi32, #tpu.memory_space<hbm>>) target(%arg10 : memref<16x64xi32, #tpu.memory_space<vmem>>) target_semaphore(%arg21 : memref<!tpu.dma_semaphore, #tpu.memory_space<semaphore_mem>>)
    %mul3A_22 = arith.constant 10 : i32
    %mul3A_23 = arith.muli %add3A, %mul3A_22 : i32
    %add3A_24 = arith.constant 1 : i32
    %add3A_25 = arith.addi %mul3A_23, %add3A_24 : i32
    %dma_start3A_26 = arith.constant 0 : i32
    %dma_start3A_27 = tpu.memref_slice %arg3[%add3A_25, %dma_start3A_26] : memref<320x1024xi32, #tpu.memory_space<hbm>> -> memref<1x1024xi32, #tpu.memory_space<hbm>>
    %dma_start3A_28 = tpu.memref_squeeze %dma_start3A_27 : memref<1x1024xi32, #tpu.memory_space<hbm>> -> memref<1024xi32, #tpu.memory_space<hbm>>
    %dma_start3A_29 = arith.constant 0 : i32
    %dma_start3A_30 = tpu.memref_slice %arg3[%add3A_25, %dma_start3A_29] : memref<320x1024xi32, #tpu.memory_space<hbm>> -> memref<1x1024xi32, #tpu.memory_space<hbm>>
    %dma_start3A_31 = tpu.memref_squeeze %dma_start3A_30 : memref<1x1024xi32, #tpu.memory_space<hbm>> -> memref<1024xi32, #tpu.memory_space<hbm>>
    tpu.enqueue_dma source(%dma_start3A_31 : memref<1024xi32, #tpu.memory_space<hbm>>) target(%arg9 : memref<1024xi32, #tpu.memory_space<vmem>>) target_semaphore(%arg22 : memref<!tpu.dma_semaphore, #tpu.memory_space<semaphore_mem>>)
    %mul3A_32 = arith.constant 10 : i32
    %mul3A_33 = arith.muli %add3A, %mul3A_32 : i32
    %add3A_34 = arith.constant 1 : i32
    %add3A_35 = arith.addi %mul3A_33, %add3A_34 : i32
    %dma_start3A_36 = arith.constant 0 : i32
    %dma_start3A_37 = arith.constant 0 : i32
    %dma_start3A_38 = tpu.memref_slice %arg4[%add3A_35, %dma_start3A_36, %dma_start3A_37] : memref<320x16x64xi32, #tpu.memory_space<hbm>> -> memref<1x16x64xi32, #tpu.memory_space<hbm>>
    %dma_start3A_39 = tpu.memref_squeeze %dma_start3A_38 : memref<1x16x64xi32, #tpu.memory_space<hbm>> -> memref<16x64xi32, #tpu.memory_space<hbm>>
    %dma_start3A_40 = arith.constant 0 : i32
    %dma_start3A_41 = arith.constant 0 : i32
    %dma_start3A_42 = tpu.memref_slice %arg4[%add3A_35, %dma_start3A_40, %dma_start3A_41] : memref<320x16x64xi32, #tpu.memory_space<hbm>> -> memref<1x16x64xi32, #tpu.memory_space<hbm>>
    %dma_start3A_43 = tpu.memref_squeeze %dma_start3A_42 : memref<1x16x64xi32, #tpu.memory_space<hbm>> -> memref<16x64xi32, #tpu.memory_space<hbm>>
    tpu.enqueue_dma source(%dma_start3A_43 : memref<16x64xi32, #tpu.memory_space<hbm>>) target(%arg11 : memref<16x64xi32, #tpu.memory_space<vmem>>) target_semaphore(%arg22 : memref<!tpu.dma_semaphore, #tpu.memory_space<semaphore_mem>>)
    %mul3A_44 = arith.constant 640 : i32
    %mul3A_45 = arith.muli %arg1, %mul3A_44 : i32
    %dma_start3A_46 = arith.constant 0 : i32
    %dma_start3A_47 = tpu.memref_slice %arg16[%mul3A_45, %dma_start3A_46] : memref<10240x128xf32, #tpu.memory_space<vmem_shared>> -> memref<640x128xf32, #tpu.memory_space<vmem_shared>>
    tpu.enqueue_dma source(%arg5 : memref<640x128xf32, #tpu.memory_space<hbm>>) target(%dma_start3A_47 : memref<640x128xf32, #tpu.memory_space<vmem_shared>>) target_semaphore(%arg23 : memref<!tpu.dma_semaphore, #tpu.memory_space<semaphore_mem>>)
    %dma_wait3A = arith.constant 0 : i32
    %dma_wait3A_48 = tpu.memref_slice %arg16[%mul3A_45, %dma_wait3A] : memref<10240x128xf32, #tpu.memory_space<vmem_shared>> -> memref<640x128xf32, #tpu.memory_space<vmem_shared>>
    tpu.wait_dma2 semaphore(%arg23 : memref<!tpu.dma_semaphore, #tpu.memory_space<semaphore_mem>>) src(%arg5 : memref<640x128xf32, #tpu.memory_space<hbm>>) dst(%dma_wait3A_48 : memref<640x128xf32, #tpu.memory_space<vmem_shared>>)
    %mul3A_49 = arith.constant 10 : i32
    %mul3A_50 = arith.muli %add3A, %mul3A_49 : i32
    %add3A_51 = arith.constant 0 : i32
    %add3A_52 = arith.addi %mul3A_50, %add3A_51 : i32
    %dma_wait3A_53 = arith.constant 0 : i32
    %dma_wait3A_54 = tpu.memref_slice %arg3[%add3A_52, %dma_wait3A_53] : memref<320x1024xi32, #tpu.memory_space<hbm>> -> memref<1x1024xi32, #tpu.memory_space<hbm>>
    %dma_wait3A_55 = tpu.memref_squeeze %dma_wait3A_54 : memref<1x1024xi32, #tpu.memory_space<hbm>> -> memref<1024xi32, #tpu.memory_space<hbm>>
    %dma_wait3A_56 = arith.constant 0 : i32
    %dma_wait3A_57 = tpu.memref_slice %arg3[%add3A_52, %dma_wait3A_56] : memref<320x1024xi32, #tpu.memory_space<hbm>> -> memref<1x1024xi32, #tpu.memory_space<hbm>>
    %dma_wait3A_58 = tpu.memref_squeeze %dma_wait3A_57 : memref<1x1024xi32, #tpu.memory_space<hbm>> -> memref<1024xi32, #tpu.memory_space<hbm>>
    tpu.wait_dma2 semaphore(%arg21 : memref<!tpu.dma_semaphore, #tpu.memory_space<semaphore_mem>>) src(%dma_wait3A_58 : memref<1024xi32, #tpu.memory_space<hbm>>) dst(%arg8 : memref<1024xi32, #tpu.memory_space<vmem>>)
    %mul3A_59 = arith.constant 10 : i32
    %mul3A_60 = arith.muli %add3A, %mul3A_59 : i32
    %add3A_61 = arith.constant 0 : i32
    %add3A_62 = arith.addi %mul3A_60, %add3A_61 : i32
    %dma_wait3A_63 = arith.constant 0 : i32
    %dma_wait3A_64 = arith.constant 0 : i32
    %dma_wait3A_65 = tpu.memref_slice %arg4[%add3A_62, %dma_wait3A_63, %dma_wait3A_64] : memref<320x16x64xi32, #tpu.memory_space<hbm>> -> memref<1x16x64xi32, #tpu.memory_space<hbm>>
    %dma_wait3A_66 = tpu.memref_squeeze %dma_wait3A_65 : memref<1x16x64xi32, #tpu.memory_space<hbm>> -> memref<16x64xi32, #tpu.memory_space<hbm>>
    %dma_wait3A_67 = arith.constant 0 : i32
    %dma_wait3A_68 = arith.constant 0 : i32
    %dma_wait3A_69 = tpu.memref_slice %arg4[%add3A_62, %dma_wait3A_67, %dma_wait3A_68] : memref<320x16x64xi32, #tpu.memory_space<hbm>> -> memref<1x16x64xi32, #tpu.memory_space<hbm>>
    %dma_wait3A_70 = tpu.memref_squeeze %dma_wait3A_69 : memref<1x16x64xi32, #tpu.memory_space<hbm>> -> memref<16x64xi32, #tpu.memory_space<hbm>>
    tpu.wait_dma2 semaphore(%arg21 : memref<!tpu.dma_semaphore, #tpu.memory_space<semaphore_mem>>) src(%dma_wait3A_70 : memref<16x64xi32, #tpu.memory_space<hbm>>) dst(%arg10 : memref<16x64xi32, #tpu.memory_space<vmem>>)
    %dma_start3A_71 = arith.constant 0 : i32
    %dma_start3A_72 = tpu.memref_slice %arg8[%dma_start3A_71] : memref<1024xi32, #tpu.memory_space<vmem>> -> memref<64xi32, #tpu.memory_space<vmem>>
    %dma_start3A_73 = arith.constant 0 : i32
    %dma_start3A_74 = arith.constant 0 : i32
    %dma_start3A_75 = tpu.memref_slice %arg2[%dma_start3A_73, %dma_start3A_74] : memref<10000x128xf32, #tpu.memory_space<hbm>> -> memref<10000x128xf32, #tpu.memory_space<hbm>>
    tpu.enqueue_indirect_dma source(%dma_start3A_75 : memref<10000x128xf32, #tpu.memory_space<hbm>>) target(%arg12 : memref<64x128xf32, #tpu.memory_space<vmem>>) offsets(%dma_start3A_72 : memref<64xi32, #tpu.memory_space<vmem>>) semaphore(%arg17 : memref<!tpu.dma_semaphore, #tpu.memory_space<semaphore_mem>>)
    %dma_start3A_76 = arith.constant 64 : i32
    %dma_start3A_77 = tpu.memref_slice %arg8[%dma_start3A_76] : memref<1024xi32, #tpu.memory_space<vmem>> -> memref<64xi32, #tpu.memory_space<vmem>>
    %dma_start3A_78 = arith.constant 0 : i32
    %dma_start3A_79 = arith.constant 0 : i32
    %dma_start3A_80 = tpu.memref_slice %arg2[%dma_start3A_78, %dma_start3A_79] : memref<10000x128xf32, #tpu.memory_space<hbm>> -> memref<10000x128xf32, #tpu.memory_space<hbm>>
    tpu.enqueue_indirect_dma source(%dma_start3A_80 : memref<10000x128xf32, #tpu.memory_space<hbm>>) target(%arg13 : memref<64x128xf32, #tpu.memory_space<vmem>>) offsets(%dma_start3A_77 : memref<64xi32, #tpu.memory_space<vmem>>) semaphore(%arg18 : memref<!tpu.dma_semaphore, #tpu.memory_space<semaphore_mem>>)
    %dma_start3A_81 = arith.constant 128 : i32
    %dma_start3A_82 = tpu.memref_slice %arg8[%dma_start3A_81] : memref<1024xi32, #tpu.memory_space<vmem>> -> memref<64xi32, #tpu.memory_space<vmem>>
    %dma_start3A_83 = arith.constant 0 : i32
    %dma_start3A_84 = arith.constant 0 : i32
    %dma_start3A_85 = tpu.memref_slice %arg2[%dma_start3A_83, %dma_start3A_84] : memref<10000x128xf32, #tpu.memory_space<hbm>> -> memref<10000x128xf32, #tpu.memory_space<hbm>>
    tpu.enqueue_indirect_dma source(%dma_start3A_85 : memref<10000x128xf32, #tpu.memory_space<hbm>>) target(%arg14 : memref<64x128xf32, #tpu.memory_space<vmem>>) offsets(%dma_start3A_82 : memref<64xi32, #tpu.memory_space<vmem>>) semaphore(%arg19 : memref<!tpu.dma_semaphore, #tpu.memory_space<semaphore_mem>>)
    %barrier3A = arith.constant 0 : index
    tpu.barrier barrier_id(%barrier3A)
    %scan3A = arith.constant 0 : i32
    %scan3A_86 = arith.constant 0 : i32
    %scan3A_87 = arith.constant 4 : i32
    %scan3A_88 = arith.addi %scan3A_86, %scan3A_87 : i32
    %scan3A_89 = arith.constant 1 : i32
    %scan3A_90 = scf.for %scan3A_460 = %scan3A_86 to %scan3A_88 step %scan3A_89 iter_args(%scan3A_461 = %scan3A) -> (i32)  : i32 {
      %mul3A_462 = arith.constant 2 : i32
      %mul3A_463 = arith.muli %mul3A_462, %scan3A_460 : i32
      %add3A_464 = arith.constant 1 : i32
      %add3A_465 = arith.addi %mul3A_463, %add3A_464 : i32
      %dma_start3A_466 = arith.constant 192 : i32
      %dma_start3A_467 = tpu.memref_slice %arg8[%dma_start3A_466] : memref<1024xi32, #tpu.memory_space<vmem>> -> memref<64xi32, #tpu.memory_space<vmem>>
      %dma_start3A_468 = arith.constant 0 : i32
      %dma_start3A_469 = arith.constant 0 : i32
      %dma_start3A_470 = tpu.memref_slice %arg2[%dma_start3A_468, %dma_start3A_469] : memref<10000x128xf32, #tpu.memory_space<hbm>> -> memref<10000x128xf32, #tpu.memory_space<hbm>>
      tpu.enqueue_indirect_dma source(%dma_start3A_470 : memref<10000x128xf32, #tpu.memory_space<hbm>>) target(%arg15 : memref<64x128xf32, #tpu.memory_space<vmem>>) offsets(%dma_start3A_467 : memref<64xi32, #tpu.memory_space<vmem>>) semaphore(%arg20 : memref<!tpu.dma_semaphore, #tpu.memory_space<semaphore_mem>>)
      %dma_wait3A_471 = arith.constant 0 : i32
      %dma_wait3A_472 = tpu.memref_slice %arg8[%dma_wait3A_471] : memref<1024xi32, #tpu.memory_space<vmem>> -> memref<64xi32, #tpu.memory_space<vmem>>
      %dma_wait3A_473 = arith.constant 0 : i32
      %dma_wait3A_474 = arith.constant 0 : i32
      %dma_wait3A_475 = tpu.memref_slice %arg2[%dma_wait3A_473, %dma_wait3A_474] : memref<10000x128xf32, #tpu.memory_space<hbm>> -> memref<10000x128xf32, #tpu.memory_space<hbm>>
      tpu.wait_indirect_dma semaphore(%arg17 : memref<!tpu.dma_semaphore, #tpu.memory_space<semaphore_mem>>) src(%dma_wait3A_475 : memref<10000x128xf32, #tpu.memory_space<hbm>>) dst(%arg12 : memref<64x128xf32, #tpu.memory_space<vmem>>)
      %run_scoped3A_476 = arith.constant 0 : i32
      "tpu.region"() ({
        %run_scoped3A_907 = tpu.sem_alloc : memref<!tpu.dma_semaphore, #tpu.memory_space<semaphore_mem>>
        %dma_start3A_908 = arith.constant 0 : i32
        %dma_start3A_909 = tpu.memref_slice %arg10[%run_scoped3A_476, %dma_start3A_908] : memref<16x64xi32, #tpu.memory_space<vmem>> -> memref<1x64xi32, #tpu.memory_space<vmem>>
        %dma_start3A_910 = tpu.memref_squeeze %dma_start3A_909 : memref<1x64xi32, #tpu.memory_space<vmem>> -> memref<64xi32, #tpu.memory_space<vmem>>
        %dma_start3A_911 = arith.constant 0 : i32
        %dma_start3A_912 = arith.constant 0 : i32
        %dma_start3A_913 = tpu.memref_slice %arg16[%dma_start3A_911, %dma_start3A_912] : memref<10240x128xf32, #tpu.memory_space<vmem_shared>> -> memref<10240x128xf32, #tpu.memory_space<vmem_shared>>
        tpu.enqueue_indirect_dma source(%arg12 : memref<64x128xf32, #tpu.memory_space<vmem>>) target(%dma_start3A_913 : memref<10240x128xf32, #tpu.memory_space<vmem_shared>>) offsets(%dma_start3A_910 : memref<64xi32, #tpu.memory_space<vmem>>) semaphore(%run_scoped3A_907 : memref<!tpu.dma_semaphore, #tpu.memory_space<semaphore_mem>>) {add = true}
        %dma_wait3A_914 = arith.constant 0 : i32
        %dma_wait3A_915 = tpu.memref_slice %arg10[%run_scoped3A_476, %dma_wait3A_914] : memref<16x64xi32, #tpu.memory_space<vmem>> -> memref<1x64xi32, #tpu.memory_space<vmem>>
        %dma_wait3A_916 = tpu.memref_squeeze %dma_wait3A_915 : memref<1x64xi32, #tpu.memory_space<vmem>> -> memref<64xi32, #tpu.memory_space<vmem>>
        %dma_wait3A_917 = arith.constant 0 : i32
        %dma_wait3A_918 = arith.constant 0 : i32
        %dma_wait3A_919 = tpu.memref_slice %arg16[%dma_wait3A_917, %dma_wait3A_918] : memref<10240x128xf32, #tpu.memory_space<vmem_shared>> -> memref<10240x128xf32, #tpu.memory_space<vmem_shared>>
        tpu.wait_indirect_dma semaphore(%run_scoped3A_907 : memref<!tpu.dma_semaphore, #tpu.memory_space<semaphore_mem>>) src(%arg12 : memref<64x128xf32, #tpu.memory_space<vmem>>) dst(%dma_wait3A_919 : memref<10240x128xf32, #tpu.memory_space<vmem_shared>>)
        tpu.yield
      }) : () -> ()
      %dma_start3A_477 = arith.constant 256 : i32
      %dma_start3A_478 = tpu.memref_slice %arg8[%dma_start3A_477] : memref<1024xi32, #tpu.memory_space<vmem>> -> memref<64xi32, #tpu.memory_space<vmem>>
      %dma_start3A_479 = arith.constant 0 : i32
      %dma_start3A_480 = arith.constant 0 : i32
      %dma_start3A_481 = tpu.memref_slice %arg2[%dma_start3A_479, %dma_start3A_480] : memref<10000x128xf32, #tpu.memory_space<hbm>> -> memref<10000x128xf32, #tpu.memory_space<hbm>>
      tpu.enqueue_indirect_dma source(%dma_start3A_481 : memref<10000x128xf32, #tpu.memory_space<hbm>>) target(%arg12 : memref<64x128xf32, #tpu.memory_space<vmem>>) offsets(%dma_start3A_478 : memref<64xi32, #tpu.memory_space<vmem>>) semaphore(%arg17 : memref<!tpu.dma_semaphore, #tpu.memory_space<semaphore_mem>>)
      %dma_wait3A_482 = arith.constant 64 : i32
      %dma_wait3A_483 = tpu.memref_slice %arg8[%dma_wait3A_482] : memref<1024xi32, #tpu.memory_space<vmem>> -> memref<64xi32, #tpu.memory_space<vmem>>
      %dma_wait3A_484 = arith.constant 0 : i32
      %dma_wait3A_485 = arith.constant 0 : i32
      %dma_wait3A_486 = tpu.memref_slice %arg2[%dma_wait3A_484, %dma_wait3A_485] : memref<10000x128xf32, #tpu.memory_space<hbm>> -> memref<10000x128xf32, #tpu.memory_space<hbm>>
      tpu.wait_indirect_dma semaphore(%arg18 : memref<!tpu.dma_semaphore, #tpu.memory_space<semaphore_mem>>) src(%dma_wait3A_486 : memref<10000x128xf32, #tpu.memory_space<hbm>>) dst(%arg13 : memref<64x128xf32, #tpu.memory_space<vmem>>)
      %run_scoped3A_487 = arith.constant 1 : i32
      "tpu.region"() ({
        %run_scoped3A_907 = tpu.sem_alloc : memref<!tpu.dma_semaphore, #tpu.memory_space<semaphore_mem>>
        %dma_start3A_908 = arith.constant 0 : i32
        %dma_start3A_909 = tpu.memref_slice %arg10[%run_scoped3A_487, %dma_start3A_908] : memref<16x64xi32, #tpu.memory_space<vmem>> -> memref<1x64xi32, #tpu.memory_space<vmem>>
        %dma_start3A_910 = tpu.memref_squeeze %dma_start3A_909 : memref<1x64xi32, #tpu.memory_space<vmem>> -> memref<64xi32, #tpu.memory_space<vmem>>
        %dma_start3A_911 = arith.constant 0 : i32
        %dma_start3A_912 = arith.constant 0 : i32
        %dma_start3A_913 = tpu.memref_slice %arg16[%dma_start3A_911, %dma_start3A_912] : memref<10240x128xf32, #tpu.memory_space<vmem_shared>> -> memref<10240x128xf32, #tpu.memory_space<vmem_shared>>
        tpu.enqueue_indirect_dma source(%arg13 : memref<64x128xf32, #tpu.memory_space<vmem>>) target(%dma_start3A_913 : memref<10240x128xf32, #tpu.memory_space<vmem_shared>>) offsets(%dma_start3A_910 : memref<64xi32, #tpu.memory_space<vmem>>) semaphore(%run_scoped3A_907 : memref<!tpu.dma_semaphore, #tpu.memory_space<semaphore_mem>>) {add = true}
        %dma_wait3A_914 = arith.constant 0 : i32
        %dma_wait3A_915 = tpu.memref_slice %arg10[%run_scoped3A_487, %dma_wait3A_914] : memref<16x64xi32, #tpu.memory_space<vmem>> -> memref<1x64xi32, #tpu.memory_space<vmem>>
        %dma_wait3A_916 = tpu.memref_squeeze %dma_wait3A_915 : memref<1x64xi32, #tpu.memory_space<vmem>> -> memref<64xi32, #tpu.memory_space<vmem>>
        %dma_wait3A_917 = arith.constant 0 : i32
        %dma_wait3A_918 = arith.constant 0 : i32
        %dma_wait3A_919 = tpu.memref_slice %arg16[%dma_wait3A_917, %dma_wait3A_918] : memref<10240x128xf32, #tpu.memory_space<vmem_shared>> -> memref<10240x128xf32, #tpu.memory_space<vmem_shared>>
        tpu.wait_indirect_dma semaphore(%run_scoped3A_907 : memref<!tpu.dma_semaphore, #tpu.memory_space<semaphore_mem>>) src(%arg13 : memref<64x128xf32, #tpu.memory_space<vmem>>) dst(%dma_wait3A_919 : memref<10240x128xf32, #tpu.memory_space<vmem_shared>>)
        tpu.yield
      }) : () -> ()
      %dma_start3A_488 = arith.constant 320 : i32
      %dma_start3A_489 = tpu.memref_slice %arg8[%dma_start3A_488] : memref<1024xi32, #tpu.memory_space<vmem>> -> memref<64xi32, #tpu.memory_space<vmem>>
      %dma_start3A_490 = arith.constant 0 : i32
      %dma_start3A_491 = arith.constant 0 : i32
      %dma_start3A_492 = tpu.memref_slice %arg2[%dma_start3A_490, %dma_start3A_491] : memref<10000x128xf32, #tpu.memory_space<hbm>> -> memref<10000x128xf32, #tpu.memory_space<hbm>>
      tpu.enqueue_indirect_dma source(%dma_start3A_492 : memref<10000x128xf32, #tpu.memory_space<hbm>>) target(%arg13 : memref<64x128xf32, #tpu.memory_space<vmem>>) offsets(%dma_start3A_489 : memref<64xi32, #tpu.memory_space<vmem>>) semaphore(%arg18 : memref<!tpu.dma_semaphore, #tpu.memory_space<semaphore_mem>>)
      %dma_wait3A_493 = arith.constant 128 : i32
      %dma_wait3A_494 = tpu.memref_slice %arg8[%dma_wait3A_493] : memref<1024xi32, #tpu.memory_space<vmem>> -> memref<64xi32, #tpu.memory_space<vmem>>
      %dma_wait3A_495 = arith.constant 0 : i32
      %dma_wait3A_496 = arith.constant 0 : i32
      %dma_wait3A_497 = tpu.memref_slice %arg2[%dma_wait3A_495, %dma_wait3A_496] : memref<10000x128xf32, #tpu.memory_space<hbm>> -> memref<10000x128xf32, #tpu.memory_space<hbm>>
      tpu.wait_indirect_dma semaphore(%arg19 : memref<!tpu.dma_semaphore, #tpu.memory_space<semaphore_mem>>) src(%dma_wait3A_497 : memref<10000x128xf32, #tpu.memory_space<hbm>>) dst(%arg14 : memref<64x128xf32, #tpu.memory_space<vmem>>)
      %run_scoped3A_498 = arith.constant 2 : i32
      "tpu.region"() ({
        %run_scoped3A_907 = tpu.sem_alloc : memref<!tpu.dma_semaphore, #tpu.memory_space<semaphore_mem>>
        %dma_start3A_908 = arith.constant 0 : i32
        %dma_start3A_909 = tpu.memref_slice %arg10[%run_scoped3A_498, %dma_start3A_908] : memref<16x64xi32, #tpu.memory_space<vmem>> -> memref<1x64xi32, #tpu.memory_space<vmem>>
        %dma_start3A_910 = tpu.memref_squeeze %dma_start3A_909 : memref<1x64xi32, #tpu.memory_space<vmem>> -> memref<64xi32, #tpu.memory_space<vmem>>
        %dma_start3A_911 = arith.constant 0 : i32
        %dma_start3A_912 = arith.constant 0 : i32
        %dma_start3A_913 = tpu.memref_slice %arg16[%dma_start3A_911, %dma_start3A_912] : memref<10240x128xf32, #tpu.memory_space<vmem_shared>> -> memref<10240x128xf32, #tpu.memory_space<vmem_shared>>
        tpu.enqueue_indirect_dma source(%arg14 : memref<64x128xf32, #tpu.memory_space<vmem>>) target(%dma_start3A_913 : memref<10240x128xf32, #tpu.memory_space<vmem_shared>>) offsets(%dma_start3A_910 : memref<64xi32, #tpu.memory_space<vmem>>) semaphore(%run_scoped3A_907 : memref<!tpu.dma_semaphore, #tpu.memory_space<semaphore_mem>>) {add = true}
        %dma_wait3A_914 = arith.constant 0 : i32
        %dma_wait3A_915 = tpu.memref_slice %arg10[%run_scoped3A_498, %dma_wait3A_914] : memref<16x64xi32, #tpu.memory_space<vmem>> -> memref<1x64xi32, #tpu.memory_space<vmem>>
        %dma_wait3A_916 = tpu.memref_squeeze %dma_wait3A_915 : memref<1x64xi32, #tpu.memory_space<vmem>> -> memref<64xi32, #tpu.memory_space<vmem>>
        %dma_wait3A_917 = arith.constant 0 : i32
        %dma_wait3A_918 = arith.constant 0 : i32
        %dma_wait3A_919 = tpu.memref_slice %arg16[%dma_wait3A_917, %dma_wait3A_918] : memref<10240x128xf32, #tpu.memory_space<vmem_shared>> -> memref<10240x128xf32, #tpu.memory_space<vmem_shared>>
        tpu.wait_indirect_dma semaphore(%run_scoped3A_907 : memref<!tpu.dma_semaphore, #tpu.memory_space<semaphore_mem>>) src(%arg14 : memref<64x128xf32, #tpu.memory_space<vmem>>) dst(%dma_wait3A_919 : memref<10240x128xf32, #tpu.memory_space<vmem_shared>>)
        tpu.yield
      }) : () -> ()
      %dma_start3A_499 = arith.constant 384 : i32
      %dma_start3A_500 = tpu.memref_slice %arg8[%dma_start3A_499] : memref<1024xi32, #tpu.memory_space<vmem>> -> memref<64xi32, #tpu.memory_space<vmem>>
      %dma_start3A_501 = arith.constant 0 : i32
      %dma_start3A_502 = arith.constant 0 : i32
      %dma_start3A_503 = tpu.memref_slice %arg2[%dma_start3A_501, %dma_start3A_502] : memref<10000x128xf32, #tpu.memory_space<hbm>> -> memref<10000x128xf32, #tpu.memory_space<hbm>>
      tpu.enqueue_indirect_dma source(%dma_start3A_503 : memref<10000x128xf32, #tpu.memory_space<hbm>>) target(%arg14 : memref<64x128xf32, #tpu.memory_space<vmem>>) offsets(%dma_start3A_500 : memref<64xi32, #tpu.memory_space<vmem>>) semaphore(%arg19 : memref<!tpu.dma_semaphore, #tpu.memory_space<semaphore_mem>>)
      %dma_wait3A_504 = arith.constant 192 : i32
      %dma_wait3A_505 = tpu.memref_slice %arg8[%dma_wait3A_504] : memref<1024xi32, #tpu.memory_space<vmem>> -> memref<64xi32, #tpu.memory_space<vmem>>
      %dma_wait3A_506 = arith.constant 0 : i32
      %dma_wait3A_507 = arith.constant 0 : i32
      %dma_wait3A_508 = tpu.memref_slice %arg2[%dma_wait3A_506, %dma_wait3A_507] : memref<10000x128xf32, #tpu.memory_space<hbm>> -> memref<10000x128xf32, #tpu.memory_space<hbm>>
      tpu.wait_indirect_dma semaphore(%arg20 : memref<!tpu.dma_semaphore, #tpu.memory_space<semaphore_mem>>) src(%dma_wait3A_508 : memref<10000x128xf32, #tpu.memory_space<hbm>>) dst(%arg15 : memref<64x128xf32, #tpu.memory_space<vmem>>)
      %run_scoped3A_509 = arith.constant 3 : i32
      "tpu.region"() ({
        %run_scoped3A_907 = tpu.sem_alloc : memref<!tpu.dma_semaphore, #tpu.memory_space<semaphore_mem>>
        %dma_start3A_908 = arith.constant 0 : i32
        %dma_start3A_909 = tpu.memref_slice %arg10[%run_scoped3A_509, %dma_start3A_908] : memref<16x64xi32, #tpu.memory_space<vmem>> -> memref<1x64xi32, #tpu.memory_space<vmem>>
        %dma_start3A_910 = tpu.memref_squeeze %dma_start3A_909 : memref<1x64xi32, #tpu.memory_space<vmem>> -> memref<64xi32, #tpu.memory_space<vmem>>
        %dma_start3A_911 = arith.constant 0 : i32
        %dma_start3A_912 = arith.constant 0 : i32
        %dma_start3A_913 = tpu.memref_slice %arg16[%dma_start3A_911, %dma_start3A_912] : memref<10240x128xf32, #tpu.memory_space<vmem_shared>> -> memref<10240x128xf32, #tpu.memory_space<vmem_shared>>
        tpu.enqueue_indirect_dma source(%arg15 : memref<64x128xf32, #tpu.memory_space<vmem>>) target(%dma_start3A_913 : memref<10240x128xf32, #tpu.memory_space<vmem_shared>>) offsets(%dma_start3A_910 : memref<64xi32, #tpu.memory_space<vmem>>) semaphore(%run_scoped3A_907 : memref<!tpu.dma_semaphore, #tpu.memory_space<semaphore_mem>>) {add = true}
        %dma_wait3A_914 = arith.constant 0 : i32
        %dma_wait3A_915 = tpu.memref_slice %arg10[%run_scoped3A_509, %dma_wait3A_914] : memref<16x64xi32, #tpu.memory_space<vmem>> -> memref<1x64xi32, #tpu.memory_space<vmem>>
        %dma_wait3A_916 = tpu.memref_squeeze %dma_wait3A_915 : memref<1x64xi32, #tpu.memory_space<vmem>> -> memref<64xi32, #tpu.memory_space<vmem>>
        %dma_wait3A_917 = arith.constant 0 : i32
        %dma_wait3A_918 = arith.constant 0 : i32
        %dma_wait3A_919 = tpu.memref_slice %arg16[%dma_wait3A_917, %dma_wait3A_918] : memref<10240x128xf32, #tpu.memory_space<vmem_shared>> -> memref<10240x128xf32, #tpu.memory_space<vmem_shared>>
        tpu.wait_indirect_dma semaphore(%run_scoped3A_907 : memref<!tpu.dma_semaphore, #tpu.memory_space<semaphore_mem>>) src(%arg15 : memref<64x128xf32, #tpu.memory_space<vmem>>) dst(%dma_wait3A_919 : memref<10240x128xf32, #tpu.memory_space<vmem_shared>>)
        tpu.yield
      }) : () -> ()
      %dma_start3A_510 = arith.constant 448 : i32
      %dma_start3A_511 = tpu.memref_slice %arg8[%dma_start3A_510] : memref<1024xi32, #tpu.memory_space<vmem>> -> memref<64xi32, #tpu.memory_space<vmem>>
      %dma_start3A_512 = arith.constant 0 : i32
      %dma_start3A_513 = arith.constant 0 : i32
      %dma_start3A_514 = tpu.memref_slice %arg2[%dma_start3A_512, %dma_start3A_513] : memref<10000x128xf32, #tpu.memory_space<hbm>> -> memref<10000x128xf32, #tpu.memory_space<hbm>>
      tpu.enqueue_indirect_dma source(%dma_start3A_514 : memref<10000x128xf32, #tpu.memory_space<hbm>>) target(%arg15 : memref<64x128xf32, #tpu.memory_space<vmem>>) offsets(%dma_start3A_511 : memref<64xi32, #tpu.memory_space<vmem>>) semaphore(%arg20 : memref<!tpu.dma_semaphore, #tpu.memory_space<semaphore_mem>>)
      %dma_wait3A_515 = arith.constant 256 : i32
      %dma_wait3A_516 = tpu.memref_slice %arg8[%dma_wait3A_515] : memref<1024xi32, #tpu.memory_space<vmem>> -> memref<64xi32, #tpu.memory_space<vmem>>
      %dma_wait3A_517 = arith.constant 0 : i32
      %dma_wait3A_518 = arith.constant 0 : i32
      %dma_wait3A_519 = tpu.memref_slice %arg2[%dma_wait3A_517, %dma_wait3A_518] : memref<10000x128xf32, #tpu.memory_space<hbm>> -> memref<10000x128xf32, #tpu.memory_space<hbm>>
      tpu.wait_indirect_dma semaphore(%arg17 : memref<!tpu.dma_semaphore, #tpu.memory_space<semaphore_mem>>) src(%dma_wait3A_519 : memref<10000x128xf32, #tpu.memory_space<hbm>>) dst(%arg12 : memref<64x128xf32, #tpu.memory_space<vmem>>)
      %run_scoped3A_520 = arith.constant 4 : i32
      "tpu.region"() ({
        %run_scoped3A_907 = tpu.sem_alloc : memref<!tpu.dma_semaphore, #tpu.memory_space<semaphore_mem>>
        %dma_start3A_908 = arith.constant 0 : i32
        %dma_start3A_909 = tpu.memref_slice %arg10[%run_scoped3A_520, %dma_start3A_908] : memref<16x64xi32, #tpu.memory_space<vmem>> -> memref<1x64xi32, #tpu.memory_space<vmem>>
        %dma_start3A_910 = tpu.memref_squeeze %dma_start3A_909 : memref<1x64xi32, #tpu.memory_space<vmem>> -> memref<64xi32, #tpu.memory_space<vmem>>
        %dma_start3A_911 = arith.constant 0 : i32
        %dma_start3A_912 = arith.constant 0 : i32
        %dma_start3A_913 = tpu.memref_slice %arg16[%dma_start3A_911, %dma_start3A_912] : memref<10240x128xf32, #tpu.memory_space<vmem_shared>> -> memref<10240x128xf32, #tpu.memory_space<vmem_shared>>
        tpu.enqueue_indirect_dma source(%arg12 : memref<64x128xf32, #tpu.memory_space<vmem>>) target(%dma_start3A_913 : memref<10240x128xf32, #tpu.memory_space<vmem_shared>>) offsets(%dma_start3A_910 : memref<64xi32, #tpu.memory_space<vmem>>) semaphore(%run_scoped3A_907 : memref<!tpu.dma_semaphore, #tpu.memory_space<semaphore_mem>>) {add = true}
        %dma_wait3A_914 = arith.constant 0 : i32
        %dma_wait3A_915 = tpu.memref_slice %arg10[%run_scoped3A_520, %dma_wait3A_914] : memref<16x64xi32, #tpu.memory_space<vmem>> -> memref<1x64xi32, #tpu.memory_space<vmem>>
        %dma_wait3A_916 = tpu.memref_squeeze %dma_wait3A_915 : memref<1x64xi32, #tpu.memory_space<vmem>> -> memref<64xi32, #tpu.memory_space<vmem>>
        %dma_wait3A_917 = arith.constant 0 : i32
        %dma_wait3A_918 = arith.constant 0 : i32
        %dma_wait3A_919 = tpu.memref_slice %arg16[%dma_wait3A_917, %dma_wait3A_918] : memref<10240x128xf32, #tpu.memory_space<vmem_shared>> -> memref<10240x128xf32, #tpu.memory_space<vmem_shared>>
        tpu.wait_indirect_dma semaphore(%run_scoped3A_907 : memref<!tpu.dma_semaphore, #tpu.memory_space<semaphore_mem>>) src(%arg12 : memref<64x128xf32, #tpu.memory_space<vmem>>) dst(%dma_wait3A_919 : memref<10240x128xf32, #tpu.memory_space<vmem_shared>>)
        tpu.yield
      }) : () -> ()
      %dma_start3A_521 = arith.constant 512 : i32
      %dma_start3A_522 = tpu.memref_slice %arg8[%dma_start3A_521] : memref<1024xi32, #tpu.memory_space<vmem>> -> memref<64xi32, #tpu.memory_space<vmem>>
      %dma_start3A_523 = arith.constant 0 : i32
      %dma_start3A_524 = arith.constant 0 : i32
      %dma_start3A_525 = tpu.memref_slice %arg2[%dma_start3A_523, %dma_start3A_524] : memref<10000x128xf32, #tpu.memory_space<hbm>> -> memref<10000x128xf32, #tpu.memory_space<hbm>>
      tpu.enqueue_indirect_dma source(%dma_start3A_525 : memref<10000x128xf32, #tpu.memory_space<hbm>>) target(%arg12 : memref<64x128xf32, #tpu.memory_space<vmem>>) offsets(%dma_start3A_522 : memref<64xi32, #tpu.memory_space<vmem>>) semaphore(%arg17 : memref<!tpu.dma_semaphore, #tpu.memory_space<semaphore_mem>>)
      %dma_wait3A_526 = arith.constant 320 : i32
      %dma_wait3A_527 = tpu.memref_slice %arg8[%dma_wait3A_526] : memref<1024xi32, #tpu.memory_space<vmem>> -> memref<64xi32, #tpu.memory_space<vmem>>
      %dma_wait3A_528 = arith.constant 0 : i32
      %dma_wait3A_529 = arith.constant 0 : i32
      %dma_wait3A_530 = tpu.memref_slice %arg2[%dma_wait3A_528, %dma_wait3A_529] : memref<10000x128xf32, #tpu.memory_space<hbm>> -> memref<10000x128xf32, #tpu.memory_space<hbm>>
      tpu.wait_indirect_dma semaphore(%arg18 : memref<!tpu.dma_semaphore, #tpu.memory_space<semaphore_mem>>) src(%dma_wait3A_530 : memref<10000x128xf32, #tpu.memory_space<hbm>>) dst(%arg13 : memref<64x128xf32, #tpu.memory_space<vmem>>)
      %run_scoped3A_531 = arith.constant 5 : i32
      "tpu.region"() ({
        %run_scoped3A_907 = tpu.sem_alloc : memref<!tpu.dma_semaphore, #tpu.memory_space<semaphore_mem>>
        %dma_start3A_908 = arith.constant 0 : i32
        %dma_start3A_909 = tpu.memref_slice %arg10[%run_scoped3A_531, %dma_start3A_908] : memref<16x64xi32, #tpu.memory_space<vmem>> -> memref<1x64xi32, #tpu.memory_space<vmem>>
        %dma_start3A_910 = tpu.memref_squeeze %dma_start3A_909 : memref<1x64xi32, #tpu.memory_space<vmem>> -> memref<64xi32, #tpu.memory_space<vmem>>
        %dma_start3A_911 = arith.constant 0 : i32
        %dma_start3A_912 = arith.constant 0 : i32
        %dma_start3A_913 = tpu.memref_slice %arg16[%dma_start3A_911, %dma_start3A_912] : memref<10240x128xf32, #tpu.memory_space<vmem_shared>> -> memref<10240x128xf32, #tpu.memory_space<vmem_shared>>
        tpu.enqueue_indirect_dma source(%arg13 : memref<64x128xf32, #tpu.memory_space<vmem>>) target(%dma_start3A_913 : memref<10240x128xf32, #tpu.memory_space<vmem_shared>>) offsets(%dma_start3A_910 : memref<64xi32, #tpu.memory_space<vmem>>) semaphore(%run_scoped3A_907 : memref<!tpu.dma_semaphore, #tpu.memory_space<semaphore_mem>>) {add = true}
        %dma_wait3A_914 = arith.constant 0 : i32
        %dma_wait3A_915 = tpu.memref_slice %arg10[%run_scoped3A_531, %dma_wait3A_914] : memref<16x64xi32, #tpu.memory_space<vmem>> -> memref<1x64xi32, #tpu.memory_space<vmem>>
        %dma_wait3A_916 = tpu.memref_squeeze %dma_wait3A_915 : memref<1x64xi32, #tpu.memory_space<vmem>> -> memref<64xi32, #tpu.memory_space<vmem>>
        %dma_wait3A_917 = arith.constant 0 : i32
        %dma_wait3A_918 = arith.constant 0 : i32
        %dma_wait3A_919 = tpu.memref_slice %arg16[%dma_wait3A_917, %dma_wait3A_918] : memref<10240x128xf32, #tpu.memory_space<vmem_shared>> -> memref<10240x128xf32, #tpu.memory_space<vmem_shared>>
        tpu.wait_indirect_dma semaphore(%run_scoped3A_907 : memref<!tpu.dma_semaphore, #tpu.memory_space<semaphore_mem>>) src(%arg13 : memref<64x128xf32, #tpu.memory_space<vmem>>) dst(%dma_wait3A_919 : memref<10240x128xf32, #tpu.memory_space<vmem_shared>>)
        tpu.yield
      }) : () -> ()
      %dma_start3A_532 = arith.constant 576 : i32
      %dma_start3A_533 = tpu.memref_slice %arg8[%dma_start3A_532] : memref<1024xi32, #tpu.memory_space<vmem>> -> memref<64xi32, #tpu.memory_space<vmem>>
      %dma_start3A_534 = arith.constant 0 : i32
      %dma_start3A_535 = arith.constant 0 : i32
      %dma_start3A_536 = tpu.memref_slice %arg2[%dma_start3A_534, %dma_start3A_535] : memref<10000x128xf32, #tpu.memory_space<hbm>> -> memref<10000x128xf32, #tpu.memory_space<hbm>>
      tpu.enqueue_indirect_dma source(%dma_start3A_536 : memref<10000x128xf32, #tpu.memory_space<hbm>>) target(%arg13 : memref<64x128xf32, #tpu.memory_space<vmem>>) offsets(%dma_start3A_533 : memref<64xi32, #tpu.memory_space<vmem>>) semaphore(%arg18 : memref<!tpu.dma_semaphore, #tpu.memory_space<semaphore_mem>>)
      %dma_wait3A_537 = arith.constant 384 : i32
      %dma_wait3A_538 = tpu.memref_slice %arg8[%dma_wait3A_537] : memref<1024xi32, #tpu.memory_space<vmem>> -> memref<64xi32, #tpu.memory_space<vmem>>
      %dma_wait3A_539 = arith.constant 0 : i32
      %dma_wait3A_540 = arith.constant 0 : i32
      %dma_wait3A_541 = tpu.memref_slice %arg2[%dma_wait3A_539, %dma_wait3A_540] : memref<10000x128xf32, #tpu.memory_space<hbm>> -> memref<10000x128xf32, #tpu.memory_space<hbm>>
      tpu.wait_indirect_dma semaphore(%arg19 : memref<!tpu.dma_semaphore, #tpu.memory_space<semaphore_mem>>) src(%dma_wait3A_541 : memref<10000x128xf32, #tpu.memory_space<hbm>>) dst(%arg14 : memref<64x128xf32, #tpu.memory_space<vmem>>)
      %run_scoped3A_542 = arith.constant 6 : i32
      "tpu.region"() ({
        %run_scoped3A_907 = tpu.sem_alloc : memref<!tpu.dma_semaphore, #tpu.memory_space<semaphore_mem>>
        %dma_start3A_908 = arith.constant 0 : i32
        %dma_start3A_909 = tpu.memref_slice %arg10[%run_scoped3A_542, %dma_start3A_908] : memref<16x64xi32, #tpu.memory_space<vmem>> -> memref<1x64xi32, #tpu.memory_space<vmem>>
        %dma_start3A_910 = tpu.memref_squeeze %dma_start3A_909 : memref<1x64xi32, #tpu.memory_space<vmem>> -> memref<64xi32, #tpu.memory_space<vmem>>
        %dma_start3A_911 = arith.constant 0 : i32
        %dma_start3A_912 = arith.constant 0 : i32
        %dma_start3A_913 = tpu.memref_slice %arg16[%dma_start3A_911, %dma_start3A_912] : memref<10240x128xf32, #tpu.memory_space<vmem_shared>> -> memref<10240x128xf32, #tpu.memory_space<vmem_shared>>
        tpu.enqueue_indirect_dma source(%arg14 : memref<64x128xf32, #tpu.memory_space<vmem>>) target(%dma_start3A_913 : memref<10240x128xf32, #tpu.memory_space<vmem_shared>>) offsets(%dma_start3A_910 : memref<64xi32, #tpu.memory_space<vmem>>) semaphore(%run_scoped3A_907 : memref<!tpu.dma_semaphore, #tpu.memory_space<semaphore_mem>>) {add = true}
        %dma_wait3A_914 = arith.constant 0 : i32
        %dma_wait3A_915 = tpu.memref_slice %arg10[%run_scoped3A_542, %dma_wait3A_914] : memref<16x64xi32, #tpu.memory_space<vmem>> -> memref<1x64xi32, #tpu.memory_space<vmem>>
        %dma_wait3A_916 = tpu.memref_squeeze %dma_wait3A_915 : memref<1x64xi32, #tpu.memory_space<vmem>> -> memref<64xi32, #tpu.memory_space<vmem>>
        %dma_wait3A_917 = arith.constant 0 : i32
        %dma_wait3A_918 = arith.constant 0 : i32
        %dma_wait3A_919 = tpu.memref_slice %arg16[%dma_wait3A_917, %dma_wait3A_918] : memref<10240x128xf32, #tpu.memory_space<vmem_shared>> -> memref<10240x128xf32, #tpu.memory_space<vmem_shared>>
        tpu.wait_indirect_dma semaphore(%run_scoped3A_907 : memref<!tpu.dma_semaphore, #tpu.memory_space<semaphore_mem>>) src(%arg14 : memref<64x128xf32, #tpu.memory_space<vmem>>) dst(%dma_wait3A_919 : memref<10240x128xf32, #tpu.memory_space<vmem_shared>>)
        tpu.yield
      }) : () -> ()
      %dma_start3A_543 = arith.constant 640 : i32
      %dma_start3A_544 = tpu.memref_slice %arg8[%dma_start3A_543] : memref<1024xi32, #tpu.memory_space<vmem>> -> memref<64xi32, #tpu.memory_space<vmem>>
      %dma_start3A_545 = arith.constant 0 : i32
      %dma_start3A_546 = arith.constant 0 : i32
      %dma_start3A_547 = tpu.memref_slice %arg2[%dma_start3A_545, %dma_start3A_546] : memref<10000x128xf32, #tpu.memory_space<hbm>> -> memref<10000x128xf32, #tpu.memory_space<hbm>>
      tpu.enqueue_indirect_dma source(%dma_start3A_547 : memref<10000x128xf32, #tpu.memory_space<hbm>>) target(%arg14 : memref<64x128xf32, #tpu.memory_space<vmem>>) offsets(%dma_start3A_544 : memref<64xi32, #tpu.memory_space<vmem>>) semaphore(%arg19 : memref<!tpu.dma_semaphore, #tpu.memory_space<semaphore_mem>>)
      %dma_wait3A_548 = arith.constant 448 : i32
      %dma_wait3A_549 = tpu.memref_slice %arg8[%dma_wait3A_548] : memref<1024xi32, #tpu.memory_space<vmem>> -> memref<64xi32, #tpu.memory_space<vmem>>
      %dma_wait3A_550 = arith.constant 0 : i32
      %dma_wait3A_551 = arith.constant 0 : i32
      %dma_wait3A_552 = tpu.memref_slice %arg2[%dma_wait3A_550, %dma_wait3A_551] : memref<10000x128xf32, #tpu.memory_space<hbm>> -> memref<10000x128xf32, #tpu.memory_space<hbm>>
      tpu.wait_indirect_dma semaphore(%arg20 : memref<!tpu.dma_semaphore, #tpu.memory_space<semaphore_mem>>) src(%dma_wait3A_552 : memref<10000x128xf32, #tpu.memory_space<hbm>>) dst(%arg15 : memref<64x128xf32, #tpu.memory_space<vmem>>)
      %run_scoped3A_553 = arith.constant 7 : i32
      "tpu.region"() ({
        %run_scoped3A_907 = tpu.sem_alloc : memref<!tpu.dma_semaphore, #tpu.memory_space<semaphore_mem>>
        %dma_start3A_908 = arith.constant 0 : i32
        %dma_start3A_909 = tpu.memref_slice %arg10[%run_scoped3A_553, %dma_start3A_908] : memref<16x64xi32, #tpu.memory_space<vmem>> -> memref<1x64xi32, #tpu.memory_space<vmem>>
        %dma_start3A_910 = tpu.memref_squeeze %dma_start3A_909 : memref<1x64xi32, #tpu.memory_space<vmem>> -> memref<64xi32, #tpu.memory_space<vmem>>
        %dma_start3A_911 = arith.constant 0 : i32
        %dma_start3A_912 = arith.constant 0 : i32
        %dma_start3A_913 = tpu.memref_slice %arg16[%dma_start3A_911, %dma_start3A_912] : memref<10240x128xf32, #tpu.memory_space<vmem_shared>> -> memref<10240x128xf32, #tpu.memory_space<vmem_shared>>
        tpu.enqueue_indirect_dma source(%arg15 : memref<64x128xf32, #tpu.memory_space<vmem>>) target(%dma_start3A_913 : memref<10240x128xf32, #tpu.memory_space<vmem_shared>>) offsets(%dma_start3A_910 : memref<64xi32, #tpu.memory_space<vmem>>) semaphore(%run_scoped3A_907 : memref<!tpu.dma_semaphore, #tpu.memory_space<semaphore_mem>>) {add = true}
        %dma_wait3A_914 = arith.constant 0 : i32
        %dma_wait3A_915 = tpu.memref_slice %arg10[%run_scoped3A_553, %dma_wait3A_914] : memref<16x64xi32, #tpu.memory_space<vmem>> -> memref<1x64xi32, #tpu.memory_space<vmem>>
        %dma_wait3A_916 = tpu.memref_squeeze %dma_wait3A_915 : memref<1x64xi32, #tpu.memory_space<vmem>> -> memref<64xi32, #tpu.memory_space<vmem>>
        %dma_wait3A_917 = arith.constant 0 : i32
        %dma_wait3A_918 = arith.constant 0 : i32
        %dma_wait3A_919 = tpu.memref_slice %arg16[%dma_wait3A_917, %dma_wait3A_918] : memref<10240x128xf32, #tpu.memory_space<vmem_shared>> -> memref<10240x128xf32, #tpu.memory_space<vmem_shared>>
        tpu.wait_indirect_dma semaphore(%run_scoped3A_907 : memref<!tpu.dma_semaphore, #tpu.memory_space<semaphore_mem>>) src(%arg15 : memref<64x128xf32, #tpu.memory_space<vmem>>) dst(%dma_wait3A_919 : memref<10240x128xf32, #tpu.memory_space<vmem_shared>>)
        tpu.yield
      }) : () -> ()
      %dma_start3A_554 = arith.constant 704 : i32
      %dma_start3A_555 = tpu.memref_slice %arg8[%dma_start3A_554] : memref<1024xi32, #tpu.memory_space<vmem>> -> memref<64xi32, #tpu.memory_space<vmem>>
      %dma_start3A_556 = arith.constant 0 : i32
      %dma_start3A_557 = arith.constant 0 : i32
      %dma_start3A_558 = tpu.memref_slice %arg2[%dma_start3A_556, %dma_start3A_557] : memref<10000x128xf32, #tpu.memory_space<hbm>> -> memref<10000x128xf32, #tpu.memory_space<hbm>>
      tpu.enqueue_indirect_dma source(%dma_start3A_558 : memref<10000x128xf32, #tpu.memory_space<hbm>>) target(%arg15 : memref<64x128xf32, #tpu.memory_space<vmem>>) offsets(%dma_start3A_555 : memref<64xi32, #tpu.memory_space<vmem>>) semaphore(%arg20 : memref<!tpu.dma_semaphore, #tpu.memory_space<semaphore_mem>>)
      %dma_wait3A_559 = arith.constant 512 : i32
      %dma_wait3A_560 = tpu.memref_slice %arg8[%dma_wait3A_559] : memref<1024xi32, #tpu.memory_space<vmem>> -> memref<64xi32, #tpu.memory_space<vmem>>
      %dma_wait3A_561 = arith.constant 0 : i32
      %dma_wait3A_562 = arith.constant 0 : i32
      %dma_wait3A_563 = tpu.memref_slice %arg2[%dma_wait3A_561, %dma_wait3A_562] : memref<10000x128xf32, #tpu.memory_space<hbm>> -> memref<10000x128xf32, #tpu.memory_space<hbm>>
      tpu.wait_indirect_dma semaphore(%arg17 : memref<!tpu.dma_semaphore, #tpu.memory_space<semaphore_mem>>) src(%dma_wait3A_563 : memref<10000x128xf32, #tpu.memory_space<hbm>>) dst(%arg12 : memref<64x128xf32, #tpu.memory_space<vmem>>)
      %run_scoped3A_564 = arith.constant 8 : i32
      "tpu.region"() ({
        %run_scoped3A_907 = tpu.sem_alloc : memref<!tpu.dma_semaphore, #tpu.memory_space<semaphore_mem>>
        %dma_start3A_908 = arith.constant 0 : i32
        %dma_start3A_909 = tpu.memref_slice %arg10[%run_scoped3A_564, %dma_start3A_908] : memref<16x64xi32, #tpu.memory_space<vmem>> -> memref<1x64xi32, #tpu.memory_space<vmem>>
        %dma_start3A_910 = tpu.memref_squeeze %dma_start3A_909 : memref<1x64xi32, #tpu.memory_space<vmem>> -> memref<64xi32, #tpu.memory_space<vmem>>
        %dma_start3A_911 = arith.constant 0 : i32
        %dma_start3A_912 = arith.constant 0 : i32
        %dma_start3A_913 = tpu.memref_slice %arg16[%dma_start3A_911, %dma_start3A_912] : memref<10240x128xf32, #tpu.memory_space<vmem_shared>> -> memref<10240x128xf32, #tpu.memory_space<vmem_shared>>
        tpu.enqueue_indirect_dma source(%arg12 : memref<64x128xf32, #tpu.memory_space<vmem>>) target(%dma_start3A_913 : memref<10240x128xf32, #tpu.memory_space<vmem_shared>>) offsets(%dma_start3A_910 : memref<64xi32, #tpu.memory_space<vmem>>) semaphore(%run_scoped3A_907 : memref<!tpu.dma_semaphore, #tpu.memory_space<semaphore_mem>>) {add = true}
        %dma_wait3A_914 = arith.constant 0 : i32
        %dma_wait3A_915 = tpu.memref_slice %arg10[%run_scoped3A_564, %dma_wait3A_914] : memref<16x64xi32, #tpu.memory_space<vmem>> -> memref<1x64xi32, #tpu.memory_space<vmem>>
        %dma_wait3A_916 = tpu.memref_squeeze %dma_wait3A_915 : memref<1x64xi32, #tpu.memory_space<vmem>> -> memref<64xi32, #tpu.memory_space<vmem>>
        %dma_wait3A_917 = arith.constant 0 : i32
        %dma_wait3A_918 = arith.constant 0 : i32
        %dma_wait3A_919 = tpu.memref_slice %arg16[%dma_wait3A_917, %dma_wait3A_918] : memref<10240x128xf32, #tpu.memory_space<vmem_shared>> -> memref<10240x128xf32, #tpu.memory_space<vmem_shared>>
        tpu.wait_indirect_dma semaphore(%run_scoped3A_907 : memref<!tpu.dma_semaphore, #tpu.memory_space<semaphore_mem>>) src(%arg12 : memref<64x128xf32, #tpu.memory_space<vmem>>) dst(%dma_wait3A_919 : memref<10240x128xf32, #tpu.memory_space<vmem_shared>>)
        tpu.yield
      }) : () -> ()
      %dma_start3A_565 = arith.constant 768 : i32
      %dma_start3A_566 = tpu.memref_slice %arg8[%dma_start3A_565] : memref<1024xi32, #tpu.memory_space<vmem>> -> memref<64xi32, #tpu.memory_space<vmem>>
      %dma_start3A_567 = arith.constant 0 : i32
      %dma_start3A_568 = arith.constant 0 : i32
      %dma_start3A_569 = tpu.memref_slice %arg2[%dma_start3A_567, %dma_start3A_568] : memref<10000x128xf32, #tpu.memory_space<hbm>> -> memref<10000x128xf32, #tpu.memory_space<hbm>>
      tpu.enqueue_indirect_dma source(%dma_start3A_569 : memref<10000x128xf32, #tpu.memory_space<hbm>>) target(%arg12 : memref<64x128xf32, #tpu.memory_space<vmem>>) offsets(%dma_start3A_566 : memref<64xi32, #tpu.memory_space<vmem>>) semaphore(%arg17 : memref<!tpu.dma_semaphore, #tpu.memory_space<semaphore_mem>>)
      %dma_wait3A_570 = arith.constant 576 : i32
      %dma_wait3A_571 = tpu.memref_slice %arg8[%dma_wait3A_570] : memref<1024xi32, #tpu.memory_space<vmem>> -> memref<64xi32, #tpu.memory_space<vmem>>
      %dma_wait3A_572 = arith.constant 0 : i32
      %dma_wait3A_573 = arith.constant 0 : i32
      %dma_wait3A_574 = tpu.memref_slice %arg2[%dma_wait3A_572, %dma_wait3A_573] : memref<10000x128xf32, #tpu.memory_space<hbm>> -> memref<10000x128xf32, #tpu.memory_space<hbm>>
      tpu.wait_indirect_dma semaphore(%arg18 : memref<!tpu.dma_semaphore, #tpu.memory_space<semaphore_mem>>) src(%dma_wait3A_574 : memref<10000x128xf32, #tpu.memory_space<hbm>>) dst(%arg13 : memref<64x128xf32, #tpu.memory_space<vmem>>)
      %run_scoped3A_575 = arith.constant 9 : i32
      "tpu.region"() ({
        %run_scoped3A_907 = tpu.sem_alloc : memref<!tpu.dma_semaphore, #tpu.memory_space<semaphore_mem>>
        %dma_start3A_908 = arith.constant 0 : i32
        %dma_start3A_909 = tpu.memref_slice %arg10[%run_scoped3A_575, %dma_start3A_908] : memref<16x64xi32, #tpu.memory_space<vmem>> -> memref<1x64xi32, #tpu.memory_space<vmem>>
        %dma_start3A_910 = tpu.memref_squeeze %dma_start3A_909 : memref<1x64xi32, #tpu.memory_space<vmem>> -> memref<64xi32, #tpu.memory_space<vmem>>
        %dma_start3A_911 = arith.constant 0 : i32
        %dma_start3A_912 = arith.constant 0 : i32
        %dma_start3A_913 = tpu.memref_slice %arg16[%dma_start3A_911, %dma_start3A_912] : memref<10240x128xf32, #tpu.memory_space<vmem_shared>> -> memref<10240x128xf32, #tpu.memory_space<vmem_shared>>
        tpu.enqueue_indirect_dma source(%arg13 : memref<64x128xf32, #tpu.memory_space<vmem>>) target(%dma_start3A_913 : memref<10240x128xf32, #tpu.memory_space<vmem_shared>>) offsets(%dma_start3A_910 : memref<64xi32, #tpu.memory_space<vmem>>) semaphore(%run_scoped3A_907 : memref<!tpu.dma_semaphore, #tpu.memory_space<semaphore_mem>>) {add = true}
        %dma_wait3A_914 = arith.constant 0 : i32
        %dma_wait3A_915 = tpu.memref_slice %arg10[%run_scoped3A_575, %dma_wait3A_914] : memref<16x64xi32, #tpu.memory_space<vmem>> -> memref<1x64xi32, #tpu.memory_space<vmem>>
        %dma_wait3A_916 = tpu.memref_squeeze %dma_wait3A_915 : memref<1x64xi32, #tpu.memory_space<vmem>> -> memref<64xi32, #tpu.memory_space<vmem>>
        %dma_wait3A_917 = arith.constant 0 : i32
        %dma_wait3A_918 = arith.constant 0 : i32
        %dma_wait3A_919 = tpu.memref_slice %arg16[%dma_wait3A_917, %dma_wait3A_918] : memref<10240x128xf32, #tpu.memory_space<vmem_shared>> -> memref<10240x128xf32, #tpu.memory_space<vmem_shared>>
        tpu.wait_indirect_dma semaphore(%run_scoped3A_907 : memref<!tpu.dma_semaphore, #tpu.memory_space<semaphore_mem>>) src(%arg13 : memref<64x128xf32, #tpu.memory_space<vmem>>) dst(%dma_wait3A_919 : memref<10240x128xf32, #tpu.memory_space<vmem_shared>>)
        tpu.yield
      }) : () -> ()
      %dma_start3A_576 = arith.constant 832 : i32
      %dma_start3A_577 = tpu.memref_slice %arg8[%dma_start3A_576] : memref<1024xi32, #tpu.memory_space<vmem>> -> memref<64xi32, #tpu.memory_space<vmem>>
      %dma_start3A_578 = arith.constant 0 : i32
      %dma_start3A_579 = arith.constant 0 : i32
      %dma_start3A_580 = tpu.memref_slice %arg2[%dma_start3A_578, %dma_start3A_579] : memref<10000x128xf32, #tpu.memory_space<hbm>> -> memref<10000x128xf32, #tpu.memory_space<hbm>>
      tpu.enqueue_indirect_dma source(%dma_start3A_580 : memref<10000x128xf32, #tpu.memory_space<hbm>>) target(%arg13 : memref<64x128xf32, #tpu.memory_space<vmem>>) offsets(%dma_start3A_577 : memref<64xi32, #tpu.memory_space<vmem>>) semaphore(%arg18 : memref<!tpu.dma_semaphore, #tpu.memory_space<semaphore_mem>>)
      %dma_wait3A_581 = arith.constant 640 : i32
      %dma_wait3A_582 = tpu.memref_slice %arg8[%dma_wait3A_581] : memref<1024xi32, #tpu.memory_space<vmem>> -> memref<64xi32, #tpu.memory_space<vmem>>
      %dma_wait3A_583 = arith.constant 0 : i32
      %dma_wait3A_584 = arith.constant 0 : i32
      %dma_wait3A_585 = tpu.memref_slice %arg2[%dma_wait3A_583, %dma_wait3A_584] : memref<10000x128xf32, #tpu.memory_space<hbm>> -> memref<10000x128xf32, #tpu.memory_space<hbm>>
      tpu.wait_indirect_dma semaphore(%arg19 : memref<!tpu.dma_semaphore, #tpu.memory_space<semaphore_mem>>) src(%dma_wait3A_585 : memref<10000x128xf32, #tpu.memory_space<hbm>>) dst(%arg14 : memref<64x128xf32, #tpu.memory_space<vmem>>)
      %run_scoped3A_586 = arith.constant 10 : i32
      "tpu.region"() ({
        %run_scoped3A_907 = tpu.sem_alloc : memref<!tpu.dma_semaphore, #tpu.memory_space<semaphore_mem>>
        %dma_start3A_908 = arith.constant 0 : i32
        %dma_start3A_909 = tpu.memref_slice %arg10[%run_scoped3A_586, %dma_start3A_908] : memref<16x64xi32, #tpu.memory_space<vmem>> -> memref<1x64xi32, #tpu.memory_space<vmem>>
        %dma_start3A_910 = tpu.memref_squeeze %dma_start3A_909 : memref<1x64xi32, #tpu.memory_space<vmem>> -> memref<64xi32, #tpu.memory_space<vmem>>
        %dma_start3A_911 = arith.constant 0 : i32
        %dma_start3A_912 = arith.constant 0 : i32
        %dma_start3A_913 = tpu.memref_slice %arg16[%dma_start3A_911, %dma_start3A_912] : memref<10240x128xf32, #tpu.memory_space<vmem_shared>> -> memref<10240x128xf32, #tpu.memory_space<vmem_shared>>
        tpu.enqueue_indirect_dma source(%arg14 : memref<64x128xf32, #tpu.memory_space<vmem>>) target(%dma_start3A_913 : memref<10240x128xf32, #tpu.memory_space<vmem_shared>>) offsets(%dma_start3A_910 : memref<64xi32, #tpu.memory_space<vmem>>) semaphore(%run_scoped3A_907 : memref<!tpu.dma_semaphore, #tpu.memory_space<semaphore_mem>>) {add = true}
        %dma_wait3A_914 = arith.constant 0 : i32
        %dma_wait3A_915 = tpu.memref_slice %arg10[%run_scoped3A_586, %dma_wait3A_914] : memref<16x64xi32, #tpu.memory_space<vmem>> -> memref<1x64xi32, #tpu.memory_space<vmem>>
        %dma_wait3A_916 = tpu.memref_squeeze %dma_wait3A_915 : memref<1x64xi32, #tpu.memory_space<vmem>> -> memref<64xi32, #tpu.memory_space<vmem>>
        %dma_wait3A_917 = arith.constant 0 : i32
        %dma_wait3A_918 = arith.constant 0 : i32
        %dma_wait3A_919 = tpu.memref_slice %arg16[%dma_wait3A_917, %dma_wait3A_918] : memref<10240x128xf32, #tpu.memory_space<vmem_shared>> -> memref<10240x128xf32, #tpu.memory_space<vmem_shared>>
        tpu.wait_indirect_dma semaphore(%run_scoped3A_907 : memref<!tpu.dma_semaphore, #tpu.memory_space<semaphore_mem>>) src(%arg14 : memref<64x128xf32, #tpu.memory_space<vmem>>) dst(%dma_wait3A_919 : memref<10240x128xf32, #tpu.memory_space<vmem_shared>>)
        tpu.yield
      }) : () -> ()
      %dma_start3A_587 = arith.constant 896 : i32
      %dma_start3A_588 = tpu.memref_slice %arg8[%dma_start3A_587] : memref<1024xi32, #tpu.memory_space<vmem>> -> memref<64xi32, #tpu.memory_space<vmem>>
      %dma_start3A_589 = arith.constant 0 : i32
      %dma_start3A_590 = arith.constant 0 : i32
      %dma_start3A_591 = tpu.memref_slice %arg2[%dma_start3A_589, %dma_start3A_590] : memref<10000x128xf32, #tpu.memory_space<hbm>> -> memref<10000x128xf32, #tpu.memory_space<hbm>>
      tpu.enqueue_indirect_dma source(%dma_start3A_591 : memref<10000x128xf32, #tpu.memory_space<hbm>>) target(%arg14 : memref<64x128xf32, #tpu.memory_space<vmem>>) offsets(%dma_start3A_588 : memref<64xi32, #tpu.memory_space<vmem>>) semaphore(%arg19 : memref<!tpu.dma_semaphore, #tpu.memory_space<semaphore_mem>>)
      %dma_wait3A_592 = arith.constant 704 : i32
      %dma_wait3A_593 = tpu.memref_slice %arg8[%dma_wait3A_592] : memref<1024xi32, #tpu.memory_space<vmem>> -> memref<64xi32, #tpu.memory_space<vmem>>
      %dma_wait3A_594 = arith.constant 0 : i32
      %dma_wait3A_595 = arith.constant 0 : i32
      %dma_wait3A_596 = tpu.memref_slice %arg2[%dma_wait3A_594, %dma_wait3A_595] : memref<10000x128xf32, #tpu.memory_space<hbm>> -> memref<10000x128xf32, #tpu.memory_space<hbm>>
      tpu.wait_indirect_dma semaphore(%arg20 : memref<!tpu.dma_semaphore, #tpu.memory_space<semaphore_mem>>) src(%dma_wait3A_596 : memref<10000x128xf32, #tpu.memory_space<hbm>>) dst(%arg15 : memref<64x128xf32, #tpu.memory_space<vmem>>)
      %run_scoped3A_597 = arith.constant 11 : i32
      "tpu.region"() ({
        %run_scoped3A_907 = tpu.sem_alloc : memref<!tpu.dma_semaphore, #tpu.memory_space<semaphore_mem>>
        %dma_start3A_908 = arith.constant 0 : i32
        %dma_start3A_909 = tpu.memref_slice %arg10[%run_scoped3A_597, %dma_start3A_908] : memref<16x64xi32, #tpu.memory_space<vmem>> -> memref<1x64xi32, #tpu.memory_space<vmem>>
        %dma_start3A_910 = tpu.memref_squeeze %dma_start3A_909 : memref<1x64xi32, #tpu.memory_space<vmem>> -> memref<64xi32, #tpu.memory_space<vmem>>
        %dma_start3A_911 = arith.constant 0 : i32
        %dma_start3A_912 = arith.constant 0 : i32
        %dma_start3A_913 = tpu.memref_slice %arg16[%dma_start3A_911, %dma_start3A_912] : memref<10240x128xf32, #tpu.memory_space<vmem_shared>> -> memref<10240x128xf32, #tpu.memory_space<vmem_shared>>
        tpu.enqueue_indirect_dma source(%arg15 : memref<64x128xf32, #tpu.memory_space<vmem>>) target(%dma_start3A_913 : memref<10240x128xf32, #tpu.memory_space<vmem_shared>>) offsets(%dma_start3A_910 : memref<64xi32, #tpu.memory_space<vmem>>) semaphore(%run_scoped3A_907 : memref<!tpu.dma_semaphore, #tpu.memory_space<semaphore_mem>>) {add = true}
        %dma_wait3A_914 = arith.constant 0 : i32
        %dma_wait3A_915 = tpu.memref_slice %arg10[%run_scoped3A_597, %dma_wait3A_914] : memref<16x64xi32, #tpu.memory_space<vmem>> -> memref<1x64xi32, #tpu.memory_space<vmem>>
        %dma_wait3A_916 = tpu.memref_squeeze %dma_wait3A_915 : memref<1x64xi32, #tpu.memory_space<vmem>> -> memref<64xi32, #tpu.memory_space<vmem>>
        %dma_wait3A_917 = arith.constant 0 : i32
        %dma_wait3A_918 = arith.constant 0 : i32
        %dma_wait3A_919 = tpu.memref_slice %arg16[%dma_wait3A_917, %dma_wait3A_918] : memref<10240x128xf32, #tpu.memory_space<vmem_shared>> -> memref<10240x128xf32, #tpu.memory_space<vmem_shared>>
        tpu.wait_indirect_dma semaphore(%run_scoped3A_907 : memref<!tpu.dma_semaphore, #tpu.memory_space<semaphore_mem>>) src(%arg15 : memref<64x128xf32, #tpu.memory_space<vmem>>) dst(%dma_wait3A_919 : memref<10240x128xf32, #tpu.memory_space<vmem_shared>>)
        tpu.yield
      }) : () -> ()
      %dma_start3A_598 = arith.constant 960 : i32
      %dma_start3A_599 = tpu.memref_slice %arg8[%dma_start3A_598] : memref<1024xi32, #tpu.memory_space<vmem>> -> memref<64xi32, #tpu.memory_space<vmem>>
      %dma_start3A_600 = arith.constant 0 : i32
      %dma_start3A_601 = arith.constant 0 : i32
      %dma_start3A_602 = tpu.memref_slice %arg2[%dma_start3A_600, %dma_start3A_601] : memref<10000x128xf32, #tpu.memory_space<hbm>> -> memref<10000x128xf32, #tpu.memory_space<hbm>>
      tpu.enqueue_indirect_dma source(%dma_start3A_602 : memref<10000x128xf32, #tpu.memory_space<hbm>>) target(%arg15 : memref<64x128xf32, #tpu.memory_space<vmem>>) offsets(%dma_start3A_599 : memref<64xi32, #tpu.memory_space<vmem>>) semaphore(%arg20 : memref<!tpu.dma_semaphore, #tpu.memory_space<semaphore_mem>>)
      %dma_wait3A_603 = arith.constant 768 : i32
      %dma_wait3A_604 = tpu.memref_slice %arg8[%dma_wait3A_603] : memref<1024xi32, #tpu.memory_space<vmem>> -> memref<64xi32, #tpu.memory_space<vmem>>
      %dma_wait3A_605 = arith.constant 0 : i32
      %dma_wait3A_606 = arith.constant 0 : i32
      %dma_wait3A_607 = tpu.memref_slice %arg2[%dma_wait3A_605, %dma_wait3A_606] : memref<10000x128xf32, #tpu.memory_space<hbm>> -> memref<10000x128xf32, #tpu.memory_space<hbm>>
      tpu.wait_indirect_dma semaphore(%arg17 : memref<!tpu.dma_semaphore, #tpu.memory_space<semaphore_mem>>) src(%dma_wait3A_607 : memref<10000x128xf32, #tpu.memory_space<hbm>>) dst(%arg12 : memref<64x128xf32, #tpu.memory_space<vmem>>)
      %run_scoped3A_608 = arith.constant 12 : i32
      "tpu.region"() ({
        %run_scoped3A_907 = tpu.sem_alloc : memref<!tpu.dma_semaphore, #tpu.memory_space<semaphore_mem>>
        %dma_start3A_908 = arith.constant 0 : i32
        %dma_start3A_909 = tpu.memref_slice %arg10[%run_scoped3A_608, %dma_start3A_908] : memref<16x64xi32, #tpu.memory_space<vmem>> -> memref<1x64xi32, #tpu.memory_space<vmem>>
        %dma_start3A_910 = tpu.memref_squeeze %dma_start3A_909 : memref<1x64xi32, #tpu.memory_space<vmem>> -> memref<64xi32, #tpu.memory_space<vmem>>
        %dma_start3A_911 = arith.constant 0 : i32
        %dma_start3A_912 = arith.constant 0 : i32
        %dma_start3A_913 = tpu.memref_slice %arg16[%dma_start3A_911, %dma_start3A_912] : memref<10240x128xf32, #tpu.memory_space<vmem_shared>> -> memref<10240x128xf32, #tpu.memory_space<vmem_shared>>
        tpu.enqueue_indirect_dma source(%arg12 : memref<64x128xf32, #tpu.memory_space<vmem>>) target(%dma_start3A_913 : memref<10240x128xf32, #tpu.memory_space<vmem_shared>>) offsets(%dma_start3A_910 : memref<64xi32, #tpu.memory_space<vmem>>) semaphore(%run_scoped3A_907 : memref<!tpu.dma_semaphore, #tpu.memory_space<semaphore_mem>>) {add = true}
        %dma_wait3A_914 = arith.constant 0 : i32
        %dma_wait3A_915 = tpu.memref_slice %arg10[%run_scoped3A_608, %dma_wait3A_914] : memref<16x64xi32, #tpu.memory_space<vmem>> -> memref<1x64xi32, #tpu.memory_space<vmem>>
        %dma_wait3A_916 = tpu.memref_squeeze %dma_wait3A_915 : memref<1x64xi32, #tpu.memory_space<vmem>> -> memref<64xi32, #tpu.memory_space<vmem>>
        %dma_wait3A_917 = arith.constant 0 : i32
        %dma_wait3A_918 = arith.constant 0 : i32
        %dma_wait3A_919 = tpu.memref_slice %arg16[%dma_wait3A_917, %dma_wait3A_918] : memref<10240x128xf32, #tpu.memory_space<vmem_shared>> -> memref<10240x128xf32, #tpu.memory_space<vmem_shared>>
        tpu.wait_indirect_dma semaphore(%run_scoped3A_907 : memref<!tpu.dma_semaphore, #tpu.memory_space<semaphore_mem>>) src(%arg12 : memref<64x128xf32, #tpu.memory_space<vmem>>) dst(%dma_wait3A_919 : memref<10240x128xf32, #tpu.memory_space<vmem_shared>>)
        tpu.yield
      }) : () -> ()
      %mul3A_609 = arith.constant 10 : i32
      %mul3A_610 = arith.muli %add3A, %mul3A_609 : i32
      %add3A_611 = arith.addi %mul3A_610, %add3A_465 : i32
      %dma_wait3A_612 = arith.constant 0 : i32
      %dma_wait3A_613 = tpu.memref_slice %arg3[%add3A_611, %dma_wait3A_612] : memref<320x1024xi32, #tpu.memory_space<hbm>> -> memref<1x1024xi32, #tpu.memory_space<hbm>>
      %dma_wait3A_614 = tpu.memref_squeeze %dma_wait3A_613 : memref<1x1024xi32, #tpu.memory_space<hbm>> -> memref<1024xi32, #tpu.memory_space<hbm>>
      %dma_wait3A_615 = arith.constant 0 : i32
      %dma_wait3A_616 = tpu.memref_slice %arg3[%add3A_611, %dma_wait3A_615] : memref<320x1024xi32, #tpu.memory_space<hbm>> -> memref<1x1024xi32, #tpu.memory_space<hbm>>
      %dma_wait3A_617 = tpu.memref_squeeze %dma_wait3A_616 : memref<1x1024xi32, #tpu.memory_space<hbm>> -> memref<1024xi32, #tpu.memory_space<hbm>>
      tpu.wait_dma2 semaphore(%arg22 : memref<!tpu.dma_semaphore, #tpu.memory_space<semaphore_mem>>) src(%dma_wait3A_617 : memref<1024xi32, #tpu.memory_space<hbm>>) dst(%arg9 : memref<1024xi32, #tpu.memory_space<vmem>>)
      %mul3A_618 = arith.constant 10 : i32
      %mul3A_619 = arith.muli %add3A, %mul3A_618 : i32
      %add3A_620 = arith.addi %mul3A_619, %add3A_465 : i32
      %dma_wait3A_621 = arith.constant 0 : i32
      %dma_wait3A_622 = arith.constant 0 : i32
      %dma_wait3A_623 = tpu.memref_slice %arg4[%add3A_620, %dma_wait3A_621, %dma_wait3A_622] : memref<320x16x64xi32, #tpu.memory_space<hbm>> -> memref<1x16x64xi32, #tpu.memory_space<hbm>>
      %dma_wait3A_624 = tpu.memref_squeeze %dma_wait3A_623 : memref<1x16x64xi32, #tpu.memory_space<hbm>> -> memref<16x64xi32, #tpu.memory_space<hbm>>
      %dma_wait3A_625 = arith.constant 0 : i32
      %dma_wait3A_626 = arith.constant 0 : i32
      %dma_wait3A_627 = tpu.memref_slice %arg4[%add3A_620, %dma_wait3A_625, %dma_wait3A_626] : memref<320x16x64xi32, #tpu.memory_space<hbm>> -> memref<1x16x64xi32, #tpu.memory_space<hbm>>
      %dma_wait3A_628 = tpu.memref_squeeze %dma_wait3A_627 : memref<1x16x64xi32, #tpu.memory_space<hbm>> -> memref<16x64xi32, #tpu.memory_space<hbm>>
      tpu.wait_dma2 semaphore(%arg22 : memref<!tpu.dma_semaphore, #tpu.memory_space<semaphore_mem>>) src(%dma_wait3A_628 : memref<16x64xi32, #tpu.memory_space<hbm>>) dst(%arg11 : memref<16x64xi32, #tpu.memory_space<vmem>>)
      %dma_start3A_629 = arith.constant 0 : i32
      %dma_start3A_630 = tpu.memref_slice %arg9[%dma_start3A_629] : memref<1024xi32, #tpu.memory_space<vmem>> -> memref<64xi32, #tpu.memory_space<vmem>>
      %dma_start3A_631 = arith.constant 0 : i32
      %dma_start3A_632 = arith.constant 0 : i32
      %dma_start3A_633 = tpu.memref_slice %arg2[%dma_start3A_631, %dma_start3A_632] : memref<10000x128xf32, #tpu.memory_space<hbm>> -> memref<10000x128xf32, #tpu.memory_space<hbm>>
      tpu.enqueue_indirect_dma source(%dma_start3A_633 : memref<10000x128xf32, #tpu.memory_space<hbm>>) target(%arg12 : memref<64x128xf32, #tpu.memory_space<vmem>>) offsets(%dma_start3A_630 : memref<64xi32, #tpu.memory_space<vmem>>) semaphore(%arg17 : memref<!tpu.dma_semaphore, #tpu.memory_space<semaphore_mem>>)
      %dma_wait3A_634 = arith.constant 832 : i32
      %dma_wait3A_635 = tpu.memref_slice %arg8[%dma_wait3A_634] : memref<1024xi32, #tpu.memory_space<vmem>> -> memref<64xi32, #tpu.memory_space<vmem>>
      %dma_wait3A_636 = arith.constant 0 : i32
      %dma_wait3A_637 = arith.constant 0 : i32
      %dma_wait3A_638 = tpu.memref_slice %arg2[%dma_wait3A_636, %dma_wait3A_637] : memref<10000x128xf32, #tpu.memory_space<hbm>> -> memref<10000x128xf32, #tpu.memory_space<hbm>>
      tpu.wait_indirect_dma semaphore(%arg18 : memref<!tpu.dma_semaphore, #tpu.memory_space<semaphore_mem>>) src(%dma_wait3A_638 : memref<10000x128xf32, #tpu.memory_space<hbm>>) dst(%arg13 : memref<64x128xf32, #tpu.memory_space<vmem>>)
      %run_scoped3A_639 = arith.constant 13 : i32
      "tpu.region"() ({
        %run_scoped3A_907 = tpu.sem_alloc : memref<!tpu.dma_semaphore, #tpu.memory_space<semaphore_mem>>
        %dma_start3A_908 = arith.constant 0 : i32
        %dma_start3A_909 = tpu.memref_slice %arg10[%run_scoped3A_639, %dma_start3A_908] : memref<16x64xi32, #tpu.memory_space<vmem>> -> memref<1x64xi32, #tpu.memory_space<vmem>>
        %dma_start3A_910 = tpu.memref_squeeze %dma_start3A_909 : memref<1x64xi32, #tpu.memory_space<vmem>> -> memref<64xi32, #tpu.memory_space<vmem>>
        %dma_start3A_911 = arith.constant 0 : i32
        %dma_start3A_912 = arith.constant 0 : i32
        %dma_start3A_913 = tpu.memref_slice %arg16[%dma_start3A_911, %dma_start3A_912] : memref<10240x128xf32, #tpu.memory_space<vmem_shared>> -> memref<10240x128xf32, #tpu.memory_space<vmem_shared>>
        tpu.enqueue_indirect_dma source(%arg13 : memref<64x128xf32, #tpu.memory_space<vmem>>) target(%dma_start3A_913 : memref<10240x128xf32, #tpu.memory_space<vmem_shared>>) offsets(%dma_start3A_910 : memref<64xi32, #tpu.memory_space<vmem>>) semaphore(%run_scoped3A_907 : memref<!tpu.dma_semaphore, #tpu.memory_space<semaphore_mem>>) {add = true}
        %dma_wait3A_914 = arith.constant 0 : i32
        %dma_wait3A_915 = tpu.memref_slice %arg10[%run_scoped3A_639, %dma_wait3A_914] : memref<16x64xi32, #tpu.memory_space<vmem>> -> memref<1x64xi32, #tpu.memory_space<vmem>>
        %dma_wait3A_916 = tpu.memref_squeeze %dma_wait3A_915 : memref<1x64xi32, #tpu.memory_space<vmem>> -> memref<64xi32, #tpu.memory_space<vmem>>
        %dma_wait3A_917 = arith.constant 0 : i32
        %dma_wait3A_918 = arith.constant 0 : i32
        %dma_wait3A_919 = tpu.memref_slice %arg16[%dma_wait3A_917, %dma_wait3A_918] : memref<10240x128xf32, #tpu.memory_space<vmem_shared>> -> memref<10240x128xf32, #tpu.memory_space<vmem_shared>>
        tpu.wait_indirect_dma semaphore(%run_scoped3A_907 : memref<!tpu.dma_semaphore, #tpu.memory_space<semaphore_mem>>) src(%arg13 : memref<64x128xf32, #tpu.memory_space<vmem>>) dst(%dma_wait3A_919 : memref<10240x128xf32, #tpu.memory_space<vmem_shared>>)
        tpu.yield
      }) : () -> ()
      %dma_start3A_640 = arith.constant 64 : i32
      %dma_start3A_641 = tpu.memref_slice %arg9[%dma_start3A_640] : memref<1024xi32, #tpu.memory_space<vmem>> -> memref<64xi32, #tpu.memory_space<vmem>>
      %dma_start3A_642 = arith.constant 0 : i32
      %dma_start3A_643 = arith.constant 0 : i32
      %dma_start3A_644 = tpu.memref_slice %arg2[%dma_start3A_642, %dma_start3A_643] : memref<10000x128xf32, #tpu.memory_space<hbm>> -> memref<10000x128xf32, #tpu.memory_space<hbm>>
      tpu.enqueue_indirect_dma source(%dma_start3A_644 : memref<10000x128xf32, #tpu.memory_space<hbm>>) target(%arg13 : memref<64x128xf32, #tpu.memory_space<vmem>>) offsets(%dma_start3A_641 : memref<64xi32, #tpu.memory_space<vmem>>) semaphore(%arg18 : memref<!tpu.dma_semaphore, #tpu.memory_space<semaphore_mem>>)
      %dma_wait3A_645 = arith.constant 896 : i32
      %dma_wait3A_646 = tpu.memref_slice %arg8[%dma_wait3A_645] : memref<1024xi32, #tpu.memory_space<vmem>> -> memref<64xi32, #tpu.memory_space<vmem>>
      %dma_wait3A_647 = arith.constant 0 : i32
      %dma_wait3A_648 = arith.constant 0 : i32
      %dma_wait3A_649 = tpu.memref_slice %arg2[%dma_wait3A_647, %dma_wait3A_648] : memref<10000x128xf32, #tpu.memory_space<hbm>> -> memref<10000x128xf32, #tpu.memory_space<hbm>>
      tpu.wait_indirect_dma semaphore(%arg19 : memref<!tpu.dma_semaphore, #tpu.memory_space<semaphore_mem>>) src(%dma_wait3A_649 : memref<10000x128xf32, #tpu.memory_space<hbm>>) dst(%arg14 : memref<64x128xf32, #tpu.memory_space<vmem>>)
      %run_scoped3A_650 = arith.constant 14 : i32
      "tpu.region"() ({
        %run_scoped3A_907 = tpu.sem_alloc : memref<!tpu.dma_semaphore, #tpu.memory_space<semaphore_mem>>
        %dma_start3A_908 = arith.constant 0 : i32
        %dma_start3A_909 = tpu.memref_slice %arg10[%run_scoped3A_650, %dma_start3A_908] : memref<16x64xi32, #tpu.memory_space<vmem>> -> memref<1x64xi32, #tpu.memory_space<vmem>>
        %dma_start3A_910 = tpu.memref_squeeze %dma_start3A_909 : memref<1x64xi32, #tpu.memory_space<vmem>> -> memref<64xi32, #tpu.memory_space<vmem>>
        %dma_start3A_911 = arith.constant 0 : i32
        %dma_start3A_912 = arith.constant 0 : i32
        %dma_start3A_913 = tpu.memref_slice %arg16[%dma_start3A_911, %dma_start3A_912] : memref<10240x128xf32, #tpu.memory_space<vmem_shared>> -> memref<10240x128xf32, #tpu.memory_space<vmem_shared>>
        tpu.enqueue_indirect_dma source(%arg14 : memref<64x128xf32, #tpu.memory_space<vmem>>) target(%dma_start3A_913 : memref<10240x128xf32, #tpu.memory_space<vmem_shared>>) offsets(%dma_start3A_910 : memref<64xi32, #tpu.memory_space<vmem>>) semaphore(%run_scoped3A_907 : memref<!tpu.dma_semaphore, #tpu.memory_space<semaphore_mem>>) {add = true}
        %dma_wait3A_914 = arith.constant 0 : i32
        %dma_wait3A_915 = tpu.memref_slice %arg10[%run_scoped3A_650, %dma_wait3A_914] : memref<16x64xi32, #tpu.memory_space<vmem>> -> memref<1x64xi32, #tpu.memory_space<vmem>>
        %dma_wait3A_916 = tpu.memref_squeeze %dma_wait3A_915 : memref<1x64xi32, #tpu.memory_space<vmem>> -> memref<64xi32, #tpu.memory_space<vmem>>
        %dma_wait3A_917 = arith.constant 0 : i32
        %dma_wait3A_918 = arith.constant 0 : i32
        %dma_wait3A_919 = tpu.memref_slice %arg16[%dma_wait3A_917, %dma_wait3A_918] : memref<10240x128xf32, #tpu.memory_space<vmem_shared>> -> memref<10240x128xf32, #tpu.memory_space<vmem_shared>>
        tpu.wait_indirect_dma semaphore(%run_scoped3A_907 : memref<!tpu.dma_semaphore, #tpu.memory_space<semaphore_mem>>) src(%arg14 : memref<64x128xf32, #tpu.memory_space<vmem>>) dst(%dma_wait3A_919 : memref<10240x128xf32, #tpu.memory_space<vmem_shared>>)
        tpu.yield
      }) : () -> ()
      %dma_start3A_651 = arith.constant 128 : i32
      %dma_start3A_652 = tpu.memref_slice %arg9[%dma_start3A_651] : memref<1024xi32, #tpu.memory_space<vmem>> -> memref<64xi32, #tpu.memory_space<vmem>>
      %dma_start3A_653 = arith.constant 0 : i32
      %dma_start3A_654 = arith.constant 0 : i32
      %dma_start3A_655 = tpu.memref_slice %arg2[%dma_start3A_653, %dma_start3A_654] : memref<10000x128xf32, #tpu.memory_space<hbm>> -> memref<10000x128xf32, #tpu.memory_space<hbm>>
      tpu.enqueue_indirect_dma source(%dma_start3A_655 : memref<10000x128xf32, #tpu.memory_space<hbm>>) target(%arg14 : memref<64x128xf32, #tpu.memory_space<vmem>>) offsets(%dma_start3A_652 : memref<64xi32, #tpu.memory_space<vmem>>) semaphore(%arg19 : memref<!tpu.dma_semaphore, #tpu.memory_space<semaphore_mem>>)
      %dma_wait3A_656 = arith.constant 960 : i32
      %dma_wait3A_657 = tpu.memref_slice %arg8[%dma_wait3A_656] : memref<1024xi32, #tpu.memory_space<vmem>> -> memref<64xi32, #tpu.memory_space<vmem>>
      %dma_wait3A_658 = arith.constant 0 : i32
      %dma_wait3A_659 = arith.constant 0 : i32
      %dma_wait3A_660 = tpu.memref_slice %arg2[%dma_wait3A_658, %dma_wait3A_659] : memref<10000x128xf32, #tpu.memory_space<hbm>> -> memref<10000x128xf32, #tpu.memory_space<hbm>>
      tpu.wait_indirect_dma semaphore(%arg20 : memref<!tpu.dma_semaphore, #tpu.memory_space<semaphore_mem>>) src(%dma_wait3A_660 : memref<10000x128xf32, #tpu.memory_space<hbm>>) dst(%arg15 : memref<64x128xf32, #tpu.memory_space<vmem>>)
      %run_scoped3A_661 = arith.constant 15 : i32
      "tpu.region"() ({
        %run_scoped3A_907 = tpu.sem_alloc : memref<!tpu.dma_semaphore, #tpu.memory_space<semaphore_mem>>
        %dma_start3A_908 = arith.constant 0 : i32
        %dma_start3A_909 = tpu.memref_slice %arg10[%run_scoped3A_661, %dma_start3A_908] : memref<16x64xi32, #tpu.memory_space<vmem>> -> memref<1x64xi32, #tpu.memory_space<vmem>>
        %dma_start3A_910 = tpu.memref_squeeze %dma_start3A_909 : memref<1x64xi32, #tpu.memory_space<vmem>> -> memref<64xi32, #tpu.memory_space<vmem>>
        %dma_start3A_911 = arith.constant 0 : i32
        %dma_start3A_912 = arith.constant 0 : i32
        %dma_start3A_913 = tpu.memref_slice %arg16[%dma_start3A_911, %dma_start3A_912] : memref<10240x128xf32, #tpu.memory_space<vmem_shared>> -> memref<10240x128xf32, #tpu.memory_space<vmem_shared>>
        tpu.enqueue_indirect_dma source(%arg15 : memref<64x128xf32, #tpu.memory_space<vmem>>) target(%dma_start3A_913 : memref<10240x128xf32, #tpu.memory_space<vmem_shared>>) offsets(%dma_start3A_910 : memref<64xi32, #tpu.memory_space<vmem>>) semaphore(%run_scoped3A_907 : memref<!tpu.dma_semaphore, #tpu.memory_space<semaphore_mem>>) {add = true}
        %dma_wait3A_914 = arith.constant 0 : i32
        %dma_wait3A_915 = tpu.memref_slice %arg10[%run_scoped3A_661, %dma_wait3A_914] : memref<16x64xi32, #tpu.memory_space<vmem>> -> memref<1x64xi32, #tpu.memory_space<vmem>>
        %dma_wait3A_916 = tpu.memref_squeeze %dma_wait3A_915 : memref<1x64xi32, #tpu.memory_space<vmem>> -> memref<64xi32, #tpu.memory_space<vmem>>
        %dma_wait3A_917 = arith.constant 0 : i32
        %dma_wait3A_918 = arith.constant 0 : i32
        %dma_wait3A_919 = tpu.memref_slice %arg16[%dma_wait3A_917, %dma_wait3A_918] : memref<10240x128xf32, #tpu.memory_space<vmem_shared>> -> memref<10240x128xf32, #tpu.memory_space<vmem_shared>>
        tpu.wait_indirect_dma semaphore(%run_scoped3A_907 : memref<!tpu.dma_semaphore, #tpu.memory_space<semaphore_mem>>) src(%arg15 : memref<64x128xf32, #tpu.memory_space<vmem>>) dst(%dma_wait3A_919 : memref<10240x128xf32, #tpu.memory_space<vmem_shared>>)
        tpu.yield
      }) : () -> ()
      %add3A_662 = arith.constant 2 : i32
      %add3A_663 = arith.addi %mul3A_463, %add3A_662 : i32
      %mul3A_664 = arith.constant 10 : i32
      %mul3A_665 = arith.muli %add3A, %mul3A_664 : i32
      %add3A_666 = arith.addi %mul3A_665, %add3A_663 : i32
      %dma_start3A_667 = arith.constant 0 : i32
      %dma_start3A_668 = tpu.memref_slice %arg3[%add3A_666, %dma_start3A_667] : memref<320x1024xi32, #tpu.memory_space<hbm>> -> memref<1x1024xi32, #tpu.memory_space<hbm>>
      %dma_start3A_669 = tpu.memref_squeeze %dma_start3A_668 : memref<1x1024xi32, #tpu.memory_space<hbm>> -> memref<1024xi32, #tpu.memory_space<hbm>>
      %dma_start3A_670 = arith.constant 0 : i32
      %dma_start3A_671 = tpu.memref_slice %arg3[%add3A_666, %dma_start3A_670] : memref<320x1024xi32, #tpu.memory_space<hbm>> -> memref<1x1024xi32, #tpu.memory_space<hbm>>
      %dma_start3A_672 = tpu.memref_squeeze %dma_start3A_671 : memref<1x1024xi32, #tpu.memory_space<hbm>> -> memref<1024xi32, #tpu.memory_space<hbm>>
      tpu.enqueue_dma source(%dma_start3A_672 : memref<1024xi32, #tpu.memory_space<hbm>>) target(%arg8 : memref<1024xi32, #tpu.memory_space<vmem>>) target_semaphore(%arg21 : memref<!tpu.dma_semaphore, #tpu.memory_space<semaphore_mem>>)
      %mul3A_673 = arith.constant 10 : i32
      %mul3A_674 = arith.muli %add3A, %mul3A_673 : i32
      %add3A_675 = arith.addi %mul3A_674, %add3A_663 : i32
      %dma_start3A_676 = arith.constant 0 : i32
      %dma_start3A_677 = arith.constant 0 : i32
      %dma_start3A_678 = tpu.memref_slice %arg4[%add3A_675, %dma_start3A_676, %dma_start3A_677] : memref<320x16x64xi32, #tpu.memory_space<hbm>> -> memref<1x16x64xi32, #tpu.memory_space<hbm>>
      %dma_start3A_679 = tpu.memref_squeeze %dma_start3A_678 : memref<1x16x64xi32, #tpu.memory_space<hbm>> -> memref<16x64xi32, #tpu.memory_space<hbm>>
      %dma_start3A_680 = arith.constant 0 : i32
      %dma_start3A_681 = arith.constant 0 : i32
      %dma_start3A_682 = tpu.memref_slice %arg4[%add3A_675, %dma_start3A_680, %dma_start3A_681] : memref<320x16x64xi32, #tpu.memory_space<hbm>> -> memref<1x16x64xi32, #tpu.memory_space<hbm>>
      %dma_start3A_683 = tpu.memref_squeeze %dma_start3A_682 : memref<1x16x64xi32, #tpu.memory_space<hbm>> -> memref<16x64xi32, #tpu.memory_space<hbm>>
      tpu.enqueue_dma source(%dma_start3A_683 : memref<16x64xi32, #tpu.memory_space<hbm>>) target(%arg10 : memref<16x64xi32, #tpu.memory_space<vmem>>) target_semaphore(%arg21 : memref<!tpu.dma_semaphore, #tpu.memory_space<semaphore_mem>>)
      %add3A_684 = arith.constant 1 : i32
      %add3A_685 = arith.addi %mul3A_463, %add3A_684 : i32
      %add3A_686 = arith.constant 2 : i32
      %add3A_687 = arith.addi %mul3A_463, %add3A_686 : i32
      %dma_start3A_688 = arith.constant 192 : i32
      %dma_start3A_689 = tpu.memref_slice %arg9[%dma_start3A_688] : memref<1024xi32, #tpu.memory_space<vmem>> -> memref<64xi32, #tpu.memory_space<vmem>>
      %dma_start3A_690 = arith.constant 0 : i32
      %dma_start3A_691 = arith.constant 0 : i32
      %dma_start3A_692 = tpu.memref_slice %arg2[%dma_start3A_690, %dma_start3A_691] : memref<10000x128xf32, #tpu.memory_space<hbm>> -> memref<10000x128xf32, #tpu.memory_space<hbm>>
      tpu.enqueue_indirect_dma source(%dma_start3A_692 : memref<10000x128xf32, #tpu.memory_space<hbm>>) target(%arg15 : memref<64x128xf32, #tpu.memory_space<vmem>>) offsets(%dma_start3A_689 : memref<64xi32, #tpu.memory_space<vmem>>) semaphore(%arg20 : memref<!tpu.dma_semaphore, #tpu.memory_space<semaphore_mem>>)
      %dma_wait3A_693 = arith.constant 0 : i32
      %dma_wait3A_694 = tpu.memref_slice %arg9[%dma_wait3A_693] : memref<1024xi32, #tpu.memory_space<vmem>> -> memref<64xi32, #tpu.memory_space<vmem>>
      %dma_wait3A_695 = arith.constant 0 : i32
      %dma_wait3A_696 = arith.constant 0 : i32
      %dma_wait3A_697 = tpu.memref_slice %arg2[%dma_wait3A_695, %dma_wait3A_696] : memref<10000x128xf32, #tpu.memory_space<hbm>> -> memref<10000x128xf32, #tpu.memory_space<hbm>>
      tpu.wait_indirect_dma semaphore(%arg17 : memref<!tpu.dma_semaphore, #tpu.memory_space<semaphore_mem>>) src(%dma_wait3A_697 : memref<10000x128xf32, #tpu.memory_space<hbm>>) dst(%arg12 : memref<64x128xf32, #tpu.memory_space<vmem>>)
      %run_scoped3A_698 = arith.constant 0 : i32
      "tpu.region"() ({
        %run_scoped3A_907 = tpu.sem_alloc : memref<!tpu.dma_semaphore, #tpu.memory_space<semaphore_mem>>
        %dma_start3A_908 = arith.constant 0 : i32
        %dma_start3A_909 = tpu.memref_slice %arg11[%run_scoped3A_698, %dma_start3A_908] : memref<16x64xi32, #tpu.memory_space<vmem>> -> memref<1x64xi32, #tpu.memory_space<vmem>>
        %dma_start3A_910 = tpu.memref_squeeze %dma_start3A_909 : memref<1x64xi32, #tpu.memory_space<vmem>> -> memref<64xi32, #tpu.memory_space<vmem>>
        %dma_start3A_911 = arith.constant 0 : i32
        %dma_start3A_912 = arith.constant 0 : i32
        %dma_start3A_913 = tpu.memref_slice %arg16[%dma_start3A_911, %dma_start3A_912] : memref<10240x128xf32, #tpu.memory_space<vmem_shared>> -> memref<10240x128xf32, #tpu.memory_space<vmem_shared>>
        tpu.enqueue_indirect_dma source(%arg12 : memref<64x128xf32, #tpu.memory_space<vmem>>) target(%dma_start3A_913 : memref<10240x128xf32, #tpu.memory_space<vmem_shared>>) offsets(%dma_start3A_910 : memref<64xi32, #tpu.memory_space<vmem>>) semaphore(%run_scoped3A_907 : memref<!tpu.dma_semaphore, #tpu.memory_space<semaphore_mem>>) {add = true}
        %dma_wait3A_914 = arith.constant 0 : i32
        %dma_wait3A_915 = tpu.memref_slice %arg11[%run_scoped3A_698, %dma_wait3A_914] : memref<16x64xi32, #tpu.memory_space<vmem>> -> memref<1x64xi32, #tpu.memory_space<vmem>>
        %dma_wait3A_916 = tpu.memref_squeeze %dma_wait3A_915 : memref<1x64xi32, #tpu.memory_space<vmem>> -> memref<64xi32, #tpu.memory_space<vmem>>
        %dma_wait3A_917 = arith.constant 0 : i32
        %dma_wait3A_918 = arith.constant 0 : i32
        %dma_wait3A_919 = tpu.memref_slice %arg16[%dma_wait3A_917, %dma_wait3A_918] : memref<10240x128xf32, #tpu.memory_space<vmem_shared>> -> memref<10240x128xf32, #tpu.memory_space<vmem_shared>>
        tpu.wait_indirect_dma semaphore(%run_scoped3A_907 : memref<!tpu.dma_semaphore, #tpu.memory_space<semaphore_mem>>) src(%arg12 : memref<64x128xf32, #tpu.memory_space<vmem>>) dst(%dma_wait3A_919 : memref<10240x128xf32, #tpu.memory_space<vmem_shared>>)
        tpu.yield
      }) : () -> ()
      %dma_start3A_699 = arith.constant 256 : i32
      %dma_start3A_700 = tpu.memref_slice %arg9[%dma_start3A_699] : memref<1024xi32, #tpu.memory_space<vmem>> -> memref<64xi32, #tpu.memory_space<vmem>>
      %dma_start3A_701 = arith.constant 0 : i32
      %dma_start3A_702 = arith.constant 0 : i32
      %dma_start3A_703 = tpu.memref_slice %arg2[%dma_start3A_701, %dma_start3A_702] : memref<10000x128xf32, #tpu.memory_space<hbm>> -> memref<10000x128xf32, #tpu.memory_space<hbm>>
      tpu.enqueue_indirect_dma source(%dma_start3A_703 : memref<10000x128xf32, #tpu.memory_space<hbm>>) target(%arg12 : memref<64x128xf32, #tpu.memory_space<vmem>>) offsets(%dma_start3A_700 : memref<64xi32, #tpu.memory_space<vmem>>) semaphore(%arg17 : memref<!tpu.dma_semaphore, #tpu.memory_space<semaphore_mem>>)
      %dma_wait3A_704 = arith.constant 64 : i32
      %dma_wait3A_705 = tpu.memref_slice %arg9[%dma_wait3A_704] : memref<1024xi32, #tpu.memory_space<vmem>> -> memref<64xi32, #tpu.memory_space<vmem>>
      %dma_wait3A_706 = arith.constant 0 : i32
      %dma_wait3A_707 = arith.constant 0 : i32
      %dma_wait3A_708 = tpu.memref_slice %arg2[%dma_wait3A_706, %dma_wait3A_707] : memref<10000x128xf32, #tpu.memory_space<hbm>> -> memref<10000x128xf32, #tpu.memory_space<hbm>>
      tpu.wait_indirect_dma semaphore(%arg18 : memref<!tpu.dma_semaphore, #tpu.memory_space<semaphore_mem>>) src(%dma_wait3A_708 : memref<10000x128xf32, #tpu.memory_space<hbm>>) dst(%arg13 : memref<64x128xf32, #tpu.memory_space<vmem>>)
      %run_scoped3A_709 = arith.constant 1 : i32
      "tpu.region"() ({
        %run_scoped3A_907 = tpu.sem_alloc : memref<!tpu.dma_semaphore, #tpu.memory_space<semaphore_mem>>
        %dma_start3A_908 = arith.constant 0 : i32
        %dma_start3A_909 = tpu.memref_slice %arg11[%run_scoped3A_709, %dma_start3A_908] : memref<16x64xi32, #tpu.memory_space<vmem>> -> memref<1x64xi32, #tpu.memory_space<vmem>>
        %dma_start3A_910 = tpu.memref_squeeze %dma_start3A_909 : memref<1x64xi32, #tpu.memory_space<vmem>> -> memref<64xi32, #tpu.memory_space<vmem>>
        %dma_start3A_911 = arith.constant 0 : i32
        %dma_start3A_912 = arith.constant 0 : i32
        %dma_start3A_913 = tpu.memref_slice %arg16[%dma_start3A_911, %dma_start3A_912] : memref<10240x128xf32, #tpu.memory_space<vmem_shared>> -> memref<10240x128xf32, #tpu.memory_space<vmem_shared>>
        tpu.enqueue_indirect_dma source(%arg13 : memref<64x128xf32, #tpu.memory_space<vmem>>) target(%dma_start3A_913 : memref<10240x128xf32, #tpu.memory_space<vmem_shared>>) offsets(%dma_start3A_910 : memref<64xi32, #tpu.memory_space<vmem>>) semaphore(%run_scoped3A_907 : memref<!tpu.dma_semaphore, #tpu.memory_space<semaphore_mem>>) {add = true}
        %dma_wait3A_914 = arith.constant 0 : i32
        %dma_wait3A_915 = tpu.memref_slice %arg11[%run_scoped3A_709, %dma_wait3A_914] : memref<16x64xi32, #tpu.memory_space<vmem>> -> memref<1x64xi32, #tpu.memory_space<vmem>>
        %dma_wait3A_916 = tpu.memref_squeeze %dma_wait3A_915 : memref<1x64xi32, #tpu.memory_space<vmem>> -> memref<64xi32, #tpu.memory_space<vmem>>
        %dma_wait3A_917 = arith.constant 0 : i32
        %dma_wait3A_918 = arith.constant 0 : i32
        %dma_wait3A_919 = tpu.memref_slice %arg16[%dma_wait3A_917, %dma_wait3A_918] : memref<10240x128xf32, #tpu.memory_space<vmem_shared>> -> memref<10240x128xf32, #tpu.memory_space<vmem_shared>>
        tpu.wait_indirect_dma semaphore(%run_scoped3A_907 : memref<!tpu.dma_semaphore, #tpu.memory_space<semaphore_mem>>) src(%arg13 : memref<64x128xf32, #tpu.memory_space<vmem>>) dst(%dma_wait3A_919 : memref<10240x128xf32, #tpu.memory_space<vmem_shared>>)
        tpu.yield
      }) : () -> ()
      %dma_start3A_710 = arith.constant 320 : i32
      %dma_start3A_711 = tpu.memref_slice %arg9[%dma_start3A_710] : memref<1024xi32, #tpu.memory_space<vmem>> -> memref<64xi32, #tpu.memory_space<vmem>>
      %dma_start3A_712 = arith.constant 0 : i32
      %dma_start3A_713 = arith.constant 0 : i32
      %dma_start3A_714 = tpu.memref_slice %arg2[%dma_start3A_712, %dma_start3A_713] : memref<10000x128xf32, #tpu.memory_space<hbm>> -> memref<10000x128xf32, #tpu.memory_space<hbm>>
      tpu.enqueue_indirect_dma source(%dma_start3A_714 : memref<10000x128xf32, #tpu.memory_space<hbm>>) target(%arg13 : memref<64x128xf32, #tpu.memory_space<vmem>>) offsets(%dma_start3A_711 : memref<64xi32, #tpu.memory_space<vmem>>) semaphore(%arg18 : memref<!tpu.dma_semaphore, #tpu.memory_space<semaphore_mem>>)
      %dma_wait3A_715 = arith.constant 128 : i32
      %dma_wait3A_716 = tpu.memref_slice %arg9[%dma_wait3A_715] : memref<1024xi32, #tpu.memory_space<vmem>> -> memref<64xi32, #tpu.memory_space<vmem>>
      %dma_wait3A_717 = arith.constant 0 : i32
      %dma_wait3A_718 = arith.constant 0 : i32
      %dma_wait3A_719 = tpu.memref_slice %arg2[%dma_wait3A_717, %dma_wait3A_718] : memref<10000x128xf32, #tpu.memory_space<hbm>> -> memref<10000x128xf32, #tpu.memory_space<hbm>>
      tpu.wait_indirect_dma semaphore(%arg19 : memref<!tpu.dma_semaphore, #tpu.memory_space<semaphore_mem>>) src(%dma_wait3A_719 : memref<10000x128xf32, #tpu.memory_space<hbm>>) dst(%arg14 : memref<64x128xf32, #tpu.memory_space<vmem>>)
      %run_scoped3A_720 = arith.constant 2 : i32
      "tpu.region"() ({
        %run_scoped3A_907 = tpu.sem_alloc : memref<!tpu.dma_semaphore, #tpu.memory_space<semaphore_mem>>
        %dma_start3A_908 = arith.constant 0 : i32
        %dma_start3A_909 = tpu.memref_slice %arg11[%run_scoped3A_720, %dma_start3A_908] : memref<16x64xi32, #tpu.memory_space<vmem>> -> memref<1x64xi32, #tpu.memory_space<vmem>>
        %dma_start3A_910 = tpu.memref_squeeze %dma_start3A_909 : memref<1x64xi32, #tpu.memory_space<vmem>> -> memref<64xi32, #tpu.memory_space<vmem>>
        %dma_start3A_911 = arith.constant 0 : i32
        %dma_start3A_912 = arith.constant 0 : i32
        %dma_start3A_913 = tpu.memref_slice %arg16[%dma_start3A_911, %dma_start3A_912] : memref<10240x128xf32, #tpu.memory_space<vmem_shared>> -> memref<10240x128xf32, #tpu.memory_space<vmem_shared>>
        tpu.enqueue_indirect_dma source(%arg14 : memref<64x128xf32, #tpu.memory_space<vmem>>) target(%dma_start3A_913 : memref<10240x128xf32, #tpu.memory_space<vmem_shared>>) offsets(%dma_start3A_910 : memref<64xi32, #tpu.memory_space<vmem>>) semaphore(%run_scoped3A_907 : memref<!tpu.dma_semaphore, #tpu.memory_space<semaphore_mem>>) {add = true}
        %dma_wait3A_914 = arith.constant 0 : i32
        %dma_wait3A_915 = tpu.memref_slice %arg11[%run_scoped3A_720, %dma_wait3A_914] : memref<16x64xi32, #tpu.memory_space<vmem>> -> memref<1x64xi32, #tpu.memory_space<vmem>>
        %dma_wait3A_916 = tpu.memref_squeeze %dma_wait3A_915 : memref<1x64xi32, #tpu.memory_space<vmem>> -> memref<64xi32, #tpu.memory_space<vmem>>
        %dma_wait3A_917 = arith.constant 0 : i32
        %dma_wait3A_918 = arith.constant 0 : i32
        %dma_wait3A_919 = tpu.memref_slice %arg16[%dma_wait3A_917, %dma_wait3A_918] : memref<10240x128xf32, #tpu.memory_space<vmem_shared>> -> memref<10240x128xf32, #tpu.memory_space<vmem_shared>>
        tpu.wait_indirect_dma semaphore(%run_scoped3A_907 : memref<!tpu.dma_semaphore, #tpu.memory_space<semaphore_mem>>) src(%arg14 : memref<64x128xf32, #tpu.memory_space<vmem>>) dst(%dma_wait3A_919 : memref<10240x128xf32, #tpu.memory_space<vmem_shared>>)
        tpu.yield
      }) : () -> ()
      %dma_start3A_721 = arith.constant 384 : i32
      %dma_start3A_722 = tpu.memref_slice %arg9[%dma_start3A_721] : memref<1024xi32, #tpu.memory_space<vmem>> -> memref<64xi32, #tpu.memory_space<vmem>>
      %dma_start3A_723 = arith.constant 0 : i32
      %dma_start3A_724 = arith.constant 0 : i32
      %dma_start3A_725 = tpu.memref_slice %arg2[%dma_start3A_723, %dma_start3A_724] : memref<10000x128xf32, #tpu.memory_space<hbm>> -> memref<10000x128xf32, #tpu.memory_space<hbm>>
      tpu.enqueue_indirect_dma source(%dma_start3A_725 : memref<10000x128xf32, #tpu.memory_space<hbm>>) target(%arg14 : memref<64x128xf32, #tpu.memory_space<vmem>>) offsets(%dma_start3A_722 : memref<64xi32, #tpu.memory_space<vmem>>) semaphore(%arg19 : memref<!tpu.dma_semaphore, #tpu.memory_space<semaphore_mem>>)
      %dma_wait3A_726 = arith.constant 192 : i32
      %dma_wait3A_727 = tpu.memref_slice %arg9[%dma_wait3A_726] : memref<1024xi32, #tpu.memory_space<vmem>> -> memref<64xi32, #tpu.memory_space<vmem>>
      %dma_wait3A_728 = arith.constant 0 : i32
      %dma_wait3A_729 = arith.constant 0 : i32
      %dma_wait3A_730 = tpu.memref_slice %arg2[%dma_wait3A_728, %dma_wait3A_729] : memref<10000x128xf32, #tpu.memory_space<hbm>> -> memref<10000x128xf32, #tpu.memory_space<hbm>>
      tpu.wait_indirect_dma semaphore(%arg20 : memref<!tpu.dma_semaphore, #tpu.memory_space<semaphore_mem>>) src(%dma_wait3A_730 : memref<10000x128xf32, #tpu.memory_space<hbm>>) dst(%arg15 : memref<64x128xf32, #tpu.memory_space<vmem>>)
      %run_scoped3A_731 = arith.constant 3 : i32
      "tpu.region"() ({
        %run_scoped3A_907 = tpu.sem_alloc : memref<!tpu.dma_semaphore, #tpu.memory_space<semaphore_mem>>
        %dma_start3A_908 = arith.constant 0 : i32
        %dma_start3A_909 = tpu.memref_slice %arg11[%run_scoped3A_731, %dma_start3A_908] : memref<16x64xi32, #tpu.memory_space<vmem>> -> memref<1x64xi32, #tpu.memory_space<vmem>>
        %dma_start3A_910 = tpu.memref_squeeze %dma_start3A_909 : memref<1x64xi32, #tpu.memory_space<vmem>> -> memref<64xi32, #tpu.memory_space<vmem>>
        %dma_start3A_911 = arith.constant 0 : i32
        %dma_start3A_912 = arith.constant 0 : i32
        %dma_start3A_913 = tpu.memref_slice %arg16[%dma_start3A_911, %dma_start3A_912] : memref<10240x128xf32, #tpu.memory_space<vmem_shared>> -> memref<10240x128xf32, #tpu.memory_space<vmem_shared>>
        tpu.enqueue_indirect_dma source(%arg15 : memref<64x128xf32, #tpu.memory_space<vmem>>) target(%dma_start3A_913 : memref<10240x128xf32, #tpu.memory_space<vmem_shared>>) offsets(%dma_start3A_910 : memref<64xi32, #tpu.memory_space<vmem>>) semaphore(%run_scoped3A_907 : memref<!tpu.dma_semaphore, #tpu.memory_space<semaphore_mem>>) {add = true}
        %dma_wait3A_914 = arith.constant 0 : i32
        %dma_wait3A_915 = tpu.memref_slice %arg11[%run_scoped3A_731, %dma_wait3A_914] : memref<16x64xi32, #tpu.memory_space<vmem>> -> memref<1x64xi32, #tpu.memory_space<vmem>>
        %dma_wait3A_916 = tpu.memref_squeeze %dma_wait3A_915 : memref<1x64xi32, #tpu.memory_space<vmem>> -> memref<64xi32, #tpu.memory_space<vmem>>
        %dma_wait3A_917 = arith.constant 0 : i32
        %dma_wait3A_918 = arith.constant 0 : i32
        %dma_wait3A_919 = tpu.memref_slice %arg16[%dma_wait3A_917, %dma_wait3A_918] : memref<10240x128xf32, #tpu.memory_space<vmem_shared>> -> memref<10240x128xf32, #tpu.memory_space<vmem_shared>>
        tpu.wait_indirect_dma semaphore(%run_scoped3A_907 : memref<!tpu.dma_semaphore, #tpu.memory_space<semaphore_mem>>) src(%arg15 : memref<64x128xf32, #tpu.memory_space<vmem>>) dst(%dma_wait3A_919 : memref<10240x128xf32, #tpu.memory_space<vmem_shared>>)
        tpu.yield
      }) : () -> ()
      %dma_start3A_732 = arith.constant 448 : i32
      %dma_start3A_733 = tpu.memref_slice %arg9[%dma_start3A_732] : memref<1024xi32, #tpu.memory_space<vmem>> -> memref<64xi32, #tpu.memory_space<vmem>>
      %dma_start3A_734 = arith.constant 0 : i32
      %dma_start3A_735 = arith.constant 0 : i32
      %dma_start3A_736 = tpu.memref_slice %arg2[%dma_start3A_734, %dma_start3A_735] : memref<10000x128xf32, #tpu.memory_space<hbm>> -> memref<10000x128xf32, #tpu.memory_space<hbm>>
      tpu.enqueue_indirect_dma source(%dma_start3A_736 : memref<10000x128xf32, #tpu.memory_space<hbm>>) target(%arg15 : memref<64x128xf32, #tpu.memory_space<vmem>>) offsets(%dma_start3A_733 : memref<64xi32, #tpu.memory_space<vmem>>) semaphore(%arg20 : memref<!tpu.dma_semaphore, #tpu.memory_space<semaphore_mem>>)
      %dma_wait3A_737 = arith.constant 256 : i32
      %dma_wait3A_738 = tpu.memref_slice %arg9[%dma_wait3A_737] : memref<1024xi32, #tpu.memory_space<vmem>> -> memref<64xi32, #tpu.memory_space<vmem>>
      %dma_wait3A_739 = arith.constant 0 : i32
      %dma_wait3A_740 = arith.constant 0 : i32
      %dma_wait3A_741 = tpu.memref_slice %arg2[%dma_wait3A_739, %dma_wait3A_740] : memref<10000x128xf32, #tpu.memory_space<hbm>> -> memref<10000x128xf32, #tpu.memory_space<hbm>>
      tpu.wait_indirect_dma semaphore(%arg17 : memref<!tpu.dma_semaphore, #tpu.memory_space<semaphore_mem>>) src(%dma_wait3A_741 : memref<10000x128xf32, #tpu.memory_space<hbm>>) dst(%arg12 : memref<64x128xf32, #tpu.memory_space<vmem>>)
      %run_scoped3A_742 = arith.constant 4 : i32
      "tpu.region"() ({
        %run_scoped3A_907 = tpu.sem_alloc : memref<!tpu.dma_semaphore, #tpu.memory_space<semaphore_mem>>
        %dma_start3A_908 = arith.constant 0 : i32
        %dma_start3A_909 = tpu.memref_slice %arg11[%run_scoped3A_742, %dma_start3A_908] : memref<16x64xi32, #tpu.memory_space<vmem>> -> memref<1x64xi32, #tpu.memory_space<vmem>>
        %dma_start3A_910 = tpu.memref_squeeze %dma_start3A_909 : memref<1x64xi32, #tpu.memory_space<vmem>> -> memref<64xi32, #tpu.memory_space<vmem>>
        %dma_start3A_911 = arith.constant 0 : i32
        %dma_start3A_912 = arith.constant 0 : i32
        %dma_start3A_913 = tpu.memref_slice %arg16[%dma_start3A_911, %dma_start3A_912] : memref<10240x128xf32, #tpu.memory_space<vmem_shared>> -> memref<10240x128xf32, #tpu.memory_space<vmem_shared>>
        tpu.enqueue_indirect_dma source(%arg12 : memref<64x128xf32, #tpu.memory_space<vmem>>) target(%dma_start3A_913 : memref<10240x128xf32, #tpu.memory_space<vmem_shared>>) offsets(%dma_start3A_910 : memref<64xi32, #tpu.memory_space<vmem>>) semaphore(%run_scoped3A_907 : memref<!tpu.dma_semaphore, #tpu.memory_space<semaphore_mem>>) {add = true}
        %dma_wait3A_914 = arith.constant 0 : i32
        %dma_wait3A_915 = tpu.memref_slice %arg11[%run_scoped3A_742, %dma_wait3A_914] : memref<16x64xi32, #tpu.memory_space<vmem>> -> memref<1x64xi32, #tpu.memory_space<vmem>>
        %dma_wait3A_916 = tpu.memref_squeeze %dma_wait3A_915 : memref<1x64xi32, #tpu.memory_space<vmem>> -> memref<64xi32, #tpu.memory_space<vmem>>
        %dma_wait3A_917 = arith.constant 0 : i32
        %dma_wait3A_918 = arith.constant 0 : i32
        %dma_wait3A_919 = tpu.memref_slice %arg16[%dma_wait3A_917, %dma_wait3A_918] : memref<10240x128xf32, #tpu.memory_space<vmem_shared>> -> memref<10240x128xf32, #tpu.memory_space<vmem_shared>>
        tpu.wait_indirect_dma semaphore(%run_scoped3A_907 : memref<!tpu.dma_semaphore, #tpu.memory_space<semaphore_mem>>) src(%arg12 : memref<64x128xf32, #tpu.memory_space<vmem>>) dst(%dma_wait3A_919 : memref<10240x128xf32, #tpu.memory_space<vmem_shared>>)
        tpu.yield
      }) : () -> ()
      %dma_start3A_743 = arith.constant 512 : i32
      %dma_start3A_744 = tpu.memref_slice %arg9[%dma_start3A_743] : memref<1024xi32, #tpu.memory_space<vmem>> -> memref<64xi32, #tpu.memory_space<vmem>>
      %dma_start3A_745 = arith.constant 0 : i32
      %dma_start3A_746 = arith.constant 0 : i32
      %dma_start3A_747 = tpu.memref_slice %arg2[%dma_start3A_745, %dma_start3A_746] : memref<10000x128xf32, #tpu.memory_space<hbm>> -> memref<10000x128xf32, #tpu.memory_space<hbm>>
      tpu.enqueue_indirect_dma source(%dma_start3A_747 : memref<10000x128xf32, #tpu.memory_space<hbm>>) target(%arg12 : memref<64x128xf32, #tpu.memory_space<vmem>>) offsets(%dma_start3A_744 : memref<64xi32, #tpu.memory_space<vmem>>) semaphore(%arg17 : memref<!tpu.dma_semaphore, #tpu.memory_space<semaphore_mem>>)
      %dma_wait3A_748 = arith.constant 320 : i32
      %dma_wait3A_749 = tpu.memref_slice %arg9[%dma_wait3A_748] : memref<1024xi32, #tpu.memory_space<vmem>> -> memref<64xi32, #tpu.memory_space<vmem>>
      %dma_wait3A_750 = arith.constant 0 : i32
      %dma_wait3A_751 = arith.constant 0 : i32
      %dma_wait3A_752 = tpu.memref_slice %arg2[%dma_wait3A_750, %dma_wait3A_751] : memref<10000x128xf32, #tpu.memory_space<hbm>> -> memref<10000x128xf32, #tpu.memory_space<hbm>>
      tpu.wait_indirect_dma semaphore(%arg18 : memref<!tpu.dma_semaphore, #tpu.memory_space<semaphore_mem>>) src(%dma_wait3A_752 : memref<10000x128xf32, #tpu.memory_space<hbm>>) dst(%arg13 : memref<64x128xf32, #tpu.memory_space<vmem>>)
      %run_scoped3A_753 = arith.constant 5 : i32
      "tpu.region"() ({
        %run_scoped3A_907 = tpu.sem_alloc : memref<!tpu.dma_semaphore, #tpu.memory_space<semaphore_mem>>
        %dma_start3A_908 = arith.constant 0 : i32
        %dma_start3A_909 = tpu.memref_slice %arg11[%run_scoped3A_753, %dma_start3A_908] : memref<16x64xi32, #tpu.memory_space<vmem>> -> memref<1x64xi32, #tpu.memory_space<vmem>>
        %dma_start3A_910 = tpu.memref_squeeze %dma_start3A_909 : memref<1x64xi32, #tpu.memory_space<vmem>> -> memref<64xi32, #tpu.memory_space<vmem>>
        %dma_start3A_911 = arith.constant 0 : i32
        %dma_start3A_912 = arith.constant 0 : i32
        %dma_start3A_913 = tpu.memref_slice %arg16[%dma_start3A_911, %dma_start3A_912] : memref<10240x128xf32, #tpu.memory_space<vmem_shared>> -> memref<10240x128xf32, #tpu.memory_space<vmem_shared>>
        tpu.enqueue_indirect_dma source(%arg13 : memref<64x128xf32, #tpu.memory_space<vmem>>) target(%dma_start3A_913 : memref<10240x128xf32, #tpu.memory_space<vmem_shared>>) offsets(%dma_start3A_910 : memref<64xi32, #tpu.memory_space<vmem>>) semaphore(%run_scoped3A_907 : memref<!tpu.dma_semaphore, #tpu.memory_space<semaphore_mem>>) {add = true}
        %dma_wait3A_914 = arith.constant 0 : i32
        %dma_wait3A_915 = tpu.memref_slice %arg11[%run_scoped3A_753, %dma_wait3A_914] : memref<16x64xi32, #tpu.memory_space<vmem>> -> memref<1x64xi32, #tpu.memory_space<vmem>>
        %dma_wait3A_916 = tpu.memref_squeeze %dma_wait3A_915 : memref<1x64xi32, #tpu.memory_space<vmem>> -> memref<64xi32, #tpu.memory_space<vmem>>
        %dma_wait3A_917 = arith.constant 0 : i32
        %dma_wait3A_918 = arith.constant 0 : i32
        %dma_wait3A_919 = tpu.memref_slice %arg16[%dma_wait3A_917, %dma_wait3A_918] : memref<10240x128xf32, #tpu.memory_space<vmem_shared>> -> memref<10240x128xf32, #tpu.memory_space<vmem_shared>>
        tpu.wait_indirect_dma semaphore(%run_scoped3A_907 : memref<!tpu.dma_semaphore, #tpu.memory_space<semaphore_mem>>) src(%arg13 : memref<64x128xf32, #tpu.memory_space<vmem>>) dst(%dma_wait3A_919 : memref<10240x128xf32, #tpu.memory_space<vmem_shared>>)
        tpu.yield
      }) : () -> ()
      %dma_start3A_754 = arith.constant 576 : i32
      %dma_start3A_755 = tpu.memref_slice %arg9[%dma_start3A_754] : memref<1024xi32, #tpu.memory_space<vmem>> -> memref<64xi32, #tpu.memory_space<vmem>>
      %dma_start3A_756 = arith.constant 0 : i32
      %dma_start3A_757 = arith.constant 0 : i32
      %dma_start3A_758 = tpu.memref_slice %arg2[%dma_start3A_756, %dma_start3A_757] : memref<10000x128xf32, #tpu.memory_space<hbm>> -> memref<10000x128xf32, #tpu.memory_space<hbm>>
      tpu.enqueue_indirect_dma source(%dma_start3A_758 : memref<10000x128xf32, #tpu.memory_space<hbm>>) target(%arg13 : memref<64x128xf32, #tpu.memory_space<vmem>>) offsets(%dma_start3A_755 : memref<64xi32, #tpu.memory_space<vmem>>) semaphore(%arg18 : memref<!tpu.dma_semaphore, #tpu.memory_space<semaphore_mem>>)
      %dma_wait3A_759 = arith.constant 384 : i32
      %dma_wait3A_760 = tpu.memref_slice %arg9[%dma_wait3A_759] : memref<1024xi32, #tpu.memory_space<vmem>> -> memref<64xi32, #tpu.memory_space<vmem>>
      %dma_wait3A_761 = arith.constant 0 : i32
      %dma_wait3A_762 = arith.constant 0 : i32
      %dma_wait3A_763 = tpu.memref_slice %arg2[%dma_wait3A_761, %dma_wait3A_762] : memref<10000x128xf32, #tpu.memory_space<hbm>> -> memref<10000x128xf32, #tpu.memory_space<hbm>>
      tpu.wait_indirect_dma semaphore(%arg19 : memref<!tpu.dma_semaphore, #tpu.memory_space<semaphore_mem>>) src(%dma_wait3A_763 : memref<10000x128xf32, #tpu.memory_space<hbm>>) dst(%arg14 : memref<64x128xf32, #tpu.memory_space<vmem>>)
      %run_scoped3A_764 = arith.constant 6 : i32
      "tpu.region"() ({
        %run_scoped3A_907 = tpu.sem_alloc : memref<!tpu.dma_semaphore, #tpu.memory_space<semaphore_mem>>
        %dma_start3A_908 = arith.constant 0 : i32
        %dma_start3A_909 = tpu.memref_slice %arg11[%run_scoped3A_764, %dma_start3A_908] : memref<16x64xi32, #tpu.memory_space<vmem>> -> memref<1x64xi32, #tpu.memory_space<vmem>>
        %dma_start3A_910 = tpu.memref_squeeze %dma_start3A_909 : memref<1x64xi32, #tpu.memory_space<vmem>> -> memref<64xi32, #tpu.memory_space<vmem>>
        %dma_start3A_911 = arith.constant 0 : i32
        %dma_start3A_912 = arith.constant 0 : i32
        %dma_start3A_913 = tpu.memref_slice %arg16[%dma_start3A_911, %dma_start3A_912] : memref<10240x128xf32, #tpu.memory_space<vmem_shared>> -> memref<10240x128xf32, #tpu.memory_space<vmem_shared>>
        tpu.enqueue_indirect_dma source(%arg14 : memref<64x128xf32, #tpu.memory_space<vmem>>) target(%dma_start3A_913 : memref<10240x128xf32, #tpu.memory_space<vmem_shared>>) offsets(%dma_start3A_910 : memref<64xi32, #tpu.memory_space<vmem>>) semaphore(%run_scoped3A_907 : memref<!tpu.dma_semaphore, #tpu.memory_space<semaphore_mem>>) {add = true}
        %dma_wait3A_914 = arith.constant 0 : i32
        %dma_wait3A_915 = tpu.memref_slice %arg11[%run_scoped3A_764, %dma_wait3A_914] : memref<16x64xi32, #tpu.memory_space<vmem>> -> memref<1x64xi32, #tpu.memory_space<vmem>>
        %dma_wait3A_916 = tpu.memref_squeeze %dma_wait3A_915 : memref<1x64xi32, #tpu.memory_space<vmem>> -> memref<64xi32, #tpu.memory_space<vmem>>
        %dma_wait3A_917 = arith.constant 0 : i32
        %dma_wait3A_918 = arith.constant 0 : i32
        %dma_wait3A_919 = tpu.memref_slice %arg16[%dma_wait3A_917, %dma_wait3A_918] : memref<10240x128xf32, #tpu.memory_space<vmem_shared>> -> memref<10240x128xf32, #tpu.memory_space<vmem_shared>>
        tpu.wait_indirect_dma semaphore(%run_scoped3A_907 : memref<!tpu.dma_semaphore, #tpu.memory_space<semaphore_mem>>) src(%arg14 : memref<64x128xf32, #tpu.memory_space<vmem>>) dst(%dma_wait3A_919 : memref<10240x128xf32, #tpu.memory_space<vmem_shared>>)
        tpu.yield
      }) : () -> ()
      %dma_start3A_765 = arith.constant 640 : i32
      %dma_start3A_766 = tpu.memref_slice %arg9[%dma_start3A_765] : memref<1024xi32, #tpu.memory_space<vmem>> -> memref<64xi32, #tpu.memory_space<vmem>>
      %dma_start3A_767 = arith.constant 0 : i32
      %dma_start3A_768 = arith.constant 0 : i32
      %dma_start3A_769 = tpu.memref_slice %arg2[%dma_start3A_767, %dma_start3A_768] : memref<10000x128xf32, #tpu.memory_space<hbm>> -> memref<10000x128xf32, #tpu.memory_space<hbm>>
      tpu.enqueue_indirect_dma source(%dma_start3A_769 : memref<10000x128xf32, #tpu.memory_space<hbm>>) target(%arg14 : memref<64x128xf32, #tpu.memory_space<vmem>>) offsets(%dma_start3A_766 : memref<64xi32, #tpu.memory_space<vmem>>) semaphore(%arg19 : memref<!tpu.dma_semaphore, #tpu.memory_space<semaphore_mem>>)
      %dma_wait3A_770 = arith.constant 448 : i32
      %dma_wait3A_771 = tpu.memref_slice %arg9[%dma_wait3A_770] : memref<1024xi32, #tpu.memory_space<vmem>> -> memref<64xi32, #tpu.memory_space<vmem>>
      %dma_wait3A_772 = arith.constant 0 : i32
      %dma_wait3A_773 = arith.constant 0 : i32
      %dma_wait3A_774 = tpu.memref_slice %arg2[%dma_wait3A_772, %dma_wait3A_773] : memref<10000x128xf32, #tpu.memory_space<hbm>> -> memref<10000x128xf32, #tpu.memory_space<hbm>>
      tpu.wait_indirect_dma semaphore(%arg20 : memref<!tpu.dma_semaphore, #tpu.memory_space<semaphore_mem>>) src(%dma_wait3A_774 : memref<10000x128xf32, #tpu.memory_space<hbm>>) dst(%arg15 : memref<64x128xf32, #tpu.memory_space<vmem>>)
      %run_scoped3A_775 = arith.constant 7 : i32
      "tpu.region"() ({
        %run_scoped3A_907 = tpu.sem_alloc : memref<!tpu.dma_semaphore, #tpu.memory_space<semaphore_mem>>
        %dma_start3A_908 = arith.constant 0 : i32
        %dma_start3A_909 = tpu.memref_slice %arg11[%run_scoped3A_775, %dma_start3A_908] : memref<16x64xi32, #tpu.memory_space<vmem>> -> memref<1x64xi32, #tpu.memory_space<vmem>>
        %dma_start3A_910 = tpu.memref_squeeze %dma_start3A_909 : memref<1x64xi32, #tpu.memory_space<vmem>> -> memref<64xi32, #tpu.memory_space<vmem>>
        %dma_start3A_911 = arith.constant 0 : i32
        %dma_start3A_912 = arith.constant 0 : i32
        %dma_start3A_913 = tpu.memref_slice %arg16[%dma_start3A_911, %dma_start3A_912] : memref<10240x128xf32, #tpu.memory_space<vmem_shared>> -> memref<10240x128xf32, #tpu.memory_space<vmem_shared>>
        tpu.enqueue_indirect_dma source(%arg15 : memref<64x128xf32, #tpu.memory_space<vmem>>) target(%dma_start3A_913 : memref<10240x128xf32, #tpu.memory_space<vmem_shared>>) offsets(%dma_start3A_910 : memref<64xi32, #tpu.memory_space<vmem>>) semaphore(%run_scoped3A_907 : memref<!tpu.dma_semaphore, #tpu.memory_space<semaphore_mem>>) {add = true}
        %dma_wait3A_914 = arith.constant 0 : i32
        %dma_wait3A_915 = tpu.memref_slice %arg11[%run_scoped3A_775, %dma_wait3A_914] : memref<16x64xi32, #tpu.memory_space<vmem>> -> memref<1x64xi32, #tpu.memory_space<vmem>>
        %dma_wait3A_916 = tpu.memref_squeeze %dma_wait3A_915 : memref<1x64xi32, #tpu.memory_space<vmem>> -> memref<64xi32, #tpu.memory_space<vmem>>
        %dma_wait3A_917 = arith.constant 0 : i32
        %dma_wait3A_918 = arith.constant 0 : i32
        %dma_wait3A_919 = tpu.memref_slice %arg16[%dma_wait3A_917, %dma_wait3A_918] : memref<10240x128xf32, #tpu.memory_space<vmem_shared>> -> memref<10240x128xf32, #tpu.memory_space<vmem_shared>>
        tpu.wait_indirect_dma semaphore(%run_scoped3A_907 : memref<!tpu.dma_semaphore, #tpu.memory_space<semaphore_mem>>) src(%arg15 : memref<64x128xf32, #tpu.memory_space<vmem>>) dst(%dma_wait3A_919 : memref<10240x128xf32, #tpu.memory_space<vmem_shared>>)
        tpu.yield
      }) : () -> ()
      %dma_start3A_776 = arith.constant 704 : i32
      %dma_start3A_777 = tpu.memref_slice %arg9[%dma_start3A_776] : memref<1024xi32, #tpu.memory_space<vmem>> -> memref<64xi32, #tpu.memory_space<vmem>>
      %dma_start3A_778 = arith.constant 0 : i32
      %dma_start3A_779 = arith.constant 0 : i32
      %dma_start3A_780 = tpu.memref_slice %arg2[%dma_start3A_778, %dma_start3A_779] : memref<10000x128xf32, #tpu.memory_space<hbm>> -> memref<10000x128xf32, #tpu.memory_space<hbm>>
      tpu.enqueue_indirect_dma source(%dma_start3A_780 : memref<10000x128xf32, #tpu.memory_space<hbm>>) target(%arg15 : memref<64x128xf32, #tpu.memory_space<vmem>>) offsets(%dma_start3A_777 : memref<64xi32, #tpu.memory_space<vmem>>) semaphore(%arg20 : memref<!tpu.dma_semaphore, #tpu.memory_space<semaphore_mem>>)
      %dma_wait3A_781 = arith.constant 512 : i32
      %dma_wait3A_782 = tpu.memref_slice %arg9[%dma_wait3A_781] : memref<1024xi32, #tpu.memory_space<vmem>> -> memref<64xi32, #tpu.memory_space<vmem>>
      %dma_wait3A_783 = arith.constant 0 : i32
      %dma_wait3A_784 = arith.constant 0 : i32
      %dma_wait3A_785 = tpu.memref_slice %arg2[%dma_wait3A_783, %dma_wait3A_784] : memref<10000x128xf32, #tpu.memory_space<hbm>> -> memref<10000x128xf32, #tpu.memory_space<hbm>>
      tpu.wait_indirect_dma semaphore(%arg17 : memref<!tpu.dma_semaphore, #tpu.memory_space<semaphore_mem>>) src(%dma_wait3A_785 : memref<10000x128xf32, #tpu.memory_space<hbm>>) dst(%arg12 : memref<64x128xf32, #tpu.memory_space<vmem>>)
      %run_scoped3A_786 = arith.constant 8 : i32
      "tpu.region"() ({
        %run_scoped3A_907 = tpu.sem_alloc : memref<!tpu.dma_semaphore, #tpu.memory_space<semaphore_mem>>
        %dma_start3A_908 = arith.constant 0 : i32
        %dma_start3A_909 = tpu.memref_slice %arg11[%run_scoped3A_786, %dma_start3A_908] : memref<16x64xi32, #tpu.memory_space<vmem>> -> memref<1x64xi32, #tpu.memory_space<vmem>>
        %dma_start3A_910 = tpu.memref_squeeze %dma_start3A_909 : memref<1x64xi32, #tpu.memory_space<vmem>> -> memref<64xi32, #tpu.memory_space<vmem>>
        %dma_start3A_911 = arith.constant 0 : i32
        %dma_start3A_912 = arith.constant 0 : i32
        %dma_start3A_913 = tpu.memref_slice %arg16[%dma_start3A_911, %dma_start3A_912] : memref<10240x128xf32, #tpu.memory_space<vmem_shared>> -> memref<10240x128xf32, #tpu.memory_space<vmem_shared>>
        tpu.enqueue_indirect_dma source(%arg12 : memref<64x128xf32, #tpu.memory_space<vmem>>) target(%dma_start3A_913 : memref<10240x128xf32, #tpu.memory_space<vmem_shared>>) offsets(%dma_start3A_910 : memref<64xi32, #tpu.memory_space<vmem>>) semaphore(%run_scoped3A_907 : memref<!tpu.dma_semaphore, #tpu.memory_space<semaphore_mem>>) {add = true}
        %dma_wait3A_914 = arith.constant 0 : i32
        %dma_wait3A_915 = tpu.memref_slice %arg11[%run_scoped3A_786, %dma_wait3A_914] : memref<16x64xi32, #tpu.memory_space<vmem>> -> memref<1x64xi32, #tpu.memory_space<vmem>>
        %dma_wait3A_916 = tpu.memref_squeeze %dma_wait3A_915 : memref<1x64xi32, #tpu.memory_space<vmem>> -> memref<64xi32, #tpu.memory_space<vmem>>
        %dma_wait3A_917 = arith.constant 0 : i32
        %dma_wait3A_918 = arith.constant 0 : i32
        %dma_wait3A_919 = tpu.memref_slice %arg16[%dma_wait3A_917, %dma_wait3A_918] : memref<10240x128xf32, #tpu.memory_space<vmem_shared>> -> memref<10240x128xf32, #tpu.memory_space<vmem_shared>>
        tpu.wait_indirect_dma semaphore(%run_scoped3A_907 : memref<!tpu.dma_semaphore, #tpu.memory_space<semaphore_mem>>) src(%arg12 : memref<64x128xf32, #tpu.memory_space<vmem>>) dst(%dma_wait3A_919 : memref<10240x128xf32, #tpu.memory_space<vmem_shared>>)
        tpu.yield
      }) : () -> ()
      %dma_start3A_787 = arith.constant 768 : i32
      %dma_start3A_788 = tpu.memref_slice %arg9[%dma_start3A_787] : memref<1024xi32, #tpu.memory_space<vmem>> -> memref<64xi32, #tpu.memory_space<vmem>>
      %dma_start3A_789 = arith.constant 0 : i32
      %dma_start3A_790 = arith.constant 0 : i32
      %dma_start3A_791 = tpu.memref_slice %arg2[%dma_start3A_789, %dma_start3A_790] : memref<10000x128xf32, #tpu.memory_space<hbm>> -> memref<10000x128xf32, #tpu.memory_space<hbm>>
      tpu.enqueue_indirect_dma source(%dma_start3A_791 : memref<10000x128xf32, #tpu.memory_space<hbm>>) target(%arg12 : memref<64x128xf32, #tpu.memory_space<vmem>>) offsets(%dma_start3A_788 : memref<64xi32, #tpu.memory_space<vmem>>) semaphore(%arg17 : memref<!tpu.dma_semaphore, #tpu.memory_space<semaphore_mem>>)
      %dma_wait3A_792 = arith.constant 576 : i32
      %dma_wait3A_793 = tpu.memref_slice %arg9[%dma_wait3A_792] : memref<1024xi32, #tpu.memory_space<vmem>> -> memref<64xi32, #tpu.memory_space<vmem>>
      %dma_wait3A_794 = arith.constant 0 : i32
      %dma_wait3A_795 = arith.constant 0 : i32
      %dma_wait3A_796 = tpu.memref_slice %arg2[%dma_wait3A_794, %dma_wait3A_795] : memref<10000x128xf32, #tpu.memory_space<hbm>> -> memref<10000x128xf32, #tpu.memory_space<hbm>>
      tpu.wait_indirect_dma semaphore(%arg18 : memref<!tpu.dma_semaphore, #tpu.memory_space<semaphore_mem>>) src(%dma_wait3A_796 : memref<10000x128xf32, #tpu.memory_space<hbm>>) dst(%arg13 : memref<64x128xf32, #tpu.memory_space<vmem>>)
      %run_scoped3A_797 = arith.constant 9 : i32
      "tpu.region"() ({
        %run_scoped3A_907 = tpu.sem_alloc : memref<!tpu.dma_semaphore, #tpu.memory_space<semaphore_mem>>
        %dma_start3A_908 = arith.constant 0 : i32
        %dma_start3A_909 = tpu.memref_slice %arg11[%run_scoped3A_797, %dma_start3A_908] : memref<16x64xi32, #tpu.memory_space<vmem>> -> memref<1x64xi32, #tpu.memory_space<vmem>>
        %dma_start3A_910 = tpu.memref_squeeze %dma_start3A_909 : memref<1x64xi32, #tpu.memory_space<vmem>> -> memref<64xi32, #tpu.memory_space<vmem>>
        %dma_start3A_911 = arith.constant 0 : i32
        %dma_start3A_912 = arith.constant 0 : i32
        %dma_start3A_913 = tpu.memref_slice %arg16[%dma_start3A_911, %dma_start3A_912] : memref<10240x128xf32, #tpu.memory_space<vmem_shared>> -> memref<10240x128xf32, #tpu.memory_space<vmem_shared>>
        tpu.enqueue_indirect_dma source(%arg13 : memref<64x128xf32, #tpu.memory_space<vmem>>) target(%dma_start3A_913 : memref<10240x128xf32, #tpu.memory_space<vmem_shared>>) offsets(%dma_start3A_910 : memref<64xi32, #tpu.memory_space<vmem>>) semaphore(%run_scoped3A_907 : memref<!tpu.dma_semaphore, #tpu.memory_space<semaphore_mem>>) {add = true}
        %dma_wait3A_914 = arith.constant 0 : i32
        %dma_wait3A_915 = tpu.memref_slice %arg11[%run_scoped3A_797, %dma_wait3A_914] : memref<16x64xi32, #tpu.memory_space<vmem>> -> memref<1x64xi32, #tpu.memory_space<vmem>>
        %dma_wait3A_916 = tpu.memref_squeeze %dma_wait3A_915 : memref<1x64xi32, #tpu.memory_space<vmem>> -> memref<64xi32, #tpu.memory_space<vmem>>
        %dma_wait3A_917 = arith.constant 0 : i32
        %dma_wait3A_918 = arith.constant 0 : i32
        %dma_wait3A_919 = tpu.memref_slice %arg16[%dma_wait3A_917, %dma_wait3A_918] : memref<10240x128xf32, #tpu.memory_space<vmem_shared>> -> memref<10240x128xf32, #tpu.memory_space<vmem_shared>>
        tpu.wait_indirect_dma semaphore(%run_scoped3A_907 : memref<!tpu.dma_semaphore, #tpu.memory_space<semaphore_mem>>) src(%arg13 : memref<64x128xf32, #tpu.memory_space<vmem>>) dst(%dma_wait3A_919 : memref<10240x128xf32, #tpu.memory_space<vmem_shared>>)
        tpu.yield
      }) : () -> ()
      %dma_start3A_798 = arith.constant 832 : i32
      %dma_start3A_799 = tpu.memref_slice %arg9[%dma_start3A_798] : memref<1024xi32, #tpu.memory_space<vmem>> -> memref<64xi32, #tpu.memory_space<vmem>>
      %dma_start3A_800 = arith.constant 0 : i32
      %dma_start3A_801 = arith.constant 0 : i32
      %dma_start3A_802 = tpu.memref_slice %arg2[%dma_start3A_800, %dma_start3A_801] : memref<10000x128xf32, #tpu.memory_space<hbm>> -> memref<10000x128xf32, #tpu.memory_space<hbm>>
      tpu.enqueue_indirect_dma source(%dma_start3A_802 : memref<10000x128xf32, #tpu.memory_space<hbm>>) target(%arg13 : memref<64x128xf32, #tpu.memory_space<vmem>>) offsets(%dma_start3A_799 : memref<64xi32, #tpu.memory_space<vmem>>) semaphore(%arg18 : memref<!tpu.dma_semaphore, #tpu.memory_space<semaphore_mem>>)
      %dma_wait3A_803 = arith.constant 640 : i32
      %dma_wait3A_804 = tpu.memref_slice %arg9[%dma_wait3A_803] : memref<1024xi32, #tpu.memory_space<vmem>> -> memref<64xi32, #tpu.memory_space<vmem>>
      %dma_wait3A_805 = arith.constant 0 : i32
      %dma_wait3A_806 = arith.constant 0 : i32
      %dma_wait3A_807 = tpu.memref_slice %arg2[%dma_wait3A_805, %dma_wait3A_806] : memref<10000x128xf32, #tpu.memory_space<hbm>> -> memref<10000x128xf32, #tpu.memory_space<hbm>>
      tpu.wait_indirect_dma semaphore(%arg19 : memref<!tpu.dma_semaphore, #tpu.memory_space<semaphore_mem>>) src(%dma_wait3A_807 : memref<10000x128xf32, #tpu.memory_space<hbm>>) dst(%arg14 : memref<64x128xf32, #tpu.memory_space<vmem>>)
      %run_scoped3A_808 = arith.constant 10 : i32
      "tpu.region"() ({
        %run_scoped3A_907 = tpu.sem_alloc : memref<!tpu.dma_semaphore, #tpu.memory_space<semaphore_mem>>
        %dma_start3A_908 = arith.constant 0 : i32
        %dma_start3A_909 = tpu.memref_slice %arg11[%run_scoped3A_808, %dma_start3A_908] : memref<16x64xi32, #tpu.memory_space<vmem>> -> memref<1x64xi32, #tpu.memory_space<vmem>>
        %dma_start3A_910 = tpu.memref_squeeze %dma_start3A_909 : memref<1x64xi32, #tpu.memory_space<vmem>> -> memref<64xi32, #tpu.memory_space<vmem>>
        %dma_start3A_911 = arith.constant 0 : i32
        %dma_start3A_912 = arith.constant 0 : i32
        %dma_start3A_913 = tpu.memref_slice %arg16[%dma_start3A_911, %dma_start3A_912] : memref<10240x128xf32, #tpu.memory_space<vmem_shared>> -> memref<10240x128xf32, #tpu.memory_space<vmem_shared>>
        tpu.enqueue_indirect_dma source(%arg14 : memref<64x128xf32, #tpu.memory_space<vmem>>) target(%dma_start3A_913 : memref<10240x128xf32, #tpu.memory_space<vmem_shared>>) offsets(%dma_start3A_910 : memref<64xi32, #tpu.memory_space<vmem>>) semaphore(%run_scoped3A_907 : memref<!tpu.dma_semaphore, #tpu.memory_space<semaphore_mem>>) {add = true}
        %dma_wait3A_914 = arith.constant 0 : i32
        %dma_wait3A_915 = tpu.memref_slice %arg11[%run_scoped3A_808, %dma_wait3A_914] : memref<16x64xi32, #tpu.memory_space<vmem>> -> memref<1x64xi32, #tpu.memory_space<vmem>>
        %dma_wait3A_916 = tpu.memref_squeeze %dma_wait3A_915 : memref<1x64xi32, #tpu.memory_space<vmem>> -> memref<64xi32, #tpu.memory_space<vmem>>
        %dma_wait3A_917 = arith.constant 0 : i32
        %dma_wait3A_918 = arith.constant 0 : i32
        %dma_wait3A_919 = tpu.memref_slice %arg16[%dma_wait3A_917, %dma_wait3A_918] : memref<10240x128xf32, #tpu.memory_space<vmem_shared>> -> memref<10240x128xf32, #tpu.memory_space<vmem_shared>>
        tpu.wait_indirect_dma semaphore(%run_scoped3A_907 : memref<!tpu.dma_semaphore, #tpu.memory_space<semaphore_mem>>) src(%arg14 : memref<64x128xf32, #tpu.memory_space<vmem>>) dst(%dma_wait3A_919 : memref<10240x128xf32, #tpu.memory_space<vmem_shared>>)
        tpu.yield
      }) : () -> ()
      %dma_start3A_809 = arith.constant 896 : i32
      %dma_start3A_810 = tpu.memref_slice %arg9[%dma_start3A_809] : memref<1024xi32, #tpu.memory_space<vmem>> -> memref<64xi32, #tpu.memory_space<vmem>>
      %dma_start3A_811 = arith.constant 0 : i32
      %dma_start3A_812 = arith.constant 0 : i32
      %dma_start3A_813 = tpu.memref_slice %arg2[%dma_start3A_811, %dma_start3A_812] : memref<10000x128xf32, #tpu.memory_space<hbm>> -> memref<10000x128xf32, #tpu.memory_space<hbm>>
      tpu.enqueue_indirect_dma source(%dma_start3A_813 : memref<10000x128xf32, #tpu.memory_space<hbm>>) target(%arg14 : memref<64x128xf32, #tpu.memory_space<vmem>>) offsets(%dma_start3A_810 : memref<64xi32, #tpu.memory_space<vmem>>) semaphore(%arg19 : memref<!tpu.dma_semaphore, #tpu.memory_space<semaphore_mem>>)
      %dma_wait3A_814 = arith.constant 704 : i32
      %dma_wait3A_815 = tpu.memref_slice %arg9[%dma_wait3A_814] : memref<1024xi32, #tpu.memory_space<vmem>> -> memref<64xi32, #tpu.memory_space<vmem>>
      %dma_wait3A_816 = arith.constant 0 : i32
      %dma_wait3A_817 = arith.constant 0 : i32
      %dma_wait3A_818 = tpu.memref_slice %arg2[%dma_wait3A_816, %dma_wait3A_817] : memref<10000x128xf32, #tpu.memory_space<hbm>> -> memref<10000x128xf32, #tpu.memory_space<hbm>>
      tpu.wait_indirect_dma semaphore(%arg20 : memref<!tpu.dma_semaphore, #tpu.memory_space<semaphore_mem>>) src(%dma_wait3A_818 : memref<10000x128xf32, #tpu.memory_space<hbm>>) dst(%arg15 : memref<64x128xf32, #tpu.memory_space<vmem>>)
      %run_scoped3A_819 = arith.constant 11 : i32
      "tpu.region"() ({
        %run_scoped3A_907 = tpu.sem_alloc : memref<!tpu.dma_semaphore, #tpu.memory_space<semaphore_mem>>
        %dma_start3A_908 = arith.constant 0 : i32
        %dma_start3A_909 = tpu.memref_slice %arg11[%run_scoped3A_819, %dma_start3A_908] : memref<16x64xi32, #tpu.memory_space<vmem>> -> memref<1x64xi32, #tpu.memory_space<vmem>>
        %dma_start3A_910 = tpu.memref_squeeze %dma_start3A_909 : memref<1x64xi32, #tpu.memory_space<vmem>> -> memref<64xi32, #tpu.memory_space<vmem>>
        %dma_start3A_911 = arith.constant 0 : i32
        %dma_start3A_912 = arith.constant 0 : i32
        %dma_start3A_913 = tpu.memref_slice %arg16[%dma_start3A_911, %dma_start3A_912] : memref<10240x128xf32, #tpu.memory_space<vmem_shared>> -> memref<10240x128xf32, #tpu.memory_space<vmem_shared>>
        tpu.enqueue_indirect_dma source(%arg15 : memref<64x128xf32, #tpu.memory_space<vmem>>) target(%dma_start3A_913 : memref<10240x128xf32, #tpu.memory_space<vmem_shared>>) offsets(%dma_start3A_910 : memref<64xi32, #tpu.memory_space<vmem>>) semaphore(%run_scoped3A_907 : memref<!tpu.dma_semaphore, #tpu.memory_space<semaphore_mem>>) {add = true}
        %dma_wait3A_914 = arith.constant 0 : i32
        %dma_wait3A_915 = tpu.memref_slice %arg11[%run_scoped3A_819, %dma_wait3A_914] : memref<16x64xi32, #tpu.memory_space<vmem>> -> memref<1x64xi32, #tpu.memory_space<vmem>>
        %dma_wait3A_916 = tpu.memref_squeeze %dma_wait3A_915 : memref<1x64xi32, #tpu.memory_space<vmem>> -> memref<64xi32, #tpu.memory_space<vmem>>
        %dma_wait3A_917 = arith.constant 0 : i32
        %dma_wait3A_918 = arith.constant 0 : i32
        %dma_wait3A_919 = tpu.memref_slice %arg16[%dma_wait3A_917, %dma_wait3A_918] : memref<10240x128xf32, #tpu.memory_space<vmem_shared>> -> memref<10240x128xf32, #tpu.memory_space<vmem_shared>>
        tpu.wait_indirect_dma semaphore(%run_scoped3A_907 : memref<!tpu.dma_semaphore, #tpu.memory_space<semaphore_mem>>) src(%arg15 : memref<64x128xf32, #tpu.memory_space<vmem>>) dst(%dma_wait3A_919 : memref<10240x128xf32, #tpu.memory_space<vmem_shared>>)
        tpu.yield
      }) : () -> ()
      %dma_start3A_820 = arith.constant 960 : i32
      %dma_start3A_821 = tpu.memref_slice %arg9[%dma_start3A_820] : memref<1024xi32, #tpu.memory_space<vmem>> -> memref<64xi32, #tpu.memory_space<vmem>>
      %dma_start3A_822 = arith.constant 0 : i32
      %dma_start3A_823 = arith.constant 0 : i32
      %dma_start3A_824 = tpu.memref_slice %arg2[%dma_start3A_822, %dma_start3A_823] : memref<10000x128xf32, #tpu.memory_space<hbm>> -> memref<10000x128xf32, #tpu.memory_space<hbm>>
      tpu.enqueue_indirect_dma source(%dma_start3A_824 : memref<10000x128xf32, #tpu.memory_space<hbm>>) target(%arg15 : memref<64x128xf32, #tpu.memory_space<vmem>>) offsets(%dma_start3A_821 : memref<64xi32, #tpu.memory_space<vmem>>) semaphore(%arg20 : memref<!tpu.dma_semaphore, #tpu.memory_space<semaphore_mem>>)
      %dma_wait3A_825 = arith.constant 768 : i32
      %dma_wait3A_826 = tpu.memref_slice %arg9[%dma_wait3A_825] : memref<1024xi32, #tpu.memory_space<vmem>> -> memref<64xi32, #tpu.memory_space<vmem>>
      %dma_wait3A_827 = arith.constant 0 : i32
      %dma_wait3A_828 = arith.constant 0 : i32
      %dma_wait3A_829 = tpu.memref_slice %arg2[%dma_wait3A_827, %dma_wait3A_828] : memref<10000x128xf32, #tpu.memory_space<hbm>> -> memref<10000x128xf32, #tpu.memory_space<hbm>>
      tpu.wait_indirect_dma semaphore(%arg17 : memref<!tpu.dma_semaphore, #tpu.memory_space<semaphore_mem>>) src(%dma_wait3A_829 : memref<10000x128xf32, #tpu.memory_space<hbm>>) dst(%arg12 : memref<64x128xf32, #tpu.memory_space<vmem>>)
      %run_scoped3A_830 = arith.constant 12 : i32
      "tpu.region"() ({
        %run_scoped3A_907 = tpu.sem_alloc : memref<!tpu.dma_semaphore, #tpu.memory_space<semaphore_mem>>
        %dma_start3A_908 = arith.constant 0 : i32
        %dma_start3A_909 = tpu.memref_slice %arg11[%run_scoped3A_830, %dma_start3A_908] : memref<16x64xi32, #tpu.memory_space<vmem>> -> memref<1x64xi32, #tpu.memory_space<vmem>>
        %dma_start3A_910 = tpu.memref_squeeze %dma_start3A_909 : memref<1x64xi32, #tpu.memory_space<vmem>> -> memref<64xi32, #tpu.memory_space<vmem>>
        %dma_start3A_911 = arith.constant 0 : i32
        %dma_start3A_912 = arith.constant 0 : i32
        %dma_start3A_913 = tpu.memref_slice %arg16[%dma_start3A_911, %dma_start3A_912] : memref<10240x128xf32, #tpu.memory_space<vmem_shared>> -> memref<10240x128xf32, #tpu.memory_space<vmem_shared>>
        tpu.enqueue_indirect_dma source(%arg12 : memref<64x128xf32, #tpu.memory_space<vmem>>) target(%dma_start3A_913 : memref<10240x128xf32, #tpu.memory_space<vmem_shared>>) offsets(%dma_start3A_910 : memref<64xi32, #tpu.memory_space<vmem>>) semaphore(%run_scoped3A_907 : memref<!tpu.dma_semaphore, #tpu.memory_space<semaphore_mem>>) {add = true}
        %dma_wait3A_914 = arith.constant 0 : i32
        %dma_wait3A_915 = tpu.memref_slice %arg11[%run_scoped3A_830, %dma_wait3A_914] : memref<16x64xi32, #tpu.memory_space<vmem>> -> memref<1x64xi32, #tpu.memory_space<vmem>>
        %dma_wait3A_916 = tpu.memref_squeeze %dma_wait3A_915 : memref<1x64xi32, #tpu.memory_space<vmem>> -> memref<64xi32, #tpu.memory_space<vmem>>
        %dma_wait3A_917 = arith.constant 0 : i32
        %dma_wait3A_918 = arith.constant 0 : i32
        %dma_wait3A_919 = tpu.memref_slice %arg16[%dma_wait3A_917, %dma_wait3A_918] : memref<10240x128xf32, #tpu.memory_space<vmem_shared>> -> memref<10240x128xf32, #tpu.memory_space<vmem_shared>>
        tpu.wait_indirect_dma semaphore(%run_scoped3A_907 : memref<!tpu.dma_semaphore, #tpu.memory_space<semaphore_mem>>) src(%arg12 : memref<64x128xf32, #tpu.memory_space<vmem>>) dst(%dma_wait3A_919 : memref<10240x128xf32, #tpu.memory_space<vmem_shared>>)
        tpu.yield
      }) : () -> ()
      %mul3A_831 = arith.constant 10 : i32
      %mul3A_832 = arith.muli %add3A, %mul3A_831 : i32
      %add3A_833 = arith.addi %mul3A_832, %add3A_687 : i32
      %dma_wait3A_834 = arith.constant 0 : i32
      %dma_wait3A_835 = tpu.memref_slice %arg3[%add3A_833, %dma_wait3A_834] : memref<320x1024xi32, #tpu.memory_space<hbm>> -> memref<1x1024xi32, #tpu.memory_space<hbm>>
      %dma_wait3A_836 = tpu.memref_squeeze %dma_wait3A_835 : memref<1x1024xi32, #tpu.memory_space<hbm>> -> memref<1024xi32, #tpu.memory_space<hbm>>
      %dma_wait3A_837 = arith.constant 0 : i32
      %dma_wait3A_838 = tpu.memref_slice %arg3[%add3A_833, %dma_wait3A_837] : memref<320x1024xi32, #tpu.memory_space<hbm>> -> memref<1x1024xi32, #tpu.memory_space<hbm>>
      %dma_wait3A_839 = tpu.memref_squeeze %dma_wait3A_838 : memref<1x1024xi32, #tpu.memory_space<hbm>> -> memref<1024xi32, #tpu.memory_space<hbm>>
      tpu.wait_dma2 semaphore(%arg21 : memref<!tpu.dma_semaphore, #tpu.memory_space<semaphore_mem>>) src(%dma_wait3A_839 : memref<1024xi32, #tpu.memory_space<hbm>>) dst(%arg8 : memref<1024xi32, #tpu.memory_space<vmem>>)
      %mul3A_840 = arith.constant 10 : i32
      %mul3A_841 = arith.muli %add3A, %mul3A_840 : i32
      %add3A_842 = arith.addi %mul3A_841, %add3A_687 : i32
      %dma_wait3A_843 = arith.constant 0 : i32
      %dma_wait3A_844 = arith.constant 0 : i32
      %dma_wait3A_845 = tpu.memref_slice %arg4[%add3A_842, %dma_wait3A_843, %dma_wait3A_844] : memref<320x16x64xi32, #tpu.memory_space<hbm>> -> memref<1x16x64xi32, #tpu.memory_space<hbm>>
      %dma_wait3A_846 = tpu.memref_squeeze %dma_wait3A_845 : memref<1x16x64xi32, #tpu.memory_space<hbm>> -> memref<16x64xi32, #tpu.memory_space<hbm>>
      %dma_wait3A_847 = arith.constant 0 : i32
      %dma_wait3A_848 = arith.constant 0 : i32
      %dma_wait3A_849 = tpu.memref_slice %arg4[%add3A_842, %dma_wait3A_847, %dma_wait3A_848] : memref<320x16x64xi32, #tpu.memory_space<hbm>> -> memref<1x16x64xi32, #tpu.memory_space<hbm>>
      %dma_wait3A_850 = tpu.memref_squeeze %dma_wait3A_849 : memref<1x16x64xi32, #tpu.memory_space<hbm>> -> memref<16x64xi32, #tpu.memory_space<hbm>>
      tpu.wait_dma2 semaphore(%arg21 : memref<!tpu.dma_semaphore, #tpu.memory_space<semaphore_mem>>) src(%dma_wait3A_850 : memref<16x64xi32, #tpu.memory_space<hbm>>) dst(%arg10 : memref<16x64xi32, #tpu.memory_space<vmem>>)
      %dma_start3A_851 = arith.constant 0 : i32
      %dma_start3A_852 = tpu.memref_slice %arg8[%dma_start3A_851] : memref<1024xi32, #tpu.memory_space<vmem>> -> memref<64xi32, #tpu.memory_space<vmem>>
      %dma_start3A_853 = arith.constant 0 : i32
      %dma_start3A_854 = arith.constant 0 : i32
      %dma_start3A_855 = tpu.memref_slice %arg2[%dma_start3A_853, %dma_start3A_854] : memref<10000x128xf32, #tpu.memory_space<hbm>> -> memref<10000x128xf32, #tpu.memory_space<hbm>>
      tpu.enqueue_indirect_dma source(%dma_start3A_855 : memref<10000x128xf32, #tpu.memory_space<hbm>>) target(%arg12 : memref<64x128xf32, #tpu.memory_space<vmem>>) offsets(%dma_start3A_852 : memref<64xi32, #tpu.memory_space<vmem>>) semaphore(%arg17 : memref<!tpu.dma_semaphore, #tpu.memory_space<semaphore_mem>>)
      %dma_wait3A_856 = arith.constant 832 : i32
      %dma_wait3A_857 = tpu.memref_slice %arg9[%dma_wait3A_856] : memref<1024xi32, #tpu.memory_space<vmem>> -> memref<64xi32, #tpu.memory_space<vmem>>
      %dma_wait3A_858 = arith.constant 0 : i32
      %dma_wait3A_859 = arith.constant 0 : i32
      %dma_wait3A_860 = tpu.memref_slice %arg2[%dma_wait3A_858, %dma_wait3A_859] : memref<10000x128xf32, #tpu.memory_space<hbm>> -> memref<10000x128xf32, #tpu.memory_space<hbm>>
      tpu.wait_indirect_dma semaphore(%arg18 : memref<!tpu.dma_semaphore, #tpu.memory_space<semaphore_mem>>) src(%dma_wait3A_860 : memref<10000x128xf32, #tpu.memory_space<hbm>>) dst(%arg13 : memref<64x128xf32, #tpu.memory_space<vmem>>)
      %run_scoped3A_861 = arith.constant 13 : i32
      "tpu.region"() ({
        %run_scoped3A_907 = tpu.sem_alloc : memref<!tpu.dma_semaphore, #tpu.memory_space<semaphore_mem>>
        %dma_start3A_908 = arith.constant 0 : i32
        %dma_start3A_909 = tpu.memref_slice %arg11[%run_scoped3A_861, %dma_start3A_908] : memref<16x64xi32, #tpu.memory_space<vmem>> -> memref<1x64xi32, #tpu.memory_space<vmem>>
        %dma_start3A_910 = tpu.memref_squeeze %dma_start3A_909 : memref<1x64xi32, #tpu.memory_space<vmem>> -> memref<64xi32, #tpu.memory_space<vmem>>
        %dma_start3A_911 = arith.constant 0 : i32
        %dma_start3A_912 = arith.constant 0 : i32
        %dma_start3A_913 = tpu.memref_slice %arg16[%dma_start3A_911, %dma_start3A_912] : memref<10240x128xf32, #tpu.memory_space<vmem_shared>> -> memref<10240x128xf32, #tpu.memory_space<vmem_shared>>
        tpu.enqueue_indirect_dma source(%arg13 : memref<64x128xf32, #tpu.memory_space<vmem>>) target(%dma_start3A_913 : memref<10240x128xf32, #tpu.memory_space<vmem_shared>>) offsets(%dma_start3A_910 : memref<64xi32, #tpu.memory_space<vmem>>) semaphore(%run_scoped3A_907 : memref<!tpu.dma_semaphore, #tpu.memory_space<semaphore_mem>>) {add = true}
        %dma_wait3A_914 = arith.constant 0 : i32
        %dma_wait3A_915 = tpu.memref_slice %arg11[%run_scoped3A_861, %dma_wait3A_914] : memref<16x64xi32, #tpu.memory_space<vmem>> -> memref<1x64xi32, #tpu.memory_space<vmem>>
        %dma_wait3A_916 = tpu.memref_squeeze %dma_wait3A_915 : memref<1x64xi32, #tpu.memory_space<vmem>> -> memref<64xi32, #tpu.memory_space<vmem>>
        %dma_wait3A_917 = arith.constant 0 : i32
        %dma_wait3A_918 = arith.constant 0 : i32
        %dma_wait3A_919 = tpu.memref_slice %arg16[%dma_wait3A_917, %dma_wait3A_918] : memref<10240x128xf32, #tpu.memory_space<vmem_shared>> -> memref<10240x128xf32, #tpu.memory_space<vmem_shared>>
        tpu.wait_indirect_dma semaphore(%run_scoped3A_907 : memref<!tpu.dma_semaphore, #tpu.memory_space<semaphore_mem>>) src(%arg13 : memref<64x128xf32, #tpu.memory_space<vmem>>) dst(%dma_wait3A_919 : memref<10240x128xf32, #tpu.memory_space<vmem_shared>>)
        tpu.yield
      }) : () -> ()
      %dma_start3A_862 = arith.constant 64 : i32
      %dma_start3A_863 = tpu.memref_slice %arg8[%dma_start3A_862] : memref<1024xi32, #tpu.memory_space<vmem>> -> memref<64xi32, #tpu.memory_space<vmem>>
      %dma_start3A_864 = arith.constant 0 : i32
      %dma_start3A_865 = arith.constant 0 : i32
      %dma_start3A_866 = tpu.memref_slice %arg2[%dma_start3A_864, %dma_start3A_865] : memref<10000x128xf32, #tpu.memory_space<hbm>> -> memref<10000x128xf32, #tpu.memory_space<hbm>>
      tpu.enqueue_indirect_dma source(%dma_start3A_866 : memref<10000x128xf32, #tpu.memory_space<hbm>>) target(%arg13 : memref<64x128xf32, #tpu.memory_space<vmem>>) offsets(%dma_start3A_863 : memref<64xi32, #tpu.memory_space<vmem>>) semaphore(%arg18 : memref<!tpu.dma_semaphore, #tpu.memory_space<semaphore_mem>>)
      %dma_wait3A_867 = arith.constant 896 : i32
      %dma_wait3A_868 = tpu.memref_slice %arg9[%dma_wait3A_867] : memref<1024xi32, #tpu.memory_space<vmem>> -> memref<64xi32, #tpu.memory_space<vmem>>
      %dma_wait3A_869 = arith.constant 0 : i32
      %dma_wait3A_870 = arith.constant 0 : i32
      %dma_wait3A_871 = tpu.memref_slice %arg2[%dma_wait3A_869, %dma_wait3A_870] : memref<10000x128xf32, #tpu.memory_space<hbm>> -> memref<10000x128xf32, #tpu.memory_space<hbm>>
      tpu.wait_indirect_dma semaphore(%arg19 : memref<!tpu.dma_semaphore, #tpu.memory_space<semaphore_mem>>) src(%dma_wait3A_871 : memref<10000x128xf32, #tpu.memory_space<hbm>>) dst(%arg14 : memref<64x128xf32, #tpu.memory_space<vmem>>)
      %run_scoped3A_872 = arith.constant 14 : i32
      "tpu.region"() ({
        %run_scoped3A_907 = tpu.sem_alloc : memref<!tpu.dma_semaphore, #tpu.memory_space<semaphore_mem>>
        %dma_start3A_908 = arith.constant 0 : i32
        %dma_start3A_909 = tpu.memref_slice %arg11[%run_scoped3A_872, %dma_start3A_908] : memref<16x64xi32, #tpu.memory_space<vmem>> -> memref<1x64xi32, #tpu.memory_space<vmem>>
        %dma_start3A_910 = tpu.memref_squeeze %dma_start3A_909 : memref<1x64xi32, #tpu.memory_space<vmem>> -> memref<64xi32, #tpu.memory_space<vmem>>
        %dma_start3A_911 = arith.constant 0 : i32
        %dma_start3A_912 = arith.constant 0 : i32
        %dma_start3A_913 = tpu.memref_slice %arg16[%dma_start3A_911, %dma_start3A_912] : memref<10240x128xf32, #tpu.memory_space<vmem_shared>> -> memref<10240x128xf32, #tpu.memory_space<vmem_shared>>
        tpu.enqueue_indirect_dma source(%arg14 : memref<64x128xf32, #tpu.memory_space<vmem>>) target(%dma_start3A_913 : memref<10240x128xf32, #tpu.memory_space<vmem_shared>>) offsets(%dma_start3A_910 : memref<64xi32, #tpu.memory_space<vmem>>) semaphore(%run_scoped3A_907 : memref<!tpu.dma_semaphore, #tpu.memory_space<semaphore_mem>>) {add = true}
        %dma_wait3A_914 = arith.constant 0 : i32
        %dma_wait3A_915 = tpu.memref_slice %arg11[%run_scoped3A_872, %dma_wait3A_914] : memref<16x64xi32, #tpu.memory_space<vmem>> -> memref<1x64xi32, #tpu.memory_space<vmem>>
        %dma_wait3A_916 = tpu.memref_squeeze %dma_wait3A_915 : memref<1x64xi32, #tpu.memory_space<vmem>> -> memref<64xi32, #tpu.memory_space<vmem>>
        %dma_wait3A_917 = arith.constant 0 : i32
        %dma_wait3A_918 = arith.constant 0 : i32
        %dma_wait3A_919 = tpu.memref_slice %arg16[%dma_wait3A_917, %dma_wait3A_918] : memref<10240x128xf32, #tpu.memory_space<vmem_shared>> -> memref<10240x128xf32, #tpu.memory_space<vmem_shared>>
        tpu.wait_indirect_dma semaphore(%run_scoped3A_907 : memref<!tpu.dma_semaphore, #tpu.memory_space<semaphore_mem>>) src(%arg14 : memref<64x128xf32, #tpu.memory_space<vmem>>) dst(%dma_wait3A_919 : memref<10240x128xf32, #tpu.memory_space<vmem_shared>>)
        tpu.yield
      }) : () -> ()
      %dma_start3A_873 = arith.constant 128 : i32
      %dma_start3A_874 = tpu.memref_slice %arg8[%dma_start3A_873] : memref<1024xi32, #tpu.memory_space<vmem>> -> memref<64xi32, #tpu.memory_space<vmem>>
      %dma_start3A_875 = arith.constant 0 : i32
      %dma_start3A_876 = arith.constant 0 : i32
      %dma_start3A_877 = tpu.memref_slice %arg2[%dma_start3A_875, %dma_start3A_876] : memref<10000x128xf32, #tpu.memory_space<hbm>> -> memref<10000x128xf32, #tpu.memory_space<hbm>>
      tpu.enqueue_indirect_dma source(%dma_start3A_877 : memref<10000x128xf32, #tpu.memory_space<hbm>>) target(%arg14 : memref<64x128xf32, #tpu.memory_space<vmem>>) offsets(%dma_start3A_874 : memref<64xi32, #tpu.memory_space<vmem>>) semaphore(%arg19 : memref<!tpu.dma_semaphore, #tpu.memory_space<semaphore_mem>>)
      %dma_wait3A_878 = arith.constant 960 : i32
      %dma_wait3A_879 = tpu.memref_slice %arg9[%dma_wait3A_878] : memref<1024xi32, #tpu.memory_space<vmem>> -> memref<64xi32, #tpu.memory_space<vmem>>
      %dma_wait3A_880 = arith.constant 0 : i32
      %dma_wait3A_881 = arith.constant 0 : i32
      %dma_wait3A_882 = tpu.memref_slice %arg2[%dma_wait3A_880, %dma_wait3A_881] : memref<10000x128xf32, #tpu.memory_space<hbm>> -> memref<10000x128xf32, #tpu.memory_space<hbm>>
      tpu.wait_indirect_dma semaphore(%arg20 : memref<!tpu.dma_semaphore, #tpu.memory_space<semaphore_mem>>) src(%dma_wait3A_882 : memref<10000x128xf32, #tpu.memory_space<hbm>>) dst(%arg15 : memref<64x128xf32, #tpu.memory_space<vmem>>)
      %run_scoped3A_883 = arith.constant 15 : i32
      "tpu.region"() ({
        %run_scoped3A_907 = tpu.sem_alloc : memref<!tpu.dma_semaphore, #tpu.memory_space<semaphore_mem>>
        %dma_start3A_908 = arith.constant 0 : i32
        %dma_start3A_909 = tpu.memref_slice %arg11[%run_scoped3A_883, %dma_start3A_908] : memref<16x64xi32, #tpu.memory_space<vmem>> -> memref<1x64xi32, #tpu.memory_space<vmem>>
        %dma_start3A_910 = tpu.memref_squeeze %dma_start3A_909 : memref<1x64xi32, #tpu.memory_space<vmem>> -> memref<64xi32, #tpu.memory_space<vmem>>
        %dma_start3A_911 = arith.constant 0 : i32
        %dma_start3A_912 = arith.constant 0 : i32
        %dma_start3A_913 = tpu.memref_slice %arg16[%dma_start3A_911, %dma_start3A_912] : memref<10240x128xf32, #tpu.memory_space<vmem_shared>> -> memref<10240x128xf32, #tpu.memory_space<vmem_shared>>
        tpu.enqueue_indirect_dma source(%arg15 : memref<64x128xf32, #tpu.memory_space<vmem>>) target(%dma_start3A_913 : memref<10240x128xf32, #tpu.memory_space<vmem_shared>>) offsets(%dma_start3A_910 : memref<64xi32, #tpu.memory_space<vmem>>) semaphore(%run_scoped3A_907 : memref<!tpu.dma_semaphore, #tpu.memory_space<semaphore_mem>>) {add = true}
        %dma_wait3A_914 = arith.constant 0 : i32
        %dma_wait3A_915 = tpu.memref_slice %arg11[%run_scoped3A_883, %dma_wait3A_914] : memref<16x64xi32, #tpu.memory_space<vmem>> -> memref<1x64xi32, #tpu.memory_space<vmem>>
        %dma_wait3A_916 = tpu.memref_squeeze %dma_wait3A_915 : memref<1x64xi32, #tpu.memory_space<vmem>> -> memref<64xi32, #tpu.memory_space<vmem>>
        %dma_wait3A_917 = arith.constant 0 : i32
        %dma_wait3A_918 = arith.constant 0 : i32
        %dma_wait3A_919 = tpu.memref_slice %arg16[%dma_wait3A_917, %dma_wait3A_918] : memref<10240x128xf32, #tpu.memory_space<vmem_shared>> -> memref<10240x128xf32, #tpu.memory_space<vmem_shared>>
        tpu.wait_indirect_dma semaphore(%run_scoped3A_907 : memref<!tpu.dma_semaphore, #tpu.memory_space<semaphore_mem>>) src(%arg15 : memref<64x128xf32, #tpu.memory_space<vmem>>) dst(%dma_wait3A_919 : memref<10240x128xf32, #tpu.memory_space<vmem_shared>>)
        tpu.yield
      }) : () -> ()
      %add3A_884 = arith.constant 3 : i32
      %add3A_885 = arith.addi %mul3A_463, %add3A_884 : i32
      %mul3A_886 = arith.constant 10 : i32
      %mul3A_887 = arith.muli %add3A, %mul3A_886 : i32
      %add3A_888 = arith.addi %mul3A_887, %add3A_885 : i32
      %dma_start3A_889 = arith.constant 0 : i32
      %dma_start3A_890 = tpu.memref_slice %arg3[%add3A_888, %dma_start3A_889] : memref<320x1024xi32, #tpu.memory_space<hbm>> -> memref<1x1024xi32, #tpu.memory_space<hbm>>
      %dma_start3A_891 = tpu.memref_squeeze %dma_start3A_890 : memref<1x1024xi32, #tpu.memory_space<hbm>> -> memref<1024xi32, #tpu.memory_space<hbm>>
      %dma_start3A_892 = arith.constant 0 : i32
      %dma_start3A_893 = tpu.memref_slice %arg3[%add3A_888, %dma_start3A_892] : memref<320x1024xi32, #tpu.memory_space<hbm>> -> memref<1x1024xi32, #tpu.memory_space<hbm>>
      %dma_start3A_894 = tpu.memref_squeeze %dma_start3A_893 : memref<1x1024xi32, #tpu.memory_space<hbm>> -> memref<1024xi32, #tpu.memory_space<hbm>>
      tpu.enqueue_dma source(%dma_start3A_894 : memref<1024xi32, #tpu.memory_space<hbm>>) target(%arg9 : memref<1024xi32, #tpu.memory_space<vmem>>) target_semaphore(%arg22 : memref<!tpu.dma_semaphore, #tpu.memory_space<semaphore_mem>>)
      %mul3A_895 = arith.constant 10 : i32
      %mul3A_896 = arith.muli %add3A, %mul3A_895 : i32
      %add3A_897 = arith.addi %mul3A_896, %add3A_885 : i32
      %dma_start3A_898 = arith.constant 0 : i32
      %dma_start3A_899 = arith.constant 0 : i32
      %dma_start3A_900 = tpu.memref_slice %arg4[%add3A_897, %dma_start3A_898, %dma_start3A_899] : memref<320x16x64xi32, #tpu.memory_space<hbm>> -> memref<1x16x64xi32, #tpu.memory_space<hbm>>
      %dma_start3A_901 = tpu.memref_squeeze %dma_start3A_900 : memref<1x16x64xi32, #tpu.memory_space<hbm>> -> memref<16x64xi32, #tpu.memory_space<hbm>>
      %dma_start3A_902 = arith.constant 0 : i32
      %dma_start3A_903 = arith.constant 0 : i32
      %dma_start3A_904 = tpu.memref_slice %arg4[%add3A_897, %dma_start3A_902, %dma_start3A_903] : memref<320x16x64xi32, #tpu.memory_space<hbm>> -> memref<1x16x64xi32, #tpu.memory_space<hbm>>
      %dma_start3A_905 = tpu.memref_squeeze %dma_start3A_904 : memref<1x16x64xi32, #tpu.memory_space<hbm>> -> memref<16x64xi32, #tpu.memory_space<hbm>>
      tpu.enqueue_dma source(%dma_start3A_905 : memref<16x64xi32, #tpu.memory_space<hbm>>) target(%arg11 : memref<16x64xi32, #tpu.memory_space<vmem>>) target_semaphore(%arg22 : memref<!tpu.dma_semaphore, #tpu.memory_space<semaphore_mem>>)
      %scan3A_906 = arith.constant 0 : i32
      scf.yield %scan3A_906 : i32
    }
    %scan3A_91 = arith.constant 4 : i32
    %dma_start3A_92 = arith.constant 192 : i32
    %dma_start3A_93 = tpu.memref_slice %arg8[%dma_start3A_92] : memref<1024xi32, #tpu.memory_space<vmem>> -> memref<64xi32, #tpu.memory_space<vmem>>
    %dma_start3A_94 = arith.constant 0 : i32
    %dma_start3A_95 = arith.constant 0 : i32
    %dma_start3A_96 = tpu.memref_slice %arg2[%dma_start3A_94, %dma_start3A_95] : memref<10000x128xf32, #tpu.memory_space<hbm>> -> memref<10000x128xf32, #tpu.memory_space<hbm>>
    tpu.enqueue_indirect_dma source(%dma_start3A_96 : memref<10000x128xf32, #tpu.memory_space<hbm>>) target(%arg15 : memref<64x128xf32, #tpu.memory_space<vmem>>) offsets(%dma_start3A_93 : memref<64xi32, #tpu.memory_space<vmem>>) semaphore(%arg20 : memref<!tpu.dma_semaphore, #tpu.memory_space<semaphore_mem>>)
    %dma_wait3A_97 = arith.constant 0 : i32
    %dma_wait3A_98 = tpu.memref_slice %arg8[%dma_wait3A_97] : memref<1024xi32, #tpu.memory_space<vmem>> -> memref<64xi32, #tpu.memory_space<vmem>>
    %dma_wait3A_99 = arith.constant 0 : i32
    %dma_wait3A_100 = arith.constant 0 : i32
    %dma_wait3A_101 = tpu.memref_slice %arg2[%dma_wait3A_99, %dma_wait3A_100] : memref<10000x128xf32, #tpu.memory_space<hbm>> -> memref<10000x128xf32, #tpu.memory_space<hbm>>
    tpu.wait_indirect_dma semaphore(%arg17 : memref<!tpu.dma_semaphore, #tpu.memory_space<semaphore_mem>>) src(%dma_wait3A_101 : memref<10000x128xf32, #tpu.memory_space<hbm>>) dst(%arg12 : memref<64x128xf32, #tpu.memory_space<vmem>>)
    %run_scoped3A = arith.constant 0 : i32
    "tpu.region"() ({
      %run_scoped3A_460 = tpu.sem_alloc : memref<!tpu.dma_semaphore, #tpu.memory_space<semaphore_mem>>
      %dma_start3A_461 = arith.constant 0 : i32
      %dma_start3A_462 = tpu.memref_slice %arg10[%run_scoped3A, %dma_start3A_461] : memref<16x64xi32, #tpu.memory_space<vmem>> -> memref<1x64xi32, #tpu.memory_space<vmem>>
      %dma_start3A_463 = tpu.memref_squeeze %dma_start3A_462 : memref<1x64xi32, #tpu.memory_space<vmem>> -> memref<64xi32, #tpu.memory_space<vmem>>
      %dma_start3A_464 = arith.constant 0 : i32
      %dma_start3A_465 = arith.constant 0 : i32
      %dma_start3A_466 = tpu.memref_slice %arg16[%dma_start3A_464, %dma_start3A_465] : memref<10240x128xf32, #tpu.memory_space<vmem_shared>> -> memref<10240x128xf32, #tpu.memory_space<vmem_shared>>
      tpu.enqueue_indirect_dma source(%arg12 : memref<64x128xf32, #tpu.memory_space<vmem>>) target(%dma_start3A_466 : memref<10240x128xf32, #tpu.memory_space<vmem_shared>>) offsets(%dma_start3A_463 : memref<64xi32, #tpu.memory_space<vmem>>) semaphore(%run_scoped3A_460 : memref<!tpu.dma_semaphore, #tpu.memory_space<semaphore_mem>>) {add = true}
      %dma_wait3A_467 = arith.constant 0 : i32
      %dma_wait3A_468 = tpu.memref_slice %arg10[%run_scoped3A, %dma_wait3A_467] : memref<16x64xi32, #tpu.memory_space<vmem>> -> memref<1x64xi32, #tpu.memory_space<vmem>>
      %dma_wait3A_469 = tpu.memref_squeeze %dma_wait3A_468 : memref<1x64xi32, #tpu.memory_space<vmem>> -> memref<64xi32, #tpu.memory_space<vmem>>
      %dma_wait3A_470 = arith.constant 0 : i32
      %dma_wait3A_471 = arith.constant 0 : i32
      %dma_wait3A_472 = tpu.memref_slice %arg16[%dma_wait3A_470, %dma_wait3A_471] : memref<10240x128xf32, #tpu.memory_space<vmem_shared>> -> memref<10240x128xf32, #tpu.memory_space<vmem_shared>>
      tpu.wait_indirect_dma semaphore(%run_scoped3A_460 : memref<!tpu.dma_semaphore, #tpu.memory_space<semaphore_mem>>) src(%arg12 : memref<64x128xf32, #tpu.memory_space<vmem>>) dst(%dma_wait3A_472 : memref<10240x128xf32, #tpu.memory_space<vmem_shared>>)
      tpu.yield
    }) : () -> ()
    %dma_start3A_102 = arith.constant 256 : i32
    %dma_start3A_103 = tpu.memref_slice %arg8[%dma_start3A_102] : memref<1024xi32, #tpu.memory_space<vmem>> -> memref<64xi32, #tpu.memory_space<vmem>>
    %dma_start3A_104 = arith.constant 0 : i32
    %dma_start3A_105 = arith.constant 0 : i32
    %dma_start3A_106 = tpu.memref_slice %arg2[%dma_start3A_104, %dma_start3A_105] : memref<10000x128xf32, #tpu.memory_space<hbm>> -> memref<10000x128xf32, #tpu.memory_space<hbm>>
    tpu.enqueue_indirect_dma source(%dma_start3A_106 : memref<10000x128xf32, #tpu.memory_space<hbm>>) target(%arg12 : memref<64x128xf32, #tpu.memory_space<vmem>>) offsets(%dma_start3A_103 : memref<64xi32, #tpu.memory_space<vmem>>) semaphore(%arg17 : memref<!tpu.dma_semaphore, #tpu.memory_space<semaphore_mem>>)
    %dma_wait3A_107 = arith.constant 64 : i32
    %dma_wait3A_108 = tpu.memref_slice %arg8[%dma_wait3A_107] : memref<1024xi32, #tpu.memory_space<vmem>> -> memref<64xi32, #tpu.memory_space<vmem>>
    %dma_wait3A_109 = arith.constant 0 : i32
    %dma_wait3A_110 = arith.constant 0 : i32
    %dma_wait3A_111 = tpu.memref_slice %arg2[%dma_wait3A_109, %dma_wait3A_110] : memref<10000x128xf32, #tpu.memory_space<hbm>> -> memref<10000x128xf32, #tpu.memory_space<hbm>>
    tpu.wait_indirect_dma semaphore(%arg18 : memref<!tpu.dma_semaphore, #tpu.memory_space<semaphore_mem>>) src(%dma_wait3A_111 : memref<10000x128xf32, #tpu.memory_space<hbm>>) dst(%arg13 : memref<64x128xf32, #tpu.memory_space<vmem>>)
    %run_scoped3A_112 = arith.constant 1 : i32
    "tpu.region"() ({
      %run_scoped3A_460 = tpu.sem_alloc : memref<!tpu.dma_semaphore, #tpu.memory_space<semaphore_mem>>
      %dma_start3A_461 = arith.constant 0 : i32
      %dma_start3A_462 = tpu.memref_slice %arg10[%run_scoped3A_112, %dma_start3A_461] : memref<16x64xi32, #tpu.memory_space<vmem>> -> memref<1x64xi32, #tpu.memory_space<vmem>>
      %dma_start3A_463 = tpu.memref_squeeze %dma_start3A_462 : memref<1x64xi32, #tpu.memory_space<vmem>> -> memref<64xi32, #tpu.memory_space<vmem>>
      %dma_start3A_464 = arith.constant 0 : i32
      %dma_start3A_465 = arith.constant 0 : i32
      %dma_start3A_466 = tpu.memref_slice %arg16[%dma_start3A_464, %dma_start3A_465] : memref<10240x128xf32, #tpu.memory_space<vmem_shared>> -> memref<10240x128xf32, #tpu.memory_space<vmem_shared>>
      tpu.enqueue_indirect_dma source(%arg13 : memref<64x128xf32, #tpu.memory_space<vmem>>) target(%dma_start3A_466 : memref<10240x128xf32, #tpu.memory_space<vmem_shared>>) offsets(%dma_start3A_463 : memref<64xi32, #tpu.memory_space<vmem>>) semaphore(%run_scoped3A_460 : memref<!tpu.dma_semaphore, #tpu.memory_space<semaphore_mem>>) {add = true}
      %dma_wait3A_467 = arith.constant 0 : i32
      %dma_wait3A_468 = tpu.memref_slice %arg10[%run_scoped3A_112, %dma_wait3A_467] : memref<16x64xi32, #tpu.memory_space<vmem>> -> memref<1x64xi32, #tpu.memory_space<vmem>>
      %dma_wait3A_469 = tpu.memref_squeeze %dma_wait3A_468 : memref<1x64xi32, #tpu.memory_space<vmem>> -> memref<64xi32, #tpu.memory_space<vmem>>
      %dma_wait3A_470 = arith.constant 0 : i32
      %dma_wait3A_471 = arith.constant 0 : i32
      %dma_wait3A_472 = tpu.memref_slice %arg16[%dma_wait3A_470, %dma_wait3A_471] : memref<10240x128xf32, #tpu.memory_space<vmem_shared>> -> memref<10240x128xf32, #tpu.memory_space<vmem_shared>>
      tpu.wait_indirect_dma semaphore(%run_scoped3A_460 : memref<!tpu.dma_semaphore, #tpu.memory_space<semaphore_mem>>) src(%arg13 : memref<64x128xf32, #tpu.memory_space<vmem>>) dst(%dma_wait3A_472 : memref<10240x128xf32, #tpu.memory_space<vmem_shared>>)
      tpu.yield
    }) : () -> ()
    %dma_start3A_113 = arith.constant 320 : i32
    %dma_start3A_114 = tpu.memref_slice %arg8[%dma_start3A_113] : memref<1024xi32, #tpu.memory_space<vmem>> -> memref<64xi32, #tpu.memory_space<vmem>>
    %dma_start3A_115 = arith.constant 0 : i32
    %dma_start3A_116 = arith.constant 0 : i32
    %dma_start3A_117 = tpu.memref_slice %arg2[%dma_start3A_115, %dma_start3A_116] : memref<10000x128xf32, #tpu.memory_space<hbm>> -> memref<10000x128xf32, #tpu.memory_space<hbm>>
    tpu.enqueue_indirect_dma source(%dma_start3A_117 : memref<10000x128xf32, #tpu.memory_space<hbm>>) target(%arg13 : memref<64x128xf32, #tpu.memory_space<vmem>>) offsets(%dma_start3A_114 : memref<64xi32, #tpu.memory_space<vmem>>) semaphore(%arg18 : memref<!tpu.dma_semaphore, #tpu.memory_space<semaphore_mem>>)
    %dma_wait3A_118 = arith.constant 128 : i32
    %dma_wait3A_119 = tpu.memref_slice %arg8[%dma_wait3A_118] : memref<1024xi32, #tpu.memory_space<vmem>> -> memref<64xi32, #tpu.memory_space<vmem>>
    %dma_wait3A_120 = arith.constant 0 : i32
    %dma_wait3A_121 = arith.constant 0 : i32
    %dma_wait3A_122 = tpu.memref_slice %arg2[%dma_wait3A_120, %dma_wait3A_121] : memref<10000x128xf32, #tpu.memory_space<hbm>> -> memref<10000x128xf32, #tpu.memory_space<hbm>>
    tpu.wait_indirect_dma semaphore(%arg19 : memref<!tpu.dma_semaphore, #tpu.memory_space<semaphore_mem>>) src(%dma_wait3A_122 : memref<10000x128xf32, #tpu.memory_space<hbm>>) dst(%arg14 : memref<64x128xf32, #tpu.memory_space<vmem>>)
    %run_scoped3A_123 = arith.constant 2 : i32
    "tpu.region"() ({
      %run_scoped3A_460 = tpu.sem_alloc : memref<!tpu.dma_semaphore, #tpu.memory_space<semaphore_mem>>
      %dma_start3A_461 = arith.constant 0 : i32
      %dma_start3A_462 = tpu.memref_slice %arg10[%run_scoped3A_123, %dma_start3A_461] : memref<16x64xi32, #tpu.memory_space<vmem>> -> memref<1x64xi32, #tpu.memory_space<vmem>>
      %dma_start3A_463 = tpu.memref_squeeze %dma_start3A_462 : memref<1x64xi32, #tpu.memory_space<vmem>> -> memref<64xi32, #tpu.memory_space<vmem>>
      %dma_start3A_464 = arith.constant 0 : i32
      %dma_start3A_465 = arith.constant 0 : i32
      %dma_start3A_466 = tpu.memref_slice %arg16[%dma_start3A_464, %dma_start3A_465] : memref<10240x128xf32, #tpu.memory_space<vmem_shared>> -> memref<10240x128xf32, #tpu.memory_space<vmem_shared>>
      tpu.enqueue_indirect_dma source(%arg14 : memref<64x128xf32, #tpu.memory_space<vmem>>) target(%dma_start3A_466 : memref<10240x128xf32, #tpu.memory_space<vmem_shared>>) offsets(%dma_start3A_463 : memref<64xi32, #tpu.memory_space<vmem>>) semaphore(%run_scoped3A_460 : memref<!tpu.dma_semaphore, #tpu.memory_space<semaphore_mem>>) {add = true}
      %dma_wait3A_467 = arith.constant 0 : i32
      %dma_wait3A_468 = tpu.memref_slice %arg10[%run_scoped3A_123, %dma_wait3A_467] : memref<16x64xi32, #tpu.memory_space<vmem>> -> memref<1x64xi32, #tpu.memory_space<vmem>>
      %dma_wait3A_469 = tpu.memref_squeeze %dma_wait3A_468 : memref<1x64xi32, #tpu.memory_space<vmem>> -> memref<64xi32, #tpu.memory_space<vmem>>
      %dma_wait3A_470 = arith.constant 0 : i32
      %dma_wait3A_471 = arith.constant 0 : i32
      %dma_wait3A_472 = tpu.memref_slice %arg16[%dma_wait3A_470, %dma_wait3A_471] : memref<10240x128xf32, #tpu.memory_space<vmem_shared>> -> memref<10240x128xf32, #tpu.memory_space<vmem_shared>>
      tpu.wait_indirect_dma semaphore(%run_scoped3A_460 : memref<!tpu.dma_semaphore, #tpu.memory_space<semaphore_mem>>) src(%arg14 : memref<64x128xf32, #tpu.memory_space<vmem>>) dst(%dma_wait3A_472 : memref<10240x128xf32, #tpu.memory_space<vmem_shared>>)
      tpu.yield
    }) : () -> ()
    %dma_start3A_124 = arith.constant 384 : i32
    %dma_start3A_125 = tpu.memref_slice %arg8[%dma_start3A_124] : memref<1024xi32, #tpu.memory_space<vmem>> -> memref<64xi32, #tpu.memory_space<vmem>>
    %dma_start3A_126 = arith.constant 0 : i32
    %dma_start3A_127 = arith.constant 0 : i32
    %dma_start3A_128 = tpu.memref_slice %arg2[%dma_start3A_126, %dma_start3A_127] : memref<10000x128xf32, #tpu.memory_space<hbm>> -> memref<10000x128xf32, #tpu.memory_space<hbm>>
    tpu.enqueue_indirect_dma source(%dma_start3A_128 : memref<10000x128xf32, #tpu.memory_space<hbm>>) target(%arg14 : memref<64x128xf32, #tpu.memory_space<vmem>>) offsets(%dma_start3A_125 : memref<64xi32, #tpu.memory_space<vmem>>) semaphore(%arg19 : memref<!tpu.dma_semaphore, #tpu.memory_space<semaphore_mem>>)
    %dma_wait3A_129 = arith.constant 192 : i32
    %dma_wait3A_130 = tpu.memref_slice %arg8[%dma_wait3A_129] : memref<1024xi32, #tpu.memory_space<vmem>> -> memref<64xi32, #tpu.memory_space<vmem>>
    %dma_wait3A_131 = arith.constant 0 : i32
    %dma_wait3A_132 = arith.constant 0 : i32
    %dma_wait3A_133 = tpu.memref_slice %arg2[%dma_wait3A_131, %dma_wait3A_132] : memref<10000x128xf32, #tpu.memory_space<hbm>> -> memref<10000x128xf32, #tpu.memory_space<hbm>>
    tpu.wait_indirect_dma semaphore(%arg20 : memref<!tpu.dma_semaphore, #tpu.memory_space<semaphore_mem>>) src(%dma_wait3A_133 : memref<10000x128xf32, #tpu.memory_space<hbm>>) dst(%arg15 : memref<64x128xf32, #tpu.memory_space<vmem>>)
    %run_scoped3A_134 = arith.constant 3 : i32
    "tpu.region"() ({
      %run_scoped3A_460 = tpu.sem_alloc : memref<!tpu.dma_semaphore, #tpu.memory_space<semaphore_mem>>
      %dma_start3A_461 = arith.constant 0 : i32
      %dma_start3A_462 = tpu.memref_slice %arg10[%run_scoped3A_134, %dma_start3A_461] : memref<16x64xi32, #tpu.memory_space<vmem>> -> memref<1x64xi32, #tpu.memory_space<vmem>>
      %dma_start3A_463 = tpu.memref_squeeze %dma_start3A_462 : memref<1x64xi32, #tpu.memory_space<vmem>> -> memref<64xi32, #tpu.memory_space<vmem>>
      %dma_start3A_464 = arith.constant 0 : i32
      %dma_start3A_465 = arith.constant 0 : i32
      %dma_start3A_466 = tpu.memref_slice %arg16[%dma_start3A_464, %dma_start3A_465] : memref<10240x128xf32, #tpu.memory_space<vmem_shared>> -> memref<10240x128xf32, #tpu.memory_space<vmem_shared>>
      tpu.enqueue_indirect_dma source(%arg15 : memref<64x128xf32, #tpu.memory_space<vmem>>) target(%dma_start3A_466 : memref<10240x128xf32, #tpu.memory_space<vmem_shared>>) offsets(%dma_start3A_463 : memref<64xi32, #tpu.memory_space<vmem>>) semaphore(%run_scoped3A_460 : memref<!tpu.dma_semaphore, #tpu.memory_space<semaphore_mem>>) {add = true}
      %dma_wait3A_467 = arith.constant 0 : i32
      %dma_wait3A_468 = tpu.memref_slice %arg10[%run_scoped3A_134, %dma_wait3A_467] : memref<16x64xi32, #tpu.memory_space<vmem>> -> memref<1x64xi32, #tpu.memory_space<vmem>>
      %dma_wait3A_469 = tpu.memref_squeeze %dma_wait3A_468 : memref<1x64xi32, #tpu.memory_space<vmem>> -> memref<64xi32, #tpu.memory_space<vmem>>
      %dma_wait3A_470 = arith.constant 0 : i32
      %dma_wait3A_471 = arith.constant 0 : i32
      %dma_wait3A_472 = tpu.memref_slice %arg16[%dma_wait3A_470, %dma_wait3A_471] : memref<10240x128xf32, #tpu.memory_space<vmem_shared>> -> memref<10240x128xf32, #tpu.memory_space<vmem_shared>>
      tpu.wait_indirect_dma semaphore(%run_scoped3A_460 : memref<!tpu.dma_semaphore, #tpu.memory_space<semaphore_mem>>) src(%arg15 : memref<64x128xf32, #tpu.memory_space<vmem>>) dst(%dma_wait3A_472 : memref<10240x128xf32, #tpu.memory_space<vmem_shared>>)
      tpu.yield
    }) : () -> ()
    %dma_start3A_135 = arith.constant 448 : i32
    %dma_start3A_136 = tpu.memref_slice %arg8[%dma_start3A_135] : memref<1024xi32, #tpu.memory_space<vmem>> -> memref<64xi32, #tpu.memory_space<vmem>>
    %dma_start3A_137 = arith.constant 0 : i32
    %dma_start3A_138 = arith.constant 0 : i32
    %dma_start3A_139 = tpu.memref_slice %arg2[%dma_start3A_137, %dma_start3A_138] : memref<10000x128xf32, #tpu.memory_space<hbm>> -> memref<10000x128xf32, #tpu.memory_space<hbm>>
    tpu.enqueue_indirect_dma source(%dma_start3A_139 : memref<10000x128xf32, #tpu.memory_space<hbm>>) target(%arg15 : memref<64x128xf32, #tpu.memory_space<vmem>>) offsets(%dma_start3A_136 : memref<64xi32, #tpu.memory_space<vmem>>) semaphore(%arg20 : memref<!tpu.dma_semaphore, #tpu.memory_space<semaphore_mem>>)
    %dma_wait3A_140 = arith.constant 256 : i32
    %dma_wait3A_141 = tpu.memref_slice %arg8[%dma_wait3A_140] : memref<1024xi32, #tpu.memory_space<vmem>> -> memref<64xi32, #tpu.memory_space<vmem>>
    %dma_wait3A_142 = arith.constant 0 : i32
    %dma_wait3A_143 = arith.constant 0 : i32
    %dma_wait3A_144 = tpu.memref_slice %arg2[%dma_wait3A_142, %dma_wait3A_143] : memref<10000x128xf32, #tpu.memory_space<hbm>> -> memref<10000x128xf32, #tpu.memory_space<hbm>>
    tpu.wait_indirect_dma semaphore(%arg17 : memref<!tpu.dma_semaphore, #tpu.memory_space<semaphore_mem>>) src(%dma_wait3A_144 : memref<10000x128xf32, #tpu.memory_space<hbm>>) dst(%arg12 : memref<64x128xf32, #tpu.memory_space<vmem>>)
    %run_scoped3A_145 = arith.constant 4 : i32
    "tpu.region"() ({
      %run_scoped3A_460 = tpu.sem_alloc : memref<!tpu.dma_semaphore, #tpu.memory_space<semaphore_mem>>
      %dma_start3A_461 = arith.constant 0 : i32
      %dma_start3A_462 = tpu.memref_slice %arg10[%run_scoped3A_145, %dma_start3A_461] : memref<16x64xi32, #tpu.memory_space<vmem>> -> memref<1x64xi32, #tpu.memory_space<vmem>>
      %dma_start3A_463 = tpu.memref_squeeze %dma_start3A_462 : memref<1x64xi32, #tpu.memory_space<vmem>> -> memref<64xi32, #tpu.memory_space<vmem>>
      %dma_start3A_464 = arith.constant 0 : i32
      %dma_start3A_465 = arith.constant 0 : i32
      %dma_start3A_466 = tpu.memref_slice %arg16[%dma_start3A_464, %dma_start3A_465] : memref<10240x128xf32, #tpu.memory_space<vmem_shared>> -> memref<10240x128xf32, #tpu.memory_space<vmem_shared>>
      tpu.enqueue_indirect_dma source(%arg12 : memref<64x128xf32, #tpu.memory_space<vmem>>) target(%dma_start3A_466 : memref<10240x128xf32, #tpu.memory_space<vmem_shared>>) offsets(%dma_start3A_463 : memref<64xi32, #tpu.memory_space<vmem>>) semaphore(%run_scoped3A_460 : memref<!tpu.dma_semaphore, #tpu.memory_space<semaphore_mem>>) {add = true}
      %dma_wait3A_467 = arith.constant 0 : i32
      %dma_wait3A_468 = tpu.memref_slice %arg10[%run_scoped3A_145, %dma_wait3A_467] : memref<16x64xi32, #tpu.memory_space<vmem>> -> memref<1x64xi32, #tpu.memory_space<vmem>>
      %dma_wait3A_469 = tpu.memref_squeeze %dma_wait3A_468 : memref<1x64xi32, #tpu.memory_space<vmem>> -> memref<64xi32, #tpu.memory_space<vmem>>
      %dma_wait3A_470 = arith.constant 0 : i32
      %dma_wait3A_471 = arith.constant 0 : i32
      %dma_wait3A_472 = tpu.memref_slice %arg16[%dma_wait3A_470, %dma_wait3A_471] : memref<10240x128xf32, #tpu.memory_space<vmem_shared>> -> memref<10240x128xf32, #tpu.memory_space<vmem_shared>>
      tpu.wait_indirect_dma semaphore(%run_scoped3A_460 : memref<!tpu.dma_semaphore, #tpu.memory_space<semaphore_mem>>) src(%arg12 : memref<64x128xf32, #tpu.memory_space<vmem>>) dst(%dma_wait3A_472 : memref<10240x128xf32, #tpu.memory_space<vmem_shared>>)
      tpu.yield
    }) : () -> ()
    %dma_start3A_146 = arith.constant 512 : i32
    %dma_start3A_147 = tpu.memref_slice %arg8[%dma_start3A_146] : memref<1024xi32, #tpu.memory_space<vmem>> -> memref<64xi32, #tpu.memory_space<vmem>>
    %dma_start3A_148 = arith.constant 0 : i32
    %dma_start3A_149 = arith.constant 0 : i32
    %dma_start3A_150 = tpu.memref_slice %arg2[%dma_start3A_148, %dma_start3A_149] : memref<10000x128xf32, #tpu.memory_space<hbm>> -> memref<10000x128xf32, #tpu.memory_space<hbm>>
    tpu.enqueue_indirect_dma source(%dma_start3A_150 : memref<10000x128xf32, #tpu.memory_space<hbm>>) target(%arg12 : memref<64x128xf32, #tpu.memory_space<vmem>>) offsets(%dma_start3A_147 : memref<64xi32, #tpu.memory_space<vmem>>) semaphore(%arg17 : memref<!tpu.dma_semaphore, #tpu.memory_space<semaphore_mem>>)
    %dma_wait3A_151 = arith.constant 320 : i32
    %dma_wait3A_152 = tpu.memref_slice %arg8[%dma_wait3A_151] : memref<1024xi32, #tpu.memory_space<vmem>> -> memref<64xi32, #tpu.memory_space<vmem>>
    %dma_wait3A_153 = arith.constant 0 : i32
    %dma_wait3A_154 = arith.constant 0 : i32
    %dma_wait3A_155 = tpu.memref_slice %arg2[%dma_wait3A_153, %dma_wait3A_154] : memref<10000x128xf32, #tpu.memory_space<hbm>> -> memref<10000x128xf32, #tpu.memory_space<hbm>>
    tpu.wait_indirect_dma semaphore(%arg18 : memref<!tpu.dma_semaphore, #tpu.memory_space<semaphore_mem>>) src(%dma_wait3A_155 : memref<10000x128xf32, #tpu.memory_space<hbm>>) dst(%arg13 : memref<64x128xf32, #tpu.memory_space<vmem>>)
    %run_scoped3A_156 = arith.constant 5 : i32
    "tpu.region"() ({
      %run_scoped3A_460 = tpu.sem_alloc : memref<!tpu.dma_semaphore, #tpu.memory_space<semaphore_mem>>
      %dma_start3A_461 = arith.constant 0 : i32
      %dma_start3A_462 = tpu.memref_slice %arg10[%run_scoped3A_156, %dma_start3A_461] : memref<16x64xi32, #tpu.memory_space<vmem>> -> memref<1x64xi32, #tpu.memory_space<vmem>>
      %dma_start3A_463 = tpu.memref_squeeze %dma_start3A_462 : memref<1x64xi32, #tpu.memory_space<vmem>> -> memref<64xi32, #tpu.memory_space<vmem>>
      %dma_start3A_464 = arith.constant 0 : i32
      %dma_start3A_465 = arith.constant 0 : i32
      %dma_start3A_466 = tpu.memref_slice %arg16[%dma_start3A_464, %dma_start3A_465] : memref<10240x128xf32, #tpu.memory_space<vmem_shared>> -> memref<10240x128xf32, #tpu.memory_space<vmem_shared>>
      tpu.enqueue_indirect_dma source(%arg13 : memref<64x128xf32, #tpu.memory_space<vmem>>) target(%dma_start3A_466 : memref<10240x128xf32, #tpu.memory_space<vmem_shared>>) offsets(%dma_start3A_463 : memref<64xi32, #tpu.memory_space<vmem>>) semaphore(%run_scoped3A_460 : memref<!tpu.dma_semaphore, #tpu.memory_space<semaphore_mem>>) {add = true}
      %dma_wait3A_467 = arith.constant 0 : i32
      %dma_wait3A_468 = tpu.memref_slice %arg10[%run_scoped3A_156, %dma_wait3A_467] : memref<16x64xi32, #tpu.memory_space<vmem>> -> memref<1x64xi32, #tpu.memory_space<vmem>>
      %dma_wait3A_469 = tpu.memref_squeeze %dma_wait3A_468 : memref<1x64xi32, #tpu.memory_space<vmem>> -> memref<64xi32, #tpu.memory_space<vmem>>
      %dma_wait3A_470 = arith.constant 0 : i32
      %dma_wait3A_471 = arith.constant 0 : i32
      %dma_wait3A_472 = tpu.memref_slice %arg16[%dma_wait3A_470, %dma_wait3A_471] : memref<10240x128xf32, #tpu.memory_space<vmem_shared>> -> memref<10240x128xf32, #tpu.memory_space<vmem_shared>>
      tpu.wait_indirect_dma semaphore(%run_scoped3A_460 : memref<!tpu.dma_semaphore, #tpu.memory_space<semaphore_mem>>) src(%arg13 : memref<64x128xf32, #tpu.memory_space<vmem>>) dst(%dma_wait3A_472 : memref<10240x128xf32, #tpu.memory_space<vmem_shared>>)
      tpu.yield
    }) : () -> ()
    %dma_start3A_157 = arith.constant 576 : i32
    %dma_start3A_158 = tpu.memref_slice %arg8[%dma_start3A_157] : memref<1024xi32, #tpu.memory_space<vmem>> -> memref<64xi32, #tpu.memory_space<vmem>>
    %dma_start3A_159 = arith.constant 0 : i32
    %dma_start3A_160 = arith.constant 0 : i32
    %dma_start3A_161 = tpu.memref_slice %arg2[%dma_start3A_159, %dma_start3A_160] : memref<10000x128xf32, #tpu.memory_space<hbm>> -> memref<10000x128xf32, #tpu.memory_space<hbm>>
    tpu.enqueue_indirect_dma source(%dma_start3A_161 : memref<10000x128xf32, #tpu.memory_space<hbm>>) target(%arg13 : memref<64x128xf32, #tpu.memory_space<vmem>>) offsets(%dma_start3A_158 : memref<64xi32, #tpu.memory_space<vmem>>) semaphore(%arg18 : memref<!tpu.dma_semaphore, #tpu.memory_space<semaphore_mem>>)
    %dma_wait3A_162 = arith.constant 384 : i32
    %dma_wait3A_163 = tpu.memref_slice %arg8[%dma_wait3A_162] : memref<1024xi32, #tpu.memory_space<vmem>> -> memref<64xi32, #tpu.memory_space<vmem>>
    %dma_wait3A_164 = arith.constant 0 : i32
    %dma_wait3A_165 = arith.constant 0 : i32
    %dma_wait3A_166 = tpu.memref_slice %arg2[%dma_wait3A_164, %dma_wait3A_165] : memref<10000x128xf32, #tpu.memory_space<hbm>> -> memref<10000x128xf32, #tpu.memory_space<hbm>>
    tpu.wait_indirect_dma semaphore(%arg19 : memref<!tpu.dma_semaphore, #tpu.memory_space<semaphore_mem>>) src(%dma_wait3A_166 : memref<10000x128xf32, #tpu.memory_space<hbm>>) dst(%arg14 : memref<64x128xf32, #tpu.memory_space<vmem>>)
    %run_scoped3A_167 = arith.constant 6 : i32
    "tpu.region"() ({
      %run_scoped3A_460 = tpu.sem_alloc : memref<!tpu.dma_semaphore, #tpu.memory_space<semaphore_mem>>
      %dma_start3A_461 = arith.constant 0 : i32
      %dma_start3A_462 = tpu.memref_slice %arg10[%run_scoped3A_167, %dma_start3A_461] : memref<16x64xi32, #tpu.memory_space<vmem>> -> memref<1x64xi32, #tpu.memory_space<vmem>>
      %dma_start3A_463 = tpu.memref_squeeze %dma_start3A_462 : memref<1x64xi32, #tpu.memory_space<vmem>> -> memref<64xi32, #tpu.memory_space<vmem>>
      %dma_start3A_464 = arith.constant 0 : i32
      %dma_start3A_465 = arith.constant 0 : i32
      %dma_start3A_466 = tpu.memref_slice %arg16[%dma_start3A_464, %dma_start3A_465] : memref<10240x128xf32, #tpu.memory_space<vmem_shared>> -> memref<10240x128xf32, #tpu.memory_space<vmem_shared>>
      tpu.enqueue_indirect_dma source(%arg14 : memref<64x128xf32, #tpu.memory_space<vmem>>) target(%dma_start3A_466 : memref<10240x128xf32, #tpu.memory_space<vmem_shared>>) offsets(%dma_start3A_463 : memref<64xi32, #tpu.memory_space<vmem>>) semaphore(%run_scoped3A_460 : memref<!tpu.dma_semaphore, #tpu.memory_space<semaphore_mem>>) {add = true}
      %dma_wait3A_467 = arith.constant 0 : i32
      %dma_wait3A_468 = tpu.memref_slice %arg10[%run_scoped3A_167, %dma_wait3A_467] : memref<16x64xi32, #tpu.memory_space<vmem>> -> memref<1x64xi32, #tpu.memory_space<vmem>>
      %dma_wait3A_469 = tpu.memref_squeeze %dma_wait3A_468 : memref<1x64xi32, #tpu.memory_space<vmem>> -> memref<64xi32, #tpu.memory_space<vmem>>
      %dma_wait3A_470 = arith.constant 0 : i32
      %dma_wait3A_471 = arith.constant 0 : i32
      %dma_wait3A_472 = tpu.memref_slice %arg16[%dma_wait3A_470, %dma_wait3A_471] : memref<10240x128xf32, #tpu.memory_space<vmem_shared>> -> memref<10240x128xf32, #tpu.memory_space<vmem_shared>>
      tpu.wait_indirect_dma semaphore(%run_scoped3A_460 : memref<!tpu.dma_semaphore, #tpu.memory_space<semaphore_mem>>) src(%arg14 : memref<64x128xf32, #tpu.memory_space<vmem>>) dst(%dma_wait3A_472 : memref<10240x128xf32, #tpu.memory_space<vmem_shared>>)
      tpu.yield
    }) : () -> ()
    %dma_start3A_168 = arith.constant 640 : i32
    %dma_start3A_169 = tpu.memref_slice %arg8[%dma_start3A_168] : memref<1024xi32, #tpu.memory_space<vmem>> -> memref<64xi32, #tpu.memory_space<vmem>>
    %dma_start3A_170 = arith.constant 0 : i32
    %dma_start3A_171 = arith.constant 0 : i32
    %dma_start3A_172 = tpu.memref_slice %arg2[%dma_start3A_170, %dma_start3A_171] : memref<10000x128xf32, #tpu.memory_space<hbm>> -> memref<10000x128xf32, #tpu.memory_space<hbm>>
    tpu.enqueue_indirect_dma source(%dma_start3A_172 : memref<10000x128xf32, #tpu.memory_space<hbm>>) target(%arg14 : memref<64x128xf32, #tpu.memory_space<vmem>>) offsets(%dma_start3A_169 : memref<64xi32, #tpu.memory_space<vmem>>) semaphore(%arg19 : memref<!tpu.dma_semaphore, #tpu.memory_space<semaphore_mem>>)
    %dma_wait3A_173 = arith.constant 448 : i32
    %dma_wait3A_174 = tpu.memref_slice %arg8[%dma_wait3A_173] : memref<1024xi32, #tpu.memory_space<vmem>> -> memref<64xi32, #tpu.memory_space<vmem>>
    %dma_wait3A_175 = arith.constant 0 : i32
    %dma_wait3A_176 = arith.constant 0 : i32
    %dma_wait3A_177 = tpu.memref_slice %arg2[%dma_wait3A_175, %dma_wait3A_176] : memref<10000x128xf32, #tpu.memory_space<hbm>> -> memref<10000x128xf32, #tpu.memory_space<hbm>>
    tpu.wait_indirect_dma semaphore(%arg20 : memref<!tpu.dma_semaphore, #tpu.memory_space<semaphore_mem>>) src(%dma_wait3A_177 : memref<10000x128xf32, #tpu.memory_space<hbm>>) dst(%arg15 : memref<64x128xf32, #tpu.memory_space<vmem>>)
    %run_scoped3A_178 = arith.constant 7 : i32
    "tpu.region"() ({
      %run_scoped3A_460 = tpu.sem_alloc : memref<!tpu.dma_semaphore, #tpu.memory_space<semaphore_mem>>
      %dma_start3A_461 = arith.constant 0 : i32
      %dma_start3A_462 = tpu.memref_slice %arg10[%run_scoped3A_178, %dma_start3A_461] : memref<16x64xi32, #tpu.memory_space<vmem>> -> memref<1x64xi32, #tpu.memory_space<vmem>>
      %dma_start3A_463 = tpu.memref_squeeze %dma_start3A_462 : memref<1x64xi32, #tpu.memory_space<vmem>> -> memref<64xi32, #tpu.memory_space<vmem>>
      %dma_start3A_464 = arith.constant 0 : i32
      %dma_start3A_465 = arith.constant 0 : i32
      %dma_start3A_466 = tpu.memref_slice %arg16[%dma_start3A_464, %dma_start3A_465] : memref<10240x128xf32, #tpu.memory_space<vmem_shared>> -> memref<10240x128xf32, #tpu.memory_space<vmem_shared>>
      tpu.enqueue_indirect_dma source(%arg15 : memref<64x128xf32, #tpu.memory_space<vmem>>) target(%dma_start3A_466 : memref<10240x128xf32, #tpu.memory_space<vmem_shared>>) offsets(%dma_start3A_463 : memref<64xi32, #tpu.memory_space<vmem>>) semaphore(%run_scoped3A_460 : memref<!tpu.dma_semaphore, #tpu.memory_space<semaphore_mem>>) {add = true}
      %dma_wait3A_467 = arith.constant 0 : i32
      %dma_wait3A_468 = tpu.memref_slice %arg10[%run_scoped3A_178, %dma_wait3A_467] : memref<16x64xi32, #tpu.memory_space<vmem>> -> memref<1x64xi32, #tpu.memory_space<vmem>>
      %dma_wait3A_469 = tpu.memref_squeeze %dma_wait3A_468 : memref<1x64xi32, #tpu.memory_space<vmem>> -> memref<64xi32, #tpu.memory_space<vmem>>
      %dma_wait3A_470 = arith.constant 0 : i32
      %dma_wait3A_471 = arith.constant 0 : i32
      %dma_wait3A_472 = tpu.memref_slice %arg16[%dma_wait3A_470, %dma_wait3A_471] : memref<10240x128xf32, #tpu.memory_space<vmem_shared>> -> memref<10240x128xf32, #tpu.memory_space<vmem_shared>>
      tpu.wait_indirect_dma semaphore(%run_scoped3A_460 : memref<!tpu.dma_semaphore, #tpu.memory_space<semaphore_mem>>) src(%arg15 : memref<64x128xf32, #tpu.memory_space<vmem>>) dst(%dma_wait3A_472 : memref<10240x128xf32, #tpu.memory_space<vmem_shared>>)
      tpu.yield
    }) : () -> ()
    %dma_start3A_179 = arith.constant 704 : i32
    %dma_start3A_180 = tpu.memref_slice %arg8[%dma_start3A_179] : memref<1024xi32, #tpu.memory_space<vmem>> -> memref<64xi32, #tpu.memory_space<vmem>>
    %dma_start3A_181 = arith.constant 0 : i32
    %dma_start3A_182 = arith.constant 0 : i32
    %dma_start3A_183 = tpu.memref_slice %arg2[%dma_start3A_181, %dma_start3A_182] : memref<10000x128xf32, #tpu.memory_space<hbm>> -> memref<10000x128xf32, #tpu.memory_space<hbm>>
    tpu.enqueue_indirect_dma source(%dma_start3A_183 : memref<10000x128xf32, #tpu.memory_space<hbm>>) target(%arg15 : memref<64x128xf32, #tpu.memory_space<vmem>>) offsets(%dma_start3A_180 : memref<64xi32, #tpu.memory_space<vmem>>) semaphore(%arg20 : memref<!tpu.dma_semaphore, #tpu.memory_space<semaphore_mem>>)
    %dma_wait3A_184 = arith.constant 512 : i32
    %dma_wait3A_185 = tpu.memref_slice %arg8[%dma_wait3A_184] : memref<1024xi32, #tpu.memory_space<vmem>> -> memref<64xi32, #tpu.memory_space<vmem>>
    %dma_wait3A_186 = arith.constant 0 : i32
    %dma_wait3A_187 = arith.constant 0 : i32
    %dma_wait3A_188 = tpu.memref_slice %arg2[%dma_wait3A_186, %dma_wait3A_187] : memref<10000x128xf32, #tpu.memory_space<hbm>> -> memref<10000x128xf32, #tpu.memory_space<hbm>>
    tpu.wait_indirect_dma semaphore(%arg17 : memref<!tpu.dma_semaphore, #tpu.memory_space<semaphore_mem>>) src(%dma_wait3A_188 : memref<10000x128xf32, #tpu.memory_space<hbm>>) dst(%arg12 : memref<64x128xf32, #tpu.memory_space<vmem>>)
    %run_scoped3A_189 = arith.constant 8 : i32
    "tpu.region"() ({
      %run_scoped3A_460 = tpu.sem_alloc : memref<!tpu.dma_semaphore, #tpu.memory_space<semaphore_mem>>
      %dma_start3A_461 = arith.constant 0 : i32
      %dma_start3A_462 = tpu.memref_slice %arg10[%run_scoped3A_189, %dma_start3A_461] : memref<16x64xi32, #tpu.memory_space<vmem>> -> memref<1x64xi32, #tpu.memory_space<vmem>>
      %dma_start3A_463 = tpu.memref_squeeze %dma_start3A_462 : memref<1x64xi32, #tpu.memory_space<vmem>> -> memref<64xi32, #tpu.memory_space<vmem>>
      %dma_start3A_464 = arith.constant 0 : i32
      %dma_start3A_465 = arith.constant 0 : i32
      %dma_start3A_466 = tpu.memref_slice %arg16[%dma_start3A_464, %dma_start3A_465] : memref<10240x128xf32, #tpu.memory_space<vmem_shared>> -> memref<10240x128xf32, #tpu.memory_space<vmem_shared>>
      tpu.enqueue_indirect_dma source(%arg12 : memref<64x128xf32, #tpu.memory_space<vmem>>) target(%dma_start3A_466 : memref<10240x128xf32, #tpu.memory_space<vmem_shared>>) offsets(%dma_start3A_463 : memref<64xi32, #tpu.memory_space<vmem>>) semaphore(%run_scoped3A_460 : memref<!tpu.dma_semaphore, #tpu.memory_space<semaphore_mem>>) {add = true}
      %dma_wait3A_467 = arith.constant 0 : i32
      %dma_wait3A_468 = tpu.memref_slice %arg10[%run_scoped3A_189, %dma_wait3A_467] : memref<16x64xi32, #tpu.memory_space<vmem>> -> memref<1x64xi32, #tpu.memory_space<vmem>>
      %dma_wait3A_469 = tpu.memref_squeeze %dma_wait3A_468 : memref<1x64xi32, #tpu.memory_space<vmem>> -> memref<64xi32, #tpu.memory_space<vmem>>
      %dma_wait3A_470 = arith.constant 0 : i32
      %dma_wait3A_471 = arith.constant 0 : i32
      %dma_wait3A_472 = tpu.memref_slice %arg16[%dma_wait3A_470, %dma_wait3A_471] : memref<10240x128xf32, #tpu.memory_space<vmem_shared>> -> memref<10240x128xf32, #tpu.memory_space<vmem_shared>>
      tpu.wait_indirect_dma semaphore(%run_scoped3A_460 : memref<!tpu.dma_semaphore, #tpu.memory_space<semaphore_mem>>) src(%arg12 : memref<64x128xf32, #tpu.memory_space<vmem>>) dst(%dma_wait3A_472 : memref<10240x128xf32, #tpu.memory_space<vmem_shared>>)
      tpu.yield
    }) : () -> ()
    %dma_start3A_190 = arith.constant 768 : i32
    %dma_start3A_191 = tpu.memref_slice %arg8[%dma_start3A_190] : memref<1024xi32, #tpu.memory_space<vmem>> -> memref<64xi32, #tpu.memory_space<vmem>>
    %dma_start3A_192 = arith.constant 0 : i32
    %dma_start3A_193 = arith.constant 0 : i32
    %dma_start3A_194 = tpu.memref_slice %arg2[%dma_start3A_192, %dma_start3A_193] : memref<10000x128xf32, #tpu.memory_space<hbm>> -> memref<10000x128xf32, #tpu.memory_space<hbm>>
    tpu.enqueue_indirect_dma source(%dma_start3A_194 : memref<10000x128xf32, #tpu.memory_space<hbm>>) target(%arg12 : memref<64x128xf32, #tpu.memory_space<vmem>>) offsets(%dma_start3A_191 : memref<64xi32, #tpu.memory_space<vmem>>) semaphore(%arg17 : memref<!tpu.dma_semaphore, #tpu.memory_space<semaphore_mem>>)
    %dma_wait3A_195 = arith.constant 576 : i32
    %dma_wait3A_196 = tpu.memref_slice %arg8[%dma_wait3A_195] : memref<1024xi32, #tpu.memory_space<vmem>> -> memref<64xi32, #tpu.memory_space<vmem>>
    %dma_wait3A_197 = arith.constant 0 : i32
    %dma_wait3A_198 = arith.constant 0 : i32
    %dma_wait3A_199 = tpu.memref_slice %arg2[%dma_wait3A_197, %dma_wait3A_198] : memref<10000x128xf32, #tpu.memory_space<hbm>> -> memref<10000x128xf32, #tpu.memory_space<hbm>>
    tpu.wait_indirect_dma semaphore(%arg18 : memref<!tpu.dma_semaphore, #tpu.memory_space<semaphore_mem>>) src(%dma_wait3A_199 : memref<10000x128xf32, #tpu.memory_space<hbm>>) dst(%arg13 : memref<64x128xf32, #tpu.memory_space<vmem>>)
    %run_scoped3A_200 = arith.constant 9 : i32
    "tpu.region"() ({
      %run_scoped3A_460 = tpu.sem_alloc : memref<!tpu.dma_semaphore, #tpu.memory_space<semaphore_mem>>
      %dma_start3A_461 = arith.constant 0 : i32
      %dma_start3A_462 = tpu.memref_slice %arg10[%run_scoped3A_200, %dma_start3A_461] : memref<16x64xi32, #tpu.memory_space<vmem>> -> memref<1x64xi32, #tpu.memory_space<vmem>>
      %dma_start3A_463 = tpu.memref_squeeze %dma_start3A_462 : memref<1x64xi32, #tpu.memory_space<vmem>> -> memref<64xi32, #tpu.memory_space<vmem>>
      %dma_start3A_464 = arith.constant 0 : i32
      %dma_start3A_465 = arith.constant 0 : i32
      %dma_start3A_466 = tpu.memref_slice %arg16[%dma_start3A_464, %dma_start3A_465] : memref<10240x128xf32, #tpu.memory_space<vmem_shared>> -> memref<10240x128xf32, #tpu.memory_space<vmem_shared>>
      tpu.enqueue_indirect_dma source(%arg13 : memref<64x128xf32, #tpu.memory_space<vmem>>) target(%dma_start3A_466 : memref<10240x128xf32, #tpu.memory_space<vmem_shared>>) offsets(%dma_start3A_463 : memref<64xi32, #tpu.memory_space<vmem>>) semaphore(%run_scoped3A_460 : memref<!tpu.dma_semaphore, #tpu.memory_space<semaphore_mem>>) {add = true}
      %dma_wait3A_467 = arith.constant 0 : i32
      %dma_wait3A_468 = tpu.memref_slice %arg10[%run_scoped3A_200, %dma_wait3A_467] : memref<16x64xi32, #tpu.memory_space<vmem>> -> memref<1x64xi32, #tpu.memory_space<vmem>>
      %dma_wait3A_469 = tpu.memref_squeeze %dma_wait3A_468 : memref<1x64xi32, #tpu.memory_space<vmem>> -> memref<64xi32, #tpu.memory_space<vmem>>
      %dma_wait3A_470 = arith.constant 0 : i32
      %dma_wait3A_471 = arith.constant 0 : i32
      %dma_wait3A_472 = tpu.memref_slice %arg16[%dma_wait3A_470, %dma_wait3A_471] : memref<10240x128xf32, #tpu.memory_space<vmem_shared>> -> memref<10240x128xf32, #tpu.memory_space<vmem_shared>>
      tpu.wait_indirect_dma semaphore(%run_scoped3A_460 : memref<!tpu.dma_semaphore, #tpu.memory_space<semaphore_mem>>) src(%arg13 : memref<64x128xf32, #tpu.memory_space<vmem>>) dst(%dma_wait3A_472 : memref<10240x128xf32, #tpu.memory_space<vmem_shared>>)
      tpu.yield
    }) : () -> ()
    %dma_start3A_201 = arith.constant 832 : i32
    %dma_start3A_202 = tpu.memref_slice %arg8[%dma_start3A_201] : memref<1024xi32, #tpu.memory_space<vmem>> -> memref<64xi32, #tpu.memory_space<vmem>>
    %dma_start3A_203 = arith.constant 0 : i32
    %dma_start3A_204 = arith.constant 0 : i32
    %dma_start3A_205 = tpu.memref_slice %arg2[%dma_start3A_203, %dma_start3A_204] : memref<10000x128xf32, #tpu.memory_space<hbm>> -> memref<10000x128xf32, #tpu.memory_space<hbm>>
    tpu.enqueue_indirect_dma source(%dma_start3A_205 : memref<10000x128xf32, #tpu.memory_space<hbm>>) target(%arg13 : memref<64x128xf32, #tpu.memory_space<vmem>>) offsets(%dma_start3A_202 : memref<64xi32, #tpu.memory_space<vmem>>) semaphore(%arg18 : memref<!tpu.dma_semaphore, #tpu.memory_space<semaphore_mem>>)
    %dma_wait3A_206 = arith.constant 640 : i32
    %dma_wait3A_207 = tpu.memref_slice %arg8[%dma_wait3A_206] : memref<1024xi32, #tpu.memory_space<vmem>> -> memref<64xi32, #tpu.memory_space<vmem>>
    %dma_wait3A_208 = arith.constant 0 : i32
    %dma_wait3A_209 = arith.constant 0 : i32
    %dma_wait3A_210 = tpu.memref_slice %arg2[%dma_wait3A_208, %dma_wait3A_209] : memref<10000x128xf32, #tpu.memory_space<hbm>> -> memref<10000x128xf32, #tpu.memory_space<hbm>>
    tpu.wait_indirect_dma semaphore(%arg19 : memref<!tpu.dma_semaphore, #tpu.memory_space<semaphore_mem>>) src(%dma_wait3A_210 : memref<10000x128xf32, #tpu.memory_space<hbm>>) dst(%arg14 : memref<64x128xf32, #tpu.memory_space<vmem>>)
    %run_scoped3A_211 = arith.constant 10 : i32
    "tpu.region"() ({
      %run_scoped3A_460 = tpu.sem_alloc : memref<!tpu.dma_semaphore, #tpu.memory_space<semaphore_mem>>
      %dma_start3A_461 = arith.constant 0 : i32
      %dma_start3A_462 = tpu.memref_slice %arg10[%run_scoped3A_211, %dma_start3A_461] : memref<16x64xi32, #tpu.memory_space<vmem>> -> memref<1x64xi32, #tpu.memory_space<vmem>>
      %dma_start3A_463 = tpu.memref_squeeze %dma_start3A_462 : memref<1x64xi32, #tpu.memory_space<vmem>> -> memref<64xi32, #tpu.memory_space<vmem>>
      %dma_start3A_464 = arith.constant 0 : i32
      %dma_start3A_465 = arith.constant 0 : i32
      %dma_start3A_466 = tpu.memref_slice %arg16[%dma_start3A_464, %dma_start3A_465] : memref<10240x128xf32, #tpu.memory_space<vmem_shared>> -> memref<10240x128xf32, #tpu.memory_space<vmem_shared>>
      tpu.enqueue_indirect_dma source(%arg14 : memref<64x128xf32, #tpu.memory_space<vmem>>) target(%dma_start3A_466 : memref<10240x128xf32, #tpu.memory_space<vmem_shared>>) offsets(%dma_start3A_463 : memref<64xi32, #tpu.memory_space<vmem>>) semaphore(%run_scoped3A_460 : memref<!tpu.dma_semaphore, #tpu.memory_space<semaphore_mem>>) {add = true}
      %dma_wait3A_467 = arith.constant 0 : i32
      %dma_wait3A_468 = tpu.memref_slice %arg10[%run_scoped3A_211, %dma_wait3A_467] : memref<16x64xi32, #tpu.memory_space<vmem>> -> memref<1x64xi32, #tpu.memory_space<vmem>>
      %dma_wait3A_469 = tpu.memref_squeeze %dma_wait3A_468 : memref<1x64xi32, #tpu.memory_space<vmem>> -> memref<64xi32, #tpu.memory_space<vmem>>
      %dma_wait3A_470 = arith.constant 0 : i32
      %dma_wait3A_471 = arith.constant 0 : i32
      %dma_wait3A_472 = tpu.memref_slice %arg16[%dma_wait3A_470, %dma_wait3A_471] : memref<10240x128xf32, #tpu.memory_space<vmem_shared>> -> memref<10240x128xf32, #tpu.memory_space<vmem_shared>>
      tpu.wait_indirect_dma semaphore(%run_scoped3A_460 : memref<!tpu.dma_semaphore, #tpu.memory_space<semaphore_mem>>) src(%arg14 : memref<64x128xf32, #tpu.memory_space<vmem>>) dst(%dma_wait3A_472 : memref<10240x128xf32, #tpu.memory_space<vmem_shared>>)
      tpu.yield
    }) : () -> ()
    %dma_start3A_212 = arith.constant 896 : i32
    %dma_start3A_213 = tpu.memref_slice %arg8[%dma_start3A_212] : memref<1024xi32, #tpu.memory_space<vmem>> -> memref<64xi32, #tpu.memory_space<vmem>>
    %dma_start3A_214 = arith.constant 0 : i32
    %dma_start3A_215 = arith.constant 0 : i32
    %dma_start3A_216 = tpu.memref_slice %arg2[%dma_start3A_214, %dma_start3A_215] : memref<10000x128xf32, #tpu.memory_space<hbm>> -> memref<10000x128xf32, #tpu.memory_space<hbm>>
    tpu.enqueue_indirect_dma source(%dma_start3A_216 : memref<10000x128xf32, #tpu.memory_space<hbm>>) target(%arg14 : memref<64x128xf32, #tpu.memory_space<vmem>>) offsets(%dma_start3A_213 : memref<64xi32, #tpu.memory_space<vmem>>) semaphore(%arg19 : memref<!tpu.dma_semaphore, #tpu.memory_space<semaphore_mem>>)
    %dma_wait3A_217 = arith.constant 704 : i32
    %dma_wait3A_218 = tpu.memref_slice %arg8[%dma_wait3A_217] : memref<1024xi32, #tpu.memory_space<vmem>> -> memref<64xi32, #tpu.memory_space<vmem>>
    %dma_wait3A_219 = arith.constant 0 : i32
    %dma_wait3A_220 = arith.constant 0 : i32
    %dma_wait3A_221 = tpu.memref_slice %arg2[%dma_wait3A_219, %dma_wait3A_220] : memref<10000x128xf32, #tpu.memory_space<hbm>> -> memref<10000x128xf32, #tpu.memory_space<hbm>>
    tpu.wait_indirect_dma semaphore(%arg20 : memref<!tpu.dma_semaphore, #tpu.memory_space<semaphore_mem>>) src(%dma_wait3A_221 : memref<10000x128xf32, #tpu.memory_space<hbm>>) dst(%arg15 : memref<64x128xf32, #tpu.memory_space<vmem>>)
    %run_scoped3A_222 = arith.constant 11 : i32
    "tpu.region"() ({
      %run_scoped3A_460 = tpu.sem_alloc : memref<!tpu.dma_semaphore, #tpu.memory_space<semaphore_mem>>
      %dma_start3A_461 = arith.constant 0 : i32
      %dma_start3A_462 = tpu.memref_slice %arg10[%run_scoped3A_222, %dma_start3A_461] : memref<16x64xi32, #tpu.memory_space<vmem>> -> memref<1x64xi32, #tpu.memory_space<vmem>>
      %dma_start3A_463 = tpu.memref_squeeze %dma_start3A_462 : memref<1x64xi32, #tpu.memory_space<vmem>> -> memref<64xi32, #tpu.memory_space<vmem>>
      %dma_start3A_464 = arith.constant 0 : i32
      %dma_start3A_465 = arith.constant 0 : i32
      %dma_start3A_466 = tpu.memref_slice %arg16[%dma_start3A_464, %dma_start3A_465] : memref<10240x128xf32, #tpu.memory_space<vmem_shared>> -> memref<10240x128xf32, #tpu.memory_space<vmem_shared>>
      tpu.enqueue_indirect_dma source(%arg15 : memref<64x128xf32, #tpu.memory_space<vmem>>) target(%dma_start3A_466 : memref<10240x128xf32, #tpu.memory_space<vmem_shared>>) offsets(%dma_start3A_463 : memref<64xi32, #tpu.memory_space<vmem>>) semaphore(%run_scoped3A_460 : memref<!tpu.dma_semaphore, #tpu.memory_space<semaphore_mem>>) {add = true}
      %dma_wait3A_467 = arith.constant 0 : i32
      %dma_wait3A_468 = tpu.memref_slice %arg10[%run_scoped3A_222, %dma_wait3A_467] : memref<16x64xi32, #tpu.memory_space<vmem>> -> memref<1x64xi32, #tpu.memory_space<vmem>>
      %dma_wait3A_469 = tpu.memref_squeeze %dma_wait3A_468 : memref<1x64xi32, #tpu.memory_space<vmem>> -> memref<64xi32, #tpu.memory_space<vmem>>
      %dma_wait3A_470 = arith.constant 0 : i32
      %dma_wait3A_471 = arith.constant 0 : i32
      %dma_wait3A_472 = tpu.memref_slice %arg16[%dma_wait3A_470, %dma_wait3A_471] : memref<10240x128xf32, #tpu.memory_space<vmem_shared>> -> memref<10240x128xf32, #tpu.memory_space<vmem_shared>>
      tpu.wait_indirect_dma semaphore(%run_scoped3A_460 : memref<!tpu.dma_semaphore, #tpu.memory_space<semaphore_mem>>) src(%arg15 : memref<64x128xf32, #tpu.memory_space<vmem>>) dst(%dma_wait3A_472 : memref<10240x128xf32, #tpu.memory_space<vmem_shared>>)
      tpu.yield
    }) : () -> ()
    %dma_start3A_223 = arith.constant 960 : i32
    %dma_start3A_224 = tpu.memref_slice %arg8[%dma_start3A_223] : memref<1024xi32, #tpu.memory_space<vmem>> -> memref<64xi32, #tpu.memory_space<vmem>>
    %dma_start3A_225 = arith.constant 0 : i32
    %dma_start3A_226 = arith.constant 0 : i32
    %dma_start3A_227 = tpu.memref_slice %arg2[%dma_start3A_225, %dma_start3A_226] : memref<10000x128xf32, #tpu.memory_space<hbm>> -> memref<10000x128xf32, #tpu.memory_space<hbm>>
    tpu.enqueue_indirect_dma source(%dma_start3A_227 : memref<10000x128xf32, #tpu.memory_space<hbm>>) target(%arg15 : memref<64x128xf32, #tpu.memory_space<vmem>>) offsets(%dma_start3A_224 : memref<64xi32, #tpu.memory_space<vmem>>) semaphore(%arg20 : memref<!tpu.dma_semaphore, #tpu.memory_space<semaphore_mem>>)
    %dma_wait3A_228 = arith.constant 768 : i32
    %dma_wait3A_229 = tpu.memref_slice %arg8[%dma_wait3A_228] : memref<1024xi32, #tpu.memory_space<vmem>> -> memref<64xi32, #tpu.memory_space<vmem>>
    %dma_wait3A_230 = arith.constant 0 : i32
    %dma_wait3A_231 = arith.constant 0 : i32
    %dma_wait3A_232 = tpu.memref_slice %arg2[%dma_wait3A_230, %dma_wait3A_231] : memref<10000x128xf32, #tpu.memory_space<hbm>> -> memref<10000x128xf32, #tpu.memory_space<hbm>>
    tpu.wait_indirect_dma semaphore(%arg17 : memref<!tpu.dma_semaphore, #tpu.memory_space<semaphore_mem>>) src(%dma_wait3A_232 : memref<10000x128xf32, #tpu.memory_space<hbm>>) dst(%arg12 : memref<64x128xf32, #tpu.memory_space<vmem>>)
    %run_scoped3A_233 = arith.constant 12 : i32
    "tpu.region"() ({
      %run_scoped3A_460 = tpu.sem_alloc : memref<!tpu.dma_semaphore, #tpu.memory_space<semaphore_mem>>
      %dma_start3A_461 = arith.constant 0 : i32
      %dma_start3A_462 = tpu.memref_slice %arg10[%run_scoped3A_233, %dma_start3A_461] : memref<16x64xi32, #tpu.memory_space<vmem>> -> memref<1x64xi32, #tpu.memory_space<vmem>>
      %dma_start3A_463 = tpu.memref_squeeze %dma_start3A_462 : memref<1x64xi32, #tpu.memory_space<vmem>> -> memref<64xi32, #tpu.memory_space<vmem>>
      %dma_start3A_464 = arith.constant 0 : i32
      %dma_start3A_465 = arith.constant 0 : i32
      %dma_start3A_466 = tpu.memref_slice %arg16[%dma_start3A_464, %dma_start3A_465] : memref<10240x128xf32, #tpu.memory_space<vmem_shared>> -> memref<10240x128xf32, #tpu.memory_space<vmem_shared>>
      tpu.enqueue_indirect_dma source(%arg12 : memref<64x128xf32, #tpu.memory_space<vmem>>) target(%dma_start3A_466 : memref<10240x128xf32, #tpu.memory_space<vmem_shared>>) offsets(%dma_start3A_463 : memref<64xi32, #tpu.memory_space<vmem>>) semaphore(%run_scoped3A_460 : memref<!tpu.dma_semaphore, #tpu.memory_space<semaphore_mem>>) {add = true}
      %dma_wait3A_467 = arith.constant 0 : i32
      %dma_wait3A_468 = tpu.memref_slice %arg10[%run_scoped3A_233, %dma_wait3A_467] : memref<16x64xi32, #tpu.memory_space<vmem>> -> memref<1x64xi32, #tpu.memory_space<vmem>>
      %dma_wait3A_469 = tpu.memref_squeeze %dma_wait3A_468 : memref<1x64xi32, #tpu.memory_space<vmem>> -> memref<64xi32, #tpu.memory_space<vmem>>
      %dma_wait3A_470 = arith.constant 0 : i32
      %dma_wait3A_471 = arith.constant 0 : i32
      %dma_wait3A_472 = tpu.memref_slice %arg16[%dma_wait3A_470, %dma_wait3A_471] : memref<10240x128xf32, #tpu.memory_space<vmem_shared>> -> memref<10240x128xf32, #tpu.memory_space<vmem_shared>>
      tpu.wait_indirect_dma semaphore(%run_scoped3A_460 : memref<!tpu.dma_semaphore, #tpu.memory_space<semaphore_mem>>) src(%arg12 : memref<64x128xf32, #tpu.memory_space<vmem>>) dst(%dma_wait3A_472 : memref<10240x128xf32, #tpu.memory_space<vmem_shared>>)
      tpu.yield
    }) : () -> ()
    %mul3A_234 = arith.constant 10 : i32
    %mul3A_235 = arith.muli %add3A, %mul3A_234 : i32
    %add3A_236 = arith.constant 9 : i32
    %add3A_237 = arith.addi %mul3A_235, %add3A_236 : i32
    %dma_wait3A_238 = arith.constant 0 : i32
    %dma_wait3A_239 = tpu.memref_slice %arg3[%add3A_237, %dma_wait3A_238] : memref<320x1024xi32, #tpu.memory_space<hbm>> -> memref<1x1024xi32, #tpu.memory_space<hbm>>
    %dma_wait3A_240 = tpu.memref_squeeze %dma_wait3A_239 : memref<1x1024xi32, #tpu.memory_space<hbm>> -> memref<1024xi32, #tpu.memory_space<hbm>>
    %dma_wait3A_241 = arith.constant 0 : i32
    %dma_wait3A_242 = tpu.memref_slice %arg3[%add3A_237, %dma_wait3A_241] : memref<320x1024xi32, #tpu.memory_space<hbm>> -> memref<1x1024xi32, #tpu.memory_space<hbm>>
    %dma_wait3A_243 = tpu.memref_squeeze %dma_wait3A_242 : memref<1x1024xi32, #tpu.memory_space<hbm>> -> memref<1024xi32, #tpu.memory_space<hbm>>
    tpu.wait_dma2 semaphore(%arg22 : memref<!tpu.dma_semaphore, #tpu.memory_space<semaphore_mem>>) src(%dma_wait3A_243 : memref<1024xi32, #tpu.memory_space<hbm>>) dst(%arg9 : memref<1024xi32, #tpu.memory_space<vmem>>)
    %mul3A_244 = arith.constant 10 : i32
    %mul3A_245 = arith.muli %add3A, %mul3A_244 : i32
    %add3A_246 = arith.constant 9 : i32
    %add3A_247 = arith.addi %mul3A_245, %add3A_246 : i32
    %dma_wait3A_248 = arith.constant 0 : i32
    %dma_wait3A_249 = arith.constant 0 : i32
    %dma_wait3A_250 = tpu.memref_slice %arg4[%add3A_247, %dma_wait3A_248, %dma_wait3A_249] : memref<320x16x64xi32, #tpu.memory_space<hbm>> -> memref<1x16x64xi32, #tpu.memory_space<hbm>>
    %dma_wait3A_251 = tpu.memref_squeeze %dma_wait3A_250 : memref<1x16x64xi32, #tpu.memory_space<hbm>> -> memref<16x64xi32, #tpu.memory_space<hbm>>
    %dma_wait3A_252 = arith.constant 0 : i32
    %dma_wait3A_253 = arith.constant 0 : i32
    %dma_wait3A_254 = tpu.memref_slice %arg4[%add3A_247, %dma_wait3A_252, %dma_wait3A_253] : memref<320x16x64xi32, #tpu.memory_space<hbm>> -> memref<1x16x64xi32, #tpu.memory_space<hbm>>
    %dma_wait3A_255 = tpu.memref_squeeze %dma_wait3A_254 : memref<1x16x64xi32, #tpu.memory_space<hbm>> -> memref<16x64xi32, #tpu.memory_space<hbm>>
    tpu.wait_dma2 semaphore(%arg22 : memref<!tpu.dma_semaphore, #tpu.memory_space<semaphore_mem>>) src(%dma_wait3A_255 : memref<16x64xi32, #tpu.memory_space<hbm>>) dst(%arg11 : memref<16x64xi32, #tpu.memory_space<vmem>>)
    %dma_start3A_256 = arith.constant 0 : i32
    %dma_start3A_257 = tpu.memref_slice %arg9[%dma_start3A_256] : memref<1024xi32, #tpu.memory_space<vmem>> -> memref<64xi32, #tpu.memory_space<vmem>>
    %dma_start3A_258 = arith.constant 0 : i32
    %dma_start3A_259 = arith.constant 0 : i32
    %dma_start3A_260 = tpu.memref_slice %arg2[%dma_start3A_258, %dma_start3A_259] : memref<10000x128xf32, #tpu.memory_space<hbm>> -> memref<10000x128xf32, #tpu.memory_space<hbm>>
    tpu.enqueue_indirect_dma source(%dma_start3A_260 : memref<10000x128xf32, #tpu.memory_space<hbm>>) target(%arg12 : memref<64x128xf32, #tpu.memory_space<vmem>>) offsets(%dma_start3A_257 : memref<64xi32, #tpu.memory_space<vmem>>) semaphore(%arg17 : memref<!tpu.dma_semaphore, #tpu.memory_space<semaphore_mem>>)
    %dma_wait3A_261 = arith.constant 832 : i32
    %dma_wait3A_262 = tpu.memref_slice %arg8[%dma_wait3A_261] : memref<1024xi32, #tpu.memory_space<vmem>> -> memref<64xi32, #tpu.memory_space<vmem>>
    %dma_wait3A_263 = arith.constant 0 : i32
    %dma_wait3A_264 = arith.constant 0 : i32
    %dma_wait3A_265 = tpu.memref_slice %arg2[%dma_wait3A_263, %dma_wait3A_264] : memref<10000x128xf32, #tpu.memory_space<hbm>> -> memref<10000x128xf32, #tpu.memory_space<hbm>>
    tpu.wait_indirect_dma semaphore(%arg18 : memref<!tpu.dma_semaphore, #tpu.memory_space<semaphore_mem>>) src(%dma_wait3A_265 : memref<10000x128xf32, #tpu.memory_space<hbm>>) dst(%arg13 : memref<64x128xf32, #tpu.memory_space<vmem>>)
    %run_scoped3A_266 = arith.constant 13 : i32
    "tpu.region"() ({
      %run_scoped3A_460 = tpu.sem_alloc : memref<!tpu.dma_semaphore, #tpu.memory_space<semaphore_mem>>
      %dma_start3A_461 = arith.constant 0 : i32
      %dma_start3A_462 = tpu.memref_slice %arg10[%run_scoped3A_266, %dma_start3A_461] : memref<16x64xi32, #tpu.memory_space<vmem>> -> memref<1x64xi32, #tpu.memory_space<vmem>>
      %dma_start3A_463 = tpu.memref_squeeze %dma_start3A_462 : memref<1x64xi32, #tpu.memory_space<vmem>> -> memref<64xi32, #tpu.memory_space<vmem>>
      %dma_start3A_464 = arith.constant 0 : i32
      %dma_start3A_465 = arith.constant 0 : i32
      %dma_start3A_466 = tpu.memref_slice %arg16[%dma_start3A_464, %dma_start3A_465] : memref<10240x128xf32, #tpu.memory_space<vmem_shared>> -> memref<10240x128xf32, #tpu.memory_space<vmem_shared>>
      tpu.enqueue_indirect_dma source(%arg13 : memref<64x128xf32, #tpu.memory_space<vmem>>) target(%dma_start3A_466 : memref<10240x128xf32, #tpu.memory_space<vmem_shared>>) offsets(%dma_start3A_463 : memref<64xi32, #tpu.memory_space<vmem>>) semaphore(%run_scoped3A_460 : memref<!tpu.dma_semaphore, #tpu.memory_space<semaphore_mem>>) {add = true}
      %dma_wait3A_467 = arith.constant 0 : i32
      %dma_wait3A_468 = tpu.memref_slice %arg10[%run_scoped3A_266, %dma_wait3A_467] : memref<16x64xi32, #tpu.memory_space<vmem>> -> memref<1x64xi32, #tpu.memory_space<vmem>>
      %dma_wait3A_469 = tpu.memref_squeeze %dma_wait3A_468 : memref<1x64xi32, #tpu.memory_space<vmem>> -> memref<64xi32, #tpu.memory_space<vmem>>
      %dma_wait3A_470 = arith.constant 0 : i32
      %dma_wait3A_471 = arith.constant 0 : i32
      %dma_wait3A_472 = tpu.memref_slice %arg16[%dma_wait3A_470, %dma_wait3A_471] : memref<10240x128xf32, #tpu.memory_space<vmem_shared>> -> memref<10240x128xf32, #tpu.memory_space<vmem_shared>>
      tpu.wait_indirect_dma semaphore(%run_scoped3A_460 : memref<!tpu.dma_semaphore, #tpu.memory_space<semaphore_mem>>) src(%arg13 : memref<64x128xf32, #tpu.memory_space<vmem>>) dst(%dma_wait3A_472 : memref<10240x128xf32, #tpu.memory_space<vmem_shared>>)
      tpu.yield
    }) : () -> ()
    %dma_start3A_267 = arith.constant 64 : i32
    %dma_start3A_268 = tpu.memref_slice %arg9[%dma_start3A_267] : memref<1024xi32, #tpu.memory_space<vmem>> -> memref<64xi32, #tpu.memory_space<vmem>>
    %dma_start3A_269 = arith.constant 0 : i32
    %dma_start3A_270 = arith.constant 0 : i32
    %dma_start3A_271 = tpu.memref_slice %arg2[%dma_start3A_269, %dma_start3A_270] : memref<10000x128xf32, #tpu.memory_space<hbm>> -> memref<10000x128xf32, #tpu.memory_space<hbm>>
    tpu.enqueue_indirect_dma source(%dma_start3A_271 : memref<10000x128xf32, #tpu.memory_space<hbm>>) target(%arg13 : memref<64x128xf32, #tpu.memory_space<vmem>>) offsets(%dma_start3A_268 : memref<64xi32, #tpu.memory_space<vmem>>) semaphore(%arg18 : memref<!tpu.dma_semaphore, #tpu.memory_space<semaphore_mem>>)
    %dma_wait3A_272 = arith.constant 896 : i32
    %dma_wait3A_273 = tpu.memref_slice %arg8[%dma_wait3A_272] : memref<1024xi32, #tpu.memory_space<vmem>> -> memref<64xi32, #tpu.memory_space<vmem>>
    %dma_wait3A_274 = arith.constant 0 : i32
    %dma_wait3A_275 = arith.constant 0 : i32
    %dma_wait3A_276 = tpu.memref_slice %arg2[%dma_wait3A_274, %dma_wait3A_275] : memref<10000x128xf32, #tpu.memory_space<hbm>> -> memref<10000x128xf32, #tpu.memory_space<hbm>>
    tpu.wait_indirect_dma semaphore(%arg19 : memref<!tpu.dma_semaphore, #tpu.memory_space<semaphore_mem>>) src(%dma_wait3A_276 : memref<10000x128xf32, #tpu.memory_space<hbm>>) dst(%arg14 : memref<64x128xf32, #tpu.memory_space<vmem>>)
    %run_scoped3A_277 = arith.constant 14 : i32
    "tpu.region"() ({
      %run_scoped3A_460 = tpu.sem_alloc : memref<!tpu.dma_semaphore, #tpu.memory_space<semaphore_mem>>
      %dma_start3A_461 = arith.constant 0 : i32
      %dma_start3A_462 = tpu.memref_slice %arg10[%run_scoped3A_277, %dma_start3A_461] : memref<16x64xi32, #tpu.memory_space<vmem>> -> memref<1x64xi32, #tpu.memory_space<vmem>>
      %dma_start3A_463 = tpu.memref_squeeze %dma_start3A_462 : memref<1x64xi32, #tpu.memory_space<vmem>> -> memref<64xi32, #tpu.memory_space<vmem>>
      %dma_start3A_464 = arith.constant 0 : i32
      %dma_start3A_465 = arith.constant 0 : i32
      %dma_start3A_466 = tpu.memref_slice %arg16[%dma_start3A_464, %dma_start3A_465] : memref<10240x128xf32, #tpu.memory_space<vmem_shared>> -> memref<10240x128xf32, #tpu.memory_space<vmem_shared>>
      tpu.enqueue_indirect_dma source(%arg14 : memref<64x128xf32, #tpu.memory_space<vmem>>) target(%dma_start3A_466 : memref<10240x128xf32, #tpu.memory_space<vmem_shared>>) offsets(%dma_start3A_463 : memref<64xi32, #tpu.memory_space<vmem>>) semaphore(%run_scoped3A_460 : memref<!tpu.dma_semaphore, #tpu.memory_space<semaphore_mem>>) {add = true}
      %dma_wait3A_467 = arith.constant 0 : i32
      %dma_wait3A_468 = tpu.memref_slice %arg10[%run_scoped3A_277, %dma_wait3A_467] : memref<16x64xi32, #tpu.memory_space<vmem>> -> memref<1x64xi32, #tpu.memory_space<vmem>>
      %dma_wait3A_469 = tpu.memref_squeeze %dma_wait3A_468 : memref<1x64xi32, #tpu.memory_space<vmem>> -> memref<64xi32, #tpu.memory_space<vmem>>
      %dma_wait3A_470 = arith.constant 0 : i32
      %dma_wait3A_471 = arith.constant 0 : i32
      %dma_wait3A_472 = tpu.memref_slice %arg16[%dma_wait3A_470, %dma_wait3A_471] : memref<10240x128xf32, #tpu.memory_space<vmem_shared>> -> memref<10240x128xf32, #tpu.memory_space<vmem_shared>>
      tpu.wait_indirect_dma semaphore(%run_scoped3A_460 : memref<!tpu.dma_semaphore, #tpu.memory_space<semaphore_mem>>) src(%arg14 : memref<64x128xf32, #tpu.memory_space<vmem>>) dst(%dma_wait3A_472 : memref<10240x128xf32, #tpu.memory_space<vmem_shared>>)
      tpu.yield
    }) : () -> ()
    %dma_start3A_278 = arith.constant 128 : i32
    %dma_start3A_279 = tpu.memref_slice %arg9[%dma_start3A_278] : memref<1024xi32, #tpu.memory_space<vmem>> -> memref<64xi32, #tpu.memory_space<vmem>>
    %dma_start3A_280 = arith.constant 0 : i32
    %dma_start3A_281 = arith.constant 0 : i32
    %dma_start3A_282 = tpu.memref_slice %arg2[%dma_start3A_280, %dma_start3A_281] : memref<10000x128xf32, #tpu.memory_space<hbm>> -> memref<10000x128xf32, #tpu.memory_space<hbm>>
    tpu.enqueue_indirect_dma source(%dma_start3A_282 : memref<10000x128xf32, #tpu.memory_space<hbm>>) target(%arg14 : memref<64x128xf32, #tpu.memory_space<vmem>>) offsets(%dma_start3A_279 : memref<64xi32, #tpu.memory_space<vmem>>) semaphore(%arg19 : memref<!tpu.dma_semaphore, #tpu.memory_space<semaphore_mem>>)
    %dma_wait3A_283 = arith.constant 960 : i32
    %dma_wait3A_284 = tpu.memref_slice %arg8[%dma_wait3A_283] : memref<1024xi32, #tpu.memory_space<vmem>> -> memref<64xi32, #tpu.memory_space<vmem>>
    %dma_wait3A_285 = arith.constant 0 : i32
    %dma_wait3A_286 = arith.constant 0 : i32
    %dma_wait3A_287 = tpu.memref_slice %arg2[%dma_wait3A_285, %dma_wait3A_286] : memref<10000x128xf32, #tpu.memory_space<hbm>> -> memref<10000x128xf32, #tpu.memory_space<hbm>>
    tpu.wait_indirect_dma semaphore(%arg20 : memref<!tpu.dma_semaphore, #tpu.memory_space<semaphore_mem>>) src(%dma_wait3A_287 : memref<10000x128xf32, #tpu.memory_space<hbm>>) dst(%arg15 : memref<64x128xf32, #tpu.memory_space<vmem>>)
    %run_scoped3A_288 = arith.constant 15 : i32
    "tpu.region"() ({
      %run_scoped3A_460 = tpu.sem_alloc : memref<!tpu.dma_semaphore, #tpu.memory_space<semaphore_mem>>
      %dma_start3A_461 = arith.constant 0 : i32
      %dma_start3A_462 = tpu.memref_slice %arg10[%run_scoped3A_288, %dma_start3A_461] : memref<16x64xi32, #tpu.memory_space<vmem>> -> memref<1x64xi32, #tpu.memory_space<vmem>>
      %dma_start3A_463 = tpu.memref_squeeze %dma_start3A_462 : memref<1x64xi32, #tpu.memory_space<vmem>> -> memref<64xi32, #tpu.memory_space<vmem>>
      %dma_start3A_464 = arith.constant 0 : i32
      %dma_start3A_465 = arith.constant 0 : i32
      %dma_start3A_466 = tpu.memref_slice %arg16[%dma_start3A_464, %dma_start3A_465] : memref<10240x128xf32, #tpu.memory_space<vmem_shared>> -> memref<10240x128xf32, #tpu.memory_space<vmem_shared>>
      tpu.enqueue_indirect_dma source(%arg15 : memref<64x128xf32, #tpu.memory_space<vmem>>) target(%dma_start3A_466 : memref<10240x128xf32, #tpu.memory_space<vmem_shared>>) offsets(%dma_start3A_463 : memref<64xi32, #tpu.memory_space<vmem>>) semaphore(%run_scoped3A_460 : memref<!tpu.dma_semaphore, #tpu.memory_space<semaphore_mem>>) {add = true}
      %dma_wait3A_467 = arith.constant 0 : i32
      %dma_wait3A_468 = tpu.memref_slice %arg10[%run_scoped3A_288, %dma_wait3A_467] : memref<16x64xi32, #tpu.memory_space<vmem>> -> memref<1x64xi32, #tpu.memory_space<vmem>>
      %dma_wait3A_469 = tpu.memref_squeeze %dma_wait3A_468 : memref<1x64xi32, #tpu.memory_space<vmem>> -> memref<64xi32, #tpu.memory_space<vmem>>
      %dma_wait3A_470 = arith.constant 0 : i32
      %dma_wait3A_471 = arith.constant 0 : i32
      %dma_wait3A_472 = tpu.memref_slice %arg16[%dma_wait3A_470, %dma_wait3A_471] : memref<10240x128xf32, #tpu.memory_space<vmem_shared>> -> memref<10240x128xf32, #tpu.memory_space<vmem_shared>>
      tpu.wait_indirect_dma semaphore(%run_scoped3A_460 : memref<!tpu.dma_semaphore, #tpu.memory_space<semaphore_mem>>) src(%arg15 : memref<64x128xf32, #tpu.memory_space<vmem>>) dst(%dma_wait3A_472 : memref<10240x128xf32, #tpu.memory_space<vmem_shared>>)
      tpu.yield
    }) : () -> ()
    %dma_start3A_289 = arith.constant 192 : i32
    %dma_start3A_290 = tpu.memref_slice %arg9[%dma_start3A_289] : memref<1024xi32, #tpu.memory_space<vmem>> -> memref<64xi32, #tpu.memory_space<vmem>>
    %dma_start3A_291 = arith.constant 0 : i32
    %dma_start3A_292 = arith.constant 0 : i32
    %dma_start3A_293 = tpu.memref_slice %arg2[%dma_start3A_291, %dma_start3A_292] : memref<10000x128xf32, #tpu.memory_space<hbm>> -> memref<10000x128xf32, #tpu.memory_space<hbm>>
    tpu.enqueue_indirect_dma source(%dma_start3A_293 : memref<10000x128xf32, #tpu.memory_space<hbm>>) target(%arg15 : memref<64x128xf32, #tpu.memory_space<vmem>>) offsets(%dma_start3A_290 : memref<64xi32, #tpu.memory_space<vmem>>) semaphore(%arg20 : memref<!tpu.dma_semaphore, #tpu.memory_space<semaphore_mem>>)
    %dma_wait3A_294 = arith.constant 0 : i32
    %dma_wait3A_295 = tpu.memref_slice %arg9[%dma_wait3A_294] : memref<1024xi32, #tpu.memory_space<vmem>> -> memref<64xi32, #tpu.memory_space<vmem>>
    %dma_wait3A_296 = arith.constant 0 : i32
    %dma_wait3A_297 = arith.constant 0 : i32
    %dma_wait3A_298 = tpu.memref_slice %arg2[%dma_wait3A_296, %dma_wait3A_297] : memref<10000x128xf32, #tpu.memory_space<hbm>> -> memref<10000x128xf32, #tpu.memory_space<hbm>>
    tpu.wait_indirect_dma semaphore(%arg17 : memref<!tpu.dma_semaphore, #tpu.memory_space<semaphore_mem>>) src(%dma_wait3A_298 : memref<10000x128xf32, #tpu.memory_space<hbm>>) dst(%arg12 : memref<64x128xf32, #tpu.memory_space<vmem>>)
    %run_scoped3A_299 = arith.constant 0 : i32
    "tpu.region"() ({
      %run_scoped3A_460 = tpu.sem_alloc : memref<!tpu.dma_semaphore, #tpu.memory_space<semaphore_mem>>
      %dma_start3A_461 = arith.constant 0 : i32
      %dma_start3A_462 = tpu.memref_slice %arg11[%run_scoped3A_299, %dma_start3A_461] : memref<16x64xi32, #tpu.memory_space<vmem>> -> memref<1x64xi32, #tpu.memory_space<vmem>>
      %dma_start3A_463 = tpu.memref_squeeze %dma_start3A_462 : memref<1x64xi32, #tpu.memory_space<vmem>> -> memref<64xi32, #tpu.memory_space<vmem>>
      %dma_start3A_464 = arith.constant 0 : i32
      %dma_start3A_465 = arith.constant 0 : i32
      %dma_start3A_466 = tpu.memref_slice %arg16[%dma_start3A_464, %dma_start3A_465] : memref<10240x128xf32, #tpu.memory_space<vmem_shared>> -> memref<10240x128xf32, #tpu.memory_space<vmem_shared>>
      tpu.enqueue_indirect_dma source(%arg12 : memref<64x128xf32, #tpu.memory_space<vmem>>) target(%dma_start3A_466 : memref<10240x128xf32, #tpu.memory_space<vmem_shared>>) offsets(%dma_start3A_463 : memref<64xi32, #tpu.memory_space<vmem>>) semaphore(%run_scoped3A_460 : memref<!tpu.dma_semaphore, #tpu.memory_space<semaphore_mem>>) {add = true}
      %dma_wait3A_467 = arith.constant 0 : i32
      %dma_wait3A_468 = tpu.memref_slice %arg11[%run_scoped3A_299, %dma_wait3A_467] : memref<16x64xi32, #tpu.memory_space<vmem>> -> memref<1x64xi32, #tpu.memory_space<vmem>>
      %dma_wait3A_469 = tpu.memref_squeeze %dma_wait3A_468 : memref<1x64xi32, #tpu.memory_space<vmem>> -> memref<64xi32, #tpu.memory_space<vmem>>
      %dma_wait3A_470 = arith.constant 0 : i32
      %dma_wait3A_471 = arith.constant 0 : i32
      %dma_wait3A_472 = tpu.memref_slice %arg16[%dma_wait3A_470, %dma_wait3A_471] : memref<10240x128xf32, #tpu.memory_space<vmem_shared>> -> memref<10240x128xf32, #tpu.memory_space<vmem_shared>>
      tpu.wait_indirect_dma semaphore(%run_scoped3A_460 : memref<!tpu.dma_semaphore, #tpu.memory_space<semaphore_mem>>) src(%arg12 : memref<64x128xf32, #tpu.memory_space<vmem>>) dst(%dma_wait3A_472 : memref<10240x128xf32, #tpu.memory_space<vmem_shared>>)
      tpu.yield
    }) : () -> ()
    %dma_start3A_300 = arith.constant 256 : i32
    %dma_start3A_301 = tpu.memref_slice %arg9[%dma_start3A_300] : memref<1024xi32, #tpu.memory_space<vmem>> -> memref<64xi32, #tpu.memory_space<vmem>>
    %dma_start3A_302 = arith.constant 0 : i32
    %dma_start3A_303 = arith.constant 0 : i32
    %dma_start3A_304 = tpu.memref_slice %arg2[%dma_start3A_302, %dma_start3A_303] : memref<10000x128xf32, #tpu.memory_space<hbm>> -> memref<10000x128xf32, #tpu.memory_space<hbm>>
    tpu.enqueue_indirect_dma source(%dma_start3A_304 : memref<10000x128xf32, #tpu.memory_space<hbm>>) target(%arg12 : memref<64x128xf32, #tpu.memory_space<vmem>>) offsets(%dma_start3A_301 : memref<64xi32, #tpu.memory_space<vmem>>) semaphore(%arg17 : memref<!tpu.dma_semaphore, #tpu.memory_space<semaphore_mem>>)
    %dma_wait3A_305 = arith.constant 64 : i32
    %dma_wait3A_306 = tpu.memref_slice %arg9[%dma_wait3A_305] : memref<1024xi32, #tpu.memory_space<vmem>> -> memref<64xi32, #tpu.memory_space<vmem>>
    %dma_wait3A_307 = arith.constant 0 : i32
    %dma_wait3A_308 = arith.constant 0 : i32
    %dma_wait3A_309 = tpu.memref_slice %arg2[%dma_wait3A_307, %dma_wait3A_308] : memref<10000x128xf32, #tpu.memory_space<hbm>> -> memref<10000x128xf32, #tpu.memory_space<hbm>>
    tpu.wait_indirect_dma semaphore(%arg18 : memref<!tpu.dma_semaphore, #tpu.memory_space<semaphore_mem>>) src(%dma_wait3A_309 : memref<10000x128xf32, #tpu.memory_space<hbm>>) dst(%arg13 : memref<64x128xf32, #tpu.memory_space<vmem>>)
    %run_scoped3A_310 = arith.constant 1 : i32
    "tpu.region"() ({
      %run_scoped3A_460 = tpu.sem_alloc : memref<!tpu.dma_semaphore, #tpu.memory_space<semaphore_mem>>
      %dma_start3A_461 = arith.constant 0 : i32
      %dma_start3A_462 = tpu.memref_slice %arg11[%run_scoped3A_310, %dma_start3A_461] : memref<16x64xi32, #tpu.memory_space<vmem>> -> memref<1x64xi32, #tpu.memory_space<vmem>>
      %dma_start3A_463 = tpu.memref_squeeze %dma_start3A_462 : memref<1x64xi32, #tpu.memory_space<vmem>> -> memref<64xi32, #tpu.memory_space<vmem>>
      %dma_start3A_464 = arith.constant 0 : i32
      %dma_start3A_465 = arith.constant 0 : i32
      %dma_start3A_466 = tpu.memref_slice %arg16[%dma_start3A_464, %dma_start3A_465] : memref<10240x128xf32, #tpu.memory_space<vmem_shared>> -> memref<10240x128xf32, #tpu.memory_space<vmem_shared>>
      tpu.enqueue_indirect_dma source(%arg13 : memref<64x128xf32, #tpu.memory_space<vmem>>) target(%dma_start3A_466 : memref<10240x128xf32, #tpu.memory_space<vmem_shared>>) offsets(%dma_start3A_463 : memref<64xi32, #tpu.memory_space<vmem>>) semaphore(%run_scoped3A_460 : memref<!tpu.dma_semaphore, #tpu.memory_space<semaphore_mem>>) {add = true}
      %dma_wait3A_467 = arith.constant 0 : i32
      %dma_wait3A_468 = tpu.memref_slice %arg11[%run_scoped3A_310, %dma_wait3A_467] : memref<16x64xi32, #tpu.memory_space<vmem>> -> memref<1x64xi32, #tpu.memory_space<vmem>>
      %dma_wait3A_469 = tpu.memref_squeeze %dma_wait3A_468 : memref<1x64xi32, #tpu.memory_space<vmem>> -> memref<64xi32, #tpu.memory_space<vmem>>
      %dma_wait3A_470 = arith.constant 0 : i32
      %dma_wait3A_471 = arith.constant 0 : i32
      %dma_wait3A_472 = tpu.memref_slice %arg16[%dma_wait3A_470, %dma_wait3A_471] : memref<10240x128xf32, #tpu.memory_space<vmem_shared>> -> memref<10240x128xf32, #tpu.memory_space<vmem_shared>>
      tpu.wait_indirect_dma semaphore(%run_scoped3A_460 : memref<!tpu.dma_semaphore, #tpu.memory_space<semaphore_mem>>) src(%arg13 : memref<64x128xf32, #tpu.memory_space<vmem>>) dst(%dma_wait3A_472 : memref<10240x128xf32, #tpu.memory_space<vmem_shared>>)
      tpu.yield
    }) : () -> ()
    %dma_start3A_311 = arith.constant 320 : i32
    %dma_start3A_312 = tpu.memref_slice %arg9[%dma_start3A_311] : memref<1024xi32, #tpu.memory_space<vmem>> -> memref<64xi32, #tpu.memory_space<vmem>>
    %dma_start3A_313 = arith.constant 0 : i32
    %dma_start3A_314 = arith.constant 0 : i32
    %dma_start3A_315 = tpu.memref_slice %arg2[%dma_start3A_313, %dma_start3A_314] : memref<10000x128xf32, #tpu.memory_space<hbm>> -> memref<10000x128xf32, #tpu.memory_space<hbm>>
    tpu.enqueue_indirect_dma source(%dma_start3A_315 : memref<10000x128xf32, #tpu.memory_space<hbm>>) target(%arg13 : memref<64x128xf32, #tpu.memory_space<vmem>>) offsets(%dma_start3A_312 : memref<64xi32, #tpu.memory_space<vmem>>) semaphore(%arg18 : memref<!tpu.dma_semaphore, #tpu.memory_space<semaphore_mem>>)
    %dma_wait3A_316 = arith.constant 128 : i32
    %dma_wait3A_317 = tpu.memref_slice %arg9[%dma_wait3A_316] : memref<1024xi32, #tpu.memory_space<vmem>> -> memref<64xi32, #tpu.memory_space<vmem>>
    %dma_wait3A_318 = arith.constant 0 : i32
    %dma_wait3A_319 = arith.constant 0 : i32
    %dma_wait3A_320 = tpu.memref_slice %arg2[%dma_wait3A_318, %dma_wait3A_319] : memref<10000x128xf32, #tpu.memory_space<hbm>> -> memref<10000x128xf32, #tpu.memory_space<hbm>>
    tpu.wait_indirect_dma semaphore(%arg19 : memref<!tpu.dma_semaphore, #tpu.memory_space<semaphore_mem>>) src(%dma_wait3A_320 : memref<10000x128xf32, #tpu.memory_space<hbm>>) dst(%arg14 : memref<64x128xf32, #tpu.memory_space<vmem>>)
    %run_scoped3A_321 = arith.constant 2 : i32
    "tpu.region"() ({
      %run_scoped3A_460 = tpu.sem_alloc : memref<!tpu.dma_semaphore, #tpu.memory_space<semaphore_mem>>
      %dma_start3A_461 = arith.constant 0 : i32
      %dma_start3A_462 = tpu.memref_slice %arg11[%run_scoped3A_321, %dma_start3A_461] : memref<16x64xi32, #tpu.memory_space<vmem>> -> memref<1x64xi32, #tpu.memory_space<vmem>>
      %dma_start3A_463 = tpu.memref_squeeze %dma_start3A_462 : memref<1x64xi32, #tpu.memory_space<vmem>> -> memref<64xi32, #tpu.memory_space<vmem>>
      %dma_start3A_464 = arith.constant 0 : i32
      %dma_start3A_465 = arith.constant 0 : i32
      %dma_start3A_466 = tpu.memref_slice %arg16[%dma_start3A_464, %dma_start3A_465] : memref<10240x128xf32, #tpu.memory_space<vmem_shared>> -> memref<10240x128xf32, #tpu.memory_space<vmem_shared>>
      tpu.enqueue_indirect_dma source(%arg14 : memref<64x128xf32, #tpu.memory_space<vmem>>) target(%dma_start3A_466 : memref<10240x128xf32, #tpu.memory_space<vmem_shared>>) offsets(%dma_start3A_463 : memref<64xi32, #tpu.memory_space<vmem>>) semaphore(%run_scoped3A_460 : memref<!tpu.dma_semaphore, #tpu.memory_space<semaphore_mem>>) {add = true}
      %dma_wait3A_467 = arith.constant 0 : i32
      %dma_wait3A_468 = tpu.memref_slice %arg11[%run_scoped3A_321, %dma_wait3A_467] : memref<16x64xi32, #tpu.memory_space<vmem>> -> memref<1x64xi32, #tpu.memory_space<vmem>>
      %dma_wait3A_469 = tpu.memref_squeeze %dma_wait3A_468 : memref<1x64xi32, #tpu.memory_space<vmem>> -> memref<64xi32, #tpu.memory_space<vmem>>
      %dma_wait3A_470 = arith.constant 0 : i32
      %dma_wait3A_471 = arith.constant 0 : i32
      %dma_wait3A_472 = tpu.memref_slice %arg16[%dma_wait3A_470, %dma_wait3A_471] : memref<10240x128xf32, #tpu.memory_space<vmem_shared>> -> memref<10240x128xf32, #tpu.memory_space<vmem_shared>>
      tpu.wait_indirect_dma semaphore(%run_scoped3A_460 : memref<!tpu.dma_semaphore, #tpu.memory_space<semaphore_mem>>) src(%arg14 : memref<64x128xf32, #tpu.memory_space<vmem>>) dst(%dma_wait3A_472 : memref<10240x128xf32, #tpu.memory_space<vmem_shared>>)
      tpu.yield
    }) : () -> ()
    %dma_start3A_322 = arith.constant 384 : i32
    %dma_start3A_323 = tpu.memref_slice %arg9[%dma_start3A_322] : memref<1024xi32, #tpu.memory_space<vmem>> -> memref<64xi32, #tpu.memory_space<vmem>>
    %dma_start3A_324 = arith.constant 0 : i32
    %dma_start3A_325 = arith.constant 0 : i32
    %dma_start3A_326 = tpu.memref_slice %arg2[%dma_start3A_324, %dma_start3A_325] : memref<10000x128xf32, #tpu.memory_space<hbm>> -> memref<10000x128xf32, #tpu.memory_space<hbm>>
    tpu.enqueue_indirect_dma source(%dma_start3A_326 : memref<10000x128xf32, #tpu.memory_space<hbm>>) target(%arg14 : memref<64x128xf32, #tpu.memory_space<vmem>>) offsets(%dma_start3A_323 : memref<64xi32, #tpu.memory_space<vmem>>) semaphore(%arg19 : memref<!tpu.dma_semaphore, #tpu.memory_space<semaphore_mem>>)
    %dma_wait3A_327 = arith.constant 192 : i32
    %dma_wait3A_328 = tpu.memref_slice %arg9[%dma_wait3A_327] : memref<1024xi32, #tpu.memory_space<vmem>> -> memref<64xi32, #tpu.memory_space<vmem>>
    %dma_wait3A_329 = arith.constant 0 : i32
    %dma_wait3A_330 = arith.constant 0 : i32
    %dma_wait3A_331 = tpu.memref_slice %arg2[%dma_wait3A_329, %dma_wait3A_330] : memref<10000x128xf32, #tpu.memory_space<hbm>> -> memref<10000x128xf32, #tpu.memory_space<hbm>>
    tpu.wait_indirect_dma semaphore(%arg20 : memref<!tpu.dma_semaphore, #tpu.memory_space<semaphore_mem>>) src(%dma_wait3A_331 : memref<10000x128xf32, #tpu.memory_space<hbm>>) dst(%arg15 : memref<64x128xf32, #tpu.memory_space<vmem>>)
    %run_scoped3A_332 = arith.constant 3 : i32
    "tpu.region"() ({
      %run_scoped3A_460 = tpu.sem_alloc : memref<!tpu.dma_semaphore, #tpu.memory_space<semaphore_mem>>
      %dma_start3A_461 = arith.constant 0 : i32
      %dma_start3A_462 = tpu.memref_slice %arg11[%run_scoped3A_332, %dma_start3A_461] : memref<16x64xi32, #tpu.memory_space<vmem>> -> memref<1x64xi32, #tpu.memory_space<vmem>>
      %dma_start3A_463 = tpu.memref_squeeze %dma_start3A_462 : memref<1x64xi32, #tpu.memory_space<vmem>> -> memref<64xi32, #tpu.memory_space<vmem>>
      %dma_start3A_464 = arith.constant 0 : i32
      %dma_start3A_465 = arith.constant 0 : i32
      %dma_start3A_466 = tpu.memref_slice %arg16[%dma_start3A_464, %dma_start3A_465] : memref<10240x128xf32, #tpu.memory_space<vmem_shared>> -> memref<10240x128xf32, #tpu.memory_space<vmem_shared>>
      tpu.enqueue_indirect_dma source(%arg15 : memref<64x128xf32, #tpu.memory_space<vmem>>) target(%dma_start3A_466 : memref<10240x128xf32, #tpu.memory_space<vmem_shared>>) offsets(%dma_start3A_463 : memref<64xi32, #tpu.memory_space<vmem>>) semaphore(%run_scoped3A_460 : memref<!tpu.dma_semaphore, #tpu.memory_space<semaphore_mem>>) {add = true}
      %dma_wait3A_467 = arith.constant 0 : i32
      %dma_wait3A_468 = tpu.memref_slice %arg11[%run_scoped3A_332, %dma_wait3A_467] : memref<16x64xi32, #tpu.memory_space<vmem>> -> memref<1x64xi32, #tpu.memory_space<vmem>>
      %dma_wait3A_469 = tpu.memref_squeeze %dma_wait3A_468 : memref<1x64xi32, #tpu.memory_space<vmem>> -> memref<64xi32, #tpu.memory_space<vmem>>
      %dma_wait3A_470 = arith.constant 0 : i32
      %dma_wait3A_471 = arith.constant 0 : i32
      %dma_wait3A_472 = tpu.memref_slice %arg16[%dma_wait3A_470, %dma_wait3A_471] : memref<10240x128xf32, #tpu.memory_space<vmem_shared>> -> memref<10240x128xf32, #tpu.memory_space<vmem_shared>>
      tpu.wait_indirect_dma semaphore(%run_scoped3A_460 : memref<!tpu.dma_semaphore, #tpu.memory_space<semaphore_mem>>) src(%arg15 : memref<64x128xf32, #tpu.memory_space<vmem>>) dst(%dma_wait3A_472 : memref<10240x128xf32, #tpu.memory_space<vmem_shared>>)
      tpu.yield
    }) : () -> ()
    %dma_start3A_333 = arith.constant 448 : i32
    %dma_start3A_334 = tpu.memref_slice %arg9[%dma_start3A_333] : memref<1024xi32, #tpu.memory_space<vmem>> -> memref<64xi32, #tpu.memory_space<vmem>>
    %dma_start3A_335 = arith.constant 0 : i32
    %dma_start3A_336 = arith.constant 0 : i32
    %dma_start3A_337 = tpu.memref_slice %arg2[%dma_start3A_335, %dma_start3A_336] : memref<10000x128xf32, #tpu.memory_space<hbm>> -> memref<10000x128xf32, #tpu.memory_space<hbm>>
    tpu.enqueue_indirect_dma source(%dma_start3A_337 : memref<10000x128xf32, #tpu.memory_space<hbm>>) target(%arg15 : memref<64x128xf32, #tpu.memory_space<vmem>>) offsets(%dma_start3A_334 : memref<64xi32, #tpu.memory_space<vmem>>) semaphore(%arg20 : memref<!tpu.dma_semaphore, #tpu.memory_space<semaphore_mem>>)
    %dma_wait3A_338 = arith.constant 256 : i32
    %dma_wait3A_339 = tpu.memref_slice %arg9[%dma_wait3A_338] : memref<1024xi32, #tpu.memory_space<vmem>> -> memref<64xi32, #tpu.memory_space<vmem>>
    %dma_wait3A_340 = arith.constant 0 : i32
    %dma_wait3A_341 = arith.constant 0 : i32
    %dma_wait3A_342 = tpu.memref_slice %arg2[%dma_wait3A_340, %dma_wait3A_341] : memref<10000x128xf32, #tpu.memory_space<hbm>> -> memref<10000x128xf32, #tpu.memory_space<hbm>>
    tpu.wait_indirect_dma semaphore(%arg17 : memref<!tpu.dma_semaphore, #tpu.memory_space<semaphore_mem>>) src(%dma_wait3A_342 : memref<10000x128xf32, #tpu.memory_space<hbm>>) dst(%arg12 : memref<64x128xf32, #tpu.memory_space<vmem>>)
    %run_scoped3A_343 = arith.constant 4 : i32
    "tpu.region"() ({
      %run_scoped3A_460 = tpu.sem_alloc : memref<!tpu.dma_semaphore, #tpu.memory_space<semaphore_mem>>
      %dma_start3A_461 = arith.constant 0 : i32
      %dma_start3A_462 = tpu.memref_slice %arg11[%run_scoped3A_343, %dma_start3A_461] : memref<16x64xi32, #tpu.memory_space<vmem>> -> memref<1x64xi32, #tpu.memory_space<vmem>>
      %dma_start3A_463 = tpu.memref_squeeze %dma_start3A_462 : memref<1x64xi32, #tpu.memory_space<vmem>> -> memref<64xi32, #tpu.memory_space<vmem>>
      %dma_start3A_464 = arith.constant 0 : i32
      %dma_start3A_465 = arith.constant 0 : i32
      %dma_start3A_466 = tpu.memref_slice %arg16[%dma_start3A_464, %dma_start3A_465] : memref<10240x128xf32, #tpu.memory_space<vmem_shared>> -> memref<10240x128xf32, #tpu.memory_space<vmem_shared>>
      tpu.enqueue_indirect_dma source(%arg12 : memref<64x128xf32, #tpu.memory_space<vmem>>) target(%dma_start3A_466 : memref<10240x128xf32, #tpu.memory_space<vmem_shared>>) offsets(%dma_start3A_463 : memref<64xi32, #tpu.memory_space<vmem>>) semaphore(%run_scoped3A_460 : memref<!tpu.dma_semaphore, #tpu.memory_space<semaphore_mem>>) {add = true}
      %dma_wait3A_467 = arith.constant 0 : i32
      %dma_wait3A_468 = tpu.memref_slice %arg11[%run_scoped3A_343, %dma_wait3A_467] : memref<16x64xi32, #tpu.memory_space<vmem>> -> memref<1x64xi32, #tpu.memory_space<vmem>>
      %dma_wait3A_469 = tpu.memref_squeeze %dma_wait3A_468 : memref<1x64xi32, #tpu.memory_space<vmem>> -> memref<64xi32, #tpu.memory_space<vmem>>
      %dma_wait3A_470 = arith.constant 0 : i32
      %dma_wait3A_471 = arith.constant 0 : i32
      %dma_wait3A_472 = tpu.memref_slice %arg16[%dma_wait3A_470, %dma_wait3A_471] : memref<10240x128xf32, #tpu.memory_space<vmem_shared>> -> memref<10240x128xf32, #tpu.memory_space<vmem_shared>>
      tpu.wait_indirect_dma semaphore(%run_scoped3A_460 : memref<!tpu.dma_semaphore, #tpu.memory_space<semaphore_mem>>) src(%arg12 : memref<64x128xf32, #tpu.memory_space<vmem>>) dst(%dma_wait3A_472 : memref<10240x128xf32, #tpu.memory_space<vmem_shared>>)
      tpu.yield
    }) : () -> ()
    %dma_start3A_344 = arith.constant 512 : i32
    %dma_start3A_345 = tpu.memref_slice %arg9[%dma_start3A_344] : memref<1024xi32, #tpu.memory_space<vmem>> -> memref<64xi32, #tpu.memory_space<vmem>>
    %dma_start3A_346 = arith.constant 0 : i32
    %dma_start3A_347 = arith.constant 0 : i32
    %dma_start3A_348 = tpu.memref_slice %arg2[%dma_start3A_346, %dma_start3A_347] : memref<10000x128xf32, #tpu.memory_space<hbm>> -> memref<10000x128xf32, #tpu.memory_space<hbm>>
    tpu.enqueue_indirect_dma source(%dma_start3A_348 : memref<10000x128xf32, #tpu.memory_space<hbm>>) target(%arg12 : memref<64x128xf32, #tpu.memory_space<vmem>>) offsets(%dma_start3A_345 : memref<64xi32, #tpu.memory_space<vmem>>) semaphore(%arg17 : memref<!tpu.dma_semaphore, #tpu.memory_space<semaphore_mem>>)
    %dma_wait3A_349 = arith.constant 320 : i32
    %dma_wait3A_350 = tpu.memref_slice %arg9[%dma_wait3A_349] : memref<1024xi32, #tpu.memory_space<vmem>> -> memref<64xi32, #tpu.memory_space<vmem>>
    %dma_wait3A_351 = arith.constant 0 : i32
    %dma_wait3A_352 = arith.constant 0 : i32
    %dma_wait3A_353 = tpu.memref_slice %arg2[%dma_wait3A_351, %dma_wait3A_352] : memref<10000x128xf32, #tpu.memory_space<hbm>> -> memref<10000x128xf32, #tpu.memory_space<hbm>>
    tpu.wait_indirect_dma semaphore(%arg18 : memref<!tpu.dma_semaphore, #tpu.memory_space<semaphore_mem>>) src(%dma_wait3A_353 : memref<10000x128xf32, #tpu.memory_space<hbm>>) dst(%arg13 : memref<64x128xf32, #tpu.memory_space<vmem>>)
    %run_scoped3A_354 = arith.constant 5 : i32
    "tpu.region"() ({
      %run_scoped3A_460 = tpu.sem_alloc : memref<!tpu.dma_semaphore, #tpu.memory_space<semaphore_mem>>
      %dma_start3A_461 = arith.constant 0 : i32
      %dma_start3A_462 = tpu.memref_slice %arg11[%run_scoped3A_354, %dma_start3A_461] : memref<16x64xi32, #tpu.memory_space<vmem>> -> memref<1x64xi32, #tpu.memory_space<vmem>>
      %dma_start3A_463 = tpu.memref_squeeze %dma_start3A_462 : memref<1x64xi32, #tpu.memory_space<vmem>> -> memref<64xi32, #tpu.memory_space<vmem>>
      %dma_start3A_464 = arith.constant 0 : i32
      %dma_start3A_465 = arith.constant 0 : i32
      %dma_start3A_466 = tpu.memref_slice %arg16[%dma_start3A_464, %dma_start3A_465] : memref<10240x128xf32, #tpu.memory_space<vmem_shared>> -> memref<10240x128xf32, #tpu.memory_space<vmem_shared>>
      tpu.enqueue_indirect_dma source(%arg13 : memref<64x128xf32, #tpu.memory_space<vmem>>) target(%dma_start3A_466 : memref<10240x128xf32, #tpu.memory_space<vmem_shared>>) offsets(%dma_start3A_463 : memref<64xi32, #tpu.memory_space<vmem>>) semaphore(%run_scoped3A_460 : memref<!tpu.dma_semaphore, #tpu.memory_space<semaphore_mem>>) {add = true}
      %dma_wait3A_467 = arith.constant 0 : i32
      %dma_wait3A_468 = tpu.memref_slice %arg11[%run_scoped3A_354, %dma_wait3A_467] : memref<16x64xi32, #tpu.memory_space<vmem>> -> memref<1x64xi32, #tpu.memory_space<vmem>>
      %dma_wait3A_469 = tpu.memref_squeeze %dma_wait3A_468 : memref<1x64xi32, #tpu.memory_space<vmem>> -> memref<64xi32, #tpu.memory_space<vmem>>
      %dma_wait3A_470 = arith.constant 0 : i32
      %dma_wait3A_471 = arith.constant 0 : i32
      %dma_wait3A_472 = tpu.memref_slice %arg16[%dma_wait3A_470, %dma_wait3A_471] : memref<10240x128xf32, #tpu.memory_space<vmem_shared>> -> memref<10240x128xf32, #tpu.memory_space<vmem_shared>>
      tpu.wait_indirect_dma semaphore(%run_scoped3A_460 : memref<!tpu.dma_semaphore, #tpu.memory_space<semaphore_mem>>) src(%arg13 : memref<64x128xf32, #tpu.memory_space<vmem>>) dst(%dma_wait3A_472 : memref<10240x128xf32, #tpu.memory_space<vmem_shared>>)
      tpu.yield
    }) : () -> ()
    %dma_start3A_355 = arith.constant 576 : i32
    %dma_start3A_356 = tpu.memref_slice %arg9[%dma_start3A_355] : memref<1024xi32, #tpu.memory_space<vmem>> -> memref<64xi32, #tpu.memory_space<vmem>>
    %dma_start3A_357 = arith.constant 0 : i32
    %dma_start3A_358 = arith.constant 0 : i32
    %dma_start3A_359 = tpu.memref_slice %arg2[%dma_start3A_357, %dma_start3A_358] : memref<10000x128xf32, #tpu.memory_space<hbm>> -> memref<10000x128xf32, #tpu.memory_space<hbm>>
    tpu.enqueue_indirect_dma source(%dma_start3A_359 : memref<10000x128xf32, #tpu.memory_space<hbm>>) target(%arg13 : memref<64x128xf32, #tpu.memory_space<vmem>>) offsets(%dma_start3A_356 : memref<64xi32, #tpu.memory_space<vmem>>) semaphore(%arg18 : memref<!tpu.dma_semaphore, #tpu.memory_space<semaphore_mem>>)
    %dma_wait3A_360 = arith.constant 384 : i32
    %dma_wait3A_361 = tpu.memref_slice %arg9[%dma_wait3A_360] : memref<1024xi32, #tpu.memory_space<vmem>> -> memref<64xi32, #tpu.memory_space<vmem>>
    %dma_wait3A_362 = arith.constant 0 : i32
    %dma_wait3A_363 = arith.constant 0 : i32
    %dma_wait3A_364 = tpu.memref_slice %arg2[%dma_wait3A_362, %dma_wait3A_363] : memref<10000x128xf32, #tpu.memory_space<hbm>> -> memref<10000x128xf32, #tpu.memory_space<hbm>>
    tpu.wait_indirect_dma semaphore(%arg19 : memref<!tpu.dma_semaphore, #tpu.memory_space<semaphore_mem>>) src(%dma_wait3A_364 : memref<10000x128xf32, #tpu.memory_space<hbm>>) dst(%arg14 : memref<64x128xf32, #tpu.memory_space<vmem>>)
    %run_scoped3A_365 = arith.constant 6 : i32
    "tpu.region"() ({
      %run_scoped3A_460 = tpu.sem_alloc : memref<!tpu.dma_semaphore, #tpu.memory_space<semaphore_mem>>
      %dma_start3A_461 = arith.constant 0 : i32
      %dma_start3A_462 = tpu.memref_slice %arg11[%run_scoped3A_365, %dma_start3A_461] : memref<16x64xi32, #tpu.memory_space<vmem>> -> memref<1x64xi32, #tpu.memory_space<vmem>>
      %dma_start3A_463 = tpu.memref_squeeze %dma_start3A_462 : memref<1x64xi32, #tpu.memory_space<vmem>> -> memref<64xi32, #tpu.memory_space<vmem>>
      %dma_start3A_464 = arith.constant 0 : i32
      %dma_start3A_465 = arith.constant 0 : i32
      %dma_start3A_466 = tpu.memref_slice %arg16[%dma_start3A_464, %dma_start3A_465] : memref<10240x128xf32, #tpu.memory_space<vmem_shared>> -> memref<10240x128xf32, #tpu.memory_space<vmem_shared>>
      tpu.enqueue_indirect_dma source(%arg14 : memref<64x128xf32, #tpu.memory_space<vmem>>) target(%dma_start3A_466 : memref<10240x128xf32, #tpu.memory_space<vmem_shared>>) offsets(%dma_start3A_463 : memref<64xi32, #tpu.memory_space<vmem>>) semaphore(%run_scoped3A_460 : memref<!tpu.dma_semaphore, #tpu.memory_space<semaphore_mem>>) {add = true}
      %dma_wait3A_467 = arith.constant 0 : i32
      %dma_wait3A_468 = tpu.memref_slice %arg11[%run_scoped3A_365, %dma_wait3A_467] : memref<16x64xi32, #tpu.memory_space<vmem>> -> memref<1x64xi32, #tpu.memory_space<vmem>>
      %dma_wait3A_469 = tpu.memref_squeeze %dma_wait3A_468 : memref<1x64xi32, #tpu.memory_space<vmem>> -> memref<64xi32, #tpu.memory_space<vmem>>
      %dma_wait3A_470 = arith.constant 0 : i32
      %dma_wait3A_471 = arith.constant 0 : i32
      %dma_wait3A_472 = tpu.memref_slice %arg16[%dma_wait3A_470, %dma_wait3A_471] : memref<10240x128xf32, #tpu.memory_space<vmem_shared>> -> memref<10240x128xf32, #tpu.memory_space<vmem_shared>>
      tpu.wait_indirect_dma semaphore(%run_scoped3A_460 : memref<!tpu.dma_semaphore, #tpu.memory_space<semaphore_mem>>) src(%arg14 : memref<64x128xf32, #tpu.memory_space<vmem>>) dst(%dma_wait3A_472 : memref<10240x128xf32, #tpu.memory_space<vmem_shared>>)
      tpu.yield
    }) : () -> ()
    %dma_start3A_366 = arith.constant 640 : i32
    %dma_start3A_367 = tpu.memref_slice %arg9[%dma_start3A_366] : memref<1024xi32, #tpu.memory_space<vmem>> -> memref<64xi32, #tpu.memory_space<vmem>>
    %dma_start3A_368 = arith.constant 0 : i32
    %dma_start3A_369 = arith.constant 0 : i32
    %dma_start3A_370 = tpu.memref_slice %arg2[%dma_start3A_368, %dma_start3A_369] : memref<10000x128xf32, #tpu.memory_space<hbm>> -> memref<10000x128xf32, #tpu.memory_space<hbm>>
    tpu.enqueue_indirect_dma source(%dma_start3A_370 : memref<10000x128xf32, #tpu.memory_space<hbm>>) target(%arg14 : memref<64x128xf32, #tpu.memory_space<vmem>>) offsets(%dma_start3A_367 : memref<64xi32, #tpu.memory_space<vmem>>) semaphore(%arg19 : memref<!tpu.dma_semaphore, #tpu.memory_space<semaphore_mem>>)
    %dma_wait3A_371 = arith.constant 448 : i32
    %dma_wait3A_372 = tpu.memref_slice %arg9[%dma_wait3A_371] : memref<1024xi32, #tpu.memory_space<vmem>> -> memref<64xi32, #tpu.memory_space<vmem>>
    %dma_wait3A_373 = arith.constant 0 : i32
    %dma_wait3A_374 = arith.constant 0 : i32
    %dma_wait3A_375 = tpu.memref_slice %arg2[%dma_wait3A_373, %dma_wait3A_374] : memref<10000x128xf32, #tpu.memory_space<hbm>> -> memref<10000x128xf32, #tpu.memory_space<hbm>>
    tpu.wait_indirect_dma semaphore(%arg20 : memref<!tpu.dma_semaphore, #tpu.memory_space<semaphore_mem>>) src(%dma_wait3A_375 : memref<10000x128xf32, #tpu.memory_space<hbm>>) dst(%arg15 : memref<64x128xf32, #tpu.memory_space<vmem>>)
    %run_scoped3A_376 = arith.constant 7 : i32
    "tpu.region"() ({
      %run_scoped3A_460 = tpu.sem_alloc : memref<!tpu.dma_semaphore, #tpu.memory_space<semaphore_mem>>
      %dma_start3A_461 = arith.constant 0 : i32
      %dma_start3A_462 = tpu.memref_slice %arg11[%run_scoped3A_376, %dma_start3A_461] : memref<16x64xi32, #tpu.memory_space<vmem>> -> memref<1x64xi32, #tpu.memory_space<vmem>>
      %dma_start3A_463 = tpu.memref_squeeze %dma_start3A_462 : memref<1x64xi32, #tpu.memory_space<vmem>> -> memref<64xi32, #tpu.memory_space<vmem>>
      %dma_start3A_464 = arith.constant 0 : i32
      %dma_start3A_465 = arith.constant 0 : i32
      %dma_start3A_466 = tpu.memref_slice %arg16[%dma_start3A_464, %dma_start3A_465] : memref<10240x128xf32, #tpu.memory_space<vmem_shared>> -> memref<10240x128xf32, #tpu.memory_space<vmem_shared>>
      tpu.enqueue_indirect_dma source(%arg15 : memref<64x128xf32, #tpu.memory_space<vmem>>) target(%dma_start3A_466 : memref<10240x128xf32, #tpu.memory_space<vmem_shared>>) offsets(%dma_start3A_463 : memref<64xi32, #tpu.memory_space<vmem>>) semaphore(%run_scoped3A_460 : memref<!tpu.dma_semaphore, #tpu.memory_space<semaphore_mem>>) {add = true}
      %dma_wait3A_467 = arith.constant 0 : i32
      %dma_wait3A_468 = tpu.memref_slice %arg11[%run_scoped3A_376, %dma_wait3A_467] : memref<16x64xi32, #tpu.memory_space<vmem>> -> memref<1x64xi32, #tpu.memory_space<vmem>>
      %dma_wait3A_469 = tpu.memref_squeeze %dma_wait3A_468 : memref<1x64xi32, #tpu.memory_space<vmem>> -> memref<64xi32, #tpu.memory_space<vmem>>
      %dma_wait3A_470 = arith.constant 0 : i32
      %dma_wait3A_471 = arith.constant 0 : i32
      %dma_wait3A_472 = tpu.memref_slice %arg16[%dma_wait3A_470, %dma_wait3A_471] : memref<10240x128xf32, #tpu.memory_space<vmem_shared>> -> memref<10240x128xf32, #tpu.memory_space<vmem_shared>>
      tpu.wait_indirect_dma semaphore(%run_scoped3A_460 : memref<!tpu.dma_semaphore, #tpu.memory_space<semaphore_mem>>) src(%arg15 : memref<64x128xf32, #tpu.memory_space<vmem>>) dst(%dma_wait3A_472 : memref<10240x128xf32, #tpu.memory_space<vmem_shared>>)
      tpu.yield
    }) : () -> ()
    %dma_start3A_377 = arith.constant 704 : i32
    %dma_start3A_378 = tpu.memref_slice %arg9[%dma_start3A_377] : memref<1024xi32, #tpu.memory_space<vmem>> -> memref<64xi32, #tpu.memory_space<vmem>>
    %dma_start3A_379 = arith.constant 0 : i32
    %dma_start3A_380 = arith.constant 0 : i32
    %dma_start3A_381 = tpu.memref_slice %arg2[%dma_start3A_379, %dma_start3A_380] : memref<10000x128xf32, #tpu.memory_space<hbm>> -> memref<10000x128xf32, #tpu.memory_space<hbm>>
    tpu.enqueue_indirect_dma source(%dma_start3A_381 : memref<10000x128xf32, #tpu.memory_space<hbm>>) target(%arg15 : memref<64x128xf32, #tpu.memory_space<vmem>>) offsets(%dma_start3A_378 : memref<64xi32, #tpu.memory_space<vmem>>) semaphore(%arg20 : memref<!tpu.dma_semaphore, #tpu.memory_space<semaphore_mem>>)
    %dma_wait3A_382 = arith.constant 512 : i32
    %dma_wait3A_383 = tpu.memref_slice %arg9[%dma_wait3A_382] : memref<1024xi32, #tpu.memory_space<vmem>> -> memref<64xi32, #tpu.memory_space<vmem>>
    %dma_wait3A_384 = arith.constant 0 : i32
    %dma_wait3A_385 = arith.constant 0 : i32
    %dma_wait3A_386 = tpu.memref_slice %arg2[%dma_wait3A_384, %dma_wait3A_385] : memref<10000x128xf32, #tpu.memory_space<hbm>> -> memref<10000x128xf32, #tpu.memory_space<hbm>>
    tpu.wait_indirect_dma semaphore(%arg17 : memref<!tpu.dma_semaphore, #tpu.memory_space<semaphore_mem>>) src(%dma_wait3A_386 : memref<10000x128xf32, #tpu.memory_space<hbm>>) dst(%arg12 : memref<64x128xf32, #tpu.memory_space<vmem>>)
    %run_scoped3A_387 = arith.constant 8 : i32
    "tpu.region"() ({
      %run_scoped3A_460 = tpu.sem_alloc : memref<!tpu.dma_semaphore, #tpu.memory_space<semaphore_mem>>
      %dma_start3A_461 = arith.constant 0 : i32
      %dma_start3A_462 = tpu.memref_slice %arg11[%run_scoped3A_387, %dma_start3A_461] : memref<16x64xi32, #tpu.memory_space<vmem>> -> memref<1x64xi32, #tpu.memory_space<vmem>>
      %dma_start3A_463 = tpu.memref_squeeze %dma_start3A_462 : memref<1x64xi32, #tpu.memory_space<vmem>> -> memref<64xi32, #tpu.memory_space<vmem>>
      %dma_start3A_464 = arith.constant 0 : i32
      %dma_start3A_465 = arith.constant 0 : i32
      %dma_start3A_466 = tpu.memref_slice %arg16[%dma_start3A_464, %dma_start3A_465] : memref<10240x128xf32, #tpu.memory_space<vmem_shared>> -> memref<10240x128xf32, #tpu.memory_space<vmem_shared>>
      tpu.enqueue_indirect_dma source(%arg12 : memref<64x128xf32, #tpu.memory_space<vmem>>) target(%dma_start3A_466 : memref<10240x128xf32, #tpu.memory_space<vmem_shared>>) offsets(%dma_start3A_463 : memref<64xi32, #tpu.memory_space<vmem>>) semaphore(%run_scoped3A_460 : memref<!tpu.dma_semaphore, #tpu.memory_space<semaphore_mem>>) {add = true}
      %dma_wait3A_467 = arith.constant 0 : i32
      %dma_wait3A_468 = tpu.memref_slice %arg11[%run_scoped3A_387, %dma_wait3A_467] : memref<16x64xi32, #tpu.memory_space<vmem>> -> memref<1x64xi32, #tpu.memory_space<vmem>>
      %dma_wait3A_469 = tpu.memref_squeeze %dma_wait3A_468 : memref<1x64xi32, #tpu.memory_space<vmem>> -> memref<64xi32, #tpu.memory_space<vmem>>
      %dma_wait3A_470 = arith.constant 0 : i32
      %dma_wait3A_471 = arith.constant 0 : i32
      %dma_wait3A_472 = tpu.memref_slice %arg16[%dma_wait3A_470, %dma_wait3A_471] : memref<10240x128xf32, #tpu.memory_space<vmem_shared>> -> memref<10240x128xf32, #tpu.memory_space<vmem_shared>>
      tpu.wait_indirect_dma semaphore(%run_scoped3A_460 : memref<!tpu.dma_semaphore, #tpu.memory_space<semaphore_mem>>) src(%arg12 : memref<64x128xf32, #tpu.memory_space<vmem>>) dst(%dma_wait3A_472 : memref<10240x128xf32, #tpu.memory_space<vmem_shared>>)
      tpu.yield
    }) : () -> ()
    %dma_start3A_388 = arith.constant 768 : i32
    %dma_start3A_389 = tpu.memref_slice %arg9[%dma_start3A_388] : memref<1024xi32, #tpu.memory_space<vmem>> -> memref<64xi32, #tpu.memory_space<vmem>>
    %dma_start3A_390 = arith.constant 0 : i32
    %dma_start3A_391 = arith.constant 0 : i32
    %dma_start3A_392 = tpu.memref_slice %arg2[%dma_start3A_390, %dma_start3A_391] : memref<10000x128xf32, #tpu.memory_space<hbm>> -> memref<10000x128xf32, #tpu.memory_space<hbm>>
    tpu.enqueue_indirect_dma source(%dma_start3A_392 : memref<10000x128xf32, #tpu.memory_space<hbm>>) target(%arg12 : memref<64x128xf32, #tpu.memory_space<vmem>>) offsets(%dma_start3A_389 : memref<64xi32, #tpu.memory_space<vmem>>) semaphore(%arg17 : memref<!tpu.dma_semaphore, #tpu.memory_space<semaphore_mem>>)
    %dma_wait3A_393 = arith.constant 576 : i32
    %dma_wait3A_394 = tpu.memref_slice %arg9[%dma_wait3A_393] : memref<1024xi32, #tpu.memory_space<vmem>> -> memref<64xi32, #tpu.memory_space<vmem>>
    %dma_wait3A_395 = arith.constant 0 : i32
    %dma_wait3A_396 = arith.constant 0 : i32
    %dma_wait3A_397 = tpu.memref_slice %arg2[%dma_wait3A_395, %dma_wait3A_396] : memref<10000x128xf32, #tpu.memory_space<hbm>> -> memref<10000x128xf32, #tpu.memory_space<hbm>>
    tpu.wait_indirect_dma semaphore(%arg18 : memref<!tpu.dma_semaphore, #tpu.memory_space<semaphore_mem>>) src(%dma_wait3A_397 : memref<10000x128xf32, #tpu.memory_space<hbm>>) dst(%arg13 : memref<64x128xf32, #tpu.memory_space<vmem>>)
    %run_scoped3A_398 = arith.constant 9 : i32
    "tpu.region"() ({
      %run_scoped3A_460 = tpu.sem_alloc : memref<!tpu.dma_semaphore, #tpu.memory_space<semaphore_mem>>
      %dma_start3A_461 = arith.constant 0 : i32
      %dma_start3A_462 = tpu.memref_slice %arg11[%run_scoped3A_398, %dma_start3A_461] : memref<16x64xi32, #tpu.memory_space<vmem>> -> memref<1x64xi32, #tpu.memory_space<vmem>>
      %dma_start3A_463 = tpu.memref_squeeze %dma_start3A_462 : memref<1x64xi32, #tpu.memory_space<vmem>> -> memref<64xi32, #tpu.memory_space<vmem>>
      %dma_start3A_464 = arith.constant 0 : i32
      %dma_start3A_465 = arith.constant 0 : i32
      %dma_start3A_466 = tpu.memref_slice %arg16[%dma_start3A_464, %dma_start3A_465] : memref<10240x128xf32, #tpu.memory_space<vmem_shared>> -> memref<10240x128xf32, #tpu.memory_space<vmem_shared>>
      tpu.enqueue_indirect_dma source(%arg13 : memref<64x128xf32, #tpu.memory_space<vmem>>) target(%dma_start3A_466 : memref<10240x128xf32, #tpu.memory_space<vmem_shared>>) offsets(%dma_start3A_463 : memref<64xi32, #tpu.memory_space<vmem>>) semaphore(%run_scoped3A_460 : memref<!tpu.dma_semaphore, #tpu.memory_space<semaphore_mem>>) {add = true}
      %dma_wait3A_467 = arith.constant 0 : i32
      %dma_wait3A_468 = tpu.memref_slice %arg11[%run_scoped3A_398, %dma_wait3A_467] : memref<16x64xi32, #tpu.memory_space<vmem>> -> memref<1x64xi32, #tpu.memory_space<vmem>>
      %dma_wait3A_469 = tpu.memref_squeeze %dma_wait3A_468 : memref<1x64xi32, #tpu.memory_space<vmem>> -> memref<64xi32, #tpu.memory_space<vmem>>
      %dma_wait3A_470 = arith.constant 0 : i32
      %dma_wait3A_471 = arith.constant 0 : i32
      %dma_wait3A_472 = tpu.memref_slice %arg16[%dma_wait3A_470, %dma_wait3A_471] : memref<10240x128xf32, #tpu.memory_space<vmem_shared>> -> memref<10240x128xf32, #tpu.memory_space<vmem_shared>>
      tpu.wait_indirect_dma semaphore(%run_scoped3A_460 : memref<!tpu.dma_semaphore, #tpu.memory_space<semaphore_mem>>) src(%arg13 : memref<64x128xf32, #tpu.memory_space<vmem>>) dst(%dma_wait3A_472 : memref<10240x128xf32, #tpu.memory_space<vmem_shared>>)
      tpu.yield
    }) : () -> ()
    %dma_start3A_399 = arith.constant 832 : i32
    %dma_start3A_400 = tpu.memref_slice %arg9[%dma_start3A_399] : memref<1024xi32, #tpu.memory_space<vmem>> -> memref<64xi32, #tpu.memory_space<vmem>>
    %dma_start3A_401 = arith.constant 0 : i32
    %dma_start3A_402 = arith.constant 0 : i32
    %dma_start3A_403 = tpu.memref_slice %arg2[%dma_start3A_401, %dma_start3A_402] : memref<10000x128xf32, #tpu.memory_space<hbm>> -> memref<10000x128xf32, #tpu.memory_space<hbm>>
    tpu.enqueue_indirect_dma source(%dma_start3A_403 : memref<10000x128xf32, #tpu.memory_space<hbm>>) target(%arg13 : memref<64x128xf32, #tpu.memory_space<vmem>>) offsets(%dma_start3A_400 : memref<64xi32, #tpu.memory_space<vmem>>) semaphore(%arg18 : memref<!tpu.dma_semaphore, #tpu.memory_space<semaphore_mem>>)
    %dma_wait3A_404 = arith.constant 640 : i32
    %dma_wait3A_405 = tpu.memref_slice %arg9[%dma_wait3A_404] : memref<1024xi32, #tpu.memory_space<vmem>> -> memref<64xi32, #tpu.memory_space<vmem>>
    %dma_wait3A_406 = arith.constant 0 : i32
    %dma_wait3A_407 = arith.constant 0 : i32
    %dma_wait3A_408 = tpu.memref_slice %arg2[%dma_wait3A_406, %dma_wait3A_407] : memref<10000x128xf32, #tpu.memory_space<hbm>> -> memref<10000x128xf32, #tpu.memory_space<hbm>>
    tpu.wait_indirect_dma semaphore(%arg19 : memref<!tpu.dma_semaphore, #tpu.memory_space<semaphore_mem>>) src(%dma_wait3A_408 : memref<10000x128xf32, #tpu.memory_space<hbm>>) dst(%arg14 : memref<64x128xf32, #tpu.memory_space<vmem>>)
    %run_scoped3A_409 = arith.constant 10 : i32
    "tpu.region"() ({
      %run_scoped3A_460 = tpu.sem_alloc : memref<!tpu.dma_semaphore, #tpu.memory_space<semaphore_mem>>
      %dma_start3A_461 = arith.constant 0 : i32
      %dma_start3A_462 = tpu.memref_slice %arg11[%run_scoped3A_409, %dma_start3A_461] : memref<16x64xi32, #tpu.memory_space<vmem>> -> memref<1x64xi32, #tpu.memory_space<vmem>>
      %dma_start3A_463 = tpu.memref_squeeze %dma_start3A_462 : memref<1x64xi32, #tpu.memory_space<vmem>> -> memref<64xi32, #tpu.memory_space<vmem>>
      %dma_start3A_464 = arith.constant 0 : i32
      %dma_start3A_465 = arith.constant 0 : i32
      %dma_start3A_466 = tpu.memref_slice %arg16[%dma_start3A_464, %dma_start3A_465] : memref<10240x128xf32, #tpu.memory_space<vmem_shared>> -> memref<10240x128xf32, #tpu.memory_space<vmem_shared>>
      tpu.enqueue_indirect_dma source(%arg14 : memref<64x128xf32, #tpu.memory_space<vmem>>) target(%dma_start3A_466 : memref<10240x128xf32, #tpu.memory_space<vmem_shared>>) offsets(%dma_start3A_463 : memref<64xi32, #tpu.memory_space<vmem>>) semaphore(%run_scoped3A_460 : memref<!tpu.dma_semaphore, #tpu.memory_space<semaphore_mem>>) {add = true}
      %dma_wait3A_467 = arith.constant 0 : i32
      %dma_wait3A_468 = tpu.memref_slice %arg11[%run_scoped3A_409, %dma_wait3A_467] : memref<16x64xi32, #tpu.memory_space<vmem>> -> memref<1x64xi32, #tpu.memory_space<vmem>>
      %dma_wait3A_469 = tpu.memref_squeeze %dma_wait3A_468 : memref<1x64xi32, #tpu.memory_space<vmem>> -> memref<64xi32, #tpu.memory_space<vmem>>
      %dma_wait3A_470 = arith.constant 0 : i32
      %dma_wait3A_471 = arith.constant 0 : i32
      %dma_wait3A_472 = tpu.memref_slice %arg16[%dma_wait3A_470, %dma_wait3A_471] : memref<10240x128xf32, #tpu.memory_space<vmem_shared>> -> memref<10240x128xf32, #tpu.memory_space<vmem_shared>>
      tpu.wait_indirect_dma semaphore(%run_scoped3A_460 : memref<!tpu.dma_semaphore, #tpu.memory_space<semaphore_mem>>) src(%arg14 : memref<64x128xf32, #tpu.memory_space<vmem>>) dst(%dma_wait3A_472 : memref<10240x128xf32, #tpu.memory_space<vmem_shared>>)
      tpu.yield
    }) : () -> ()
    %dma_start3A_410 = arith.constant 896 : i32
    %dma_start3A_411 = tpu.memref_slice %arg9[%dma_start3A_410] : memref<1024xi32, #tpu.memory_space<vmem>> -> memref<64xi32, #tpu.memory_space<vmem>>
    %dma_start3A_412 = arith.constant 0 : i32
    %dma_start3A_413 = arith.constant 0 : i32
    %dma_start3A_414 = tpu.memref_slice %arg2[%dma_start3A_412, %dma_start3A_413] : memref<10000x128xf32, #tpu.memory_space<hbm>> -> memref<10000x128xf32, #tpu.memory_space<hbm>>
    tpu.enqueue_indirect_dma source(%dma_start3A_414 : memref<10000x128xf32, #tpu.memory_space<hbm>>) target(%arg14 : memref<64x128xf32, #tpu.memory_space<vmem>>) offsets(%dma_start3A_411 : memref<64xi32, #tpu.memory_space<vmem>>) semaphore(%arg19 : memref<!tpu.dma_semaphore, #tpu.memory_space<semaphore_mem>>)
    %dma_wait3A_415 = arith.constant 704 : i32
    %dma_wait3A_416 = tpu.memref_slice %arg9[%dma_wait3A_415] : memref<1024xi32, #tpu.memory_space<vmem>> -> memref<64xi32, #tpu.memory_space<vmem>>
    %dma_wait3A_417 = arith.constant 0 : i32
    %dma_wait3A_418 = arith.constant 0 : i32
    %dma_wait3A_419 = tpu.memref_slice %arg2[%dma_wait3A_417, %dma_wait3A_418] : memref<10000x128xf32, #tpu.memory_space<hbm>> -> memref<10000x128xf32, #tpu.memory_space<hbm>>
    tpu.wait_indirect_dma semaphore(%arg20 : memref<!tpu.dma_semaphore, #tpu.memory_space<semaphore_mem>>) src(%dma_wait3A_419 : memref<10000x128xf32, #tpu.memory_space<hbm>>) dst(%arg15 : memref<64x128xf32, #tpu.memory_space<vmem>>)
    %run_scoped3A_420 = arith.constant 11 : i32
    "tpu.region"() ({
      %run_scoped3A_460 = tpu.sem_alloc : memref<!tpu.dma_semaphore, #tpu.memory_space<semaphore_mem>>
      %dma_start3A_461 = arith.constant 0 : i32
      %dma_start3A_462 = tpu.memref_slice %arg11[%run_scoped3A_420, %dma_start3A_461] : memref<16x64xi32, #tpu.memory_space<vmem>> -> memref<1x64xi32, #tpu.memory_space<vmem>>
      %dma_start3A_463 = tpu.memref_squeeze %dma_start3A_462 : memref<1x64xi32, #tpu.memory_space<vmem>> -> memref<64xi32, #tpu.memory_space<vmem>>
      %dma_start3A_464 = arith.constant 0 : i32
      %dma_start3A_465 = arith.constant 0 : i32
      %dma_start3A_466 = tpu.memref_slice %arg16[%dma_start3A_464, %dma_start3A_465] : memref<10240x128xf32, #tpu.memory_space<vmem_shared>> -> memref<10240x128xf32, #tpu.memory_space<vmem_shared>>
      tpu.enqueue_indirect_dma source(%arg15 : memref<64x128xf32, #tpu.memory_space<vmem>>) target(%dma_start3A_466 : memref<10240x128xf32, #tpu.memory_space<vmem_shared>>) offsets(%dma_start3A_463 : memref<64xi32, #tpu.memory_space<vmem>>) semaphore(%run_scoped3A_460 : memref<!tpu.dma_semaphore, #tpu.memory_space<semaphore_mem>>) {add = true}
      %dma_wait3A_467 = arith.constant 0 : i32
      %dma_wait3A_468 = tpu.memref_slice %arg11[%run_scoped3A_420, %dma_wait3A_467] : memref<16x64xi32, #tpu.memory_space<vmem>> -> memref<1x64xi32, #tpu.memory_space<vmem>>
      %dma_wait3A_469 = tpu.memref_squeeze %dma_wait3A_468 : memref<1x64xi32, #tpu.memory_space<vmem>> -> memref<64xi32, #tpu.memory_space<vmem>>
      %dma_wait3A_470 = arith.constant 0 : i32
      %dma_wait3A_471 = arith.constant 0 : i32
      %dma_wait3A_472 = tpu.memref_slice %arg16[%dma_wait3A_470, %dma_wait3A_471] : memref<10240x128xf32, #tpu.memory_space<vmem_shared>> -> memref<10240x128xf32, #tpu.memory_space<vmem_shared>>
      tpu.wait_indirect_dma semaphore(%run_scoped3A_460 : memref<!tpu.dma_semaphore, #tpu.memory_space<semaphore_mem>>) src(%arg15 : memref<64x128xf32, #tpu.memory_space<vmem>>) dst(%dma_wait3A_472 : memref<10240x128xf32, #tpu.memory_space<vmem_shared>>)
      tpu.yield
    }) : () -> ()
    %dma_start3A_421 = arith.constant 960 : i32
    %dma_start3A_422 = tpu.memref_slice %arg9[%dma_start3A_421] : memref<1024xi32, #tpu.memory_space<vmem>> -> memref<64xi32, #tpu.memory_space<vmem>>
    %dma_start3A_423 = arith.constant 0 : i32
    %dma_start3A_424 = arith.constant 0 : i32
    %dma_start3A_425 = tpu.memref_slice %arg2[%dma_start3A_423, %dma_start3A_424] : memref<10000x128xf32, #tpu.memory_space<hbm>> -> memref<10000x128xf32, #tpu.memory_space<hbm>>
    tpu.enqueue_indirect_dma source(%dma_start3A_425 : memref<10000x128xf32, #tpu.memory_space<hbm>>) target(%arg15 : memref<64x128xf32, #tpu.memory_space<vmem>>) offsets(%dma_start3A_422 : memref<64xi32, #tpu.memory_space<vmem>>) semaphore(%arg20 : memref<!tpu.dma_semaphore, #tpu.memory_space<semaphore_mem>>)
    %dma_wait3A_426 = arith.constant 768 : i32
    %dma_wait3A_427 = tpu.memref_slice %arg9[%dma_wait3A_426] : memref<1024xi32, #tpu.memory_space<vmem>> -> memref<64xi32, #tpu.memory_space<vmem>>
    %dma_wait3A_428 = arith.constant 0 : i32
    %dma_wait3A_429 = arith.constant 0 : i32
    %dma_wait3A_430 = tpu.memref_slice %arg2[%dma_wait3A_428, %dma_wait3A_429] : memref<10000x128xf32, #tpu.memory_space<hbm>> -> memref<10000x128xf32, #tpu.memory_space<hbm>>
    tpu.wait_indirect_dma semaphore(%arg17 : memref<!tpu.dma_semaphore, #tpu.memory_space<semaphore_mem>>) src(%dma_wait3A_430 : memref<10000x128xf32, #tpu.memory_space<hbm>>) dst(%arg12 : memref<64x128xf32, #tpu.memory_space<vmem>>)
    %run_scoped3A_431 = arith.constant 12 : i32
    "tpu.region"() ({
      %run_scoped3A_460 = tpu.sem_alloc : memref<!tpu.dma_semaphore, #tpu.memory_space<semaphore_mem>>
      %dma_start3A_461 = arith.constant 0 : i32
      %dma_start3A_462 = tpu.memref_slice %arg11[%run_scoped3A_431, %dma_start3A_461] : memref<16x64xi32, #tpu.memory_space<vmem>> -> memref<1x64xi32, #tpu.memory_space<vmem>>
      %dma_start3A_463 = tpu.memref_squeeze %dma_start3A_462 : memref<1x64xi32, #tpu.memory_space<vmem>> -> memref<64xi32, #tpu.memory_space<vmem>>
      %dma_start3A_464 = arith.constant 0 : i32
      %dma_start3A_465 = arith.constant 0 : i32
      %dma_start3A_466 = tpu.memref_slice %arg16[%dma_start3A_464, %dma_start3A_465] : memref<10240x128xf32, #tpu.memory_space<vmem_shared>> -> memref<10240x128xf32, #tpu.memory_space<vmem_shared>>
      tpu.enqueue_indirect_dma source(%arg12 : memref<64x128xf32, #tpu.memory_space<vmem>>) target(%dma_start3A_466 : memref<10240x128xf32, #tpu.memory_space<vmem_shared>>) offsets(%dma_start3A_463 : memref<64xi32, #tpu.memory_space<vmem>>) semaphore(%run_scoped3A_460 : memref<!tpu.dma_semaphore, #tpu.memory_space<semaphore_mem>>) {add = true}
      %dma_wait3A_467 = arith.constant 0 : i32
      %dma_wait3A_468 = tpu.memref_slice %arg11[%run_scoped3A_431, %dma_wait3A_467] : memref<16x64xi32, #tpu.memory_space<vmem>> -> memref<1x64xi32, #tpu.memory_space<vmem>>
      %dma_wait3A_469 = tpu.memref_squeeze %dma_wait3A_468 : memref<1x64xi32, #tpu.memory_space<vmem>> -> memref<64xi32, #tpu.memory_space<vmem>>
      %dma_wait3A_470 = arith.constant 0 : i32
      %dma_wait3A_471 = arith.constant 0 : i32
      %dma_wait3A_472 = tpu.memref_slice %arg16[%dma_wait3A_470, %dma_wait3A_471] : memref<10240x128xf32, #tpu.memory_space<vmem_shared>> -> memref<10240x128xf32, #tpu.memory_space<vmem_shared>>
      tpu.wait_indirect_dma semaphore(%run_scoped3A_460 : memref<!tpu.dma_semaphore, #tpu.memory_space<semaphore_mem>>) src(%arg12 : memref<64x128xf32, #tpu.memory_space<vmem>>) dst(%dma_wait3A_472 : memref<10240x128xf32, #tpu.memory_space<vmem_shared>>)
      tpu.yield
    }) : () -> ()
    %dma_wait3A_432 = arith.constant 832 : i32
    %dma_wait3A_433 = tpu.memref_slice %arg9[%dma_wait3A_432] : memref<1024xi32, #tpu.memory_space<vmem>> -> memref<64xi32, #tpu.memory_space<vmem>>
    %dma_wait3A_434 = arith.constant 0 : i32
    %dma_wait3A_435 = arith.constant 0 : i32
    %dma_wait3A_436 = tpu.memref_slice %arg2[%dma_wait3A_434, %dma_wait3A_435] : memref<10000x128xf32, #tpu.memory_space<hbm>> -> memref<10000x128xf32, #tpu.memory_space<hbm>>
    tpu.wait_indirect_dma semaphore(%arg18 : memref<!tpu.dma_semaphore, #tpu.memory_space<semaphore_mem>>) src(%dma_wait3A_436 : memref<10000x128xf32, #tpu.memory_space<hbm>>) dst(%arg13 : memref<64x128xf32, #tpu.memory_space<vmem>>)
    %run_scoped3A_437 = arith.constant 13 : i32
    "tpu.region"() ({
      %run_scoped3A_460 = tpu.sem_alloc : memref<!tpu.dma_semaphore, #tpu.memory_space<semaphore_mem>>
      %dma_start3A_461 = arith.constant 0 : i32
      %dma_start3A_462 = tpu.memref_slice %arg11[%run_scoped3A_437, %dma_start3A_461] : memref<16x64xi32, #tpu.memory_space<vmem>> -> memref<1x64xi32, #tpu.memory_space<vmem>>
      %dma_start3A_463 = tpu.memref_squeeze %dma_start3A_462 : memref<1x64xi32, #tpu.memory_space<vmem>> -> memref<64xi32, #tpu.memory_space<vmem>>
      %dma_start3A_464 = arith.constant 0 : i32
      %dma_start3A_465 = arith.constant 0 : i32
      %dma_start3A_466 = tpu.memref_slice %arg16[%dma_start3A_464, %dma_start3A_465] : memref<10240x128xf32, #tpu.memory_space<vmem_shared>> -> memref<10240x128xf32, #tpu.memory_space<vmem_shared>>
      tpu.enqueue_indirect_dma source(%arg13 : memref<64x128xf32, #tpu.memory_space<vmem>>) target(%dma_start3A_466 : memref<10240x128xf32, #tpu.memory_space<vmem_shared>>) offsets(%dma_start3A_463 : memref<64xi32, #tpu.memory_space<vmem>>) semaphore(%run_scoped3A_460 : memref<!tpu.dma_semaphore, #tpu.memory_space<semaphore_mem>>) {add = true}
      %dma_wait3A_467 = arith.constant 0 : i32
      %dma_wait3A_468 = tpu.memref_slice %arg11[%run_scoped3A_437, %dma_wait3A_467] : memref<16x64xi32, #tpu.memory_space<vmem>> -> memref<1x64xi32, #tpu.memory_space<vmem>>
      %dma_wait3A_469 = tpu.memref_squeeze %dma_wait3A_468 : memref<1x64xi32, #tpu.memory_space<vmem>> -> memref<64xi32, #tpu.memory_space<vmem>>
      %dma_wait3A_470 = arith.constant 0 : i32
      %dma_wait3A_471 = arith.constant 0 : i32
      %dma_wait3A_472 = tpu.memref_slice %arg16[%dma_wait3A_470, %dma_wait3A_471] : memref<10240x128xf32, #tpu.memory_space<vmem_shared>> -> memref<10240x128xf32, #tpu.memory_space<vmem_shared>>
      tpu.wait_indirect_dma semaphore(%run_scoped3A_460 : memref<!tpu.dma_semaphore, #tpu.memory_space<semaphore_mem>>) src(%arg13 : memref<64x128xf32, #tpu.memory_space<vmem>>) dst(%dma_wait3A_472 : memref<10240x128xf32, #tpu.memory_space<vmem_shared>>)
      tpu.yield
    }) : () -> ()
    %dma_wait3A_438 = arith.constant 896 : i32
    %dma_wait3A_439 = tpu.memref_slice %arg9[%dma_wait3A_438] : memref<1024xi32, #tpu.memory_space<vmem>> -> memref<64xi32, #tpu.memory_space<vmem>>
    %dma_wait3A_440 = arith.constant 0 : i32
    %dma_wait3A_441 = arith.constant 0 : i32
    %dma_wait3A_442 = tpu.memref_slice %arg2[%dma_wait3A_440, %dma_wait3A_441] : memref<10000x128xf32, #tpu.memory_space<hbm>> -> memref<10000x128xf32, #tpu.memory_space<hbm>>
    tpu.wait_indirect_dma semaphore(%arg19 : memref<!tpu.dma_semaphore, #tpu.memory_space<semaphore_mem>>) src(%dma_wait3A_442 : memref<10000x128xf32, #tpu.memory_space<hbm>>) dst(%arg14 : memref<64x128xf32, #tpu.memory_space<vmem>>)
    %run_scoped3A_443 = arith.constant 14 : i32
    "tpu.region"() ({
      %run_scoped3A_460 = tpu.sem_alloc : memref<!tpu.dma_semaphore, #tpu.memory_space<semaphore_mem>>
      %dma_start3A_461 = arith.constant 0 : i32
      %dma_start3A_462 = tpu.memref_slice %arg11[%run_scoped3A_443, %dma_start3A_461] : memref<16x64xi32, #tpu.memory_space<vmem>> -> memref<1x64xi32, #tpu.memory_space<vmem>>
      %dma_start3A_463 = tpu.memref_squeeze %dma_start3A_462 : memref<1x64xi32, #tpu.memory_space<vmem>> -> memref<64xi32, #tpu.memory_space<vmem>>
      %dma_start3A_464 = arith.constant 0 : i32
      %dma_start3A_465 = arith.constant 0 : i32
      %dma_start3A_466 = tpu.memref_slice %arg16[%dma_start3A_464, %dma_start3A_465] : memref<10240x128xf32, #tpu.memory_space<vmem_shared>> -> memref<10240x128xf32, #tpu.memory_space<vmem_shared>>
      tpu.enqueue_indirect_dma source(%arg14 : memref<64x128xf32, #tpu.memory_space<vmem>>) target(%dma_start3A_466 : memref<10240x128xf32, #tpu.memory_space<vmem_shared>>) offsets(%dma_start3A_463 : memref<64xi32, #tpu.memory_space<vmem>>) semaphore(%run_scoped3A_460 : memref<!tpu.dma_semaphore, #tpu.memory_space<semaphore_mem>>) {add = true}
      %dma_wait3A_467 = arith.constant 0 : i32
      %dma_wait3A_468 = tpu.memref_slice %arg11[%run_scoped3A_443, %dma_wait3A_467] : memref<16x64xi32, #tpu.memory_space<vmem>> -> memref<1x64xi32, #tpu.memory_space<vmem>>
      %dma_wait3A_469 = tpu.memref_squeeze %dma_wait3A_468 : memref<1x64xi32, #tpu.memory_space<vmem>> -> memref<64xi32, #tpu.memory_space<vmem>>
      %dma_wait3A_470 = arith.constant 0 : i32
      %dma_wait3A_471 = arith.constant 0 : i32
      %dma_wait3A_472 = tpu.memref_slice %arg16[%dma_wait3A_470, %dma_wait3A_471] : memref<10240x128xf32, #tpu.memory_space<vmem_shared>> -> memref<10240x128xf32, #tpu.memory_space<vmem_shared>>
      tpu.wait_indirect_dma semaphore(%run_scoped3A_460 : memref<!tpu.dma_semaphore, #tpu.memory_space<semaphore_mem>>) src(%arg14 : memref<64x128xf32, #tpu.memory_space<vmem>>) dst(%dma_wait3A_472 : memref<10240x128xf32, #tpu.memory_space<vmem_shared>>)
      tpu.yield
    }) : () -> ()
    %dma_wait3A_444 = arith.constant 960 : i32
    %dma_wait3A_445 = tpu.memref_slice %arg9[%dma_wait3A_444] : memref<1024xi32, #tpu.memory_space<vmem>> -> memref<64xi32, #tpu.memory_space<vmem>>
    %dma_wait3A_446 = arith.constant 0 : i32
    %dma_wait3A_447 = arith.constant 0 : i32
    %dma_wait3A_448 = tpu.memref_slice %arg2[%dma_wait3A_446, %dma_wait3A_447] : memref<10000x128xf32, #tpu.memory_space<hbm>> -> memref<10000x128xf32, #tpu.memory_space<hbm>>
    tpu.wait_indirect_dma semaphore(%arg20 : memref<!tpu.dma_semaphore, #tpu.memory_space<semaphore_mem>>) src(%dma_wait3A_448 : memref<10000x128xf32, #tpu.memory_space<hbm>>) dst(%arg15 : memref<64x128xf32, #tpu.memory_space<vmem>>)
    %run_scoped3A_449 = arith.constant 15 : i32
    "tpu.region"() ({
      %run_scoped3A_460 = tpu.sem_alloc : memref<!tpu.dma_semaphore, #tpu.memory_space<semaphore_mem>>
      %dma_start3A_461 = arith.constant 0 : i32
      %dma_start3A_462 = tpu.memref_slice %arg11[%run_scoped3A_449, %dma_start3A_461] : memref<16x64xi32, #tpu.memory_space<vmem>> -> memref<1x64xi32, #tpu.memory_space<vmem>>
      %dma_start3A_463 = tpu.memref_squeeze %dma_start3A_462 : memref<1x64xi32, #tpu.memory_space<vmem>> -> memref<64xi32, #tpu.memory_space<vmem>>
      %dma_start3A_464 = arith.constant 0 : i32
      %dma_start3A_465 = arith.constant 0 : i32
      %dma_start3A_466 = tpu.memref_slice %arg16[%dma_start3A_464, %dma_start3A_465] : memref<10240x128xf32, #tpu.memory_space<vmem_shared>> -> memref<10240x128xf32, #tpu.memory_space<vmem_shared>>
      tpu.enqueue_indirect_dma source(%arg15 : memref<64x128xf32, #tpu.memory_space<vmem>>) target(%dma_start3A_466 : memref<10240x128xf32, #tpu.memory_space<vmem_shared>>) offsets(%dma_start3A_463 : memref<64xi32, #tpu.memory_space<vmem>>) semaphore(%run_scoped3A_460 : memref<!tpu.dma_semaphore, #tpu.memory_space<semaphore_mem>>) {add = true}
      %dma_wait3A_467 = arith.constant 0 : i32
      %dma_wait3A_468 = tpu.memref_slice %arg11[%run_scoped3A_449, %dma_wait3A_467] : memref<16x64xi32, #tpu.memory_space<vmem>> -> memref<1x64xi32, #tpu.memory_space<vmem>>
      %dma_wait3A_469 = tpu.memref_squeeze %dma_wait3A_468 : memref<1x64xi32, #tpu.memory_space<vmem>> -> memref<64xi32, #tpu.memory_space<vmem>>
      %dma_wait3A_470 = arith.constant 0 : i32
      %dma_wait3A_471 = arith.constant 0 : i32
      %dma_wait3A_472 = tpu.memref_slice %arg16[%dma_wait3A_470, %dma_wait3A_471] : memref<10240x128xf32, #tpu.memory_space<vmem_shared>> -> memref<10240x128xf32, #tpu.memory_space<vmem_shared>>
      tpu.wait_indirect_dma semaphore(%run_scoped3A_460 : memref<!tpu.dma_semaphore, #tpu.memory_space<semaphore_mem>>) src(%arg15 : memref<64x128xf32, #tpu.memory_space<vmem>>) dst(%dma_wait3A_472 : memref<10240x128xf32, #tpu.memory_space<vmem_shared>>)
      tpu.yield
    }) : () -> ()
    %barrier3A_450 = arith.constant 0 : index
    tpu.barrier barrier_id(%barrier3A_450)
    %mul3A_451 = arith.constant 640 : i32
    %mul3A_452 = arith.muli %arg1, %mul3A_451 : i32
    %eq3A = arith.constant 0 : i32
    %eq3A_453 = arith.cmpi eq, %arg0, %eq3A : i32
    %convert_element_type3A = arith.extui %eq3A_453 : i1 to i32
    %cond3A = arith.constant 0 : i32
    %cond3A_454 = arith.cmpi ne, %convert_element_type3A, %cond3A : i32
    scf.if %cond3A_454 {
      %mul3A_460 = arith.constant 640 : i32
      %mul3A_461 = arith.muli %arg1, %mul3A_460 : i32
      "tpu.region"() ({
        %run_scoped3A_462 = tpu.sem_alloc : memref<!tpu.dma_semaphore, #tpu.memory_space<semaphore_mem>>
        %dma_start3A_463 = arith.constant 0 : i32
        %dma_start3A_464 = tpu.memref_slice %arg6[%mul3A_461, %dma_start3A_463] : memref<10240x128xf32, #tpu.memory_space<hbm>> -> memref<640x128xf32, #tpu.memory_space<hbm>>
        %dma_start3A_465 = arith.constant 0 : i32
        %dma_start3A_466 = tpu.memref_slice %arg16[%mul3A_452, %dma_start3A_465] : memref<10240x128xf32, #tpu.memory_space<vmem_shared>> -> memref<640x128xf32, #tpu.memory_space<vmem_shared>>
        tpu.enqueue_dma source(%dma_start3A_466 : memref<640x128xf32, #tpu.memory_space<vmem_shared>>) target(%dma_start3A_464 : memref<640x128xf32, #tpu.memory_space<hbm>>) target_semaphore(%run_scoped3A_462 : memref<!tpu.dma_semaphore, #tpu.memory_space<semaphore_mem>>)
        %dma_wait3A_467 = arith.constant 0 : i32
        %dma_wait3A_468 = tpu.memref_slice %arg6[%mul3A_461, %dma_wait3A_467] : memref<10240x128xf32, #tpu.memory_space<hbm>> -> memref<640x128xf32, #tpu.memory_space<hbm>>
        %dma_wait3A_469 = arith.constant 0 : i32
        %dma_wait3A_470 = tpu.memref_slice %arg16[%mul3A_452, %dma_wait3A_469] : memref<10240x128xf32, #tpu.memory_space<vmem_shared>> -> memref<640x128xf32, #tpu.memory_space<vmem_shared>>
        tpu.wait_dma2 semaphore(%run_scoped3A_462 : memref<!tpu.dma_semaphore, #tpu.memory_space<semaphore_mem>>) src(%dma_wait3A_470 : memref<640x128xf32, #tpu.memory_space<vmem_shared>>) dst(%dma_wait3A_468 : memref<640x128xf32, #tpu.memory_space<hbm>>)
        tpu.yield
      }) : () -> ()
    } else {
    }
    %eq3A_455 = arith.constant 1 : i32
    %eq3A_456 = arith.cmpi eq, %arg0, %eq3A_455 : i32
    %convert_element_type3A_457 = arith.extui %eq3A_456 : i1 to i32
    %cond3A_458 = arith.constant 0 : i32
    %cond3A_459 = arith.cmpi ne, %convert_element_type3A_457, %cond3A_458 : i32
    scf.if %cond3A_459 {
      %mul3A_460 = arith.constant 640 : i32
      %mul3A_461 = arith.muli %arg1, %mul3A_460 : i32
      "tpu.region"() ({
        %run_scoped3A_462 = tpu.sem_alloc : memref<!tpu.dma_semaphore, #tpu.memory_space<semaphore_mem>>
        %dma_start3A_463 = arith.constant 0 : i32
        %dma_start3A_464 = tpu.memref_slice %arg7[%mul3A_461, %dma_start3A_463] : memref<10240x128xf32, #tpu.memory_space<hbm>> -> memref<640x128xf32, #tpu.memory_space<hbm>>
        %dma_start3A_465 = arith.constant 0 : i32
        %dma_start3A_466 = tpu.memref_slice %arg16[%mul3A_452, %dma_start3A_465] : memref<10240x128xf32, #tpu.memory_space<vmem_shared>> -> memref<640x128xf32, #tpu.memory_space<vmem_shared>>
        tpu.enqueue_dma source(%dma_start3A_466 : memref<640x128xf32, #tpu.memory_space<vmem_shared>>) target(%dma_start3A_464 : memref<640x128xf32, #tpu.memory_space<hbm>>) target_semaphore(%run_scoped3A_462 : memref<!tpu.dma_semaphore, #tpu.memory_space<semaphore_mem>>)
        %dma_wait3A_467 = arith.constant 0 : i32
        %dma_wait3A_468 = tpu.memref_slice %arg7[%mul3A_461, %dma_wait3A_467] : memref<10240x128xf32, #tpu.memory_space<hbm>> -> memref<640x128xf32, #tpu.memory_space<hbm>>
        %dma_wait3A_469 = arith.constant 0 : i32
        %dma_wait3A_470 = tpu.memref_slice %arg16[%mul3A_452, %dma_wait3A_469] : memref<10240x128xf32, #tpu.memory_space<vmem_shared>> -> memref<640x128xf32, #tpu.memory_space<vmem_shared>>
        tpu.wait_dma2 semaphore(%run_scoped3A_462 : memref<!tpu.dma_semaphore, #tpu.memory_space<semaphore_mem>>) src(%dma_wait3A_470 : memref<640x128xf32, #tpu.memory_space<vmem_shared>>) dst(%dma_wait3A_468 : memref<640x128xf32, #tpu.memory_space<hbm>>)
        tpu.yield
      }) : () -> ()
    } else {
    }
    return
  }
}

module attributes {stable_mosaic.version = 14 : i64} {
  func.func @mm(%arg0: i32, %arg1: memref<2000x128xf32, #tpu.memory_space<vmem>>, %arg2: memref<2000x128xf32, #tpu.memory_space<vmem>>, %arg3: memref<128x128xf32, #tpu.memory_space<vmem>>, %arg4: memref<1x128xf32, #tpu.memory_space<vmem>>, %arg5: memref<2000x128xf32, #tpu.memory_space<vmem>>) attributes {dimension_semantics = [#tpu.dimension_semantics<arbitrary>], iteration_bounds = array<i64: 5>, scalar_prefetch = 0 : i64, scratch_operands = 0 : i64, tpu.core_type = #tpu.core_type<tc>, window_params = [{transform_indices = @transform_0, window_bounds = array<i64: 2000, 128>}, {transform_indices = @transform_1, window_bounds = array<i64: 2000, 128>}, {pipeline_mode = #tpu.pipeline_mode<synchronous>, transform_indices = @transform_2, window_bounds = array<i64: 128, 128>}, {pipeline_mode = #tpu.pipeline_mode<synchronous>, transform_indices = @transform_3, window_bounds = array<i64: 1, 128>}, {transform_indices = @transform_4, window_bounds = array<i64: 2000, 128>}]} {
    %get3A = arith.constant 0 : index
    %get3A_0 = arith.constant 0 : index
    %get3A_1 = vector.load %arg1[%get3A, %get3A_0] : memref<2000x128xf32, #tpu.memory_space<vmem>>, vector<2000x128xf32>
    %get3A_2 = arith.constant 0 : index
    %get3A_3 = arith.constant 0 : index
    %get3A_4 = vector.load %arg2[%get3A_2, %get3A_3] : memref<2000x128xf32, #tpu.memory_space<vmem>>, vector<2000x128xf32>
    %add3A = arith.addf %get3A_1, %get3A_4 : vector<2000x128xf32>
    %get3A_5 = arith.constant 0 : index
    %get3A_6 = arith.constant 0 : index
    %get3A_7 = vector.load %arg3[%get3A_5, %get3A_6] : memref<128x128xf32, #tpu.memory_space<vmem>>, vector<128x128xf32>
    %dot_general3A = arith.constant dense<0.000000e+00> : vector<2000x128xf32>
    %dot_general3A_8 = tpu.matmul %add3A, %get3A_7, %dot_general3A {dimension_numbers = #tpu.dot_dimension_numbers<[1], [1], [0], [0], [0, 0, 1, 0], [], []>, transpose_lhs_hint = false} : vector<2000x128xf32>, vector<128x128xf32>, vector<2000x128xf32> -> vector<2000x128xf32>
    %get3A_9 = arith.constant 0 : index
    %get3A_10 = arith.constant 0 : index
    %get3A_11 = vector.load %arg4[%get3A_9, %get3A_10] : memref<1x128xf32, #tpu.memory_space<vmem>>, vector<1x128xf32>
    %add3A_12 = vector.broadcast %get3A_11 : vector<1x128xf32> to vector<2000x128xf32>
    %add3A_13 = arith.addf %dot_general3A_8, %add3A_12 : vector<2000x128xf32>
    %max3A = arith.constant 0.000000e+00 : f32
    %max3A_14 = vector.broadcast %max3A : f32 to vector<2000x128xf32>
    %max3A_15 = arith.maximumf %add3A_13, %max3A_14 : vector<2000x128xf32>
    %swap3A = arith.constant 0 : index
    %swap3A_16 = arith.constant 0 : index
    %swap3A_17 = vector.load %arg5[%swap3A, %swap3A_16] : memref<2000x128xf32, #tpu.memory_space<vmem>>, vector<2000x128xf32>
    tpu.vector_store %arg5[%swap3A, %swap3A_16], %max3A_15 {strides = array<i32>} : memref<2000x128xf32, #tpu.memory_space<vmem>>, vector<2000x128xf32>,
    return
  }
  func.func @transform_0(%arg0: i32) -> (i32, i32) {
    %c0_i32 = arith.constant 0 : i32
    %c0_i32_0 = arith.constant 0 : i32
    return %arg0, %c0_i32 : i32, i32
  }
  func.func @transform_1(%arg0: i32) -> (i32, i32) {
    %c0_i32 = arith.constant 0 : i32
    %c0_i32_0 = arith.constant 0 : i32
    return %arg0, %c0_i32 : i32, i32
  }
  func.func @transform_2(%arg0: i32) -> (i32, i32) {
    %c0_i32 = arith.constant 0 : i32
    %c0_i32_0 = arith.constant 0 : i32
    %c0_i32_1 = arith.constant 0 : i32
    return %c0_i32, %c0_i32_0 : i32, i32
  }
  func.func @transform_3(%arg0: i32) -> (i32, i32) {
    %c0_i32 = arith.constant 0 : i32
    %c0_i32_0 = arith.constant 0 : i32
    %c0_i32_1 = arith.constant 0 : i32
    return %c0_i32, %c0_i32_0 : i32, i32
  }
  func.func @transform_4(%arg0: i32) -> (i32, i32) {
    %c0_i32 = arith.constant 0 : i32
    %c0_i32_0 = arith.constant 0 : i32
    return %arg0, %c0_i32 : i32, i32
  }
}

</mosaic_0001>

<sc_bundles>
// kernel: kernel.4.cloned.1.call-start
scs
__scs_entry_jumppad:
0x0: {  	(pc) =	sbr.rel $0x88, $3  }
0x1: {  	(tag) =	ssettag $0x0;
	lr =	simm.s32 $0x1  }
0x2: {  	[smem:$0x3F9D] =	sst lr;
	_ =	strace $0xD0000000  }
0x3: {  	_ = 	snop  }
0x4: {  	_ = 	snop  }
0x5: {  	_ = 	snop  }
0x6: {  	_ = 	snop  }
0x7: {  	_ = 	snop  }
__scs_overlays_trampoline_lowered:
0x8: {  	[smem:$0x3FAC] =	sst s0  }
0x9: {  	[smem:$0x3FAD] =	sst s1  }
0xa: {  	[smem:$0x3FAE] =	sst s2  }
0xb: {  	[smem:$0x3FAF] =	sst s3  }
0xc: {  	[smem:$0x3FB0] =	sst s4  }
0xd: {  	[smem:$0x3FB1] =	sst s5  }
0xe: {  	[smem:$0x3FB2] =	sst s6  }
0xf: {  	[smem:$0x3FB3] =	sst s7  }
0x10: {  	[smem:$0x3FB4] =	sst s8  }
0x11: {  	[smem:$0x3FB5] =	sst s9;
	s0 =	simm.s32 @!p0 $0x0  }
0x12: {  	s1 =	sld [smem:$0x3F9B];
	s0 =	simm.s32 @p0 $0x1  }
0x13: {  	[smem:$0x3FB6] =	sst s0;
	s0 =	simm.s32 @!p1 $0x0  }
0x14: {  	s2 =	sld [smem:$0x3F9A];
	s0 =	simm.s32 @p1 $0x1  }
0x15: {  	[smem:$0x3FB7] =	sst s0;
	s0 =	simm.s32 @!p2 $0x0  }
0x16: {  	s3 =	sld [smem:$0x3FDB];
	s0 =	simm.s32 @p2 $0x1  }
0x17: {  	s4 =	simm.s32 $0x1BF5;
	[smem:$0x3FB9] =	sst s0  }
0x18: {  	s0 =	sld [smem:$0x3F9C];
	_ =	swait.ge [sflag:s4], $0x0  }
0x19: {  	s7 =	sld [smem:$0x3F9D]  }
0x1a: {  	s8 =	sadd.s32 $0xFFFFE003, lr  }
0x1b: {  	s9 =	sadd.s32 $0xFFFFFEF7, lr;
	s5 =	simm.s32 $0xFFFFFFFF;
	p2 =	slt.u32 s8, $0xFFFFF086  }
0x1c: {  	p1 =	slt.u32 s9, $0xF7A;
	s5 =	simm.s32 @!p2 $0x0  }
0x1d: {  	s5 =	simm.s32 @p1 $0x1;
	p0 =	seq.s32 s7, s2  }
0x1e: {  	s7 =	smul.u32 @!p0 $0xF7A, s2;
	p2 =	seq.s32 @!p0 s5, $0x0  }
0x1f: {  	s9 =	smul.u32 $0xF7A, s1;
	s8 =	simm.s32 @!p0 $0x1BF5;
	p2 =	por !p2, p0  }
0x20: {  	[sflag:s8] =	ssyncset.s32 @!p0 $0xFFFFF086;
	s6 =	sadd.s32 @!p0 s3, s7;
	s7 =	simm.s32 @!p0 $0x108  }
0x21: {  	s3 =	sadd.s32 s3, s9;
	s6 =	sadd.s32 @!p0 $0x88, s6;
	s7 =	simm.s32 @p2 $0x1082  }
0x22: {  	[simem:s7], [sflag:s8] =	dma.local @!p0 [hbm:s6], $0xF7A  }
0x23: {  	s9 =	sor.u32 $0xD0000000, s2;
	s6 =	simm.s32 $0x108;
	_ =	swait.ge @!p0 [sflag:s8], $0x0  }
0x24: {  	s3 =	sadd.s32 $0x88, s3;
	s6 =	simm.s32 @!p1 $0x1082;
	[sflag:s4] =	ssyncset.s32 $0xFFFFF086  }
0x25: {  	[simem:s6], [sflag:s4] =	dma.local [hbm:s3], $0xF7A  }
0x26: {  	[smem:$0x3F9D] =	sst s1;
	(tag) =	ssettag s2;
	_ =	strace s9  }
0x27: {  	s1 =	sld [smem:$0x3FAD]  }
0x28: {  	s2 =	sld [smem:$0x3FAE]  }
0x29: {  	s4 =	sld [smem:$0x3FB0]  }
0x2a: {  	p0 =	seq.s32 s5, $0x0;
	s5 =	sld [smem:$0x3FB1]  }
0x2b: {  	s6 =	sld [smem:$0x3FB2]  }
0x2c: {  	s7 =	sld [smem:$0x3FB3]  }
0x2d: {  	s3 =	simm.s32 $0x108;
	s8 =	sld [smem:$0x3FB4]  }
0x2e: {  	s3 =	simm.s32 @!p0 $0x1082;
	s9 =	sld [smem:$0x3FB5]  }
0x2f: {  	lr =	sadd.s32 s0, s3;
	s0 =	sld [smem:$0x3FAC]  }
0x30: {  	s3 =	sld [smem:$0x3FAF]  }
0x31: {  	[smem:$0x3FB8] =	sst s10  }
0x32: {  	s10 =	sld [smem:$0x3FB6];
	_ =	sdelay $0x3  }
0x33: {  	p0 =	seq.s32 s10, $0x1;
	s10 =	sld [smem:$0x3FB8];
	_ =	sdelay $0x3  }
0x34: {  	[smem:$0x3FB8] =	sst s10  }
0x35: {  	s10 =	sld [smem:$0x3FB7];
	_ =	sdelay $0x3  }
0x36: {  	p1 =	seq.s32 s10, $0x1;
	s10 =	sld [smem:$0x3FB8];
	_ =	sdelay $0x3  }
0x37: {  	[smem:$0x3FB8] =	sst s10  }
0x38: {  	s10 =	sld [smem:$0x3FB9]  }
0x39: {  	_ = 	snop;
	(pc) =	sbr.ind lr, $3  }
0x3a: {  	_ = 	snop  }
0x3b: {  	_ = 	snop  }
0x3c: {  	p2 =	seq.s32 s10, $0x1;
	s10 =	sld [smem:$0x3FB8]  }
0x3d: {  	_ =	shalt  }
0x3e: {  	_ =	shalt  }
0x3f: {  	_ =	shalt  }
0x40: {  	_ =	shalt  }
0x41: {  	_ =	shalt  }
0x42: {  	_ =	shalt  }
0x43: {  	_ =	shalt  }
0x44: {  	_ =	shalt  }
0x45: {  	_ =	shalt  }
0x46: {  	_ =	shalt  }
0x47: {  	_ =	shalt  }
0x48: {  	_ =	shalt  }
0x49: {  	_ =	shalt  }
0x4a: {  	_ =	shalt  }
0x4b: {  	_ =	shalt  }
0x4c: {  	_ =	shalt  }
0x4d: {  	_ =	shalt  }
0x4e: {  	_ =	shalt  }
0x4f: {  	_ =	shalt  }
0x50: {  	_ =	shalt  }
0x51: {  	_ =	shalt  }
0x52: {  	_ =	shalt  }
0x53: {  	_ =	shalt  }
0x54: {  	_ =	shalt  }
0x55: {  	_ =	shalt  }
0x56: {  	_ =	shalt  }
0x57: {  	_ =	shalt  }
0x58: {  	_ =	shalt  }
0x59: {  	_ =	shalt  }
0x5a: {  	_ =	shalt  }
0x5b: {  	_ =	shalt  }
0x5c: {  	_ =	shalt  }
0x5d: {  	_ =	shalt  }
0x5e: {  	_ =	shalt  }
0x5f: {  	_ =	shalt  }
0x60: {  	_ =	shalt  }
0x61: {  	_ =	shalt  }
0x62: {  	_ =	shalt  }
0x63: {  	_ =	shalt  }
0x64: {  	_ =	shalt  }
0x65: {  	_ =	shalt  }
0x66: {  	_ =	shalt  }
0x67: {  	_ =	shalt  }
0x68: {  	_ =	shalt  }
0x69: {  	_ =	shalt  }
0x6a: {  	_ =	shalt  }
0x6b: {  	_ =	shalt  }
0x6c: {  	_ =	shalt  }
0x6d: {  	_ =	shalt  }
0x6e: {  	_ =	shalt  }
0x6f: {  	_ =	shalt  }
0x70: {  	_ =	shalt  }
0x71: {  	_ =	shalt  }
0x72: {  	_ =	shalt  }
0x73: {  	_ =	shalt  }
0x74: {  	_ =	shalt  }
0x75: {  	_ =	shalt  }
0x76: {  	_ =	shalt  }
0x77: {  	_ =	shalt  }
0x78: {  	_ =	shalt  }
0x79: {  	_ =	shalt  }
0x7a: {  	_ =	shalt  }
0x7b: {  	_ =	shalt  }
0x7c: {  	_ =	shalt  }
0x7d: {  	_ =	shalt  }
0x7e: {  	_ =	shalt  }
0x7f: {  	_ =	shalt  }
0x80: {  	_ =	shalt  }
0x81: {  	_ =	shalt  }
0x82: {  	_ =	shalt  }
0x83: {  	_ =	shalt  }
0x84: {  	_ =	shalt  }
0x85: {  	_ =	shalt  }
0x86: {  	_ =	shalt  }
0x87: {  	_ =	shalt  }
.Lfunc_end0:
.L_simem_size_0:
called_computation_lowered:
.L_overlay_start_0:
0x88: {  	s2 =	sld [smem:$0x3FD9]  }
0x89: {  	s3 =	sld [smem:$0x3FFE];
	_ =	sdelay $0x1  }
0x8a: {  	s1 =	srdreg.scid  }
0x8b: {  	s0 =	sand.u32 $0x1, s1  }
0x8c: {  	s17 =	sshll.u32 s0, $0xA;
	s2 =	sadd.s32 s3, s2  }
0x8d: {  	s2 =	sadd.s32 s2, s17  }
0x8e: {  	[smem:$0x3FC4] =	sst s2  }
0x8f: {  	_ = 	snop  }
0x90: {  	s2 =	sld [smem:$0x3FC9]  }
0x91: {  	s18 =	sld [smem:$0x3FD0];
	(tm) =	ssettm $0x1  }
0x92: {  	s4 =	sld [smem:$0x3FFB];
	_ =	sdelay $0x3  }
0x93: {  	_ =	strace s4  }
0x94: {  	s4 =	sld [smem:$0x3FFC];
	_ =	sdelay $0x3  }
0x95: {  	_ =	strace s4  }
0x96: {  	s4 =	sld [smem:$0x3FFD];
	_ =	sdelay $0x3  }
0x97: {  	_ =	strace s4  }
0x98: {  	_ =	strace $0x8FFFFFFF  }
0x99: {  	s19 =	sld [smem:$0x3FDB];
	_ =	sdelay $0x1  }
0x9a: {  	s5 =	simm.s32 $_scs_section_size  }
0x9b: {  	s6 =	simm.s32 $_size__tile_overlayer_lowered;
	s7 =	simm.s32 $_tile_overlayer_lowered  }
0x9c: {  	s22 =	simm.s32 $0x1BFF;
	s21 =	sshll.u32 s7, $0x1;
	s4 =	sadd.s32 s5, s19  }
0x9d: {  	s8 =	simm.s32 $0x0;
	s20 =	sshll.u32 s6, $0x1;
	s6 =	sadd.s32 s21, s4  }
0x9e: {  	[timem:s8], [sflag:s22] =	dma.local [hbm:s6], s20  }
0x9f: {  	_ =	swait.ge [sflag:s22], s20  }
0xa0: {  	s5 =	ssub.s32 $0x0, s20;
	[sflag:s22] =	ssyncset.done $0x0  }
0xa1: {  	[sflag:s22] =	ssyncadd.s32 s5;
	_ =	sdelay $0x1  }
0xa2: {  	s23 =	simm.s32 $0x1B8B  }
0xa3: {  	_ =	swait.ge [sflag:s23], $0x1  }
0xa4: {  	[sflag:s23] =	ssyncset.done $0x0  }
0xa5: {  	s25 =	simm.s32 $0x1B8E;
	s24 =	sld [smem:$0x3FFE];
	[sflag:s23] =	ssyncadd.s32 $0xFFFFFFFF  }
0xa6: {  	s26 =	simm.s32 $execute0_lowered;
	[smem:$0x3FD2] =	sst s25  }
0xa7: {  	s6 =	sshll.u32 s26, $0x1;
	_ =	strace $0x80000046;
	[dreg:$0x1] =	wrdreg $0xFFFFFFFF  }
0xa8: {  	s28 =	simm.s32 $_size_execute0_lowered;
	s4 =	sadd.s32 s4, s6;
	[dreg:$0x0] =	wrdreg $0x0  }
0xa9: {  	s6 =	sshll.u32 s28, $0x1;
	[dreg:$0x2] =	wrdreg s4  }
0xaa: {  	[dreg:$0x3] =	wrdreg s6  }
0xab: {  	[dreg:$0x4] =	wrdreg $0xC0  }
0xac: {  	_ =	task [dreg:s8], $0x5FFFF  }
0xad: {  	[dreg:$0x1] =	wrdreg $0xFFFFFFFF  }
0xae: {  	[dreg:$0x0] =	wrdreg $0x60  }
0xaf: {  	[dreg:$0x2] =	wrdreg s2  }
0xb0: {  	[dreg:$0x3] =	wrdreg s24  }
0xb1: {  	[dreg:$0x4] =	wrdreg s18  }
0xb2: {  	[dreg:$0x5] =	wrdreg $0x98000  }
0xb3: {  	[dreg:$0x6] =	wrdreg $0x9  }
0xb4: {  	_ =	task.clear_ibuf [dreg:s8], $0x7FFFF;
	_ =	strace $0x90000046  }
0xb5: {  	s29 =	simm.s32 $0x9;
	_ =	strace $0x80000048  }
0xb6: {  	_ =	swait.ge [sflag:s29], $0x1  }
0xb7: {  	[sflag:s29] =	ssyncadd.s32 $0xFFFFFFFF  }
0xb8: {  	_ =	strace $0x90000048  }
0xb9: {  	_ =	sfence  }
0xba: {  	s30 =	sld [smem:$0x0];
	_ =	sdelay $0x2  }
0xbb: {  	s31 =	sshll.u32 s1, $0xD;
	s1 =	sshrl.u32 s1, $0x2  }
0xbc: {  	s3 =	sand.u32 $0x4000, s31;
	s1 =	sadd.s32 s1, s30  }
0xbd: {  	s0 =	sor.u32 s3, s0;
	s1 =	sshll.u32 s1, $0x11  }
0xbe: {  	s0 =	sor.u32 s1, s0  }
0xbf: {  	s0 =	sadd.s32 $0x8F2B, s0  }
0xc0: {  	[sflag:s0] =	ssyncadd.remote.s32 $0x1  }
0xc1: {  	_ =	sfence.sel $0xFFFF  }
0xc2: {  	[dreg:$0x0] =	wrdreg $0xFFFFFFFF;
	(pc) =	sbr.abs _section_cstart, $3  }
0xc3: {  	[dreg:$0x1] =	wrdreg $0xFFFFFFFF  }
0xc4: {  	_ =	task.clear_ibuf [dreg:s8], $0x2FFFF;
	_ =	strace $0x9FFFFFFF  }
0xc5: {  	(tm) =	ssettm $0x7FFFFFFF  }
tec
execute0_lowered:
.L_overlay_start_1:
0x0: {  	(tag) =	ssettag $0x1  }
0x1: {  	s1 =	rddreg [dreg:$0x0]  }
0x2: {  	s0 =	rddreg [dreg:$0x1]  }
0x3: {  	s2 =	rddreg [dreg:$0x2];
	s4 =	srdreg.scid  }
0x4: {  	s14 =	stileid.u32;
	s3 =	rddreg [dreg:$0x3]  }
0x5: {  	s28 =	simm.s32 $0x5800;
	s30 =	simm.s32 $0x7800;
	s31 =	simm.s32 $0x1  }
0x6: {  	s29 =	simm.s32 $0x1780;
	s6 =	sand.u32 $0x1, s4;
	s19 =	smul.u32 $0x2800, s14  }
0x7: {  	s5 =	sshll.u32 s14, $0x1;
	s4 =	simm.s32 $0x0;
	s20 =	smul.u32 $0x140, s14  }
0x8: {  	s10 =	sadd.s32 $0xAA00, s0;
	s15 =	sshll.u32 s14, $0x6;
	s23 =	smul.u32 $0xA00, s14  }
0x9: {  	s7 =	sor.u32 s6, s5;
	[smem:$0x7FF] =	sst s4;
	s16 =	smul.u32 $0xA, s6  }
0xa: {  	s5 =	sadd.s32 $0xA00, s0;
	s26 =	ssub.s32 $0x2, s6;
	s21 =	smul.u32 $0xA0, s6  }
0xb: {  	s18 =	sor.u32 $0x1C07, s15;
	p0 =	seq.s32 s6, $0x1;
	s6 =	smul.u32 $0x500, s6  }
0xc: {  	s8 =	smul.u32 $0xA, s7;
	_ =	strace $0x80000047;
	[dreg:$0x7] =	wrdreg s10  }
0xd: {  	s9 =	smul.u32 $0x2800, s7;
	s11 =	sshll.u32 s7, $0x8;
	[dreg:$0xb] =	wrdreg s15  }
0xe: {  	s12 =	sshrl.u32 s26, $0x1;
	s7 =	smul.u32 $0xA00, s7;
	[dreg:$0xe] =	wrdreg s18  }
0xf: {  	s18 =	simm.s32 $0x80;
	s10 =	ssub.s32 s26, s12;
	s25 =	sadd.s32 s21, s20  }
0x10: {  	s26 =	sadd.s32 s6, s23;
	s20 =	simm.s32 $0x800;
	s21 =	simm.s32 $0x1000  }
0x11: {  	s23 =	simm.s32 $0x5;
	s6 =	simm.s32 $0x2;
	s11 =	sor.u32 s11, s9  }
0x12: {  	s8 =	sor.u32 $0x1, s8;
	s9 =	sand.u32 $0x7E000, s9;
	[dreg:$0x11] =	wrdreg s25  }
0x13: {  	s7 =	sadd.s32 s2, s7;
	s24 =	smax.u32 s10, $0x1;
	[dreg:$0x12] =	wrdreg s26  }
0x14: {  	s25 =	simm.s32 $0x1800;
	s26 =	simm.s32 $0x3800;
	s11 =	sand.u32 $0x7E300, s11  }
0x15: {  	s13 =	sshll.u32 s8, $0x7;
	[dreg:$0x9] =	wrdreg s7;
	s12 =	sshll.u32 s8, $0x8  }
0x16: {  	[dreg:$0xf] =	wrdreg s24;
	s11 =	sshrl.u32 s11, $0x3;
	s13 =	sand.u32 $0x380, s13  }
0x17: {  	s11 =	sadd.s32 s5, s11;
	s9 =	sor.u32 s9, s13;
	s13 =	smul.u32 $0x14, s14  }
0x18: {  	s24 =	simm.s32 $0x40;
	[dreg:$0x8] =	wrdreg s11;
	s9 =	sshrl.u32 s9, $0x3  }
0x19: {  	s11 =	smul.u32 $0x50000, s14;
	s7 =	sadd.s32 s5, s9;
	s8 =	sadd.s32 s16, s13  }
0x1a: {  	s13 =	simm.s32 $0x4;
	[dreg:$0xa] =	wrdreg s7;
	s7 =	sadd.s32 s2, s12  }
0x1b: {  	s9 =	sshrl.u32 s11, $0x2;
	s8 =	sshll.u32 s8, $0x8;
	[dreg:$0xc] =	wrdreg s7  }
0x1c: {  	s17 =	sadd.s32 s9, s3;
	s9 =	simm.s32 $0x35200;
	s2 =	sadd.s32 s2, s8  }
0x1d: {  	s8 =	simm.s32 $0x0;
	[dreg:$0xd] =	wrdreg s17;
	s22 =	sadd.s32 $0x200, s2  }
0x1e: {  	s9 =	simm.s32 @!p0 $0xD200;
	s2 =	sadd.s32 $0x300, s2;
	[dreg:$0x6] =	wrdreg s22  }
0x1f: {  	s17 =	simm.s32 $0x1700;
	s0 =	sadd.s32 s9, s0;
	[dreg:$0x5] =	wrdreg s2  }
0x20: {  	s2 =	simm.s32 $0x8;
	s9 =	simm.s32 $0x3;
	s0 =	sadd.s32 s0, s19  }
0x21: {  	s19 =	simm.s32 $0x400;
	[dreg:$0x10] =	wrdreg s0;
	s0 =	simm.s32 $0x6  }
.LBB2_1:
0x22: {  	[dreg:$0x13] =	wrdreg s8  }
0x23: {  	s7 =	rddreg [dreg:$0x8]  }
0x24: {  	s11 =	rddreg [dreg:$0x9]  }
0x25: {  	s12 =	rddreg [dreg:$0xa]  }
0x26: {  	s14 =	rddreg [dreg:$0xc]  }
0x27: {  	s15 =	rddreg [dreg:$0xd]  }
0x28: {  	[tilespmem:s4], [sflag:$0x5] =	stream.strided.gather [hbm4b:s7+s18], $0x400, s19, s18, $0x38;
	[tilespmem:$0x1D800] =	vst v63  }
0x29: {  	s16 =	rddreg [dreg:$0x7]  }
0x2a: {  	[tilespmem:s20], [sflag:$0x5] =	stream.linear.gather [hbm4b:s11+s4], $0x800, $0x38;
	[tilespmem:$0x1D800] =	vst v63  }
0x2b: {  	s22 =	rddreg [dreg:$0xe];
	s10 =	sshrl.u32 s15, $0x3  }
0x2c: {  	[tilespmem:s19], [sflag:$0x6] =	stream.strided.gather [hbm4b:s12+s18], $0x400, s19, s18, $0x38;
	[tilespmem:$0x1D800] =	vst v63  }
0x2d: {  	s8 =	simm.s32 $0x7;
	[dreg:$0x14] =	wrdreg s10  }
0x2e: {  	[tilespmem:s21], [sflag:$0x6] =	stream.linear.gather [hbm4b:s14+s4], $0x800, $0x38;
	[tilespmem:$0x1D800] =	vst v63  }
0x2f: {  	[spmem:s10], [sflag:s22] =	dma.local [hbm:s16], $0x2800  }
0x30: {  	_ =	swait.ge [sflag:s8], $0x2800  }
0x31: {  	[sflag:s8] =	ssyncset.done $0x0  }
0x32: {  	[sflag:s8] =	ssyncadd.s32 $0xFFFFD800  }
0x33: {  	_ =	swait.ge [sflag:s23], $0x400  }
0x34: {  	[sflag:s23] =	ssyncset.done $0x0  }
0x35: {  	[sflag:s23] =	ssyncadd.s32 $0xFFFFFC00  }
0x36: {  	_ =	swait.ge [sflag:s23], $0x800  }
0x37: {  	[sflag:s23] =	ssyncset.done $0x0  }
0x38: {  	[sflag:s23] =	ssyncadd.s32 $0xFFFFF800  }
0x39: {  	[tilespmem:s25], [sflag:$0x1] =	stream.indirect.gather [hbm4b:s1+s24], $0x80, s4, s24, $0xb8;
	[tilespmem:$0x1D800] =	vst v63  }
0x3a: {  	_ = 	snop  }
0x3b: {  	[tilespmem:s26], [sflag:$0x2] =	stream.indirect.gather [hbm4b:s1+s24], $0x80, s24, s24, $0xb8;
	[tilespmem:$0x1D800] =	vst v63  }
0x3c: {  	_ = 	snop  }
0x3d: {  	[tilespmem:s28], [sflag:$0x3] =	stream.indirect.gather [hbm4b:s1+s24], $0x80, s18, s24, $0xb8;
	[tilespmem:$0x1D800] =	vst v63  }
0x3e: {  	s10 =	simm.s32 $0xC0;
	[bflag:$0x0] =	sbarrier.arrive $0xFFFF  }
0x3f: {  	[tilespmem:s30], [sflag:$0x4] =	stream.indirect.gather [hbm4b:s1+s24], $0x80, s10, s24, $0xb8;
	[tilespmem:$0x1D800] =	vst v63  }
0x40: {  	_ =	swait.ge [sflag:s31], $0x2000  }
0x41: {  	[sflag:s31] =	ssyncset.done $0x0  }
0x42: {  	[sflag:s31] =	ssyncadd.s32 $0xFFFFE000  }
0x43: {  	[spmem:s3] =	stream.indirect.scatter.add.f32 [tilespmem:s25], [sflag:$0x8], $0x80, s20, s24, $0xb8;
	[tilespmem:$0x1D800] =	vst v63  }
0x44: {  	_ =	swait.ge [sflag:s2], $0x2000  }
0x45: {  	[sflag:s2] =	ssyncset.done $0x0  }
0x46: {  	s11 =	simm.s32 $0x100;
	[sflag:s2] =	ssyncadd.s32 $0xFFFFE000  }
0x47: {  	[tilespmem:s25], [sflag:$0x1] =	stream.indirect.gather [hbm4b:s1+s24], $0x80, s11, s24, $0xb8;
	[tilespmem:$0x1D800] =	vst v63  }
0x48: {  	_ =	swait.ge [sflag:s6], $0x2000  }
0x49: {  	[sflag:s6] =	ssyncset.done $0x0  }
0x4a: {  	s12 =	simm.s32 $0x880;
	[sflag:s6] =	ssyncadd.s32 $0xFFFFE000  }
0x4b: {  	[spmem:s3] =	stream.indirect.scatter.add.f32 [tilespmem:s26], [sflag:$0x8], $0x80, s12, s24, $0xb8;
	[tilespmem:$0x1D800] =	vst v63  }
0x4c: {  	_ =	swait.ge [sflag:s2], $0x2000  }
0x4d: {  	[sflag:s2] =	ssyncset.done $0x0  }
0x4e: {  	s14 =	simm.s32 $0x140;
	[sflag:s2] =	ssyncadd.s32 $0xFFFFE000  }
0x4f: {  	[tilespmem:s26], [sflag:$0x2] =	stream.indirect.gather [hbm4b:s1+s24], $0x80, s14, s24, $0xb8;
	[tilespmem:$0x1D800] =	vst v63  }
0x50: {  	_ =	swait.ge [sflag:s9], $0x2000  }
0x51: {  	[sflag:s9] =	ssyncset.done $0x0  }
0x52: {  	s15 =	simm.s32 $0x900;
	[sflag:s9] =	ssyncadd.s32 $0xFFFFE000  }
0x53: {  	[spmem:s3] =	stream.indirect.scatter.add.f32 [tilespmem:s28], [sflag:$0x8], $0x80, s15, s24, $0xb8;
	[tilespmem:$0x1D800] =	vst v63  }
0x54: {  	_ =	swait.ge [sflag:s2], $0x2000  }
0x55: {  	[sflag:s2] =	ssyncset.done $0x0  }
0x56: {  	s16 =	simm.s32 $0x180;
	[sflag:s2] =	ssyncadd.s32 $0xFFFFE000  }
0x57: {  	[tilespmem:s28], [sflag:$0x3] =	stream.indirect.gather [hbm4b:s1+s24], $0x80, s16, s24, $0xb8;
	[tilespmem:$0x1D800] =	vst v63  }
0x58: {  	_ =	swait.ge [sflag:s13], $0x2000  }
0x59: {  	[sflag:s13] =	ssyncset.done $0x0  }
0x5a: {  	s22 =	simm.s32 $0x980;
	[sflag:s13] =	ssyncadd.s32 $0xFFFFE000  }
0x5b: {  	[spmem:s3] =	stream.indirect.scatter.add.f32 [tilespmem:s30], [sflag:$0x8], $0x80, s22, s24, $0xb8;
	[tilespmem:$0x1D800] =	vst v63  }
0x5c: {  	_ =	swait.ge [sflag:s2], $0x2000  }
0x5d: {  	[sflag:s2] =	ssyncset.done $0x0  }
0x5e: {  	s8 =	simm.s32 $0x1C0;
	[sflag:s2] =	ssyncadd.s32 $0xFFFFE000  }
0x5f: {  	[tilespmem:s30], [sflag:$0x4] =	stream.indirect.gather [hbm4b:s1+s24], $0x80, s8, s24, $0xb8;
	[tilespmem:$0x1D800] =	vst v63  }
0x60: {  	_ =	swait.ge [sflag:s31], $0x2000  }
0x61: {  	[sflag:s31] =	ssyncset.done $0x0  }
0x62: {  	s10 =	simm.s32 $0xA00;
	[sflag:s31] =	ssyncadd.s32 $0xFFFFE000  }
0x63: {  	[spmem:s3] =	stream.indirect.scatter.add.f32 [tilespmem:s25], [sflag:$0x8], $0x80, s10, s24, $0xb8;
	[tilespmem:$0x1D800] =	vst v63  }
0x64: {  	_ =	swait.ge [sflag:s2], $0x2000  }
0x65: {  	[sflag:s2] =	ssyncset.done $0x0  }
0x66: {  	s11 =	simm.s32 $0x200;
	[sflag:s2] =	ssyncadd.s32 $0xFFFFE000  }
0x67: {  	[tilespmem:s25], [sflag:$0x1] =	stream.indirect.gather [hbm4b:s1+s24], $0x80, s11, s24, $0xb8;
	[tilespmem:$0x1D800] =	vst v63  }
0x68: {  	_ =	swait.ge [sflag:s6], $0x2000  }
0x69: {  	[sflag:s6] =	ssyncset.done $0x0  }
0x6a: {  	s12 =	simm.s32 $0xA80;
	[sflag:s6] =	ssyncadd.s32 $0xFFFFE000  }
0x6b: {  	[spmem:s3] =	stream.indirect.scatter.add.f32 [tilespmem:s26], [sflag:$0x8], $0x80, s12, s24, $0xb8;
	[tilespmem:$0x1D800] =	vst v63  }
0x6c: {  	_ =	swait.ge [sflag:s2], $0x2000  }
0x6d: {  	[sflag:s2] =	ssyncset.done $0x0  }
0x6e: {  	s14 =	simm.s32 $0x240;
	[sflag:s2] =	ssyncadd.s32 $0xFFFFE000  }
0x6f: {  	[tilespmem:s26], [sflag:$0x2] =	stream.indirect.gather [hbm4b:s1+s24], $0x80, s14, s24, $0xb8;
	[tilespmem:$0x1D800] =	vst v63  }
0x70: {  	_ =	swait.ge [sflag:s9], $0x2000  }
0x71: {  	[sflag:s9] =	ssyncset.done $0x0  }
0x72: {  	s15 =	simm.s32 $0xB00;
	[sflag:s9] =	ssyncadd.s32 $0xFFFFE000  }
0x73: {  	[spmem:s3] =	stream.indirect.scatter.add.f32 [tilespmem:s28], [sflag:$0x8], $0x80, s15, s24, $0xb8;
	[tilespmem:$0x1D800] =	vst v63  }
0x74: {  	_ =	swait.ge [sflag:s2], $0x2000  }
0x75: {  	[sflag:s2] =	ssyncset.done $0x0  }
0x76: {  	s16 =	simm.s32 $0x280;
	[sflag:s2] =	ssyncadd.s32 $0xFFFFE000  }
0x77: {  	[tilespmem:s28], [sflag:$0x3] =	stream.indirect.gather [hbm4b:s1+s24], $0x80, s16, s24, $0xb8;
	[tilespmem:$0x1D800] =	vst v63  }
0x78: {  	_ =	swait.ge [sflag:s13], $0x2000  }
0x79: {  	[sflag:s13] =	ssyncset.done $0x0  }
0x7a: {  	s22 =	simm.s32 $0xB80;
	[sflag:s13] =	ssyncadd.s32 $0xFFFFE000  }
0x7b: {  	[spmem:s3] =	stream.indirect.scatter.add.f32 [tilespmem:s30], [sflag:$0x8], $0x80, s22, s24, $0xb8;
	[tilespmem:$0x1D800] =	vst v63  }
0x7c: {  	_ =	swait.ge [sflag:s2], $0x2000  }
0x7d: {  	[sflag:s2] =	ssyncset.done $0x0  }
0x7e: {  	s8 =	simm.s32 $0x2C0;
	[sflag:s2] =	ssyncadd.s32 $0xFFFFE000  }
0x7f: {  	[tilespmem:s30], [sflag:$0x4] =	stream.indirect.gather [hbm4b:s1+s24], $0x80, s8, s24, $0xb8;
	[tilespmem:$0x1D800] =	vst v63  }
0x80: {  	_ =	swait.ge [sflag:s31], $0x2000  }
0x81: {  	[sflag:s31] =	ssyncset.done $0x0  }
0x82: {  	s10 =	simm.s32 $0xC00;
	[sflag:s31] =	ssyncadd.s32 $0xFFFFE000  }
0x83: {  	[spmem:s3] =	stream.indirect.scatter.add.f32 [tilespmem:s25], [sflag:$0x8], $0x80, s10, s24, $0xb8;
	[tilespmem:$0x1D800] =	vst v63  }
0x84: {  	_ =	swait.ge [sflag:s2], $0x2000  }
0x85: {  	[sflag:s2] =	ssyncset.done $0x0  }
0x86: {  	s11 =	simm.s32 $0x300;
	[sflag:s2] =	ssyncadd.s32 $0xFFFFE000  }
0x87: {  	[tilespmem:s25], [sflag:$0x1] =	stream.indirect.gather [hbm4b:s1+s24], $0x80, s11, s24, $0xb8;
	[tilespmem:$0x1D800] =	vst v63  }
0x88: {  	_ =	swait.ge [sflag:s6], $0x2000  }
0x89: {  	[sflag:s6] =	ssyncset.done $0x0  }
0x8a: {  	s12 =	simm.s32 $0xC80;
	[sflag:s6] =	ssyncadd.s32 $0xFFFFE000  }
0x8b: {  	[spmem:s3] =	stream.indirect.scatter.add.f32 [tilespmem:s26], [sflag:$0x8], $0x80, s12, s24, $0xb8;
	[tilespmem:$0x1D800] =	vst v63  }
0x8c: {  	_ =	swait.ge [sflag:s2], $0x2000  }
0x8d: {  	[sflag:s2] =	ssyncset.done $0x0  }
0x8e: {  	s14 =	simm.s32 $0x340;
	[sflag:s2] =	ssyncadd.s32 $0xFFFFE000  }
0x8f: {  	[tilespmem:s26], [sflag:$0x2] =	stream.indirect.gather [hbm4b:s1+s24], $0x80, s14, s24, $0xb8;
	[tilespmem:$0x1D800] =	vst v63  }
0x90: {  	_ =	swait.ge [sflag:s9], $0x2000  }
0x91: {  	[sflag:s9] =	ssyncset.done $0x0  }
0x92: {  	s15 =	simm.s32 $0xD00;
	[sflag:s9] =	ssyncadd.s32 $0xFFFFE000  }
0x93: {  	[spmem:s3] =	stream.indirect.scatter.add.f32 [tilespmem:s28], [sflag:$0x8], $0x80, s15, s24, $0xb8;
	[tilespmem:$0x1D800] =	vst v63  }
0x94: {  	_ =	swait.ge [sflag:s2], $0x2000  }
0x95: {  	[sflag:s2] =	ssyncset.done $0x0  }
0x96: {  	s16 =	simm.s32 $0x380;
	[sflag:s2] =	ssyncadd.s32 $0xFFFFE000  }
0x97: {  	[tilespmem:s28], [sflag:$0x3] =	stream.indirect.gather [hbm4b:s1+s24], $0x80, s16, s24, $0xb8;
	[tilespmem:$0x1D800] =	vst v63  }
0x98: {  	_ =	swait.ge [sflag:s13], $0x2000  }
0x99: {  	[sflag:s13] =	ssyncset.done $0x0  }
0x9a: {  	s22 =	simm.s32 $0xD80;
	[sflag:s13] =	ssyncadd.s32 $0xFFFFE000  }
0x9b: {  	[spmem:s3] =	stream.indirect.scatter.add.f32 [tilespmem:s30], [sflag:$0x8], $0x80, s22, s24, $0xb8;
	[tilespmem:$0x1D800] =	vst v63  }
0x9c: {  	_ =	swait.ge [sflag:s2], $0x2000  }
0x9d: {  	[sflag:s2] =	ssyncset.done $0x0  }
0x9e: {  	s8 =	simm.s32 $0x3C0;
	[sflag:s2] =	ssyncadd.s32 $0xFFFFE000  }
0x9f: {  	[tilespmem:s30], [sflag:$0x4] =	stream.indirect.gather [hbm4b:s1+s24], $0x80, s8, s24, $0xb8;
	[tilespmem:$0x1D800] =	vst v63  }
0xa0: {  	_ =	swait.ge [sflag:s31], $0x2000  }
0xa1: {  	[sflag:s31] =	ssyncset.done $0x0  }
0xa2: {  	s10 =	simm.s32 $0xE00;
	[sflag:s31] =	ssyncadd.s32 $0xFFFFE000  }
0xa3: {  	[spmem:s3] =	stream.indirect.scatter.add.f32 [tilespmem:s25], [sflag:$0x8], $0x80, s10, s24, $0xb8;
	[tilespmem:$0x1D800] =	vst v63  }
0xa4: {  	_ =	swait.ge [sflag:s2], $0x2000  }
0xa5: {  	[sflag:s2] =	ssyncset.done $0x0  }
0xa6: {  	[sflag:s2] =	ssyncadd.s32 $0xFFFFE000  }
0xa7: {  	_ =	swait.ge [sflag:s0], $0x400  }
0xa8: {  	[sflag:s0] =	ssyncset.done $0x0  }
0xa9: {  	[sflag:s0] =	ssyncadd.s32 $0xFFFFFC00  }
0xaa: {  	_ =	swait.ge [sflag:s0], $0x800  }
0xab: {  	[sflag:s0] =	ssyncset.done $0x0  }
0xac: {  	[sflag:s0] =	ssyncadd.s32 $0xFFFFF800  }
0xad: {  	[tilespmem:s25], [sflag:$0x1] =	stream.indirect.gather [hbm4b:s1+s24], $0x80, s19, s24, $0xb8;
	[tilespmem:$0x1D800] =	vst v63  }
0xae: {  	_ =	swait.ge [sflag:s6], $0x2000  }
0xaf: {  	[sflag:s6] =	ssyncset.done $0x0  }
0xb0: {  	s11 =	simm.s32 $0xE80;
	[sflag:s6] =	ssyncadd.s32 $0xFFFFE000  }
0xb1: {  	[spmem:s3] =	stream.indirect.scatter.add.f32 [tilespmem:s26], [sflag:$0x8], $0x80, s11, s24, $0xb8;
	[tilespmem:$0x1D800] =	vst v63  }
0xb2: {  	_ =	swait.ge [sflag:s2], $0x2000  }
0xb3: {  	[sflag:s2] =	ssyncset.done $0x0  }
0xb4: {  	s12 =	simm.s32 $0x440;
	[sflag:s2] =	ssyncadd.s32 $0xFFFFE000  }
0xb5: {  	[tilespmem:s26], [sflag:$0x2] =	stream.indirect.gather [hbm4b:s1+s24], $0x80, s12, s24, $0xb8;
	[tilespmem:$0x1D800] =	vst v63  }
0xb6: {  	_ =	swait.ge [sflag:s9], $0x2000  }
0xb7: {  	[sflag:s9] =	ssyncset.done $0x0  }
0xb8: {  	s14 =	simm.s32 $0xF00;
	[sflag:s9] =	ssyncadd.s32 $0xFFFFE000  }
0xb9: {  	[spmem:s3] =	stream.indirect.scatter.add.f32 [tilespmem:s28], [sflag:$0x8], $0x80, s14, s24, $0xb8;
	[tilespmem:$0x1D800] =	vst v63  }
0xba: {  	_ =	swait.ge [sflag:s2], $0x2000  }
0xbb: {  	[sflag:s2] =	ssyncset.done $0x0  }
0xbc: {  	s15 =	simm.s32 $0x480;
	[sflag:s2] =	ssyncadd.s32 $0xFFFFE000  }
0xbd: {  	[tilespmem:s28], [sflag:$0x3] =	stream.indirect.gather [hbm4b:s1+s24], $0x80, s15, s24, $0xb8;
	[tilespmem:$0x1D800] =	vst v63  }
0xbe: {  	_ =	swait.ge [sflag:s13], $0x2000  }
0xbf: {  	[sflag:s13] =	ssyncset.done $0x0  }
0xc0: {  	s16 =	simm.s32 $0xF80;
	[sflag:s13] =	ssyncadd.s32 $0xFFFFE000  }
0xc1: {  	[spmem:s3] =	stream.indirect.scatter.add.f32 [tilespmem:s30], [sflag:$0x8], $0x80, s16, s24, $0xb8;
	[tilespmem:$0x1D800] =	vst v63  }
0xc2: {  	s10 =	rddreg [dreg:$0x11];
	_ =	swait.ge [sflag:s2], $0x2000  }
0xc3: {  	s7 =	sadd.s32 $0x20, s10;
	s15 =	rddreg [dreg:$0x12]  }
0xc4: {  	s11 =	sand.u32 $0x60, s7;
	s8 =	sadd.s32 $0x100, s15  }
0xc5: {  	s11 =	sadd.s32 s5, s11;
	[sflag:s2] =	ssyncset.done $0x0;
	s14 =	sand.u32 $0xFFFFC00, s8  }
0xc6: {  	s12 =	rddreg [dreg:$0x6];
	[sflag:s2] =	ssyncadd.s32 $0xFFFFE000;
	s11 =	sadd.s32 s14, s11  }
0xc7: {  	[tilespmem:s4], [sflag:$0x5] =	stream.strided.gather [hbm4b:s11+s18], $0x400, s19, s18, $0x38;
	[tilespmem:$0x1D800] =	vst v63  }
0xc8: {  	s22 =	sadd.s32 $0x0, s12  }
0xc9: {  	[tilespmem:s20], [sflag:$0x5] =	stream.linear.gather [hbm4b:s22+s4], $0x800, $0x38;
	[tilespmem:$0x1D800] =	vst v63  }
0xca: {  	s12 =	simm.s32 $0x4C0  }
0xcb: {  	[tilespmem:s30], [sflag:$0x4] =	stream.indirect.gather [hbm4b:s1+s24], $0x80, s12, s24, $0xb8;
	[tilespmem:$0x1D800] =	vst v63  }
0xcc: {  	_ =	swait.ge [sflag:s31], $0x2000  }
0xcd: {  	[sflag:s31] =	ssyncset.done $0x0  }
0xce: {  	[sflag:s31] =	ssyncadd.s32 $0xFFFFE000  }
0xcf: {  	[spmem:s3] =	stream.indirect.scatter.add.f32 [tilespmem:s25], [sflag:$0x8], $0x80, s21, s24, $0xb8;
	[tilespmem:$0x1D800] =	vst v63  }
0xd0: {  	_ =	swait.ge [sflag:s2], $0x2000  }
0xd1: {  	[sflag:s2] =	ssyncset.done $0x0  }
0xd2: {  	s14 =	simm.s32 $0x500;
	[sflag:s2] =	ssyncadd.s32 $0xFFFFE000  }
0xd3: {  	[tilespmem:s25], [sflag:$0x1] =	stream.indirect.gather [hbm4b:s1+s24], $0x80, s14, s24, $0xb8;
	[tilespmem:$0x1D800] =	vst v63  }
0xd4: {  	_ =	swait.ge [sflag:s6], $0x2000  }
0xd5: {  	[sflag:s6] =	ssyncset.done $0x0  }
0xd6: {  	s16 =	simm.s32 $0x1080;
	[sflag:s6] =	ssyncadd.s32 $0xFFFFE000  }
0xd7: {  	[spmem:s3] =	stream.indirect.scatter.add.f32 [tilespmem:s26], [sflag:$0x8], $0x80, s16, s24, $0xb8;
	[tilespmem:$0x1D800] =	vst v63  }
0xd8: {  	_ =	swait.ge [sflag:s2], $0x2000  }
0xd9: {  	[sflag:s2] =	ssyncset.done $0x0  }
0xda: {  	s22 =	simm.s32 $0x540;
	[sflag:s2] =	ssyncadd.s32 $0xFFFFE000  }
0xdb: {  	[tilespmem:s26], [sflag:$0x2] =	stream.indirect.gather [hbm4b:s1+s24], $0x80, s22, s24, $0xb8;
	[tilespmem:$0x1D800] =	vst v63  }
0xdc: {  	_ =	swait.ge [sflag:s9], $0x2000  }
0xdd: {  	[sflag:s9] =	ssyncset.done $0x0  }
0xde: {  	s12 =	simm.s32 $0x1100;
	[sflag:s9] =	ssyncadd.s32 $0xFFFFE000  }
0xdf: {  	[spmem:s3] =	stream.indirect.scatter.add.f32 [tilespmem:s28], [sflag:$0x8], $0x80, s12, s24, $0xb8;
	[tilespmem:$0x1D800] =	vst v63  }
0xe0: {  	_ =	swait.ge [sflag:s2], $0x2000  }
0xe1: {  	[sflag:s2] =	ssyncset.done $0x0  }
0xe2: {  	s14 =	simm.s32 $0x580;
	[sflag:s2] =	ssyncadd.s32 $0xFFFFE000  }
0xe3: {  	[tilespmem:s28], [sflag:$0x3] =	stream.indirect.gather [hbm4b:s1+s24], $0x80, s14, s24, $0xb8;
	[tilespmem:$0x1D800] =	vst v63  }
0xe4: {  	_ =	swait.ge [sflag:s13], $0x2000  }
0xe5: {  	[sflag:s13] =	ssyncset.done $0x0  }
0xe6: {  	s16 =	simm.s32 $0x1180;
	[sflag:s13] =	ssyncadd.s32 $0xFFFFE000  }
0xe7: {  	[spmem:s3] =	stream.indirect.scatter.add.f32 [tilespmem:s30], [sflag:$0x8], $0x80, s16, s24, $0xb8;
	[tilespmem:$0x1D800] =	vst v63  }
0xe8: {  	_ =	swait.ge [sflag:s2], $0x2000  }
0xe9: {  	[sflag:s2] =	ssyncset.done $0x0  }
0xea: {  	s22 =	simm.s32 $0x5C0;
	[sflag:s2] =	ssyncadd.s32 $0xFFFFE000  }
0xeb: {  	[tilespmem:s30], [sflag:$0x4] =	stream.indirect.gather [hbm4b:s1+s24], $0x80, s22, s24, $0xb8;
	[tilespmem:$0x1D800] =	vst v63  }
0xec: {  	_ =	swait.ge [sflag:s31], $0x2000  }
0xed: {  	[sflag:s31] =	ssyncset.done $0x0  }
0xee: {  	s12 =	simm.s32 $0x1200;
	[sflag:s31] =	ssyncadd.s32 $0xFFFFE000  }
0xef: {  	[spmem:s3] =	stream.indirect.scatter.add.f32 [tilespmem:s25], [sflag:$0x8], $0x80, s12, s24, $0xb8;
	[tilespmem:$0x1D800] =	vst v63  }
0xf0: {  	_ =	swait.ge [sflag:s2], $0x2000  }
0xf1: {  	[sflag:s2] =	ssyncset.done $0x0  }
0xf2: {  	s14 =	simm.s32 $0x600;
	[sflag:s2] =	ssyncadd.s32 $0xFFFFE000  }
0xf3: {  	[tilespmem:s25], [sflag:$0x1] =	stream.indirect.gather [hbm4b:s1+s24], $0x80, s14, s24, $0xb8;
	[tilespmem:$0x1D800] =	vst v63  }
0xf4: {  	_ =	swait.ge [sflag:s6], $0x2000  }
0xf5: {  	[sflag:s6] =	ssyncset.done $0x0  }
0xf6: {  	s16 =	simm.s32 $0x1280;
	[sflag:s6] =	ssyncadd.s32 $0xFFFFE000  }
0xf7: {  	[spmem:s3] =	stream.indirect.scatter.add.f32 [tilespmem:s26], [sflag:$0x8], $0x80, s16, s24, $0xb8;
	[tilespmem:$0x1D800] =	vst v63  }
0xf8: {  	_ =	swait.ge [sflag:s2], $0x2000  }
0xf9: {  	[sflag:s2] =	ssyncset.done $0x0  }
0xfa: {  	s22 =	simm.s32 $0x640;
	[sflag:s2] =	ssyncadd.s32 $0xFFFFE000  }
0xfb: {  	[tilespmem:s26], [sflag:$0x2] =	stream.indirect.gather [hbm4b:s1+s24], $0x80, s22, s24, $0xb8;
	[tilespmem:$0x1D800] =	vst v63  }
0xfc: {  	_ =	swait.ge [sflag:s9], $0x2000  }
0xfd: {  	[sflag:s9] =	ssyncset.done $0x0  }
0xfe: {  	s12 =	simm.s32 $0x1300;
	[sflag:s9] =	ssyncadd.s32 $0xFFFFE000  }
0xff: {  	[spmem:s3] =	stream.indirect.scatter.add.f32 [tilespmem:s28], [sflag:$0x8], $0x80, s12, s24, $0xb8;
	[tilespmem:$0x1D800] =	vst v63  }
0x100: {  	_ =	swait.ge [sflag:s2], $0x2000  }
0x101: {  	[sflag:s2] =	ssyncset.done $0x0  }
0x102: {  	s14 =	simm.s32 $0x680;
	[sflag:s2] =	ssyncadd.s32 $0xFFFFE000  }
0x103: {  	[tilespmem:s28], [sflag:$0x3] =	stream.indirect.gather [hbm4b:s1+s24], $0x80, s14, s24, $0xb8;
	[tilespmem:$0x1D800] =	vst v63  }
0x104: {  	_ =	swait.ge [sflag:s13], $0x2000  }
0x105: {  	[sflag:s13] =	ssyncset.done $0x0  }
0x106: {  	s16 =	simm.s32 $0x1380;
	[sflag:s13] =	ssyncadd.s32 $0xFFFFE000  }
0x107: {  	[spmem:s3] =	stream.indirect.scatter.add.f32 [tilespmem:s30], [sflag:$0x8], $0x80, s16, s24, $0xb8;
	[tilespmem:$0x1D800] =	vst v63  }
0x108: {  	_ =	swait.ge [sflag:s2], $0x2000  }
0x109: {  	[sflag:s2] =	ssyncset.done $0x0  }
0x10a: {  	s22 =	simm.s32 $0x6C0;
	[sflag:s2] =	ssyncadd.s32 $0xFFFFE000  }
0x10b: {  	[tilespmem:s30], [sflag:$0x4] =	stream.indirect.gather [hbm4b:s1+s24], $0x80, s22, s24, $0xb8;
	[tilespmem:$0x1D800] =	vst v63  }
0x10c: {  	_ =	swait.ge [sflag:s31], $0x2000  }
0x10d: {  	[sflag:s31] =	ssyncset.done $0x0  }
0x10e: {  	s12 =	simm.s32 $0x1400;
	[sflag:s31] =	ssyncadd.s32 $0xFFFFE000  }
0x10f: {  	[spmem:s3] =	stream.indirect.scatter.add.f32 [tilespmem:s25], [sflag:$0x8], $0x80, s12, s24, $0xb8;
	[tilespmem:$0x1D800] =	vst v63  }
0x110: {  	_ =	swait.ge [sflag:s2], $0x2000  }
0x111: {  	[sflag:s2] =	ssyncset.done $0x0  }
0x112: {  	s14 =	simm.s32 $0x700;
	[sflag:s2] =	ssyncadd.s32 $0xFFFFE000  }
0x113: {  	[tilespmem:s25], [sflag:$0x1] =	stream.indirect.gather [hbm4b:s1+s24], $0x80, s14, s24, $0xb8;
	[tilespmem:$0x1D800] =	vst v63  }
0x114: {  	_ =	swait.ge [sflag:s6], $0x2000  }
0x115: {  	[sflag:s6] =	ssyncset.done $0x0  }
0x116: {  	s16 =	simm.s32 $0x1480;
	[sflag:s6] =	ssyncadd.s32 $0xFFFFE000  }
0x117: {  	[spmem:s3] =	stream.indirect.scatter.add.f32 [tilespmem:s26], [sflag:$0x8], $0x80, s16, s24, $0xb8;
	[tilespmem:$0x1D800] =	vst v63  }
0x118: {  	_ =	swait.ge [sflag:s2], $0x2000  }
0x119: {  	[sflag:s2] =	ssyncset.done $0x0  }
0x11a: {  	s22 =	simm.s32 $0x740;
	[sflag:s2] =	ssyncadd.s32 $0xFFFFE000  }
0x11b: {  	[tilespmem:s26], [sflag:$0x2] =	stream.indirect.gather [hbm4b:s1+s24], $0x80, s22, s24, $0xb8;
	[tilespmem:$0x1D800] =	vst v63  }
0x11c: {  	_ =	swait.ge [sflag:s9], $0x2000  }
0x11d: {  	[sflag:s9] =	ssyncset.done $0x0  }
0x11e: {  	s12 =	simm.s32 $0x1500;
	[sflag:s9] =	ssyncadd.s32 $0xFFFFE000  }
0x11f: {  	[spmem:s3] =	stream.indirect.scatter.add.f32 [tilespmem:s28], [sflag:$0x8], $0x80, s12, s24, $0xb8;
	[tilespmem:$0x1D800] =	vst v63  }
0x120: {  	_ =	swait.ge [sflag:s2], $0x2000  }
0x121: {  	[sflag:s2] =	ssyncset.done $0x0  }
0x122: {  	s14 =	simm.s32 $0x780;
	[sflag:s2] =	ssyncadd.s32 $0xFFFFE000  }
0x123: {  	[tilespmem:s28], [sflag:$0x3] =	stream.indirect.gather [hbm4b:s1+s24], $0x80, s14, s24, $0xb8;
	[tilespmem:$0x1D800] =	vst v63  }
0x124: {  	_ =	swait.ge [sflag:s13], $0x2000  }
0x125: {  	[sflag:s13] =	ssyncset.done $0x0  }
0x126: {  	s16 =	simm.s32 $0x1580;
	[sflag:s13] =	ssyncadd.s32 $0xFFFFE000  }
0x127: {  	[spmem:s3] =	stream.indirect.scatter.add.f32 [tilespmem:s30], [sflag:$0x8], $0x80, s16, s24, $0xb8;
	[tilespmem:$0x1D800] =	vst v63  }
0x128: {  	_ =	swait.ge [sflag:s2], $0x2000  }
0x129: {  	[sflag:s2] =	ssyncset.done $0x0  }
0x12a: {  	s22 =	simm.s32 $0x7C0;
	[sflag:s2] =	ssyncadd.s32 $0xFFFFE000  }
0x12b: {  	[tilespmem:s30], [sflag:$0x4] =	stream.indirect.gather [hbm4b:s1+s24], $0x80, s22, s24, $0xb8;
	[tilespmem:$0x1D800] =	vst v63  }
0x12c: {  	_ =	swait.ge [sflag:s31], $0x2000  }
0x12d: {  	[sflag:s31] =	ssyncset.done $0x0  }
0x12e: {  	s12 =	simm.s32 $0x1600;
	[sflag:s31] =	ssyncadd.s32 $0xFFFFE000  }
0x12f: {  	[spmem:s3] =	stream.indirect.scatter.add.f32 [tilespmem:s25], [sflag:$0x8], $0x80, s12, s24, $0xb8;
	[tilespmem:$0x1D800] =	vst v63  }
0x130: {  	_ =	swait.ge [sflag:s2], $0x2000  }
0x131: {  	[sflag:s2] =	ssyncset.done $0x0  }
0x132: {  	[sflag:s2] =	ssyncadd.s32 $0xFFFFE000  }
0x133: {  	_ =	swait.ge [sflag:s23], $0x400  }
0x134: {  	[sflag:s23] =	ssyncset.done $0x0  }
0x135: {  	[sflag:s23] =	ssyncadd.s32 $0xFFFFFC00  }
0x136: {  	_ =	swait.ge [sflag:s23], $0x800  }
0x137: {  	[sflag:s23] =	ssyncset.done $0x0  }
0x138: {  	[sflag:s23] =	ssyncadd.s32 $0xFFFFF800  }
0x139: {  	[tilespmem:s25], [sflag:$0x1] =	stream.indirect.gather [hbm4b:s1+s24], $0x80, s4, s24, $0xb8;
	[tilespmem:$0x1D800] =	vst v63  }
0x13a: {  	_ =	swait.ge [sflag:s6], $0x2000  }
0x13b: {  	[sflag:s6] =	ssyncset.done $0x0  }
0x13c: {  	s14 =	simm.s32 $0x1680;
	[sflag:s6] =	ssyncadd.s32 $0xFFFFE000  }
0x13d: {  	[spmem:s3] =	stream.indirect.scatter.add.f32 [tilespmem:s26], [sflag:$0x8], $0x80, s14, s24, $0xb8;
	[tilespmem:$0x1D800] =	vst v63  }
0x13e: {  	_ =	swait.ge [sflag:s2], $0x2000  }
0x13f: {  	[sflag:s2] =	ssyncset.done $0x0  }
0x140: {  	[sflag:s2] =	ssyncadd.s32 $0xFFFFE000  }
0x141: {  	[tilespmem:s26], [sflag:$0x2] =	stream.indirect.gather [hbm4b:s1+s24], $0x80, s24, s24, $0xb8;
	[tilespmem:$0x1D800] =	vst v63  }
0x142: {  	_ =	swait.ge [sflag:s9], $0x2000  }
0x143: {  	[sflag:s9] =	ssyncset.done $0x0  }
0x144: {  	[sflag:s9] =	ssyncadd.s32 $0xFFFFE000  }
0x145: {  	[spmem:s3] =	stream.indirect.scatter.add.f32 [tilespmem:s28], [sflag:$0x8], $0x80, s17, s24, $0xb8;
	[tilespmem:$0x1D800] =	vst v63  }
0x146: {  	_ =	swait.ge [sflag:s2], $0x2000  }
0x147: {  	[sflag:s2] =	ssyncset.done $0x0  }
0x148: {  	[sflag:s2] =	ssyncadd.s32 $0xFFFFE000  }
0x149: {  	[tilespmem:s28], [sflag:$0x3] =	stream.indirect.gather [hbm4b:s1+s24], $0x80, s18, s24, $0xb8;
	[tilespmem:$0x1D800] =	vst v63  }
0x14a: {  	_ =	swait.ge [sflag:s13], $0x2000  }
0x14b: {  	[sflag:s13] =	ssyncset.done $0x0  }
0x14c: {  	s16 =	sadd.s32 $0x30, s10;
	[sflag:s13] =	ssyncadd.s32 $0xFFFFE000  }
0x14d: {  	[spmem:s3] =	stream.indirect.scatter.add.f32 [tilespmem:s30], [sflag:$0x8], $0x80, s29, s24, $0xb8;
	[tilespmem:$0x1D800] =	vst v63  }
0x14e: {  	s11 =	sand.u32 $0x70, s16;
	s22 =	sadd.s32 $0x180, s15;
	_ =	swait.ge [sflag:s2], $0x2000  }
0x14f: {  	s11 =	sadd.s32 s5, s11;
	s12 =	sand.u32 $0xFFFFC00, s22;
	[sflag:s2] =	ssyncset.done $0x0  }
0x150: {  	s11 =	sadd.s32 s12, s11;
	[sflag:s2] =	ssyncadd.s32 $0xFFFFE000  }
0x151: {  	[tilespmem:s19], [sflag:$0x6] =	stream.strided.gather [hbm4b:s11+s18], $0x400, s19, s18, $0x38;
	[tilespmem:$0x1D800] =	vst v63  }
0x152: {  	s12 =	simm.s32 $0x0;
	s14 =	rddreg [dreg:$0x5];
	s11 =	simm.s32 $0x200  }
.LBB2_2:
0x153: {  	s10 =	sadd.s32 s12, s14  }
0x154: {  	[tilespmem:s21], [sflag:$0x6] =	stream.linear.gather [hbm4b:s10+s4], $0x800, $0x38;
	[tilespmem:$0x1D800] =	vst v63  }
0x155: {  	s16 =	simm.s32 $0xC0  }
0x156: {  	[tilespmem:s30], [sflag:$0x4] =	stream.indirect.gather [hbm4b:s1+s24], $0x80, s16, s24, $0xb8;
	[tilespmem:$0x1D800] =	vst v63  }
0x157: {  	_ =	swait.ge [sflag:s31], $0x2000  }
0x158: {  	[sflag:s31] =	ssyncset.done $0x0  }
0x159: {  	[sflag:s31] =	ssyncadd.s32 $0xFFFFE000  }
0x15a: {  	[spmem:s3] =	stream.indirect.scatter.add.f32 [tilespmem:s25], [sflag:$0x8], $0x80, s20, s24, $0xb8;
	[tilespmem:$0x1D800] =	vst v63  }
0x15b: {  	_ =	swait.ge [sflag:s2], $0x2000  }
0x15c: {  	[sflag:s2] =	ssyncset.done $0x0  }
0x15d: {  	s22 =	simm.s32 $0x100;
	[sflag:s2] =	ssyncadd.s32 $0xFFFFE000  }
0x15e: {  	[tilespmem:s25], [sflag:$0x1] =	stream.indirect.gather [hbm4b:s1+s24], $0x80, s22, s24, $0xb8;
	[tilespmem:$0x1D800] =	vst v63  }
0x15f: {  	_ =	swait.ge [sflag:s6], $0x2000  }
0x160: {  	[sflag:s6] =	ssyncset.done $0x0  }
0x161: {  	s16 =	simm.s32 $0x880;
	[sflag:s6] =	ssyncadd.s32 $0xFFFFE000  }
0x162: {  	[spmem:s3] =	stream.indirect.scatter.add.f32 [tilespmem:s26], [sflag:$0x8], $0x80, s16, s24, $0xb8;
	[tilespmem:$0x1D800] =	vst v63  }
0x163: {  	_ =	swait.ge [sflag:s2], $0x2000  }
0x164: {  	[sflag:s2] =	ssyncset.done $0x0  }
0x165: {  	s22 =	simm.s32 $0x140;
	[sflag:s2] =	ssyncadd.s32 $0xFFFFE000  }
0x166: {  	[tilespmem:s26], [sflag:$0x2] =	stream.indirect.gather [hbm4b:s1+s24], $0x80, s22, s24, $0xb8;
	[tilespmem:$0x1D800] =	vst v63  }
0x167: {  	_ =	swait.ge [sflag:s9], $0x2000  }
0x168: {  	[sflag:s9] =	ssyncset.done $0x0  }
0x169: {  	s16 =	simm.s32 $0x900;
	[sflag:s9] =	ssyncadd.s32 $0xFFFFE000  }
0x16a: {  	[spmem:s3] =	stream.indirect.scatter.add.f32 [tilespmem:s28], [sflag:$0x8], $0x80, s16, s24, $0xb8;
	[tilespmem:$0x1D800] =	vst v63  }
0x16b: {  	_ =	swait.ge [sflag:s2], $0x2000  }
0x16c: {  	[sflag:s2] =	ssyncset.done $0x0  }
0x16d: {  	s22 =	simm.s32 $0x180;
	[sflag:s2] =	ssyncadd.s32 $0xFFFFE000  }
0x16e: {  	[tilespmem:s28], [sflag:$0x3] =	stream.indirect.gather [hbm4b:s1+s24], $0x80, s22, s24, $0xb8;
	[tilespmem:$0x1D800] =	vst v63  }
0x16f: {  	_ =	swait.ge [sflag:s13], $0x2000  }
0x170: {  	[sflag:s13] =	ssyncset.done $0x0  }
0x171: {  	s16 =	simm.s32 $0x980;
	[sflag:s13] =	ssyncadd.s32 $0xFFFFE000  }
0x172: {  	[spmem:s3] =	stream.indirect.scatter.add.f32 [tilespmem:s30], [sflag:$0x8], $0x80, s16, s24, $0xb8;
	[tilespmem:$0x1D800] =	vst v63  }
0x173: {  	_ =	swait.ge [sflag:s2], $0x2000  }
0x174: {  	[sflag:s2] =	ssyncset.done $0x0  }
0x175: {  	s22 =	simm.s32 $0x1C0;
	[sflag:s2] =	ssyncadd.s32 $0xFFFFE000  }
0x176: {  	[tilespmem:s30], [sflag:$0x4] =	stream.indirect.gather [hbm4b:s1+s24], $0x80, s22, s24, $0xb8;
	[tilespmem:$0x1D800] =	vst v63  }
0x177: {  	_ =	swait.ge [sflag:s31], $0x2000  }
0x178: {  	[sflag:s31] =	ssyncset.done $0x0  }
0x179: {  	s16 =	simm.s32 $0xA00;
	[sflag:s31] =	ssyncadd.s32 $0xFFFFE000  }
0x17a: {  	[spmem:s3] =	stream.indirect.scatter.add.f32 [tilespmem:s25], [sflag:$0x8], $0x80, s16, s24, $0xb8;
	[tilespmem:$0x1D800] =	vst v63  }
0x17b: {  	_ =	swait.ge [sflag:s2], $0x2000  }
0x17c: {  	[sflag:s2] =	ssyncset.done $0x0  }
0x17d: {  	s22 =	simm.s32 $0x200;
	[sflag:s2] =	ssyncadd.s32 $0xFFFFE000  }
0x17e: {  	[tilespmem:s25], [sflag:$0x1] =	stream.indirect.gather [hbm4b:s1+s24], $0x80, s22, s24, $0xb8;
	[tilespmem:$0x1D800] =	vst v63  }
0x17f: {  	_ =	swait.ge [sflag:s6], $0x2000  }
0x180: {  	[sflag:s6] =	ssyncset.done $0x0  }
0x181: {  	s16 =	simm.s32 $0xA80;
	[sflag:s6] =	ssyncadd.s32 $0xFFFFE000  }
0x182: {  	[spmem:s3] =	stream.indirect.scatter.add.f32 [tilespmem:s26], [sflag:$0x8], $0x80, s16, s24, $0xb8;
	[tilespmem:$0x1D800] =	vst v63  }
0x183: {  	_ =	swait.ge [sflag:s2], $0x2000  }
0x184: {  	[sflag:s2] =	ssyncset.done $0x0  }
0x185: {  	s22 =	simm.s32 $0x240;
	[sflag:s2] =	ssyncadd.s32 $0xFFFFE000  }
0x186: {  	[tilespmem:s26], [sflag:$0x2] =	stream.indirect.gather [hbm4b:s1+s24], $0x80, s22, s24, $0xb8;
	[tilespmem:$0x1D800] =	vst v63  }
0x187: {  	_ =	swait.ge [sflag:s9], $0x2000  }
0x188: {  	[sflag:s9] =	ssyncset.done $0x0  }
0x189: {  	s16 =	simm.s32 $0xB00;
	[sflag:s9] =	ssyncadd.s32 $0xFFFFE000  }
0x18a: {  	[spmem:s3] =	stream.indirect.scatter.add.f32 [tilespmem:s28], [sflag:$0x8], $0x80, s16, s24, $0xb8;
	[tilespmem:$0x1D800] =	vst v63  }
0x18b: {  	_ =	swait.ge [sflag:s2], $0x2000  }
0x18c: {  	[sflag:s2] =	ssyncset.done $0x0  }
0x18d: {  	s22 =	simm.s32 $0x280;
	[sflag:s2] =	ssyncadd.s32 $0xFFFFE000  }
0x18e: {  	[tilespmem:s28], [sflag:$0x3] =	stream.indirect.gather [hbm4b:s1+s24], $0x80, s22, s24, $0xb8;
	[tilespmem:$0x1D800] =	vst v63  }
0x18f: {  	_ =	swait.ge [sflag:s13], $0x2000  }
0x190: {  	[sflag:s13] =	ssyncset.done $0x0  }
0x191: {  	s16 =	simm.s32 $0xB80;
	[sflag:s13] =	ssyncadd.s32 $0xFFFFE000  }
0x192: {  	[spmem:s3] =	stream.indirect.scatter.add.f32 [tilespmem:s30], [sflag:$0x8], $0x80, s16, s24, $0xb8;
	[tilespmem:$0x1D800] =	vst v63  }
0x193: {  	_ =	swait.ge [sflag:s2], $0x2000  }
0x194: {  	[sflag:s2] =	ssyncset.done $0x0  }
0x195: {  	s22 =	simm.s32 $0x2C0;
	[sflag:s2] =	ssyncadd.s32 $0xFFFFE000  }
0x196: {  	[tilespmem:s30], [sflag:$0x4] =	stream.indirect.gather [hbm4b:s1+s24], $0x80, s22, s24, $0xb8;
	[tilespmem:$0x1D800] =	vst v63  }
0x197: {  	_ =	swait.ge [sflag:s31], $0x2000  }
0x198: {  	[sflag:s31] =	ssyncset.done $0x0  }
0x199: {  	s16 =	simm.s32 $0xC00;
	[sflag:s31] =	ssyncadd.s32 $0xFFFFE000  }
0x19a: {  	[spmem:s3] =	stream.indirect.scatter.add.f32 [tilespmem:s25], [sflag:$0x8], $0x80, s16, s24, $0xb8;
	[tilespmem:$0x1D800] =	vst v63  }
0x19b: {  	_ =	swait.ge [sflag:s2], $0x2000  }
0x19c: {  	[sflag:s2] =	ssyncset.done $0x0  }
0x19d: {  	s22 =	simm.s32 $0x300;
	[sflag:s2] =	ssyncadd.s32 $0xFFFFE000  }
0x19e: {  	[tilespmem:s25], [sflag:$0x1] =	stream.indirect.gather [hbm4b:s1+s24], $0x80, s22, s24, $0xb8;
	[tilespmem:$0x1D800] =	vst v63  }
0x19f: {  	_ =	swait.ge [sflag:s6], $0x2000  }
0x1a0: {  	[sflag:s6] =	ssyncset.done $0x0  }
0x1a1: {  	s16 =	simm.s32 $0xC80;
	[sflag:s6] =	ssyncadd.s32 $0xFFFFE000  }
0x1a2: {  	[spmem:s3] =	stream.indirect.scatter.add.f32 [tilespmem:s26], [sflag:$0x8], $0x80, s16, s24, $0xb8;
	[tilespmem:$0x1D800] =	vst v63  }
0x1a3: {  	_ =	swait.ge [sflag:s2], $0x2000  }
0x1a4: {  	[sflag:s2] =	ssyncset.done $0x0  }
0x1a5: {  	s22 =	simm.s32 $0x340;
	[sflag:s2] =	ssyncadd.s32 $0xFFFFE000  }
0x1a6: {  	[tilespmem:s26], [sflag:$0x2] =	stream.indirect.gather [hbm4b:s1+s24], $0x80, s22, s24, $0xb8;
	[tilespmem:$0x1D800] =	vst v63  }
0x1a7: {  	_ =	swait.ge [sflag:s9], $0x2000  }
0x1a8: {  	[sflag:s9] =	ssyncset.done $0x0  }
0x1a9: {  	s16 =	simm.s32 $0xD00;
	[sflag:s9] =	ssyncadd.s32 $0xFFFFE000  }
0x1aa: {  	[spmem:s3] =	stream.indirect.scatter.add.f32 [tilespmem:s28], [sflag:$0x8], $0x80, s16, s24, $0xb8;
	[tilespmem:$0x1D800] =	vst v63  }
0x1ab: {  	_ =	swait.ge [sflag:s2], $0x2000  }
0x1ac: {  	[sflag:s2] =	ssyncset.done $0x0  }
0x1ad: {  	s22 =	simm.s32 $0x380;
	[sflag:s2] =	ssyncadd.s32 $0xFFFFE000  }
0x1ae: {  	[tilespmem:s28], [sflag:$0x3] =	stream.indirect.gather [hbm4b:s1+s24], $0x80, s22, s24, $0xb8;
	[tilespmem:$0x1D800] =	vst v63  }
0x1af: {  	_ =	swait.ge [sflag:s13], $0x2000  }
0x1b0: {  	[sflag:s13] =	ssyncset.done $0x0  }
0x1b1: {  	s16 =	simm.s32 $0xD80;
	[sflag:s13] =	ssyncadd.s32 $0xFFFFE000  }
0x1b2: {  	[spmem:s3] =	stream.indirect.scatter.add.f32 [tilespmem:s30], [sflag:$0x8], $0x80, s16, s24, $0xb8;
	[tilespmem:$0x1D800] =	vst v63  }
0x1b3: {  	_ =	swait.ge [sflag:s2], $0x2000  }
0x1b4: {  	[sflag:s2] =	ssyncset.done $0x0  }
0x1b5: {  	s22 =	simm.s32 $0x3C0;
	[sflag:s2] =	ssyncadd.s32 $0xFFFFE000  }
0x1b6: {  	[tilespmem:s30], [sflag:$0x4] =	stream.indirect.gather [hbm4b:s1+s24], $0x80, s22, s24, $0xb8;
	[tilespmem:$0x1D800] =	vst v63  }
0x1b7: {  	_ =	swait.ge [sflag:s31], $0x2000  }
0x1b8: {  	[sflag:s31] =	ssyncset.done $0x0  }
0x1b9: {  	s16 =	simm.s32 $0xE00;
	[sflag:s31] =	ssyncadd.s32 $0xFFFFE000  }
0x1ba: {  	[spmem:s3] =	stream.indirect.scatter.add.f32 [tilespmem:s25], [sflag:$0x8], $0x80, s16, s24, $0xb8;
	[tilespmem:$0x1D800] =	vst v63  }
0x1bb: {  	_ =	swait.ge [sflag:s2], $0x2000  }
0x1bc: {  	[sflag:s2] =	ssyncset.done $0x0  }
0x1bd: {  	[sflag:s2] =	ssyncadd.s32 $0xFFFFE000  }
0x1be: {  	_ =	swait.ge [sflag:s0], $0x400  }
0x1bf: {  	[sflag:s0] =	ssyncset.done $0x0  }
0x1c0: {  	[sflag:s0] =	ssyncadd.s32 $0xFFFFFC00  }
0x1c1: {  	_ =	swait.ge [sflag:s0], $0x800  }
0x1c2: {  	[sflag:s0] =	ssyncset.done $0x0  }
0x1c3: {  	[sflag:s0] =	ssyncadd.s32 $0xFFFFF800  }
0x1c4: {  	[tilespmem:s25], [sflag:$0x1] =	stream.indirect.gather [hbm4b:s1+s24], $0x80, s19, s24, $0xb8;
	[tilespmem:$0x1D800] =	vst v63  }
0x1c5: {  	_ =	swait.ge [sflag:s6], $0x2000  }
0x1c6: {  	[sflag:s6] =	ssyncset.done $0x0  }
0x1c7: {  	s22 =	simm.s32 $0xE80;
	[sflag:s6] =	ssyncadd.s32 $0xFFFFE000  }
0x1c8: {  	[spmem:s3] =	stream.indirect.scatter.add.f32 [tilespmem:s26], [sflag:$0x8], $0x80, s22, s24, $0xb8;
	[tilespmem:$0x1D800] =	vst v63  }
0x1c9: {  	_ =	swait.ge [sflag:s2], $0x2000  }
0x1ca: {  	[sflag:s2] =	ssyncset.done $0x0  }
0x1cb: {  	s16 =	simm.s32 $0x440;
	[sflag:s2] =	ssyncadd.s32 $0xFFFFE000  }
0x1cc: {  	[tilespmem:s26], [sflag:$0x2] =	stream.indirect.gather [hbm4b:s1+s24], $0x80, s16, s24, $0xb8;
	[tilespmem:$0x1D800] =	vst v63  }
0x1cd: {  	_ =	swait.ge [sflag:s9], $0x2000  }
0x1ce: {  	[sflag:s9] =	ssyncset.done $0x0  }
0x1cf: {  	s22 =	simm.s32 $0xF00;
	[sflag:s9] =	ssyncadd.s32 $0xFFFFE000  }
0x1d0: {  	[spmem:s3] =	stream.indirect.scatter.add.f32 [tilespmem:s28], [sflag:$0x8], $0x80, s22, s24, $0xb8;
	[tilespmem:$0x1D800] =	vst v63  }
0x1d1: {  	_ =	swait.ge [sflag:s2], $0x2000  }
0x1d2: {  	[sflag:s2] =	ssyncset.done $0x0  }
0x1d3: {  	s16 =	simm.s32 $0x480;
	[sflag:s2] =	ssyncadd.s32 $0xFFFFE000  }
0x1d4: {  	[tilespmem:s28], [sflag:$0x3] =	stream.indirect.gather [hbm4b:s1+s24], $0x80, s16, s24, $0xb8;
	[tilespmem:$0x1D800] =	vst v63  }
0x1d5: {  	s12 =	smov.u32 s11;
	_ =	swait.ge [sflag:s13], $0x2000  }
0x1d6: {  	s14 =	smov.u32 s7;
	s15 =	smov.u32 s8;
	[sflag:s13] =	ssyncset.done $0x0  }
0x1d7: {  	s7 =	sadd.s32 $0x20, s7;
	s22 =	simm.s32 $0xF80;
	[sflag:s13] =	ssyncadd.s32 $0xFFFFE000  }
0x1d8: {  	[spmem:s3] =	stream.indirect.scatter.add.f32 [tilespmem:s30], [sflag:$0x8], $0x80, s22, s24, $0xb8;
	[tilespmem:$0x1D800] =	vst v63  }
0x1d9: {  	s8 =	sadd.s32 $0x100, s8;
	s16 =	sand.u32 $0x60, s7;
	_ =	swait.ge [sflag:s2], $0x2000  }
0x1da: {  	s10 =	sadd.s32 s5, s16;
	s16 =	sand.u32 $0xFFFFC00, s8;
	[sflag:s2] =	ssyncset.done $0x0  }
0x1db: {  	s10 =	sadd.s32 s16, s10;
	s22 =	rddreg [dreg:$0x6];
	[sflag:s2] =	ssyncadd.s32 $0xFFFFE000  }
0x1dc: {  	[tilespmem:s4], [sflag:$0x5] =	stream.strided.gather [hbm4b:s10+s18], $0x400, s19, s18, $0x38;
	[tilespmem:$0x1D800] =	vst v63  }
0x1dd: {  	s22 =	sadd.s32 s12, s22  }
0x1de: {  	[tilespmem:s20], [sflag:$0x5] =	stream.linear.gather [hbm4b:s22+s4], $0x800, $0x38;
	[tilespmem:$0x1D800] =	vst v63  }
0x1df: {  	s16 =	simm.s32 $0x4C0  }
0x1e0: {  	[tilespmem:s30], [sflag:$0x4] =	stream.indirect.gather [hbm4b:s1+s24], $0x80, s16, s24, $0xb8;
	[tilespmem:$0x1D800] =	vst v63  }
0x1e1: {  	_ =	swait.ge [sflag:s31], $0x2000  }
0x1e2: {  	[sflag:s31] =	ssyncset.done $0x0  }
0x1e3: {  	[sflag:s31] =	ssyncadd.s32 $0xFFFFE000  }
0x1e4: {  	[spmem:s3] =	stream.indirect.scatter.add.f32 [tilespmem:s25], [sflag:$0x8], $0x80, s21, s24, $0xb8;
	[tilespmem:$0x1D800] =	vst v63  }
0x1e5: {  	_ =	swait.ge [sflag:s2], $0x2000  }
0x1e6: {  	[sflag:s2] =	ssyncset.done $0x0  }
0x1e7: {  	s22 =	simm.s32 $0x500;
	[sflag:s2] =	ssyncadd.s32 $0xFFFFE000  }
0x1e8: {  	[tilespmem:s25], [sflag:$0x1] =	stream.indirect.gather [hbm4b:s1+s24], $0x80, s22, s24, $0xb8;
	[tilespmem:$0x1D800] =	vst v63  }
0x1e9: {  	_ =	swait.ge [sflag:s6], $0x2000  }
0x1ea: {  	[sflag:s6] =	ssyncset.done $0x0  }
0x1eb: {  	s16 =	simm.s32 $0x1080;
	[sflag:s6] =	ssyncadd.s32 $0xFFFFE000  }
0x1ec: {  	[spmem:s3] =	stream.indirect.scatter.add.f32 [tilespmem:s26], [sflag:$0x8], $0x80, s16, s24, $0xb8;
	[tilespmem:$0x1D800] =	vst v63  }
0x1ed: {  	_ =	swait.ge [sflag:s2], $0x2000  }
0x1ee: {  	[sflag:s2] =	ssyncset.done $0x0  }
0x1ef: {  	s22 =	simm.s32 $0x540;
	[sflag:s2] =	ssyncadd.s32 $0xFFFFE000  }
0x1f0: {  	[tilespmem:s26], [sflag:$0x2] =	stream.indirect.gather [hbm4b:s1+s24], $0x80, s22, s24, $0xb8;
	[tilespmem:$0x1D800] =	vst v63  }
0x1f1: {  	_ =	swait.ge [sflag:s9], $0x2000  }
0x1f2: {  	[sflag:s9] =	ssyncset.done $0x0  }
0x1f3: {  	s16 =	simm.s32 $0x1100;
	[sflag:s9] =	ssyncadd.s32 $0xFFFFE000  }
0x1f4: {  	[spmem:s3] =	stream.indirect.scatter.add.f32 [tilespmem:s28], [sflag:$0x8], $0x80, s16, s24, $0xb8;
	[tilespmem:$0x1D800] =	vst v63  }
0x1f5: {  	_ =	swait.ge [sflag:s2], $0x2000  }
0x1f6: {  	[sflag:s2] =	ssyncset.done $0x0  }
0x1f7: {  	s22 =	simm.s32 $0x580;
	[sflag:s2] =	ssyncadd.s32 $0xFFFFE000  }
0x1f8: {  	[tilespmem:s28], [sflag:$0x3] =	stream.indirect.gather [hbm4b:s1+s24], $0x80, s22, s24, $0xb8;
	[tilespmem:$0x1D800] =	vst v63  }
0x1f9: {  	_ =	swait.ge [sflag:s13], $0x2000  }
0x1fa: {  	[sflag:s13] =	ssyncset.done $0x0  }
0x1fb: {  	s16 =	simm.s32 $0x1180;
	[sflag:s13] =	ssyncadd.s32 $0xFFFFE000  }
0x1fc: {  	[spmem:s3] =	stream.indirect.scatter.add.f32 [tilespmem:s30], [sflag:$0x8], $0x80, s16, s24, $0xb8;
	[tilespmem:$0x1D800] =	vst v63  }
0x1fd: {  	_ =	swait.ge [sflag:s2], $0x2000  }
0x1fe: {  	[sflag:s2] =	ssyncset.done $0x0  }
0x1ff: {  	s22 =	simm.s32 $0x5C0;
	[sflag:s2] =	ssyncadd.s32 $0xFFFFE000  }
0x200: {  	[tilespmem:s30], [sflag:$0x4] =	stream.indirect.gather [hbm4b:s1+s24], $0x80, s22, s24, $0xb8;
	[tilespmem:$0x1D800] =	vst v63  }
0x201: {  	_ =	swait.ge [sflag:s31], $0x2000  }
0x202: {  	[sflag:s31] =	ssyncset.done $0x0  }
0x203: {  	s16 =	simm.s32 $0x1200;
	[sflag:s31] =	ssyncadd.s32 $0xFFFFE000  }
0x204: {  	[spmem:s3] =	stream.indirect.scatter.add.f32 [tilespmem:s25], [sflag:$0x8], $0x80, s16, s24, $0xb8;
	[tilespmem:$0x1D800] =	vst v63  }
0x205: {  	_ =	swait.ge [sflag:s2], $0x2000  }
0x206: {  	[sflag:s2] =	ssyncset.done $0x0  }
0x207: {  	s22 =	simm.s32 $0x600;
	[sflag:s2] =	ssyncadd.s32 $0xFFFFE000  }
0x208: {  	[tilespmem:s25], [sflag:$0x1] =	stream.indirect.gather [hbm4b:s1+s24], $0x80, s22, s24, $0xb8;
	[tilespmem:$0x1D800] =	vst v63  }
0x209: {  	_ =	swait.ge [sflag:s6], $0x2000  }
0x20a: {  	[sflag:s6] =	ssyncset.done $0x0  }
0x20b: {  	s16 =	simm.s32 $0x1280;
	[sflag:s6] =	ssyncadd.s32 $0xFFFFE000  }
0x20c: {  	[spmem:s3] =	stream.indirect.scatter.add.f32 [tilespmem:s26], [sflag:$0x8], $0x80, s16, s24, $0xb8;
	[tilespmem:$0x1D800] =	vst v63  }
0x20d: {  	_ =	swait.ge [sflag:s2], $0x2000  }
0x20e: {  	[sflag:s2] =	ssyncset.done $0x0  }
0x20f: {  	s22 =	simm.s32 $0x640;
	[sflag:s2] =	ssyncadd.s32 $0xFFFFE000  }
0x210: {  	[tilespmem:s26], [sflag:$0x2] =	stream.indirect.gather [hbm4b:s1+s24], $0x80, s22, s24, $0xb8;
	[tilespmem:$0x1D800] =	vst v63  }
0x211: {  	_ =	swait.ge [sflag:s9], $0x2000  }
0x212: {  	[sflag:s9] =	ssyncset.done $0x0  }
0x213: {  	s16 =	simm.s32 $0x1300;
	[sflag:s9] =	ssyncadd.s32 $0xFFFFE000  }
0x214: {  	[spmem:s3] =	stream.indirect.scatter.add.f32 [tilespmem:s28], [sflag:$0x8], $0x80, s16, s24, $0xb8;
	[tilespmem:$0x1D800] =	vst v63  }
0x215: {  	_ =	swait.ge [sflag:s2], $0x2000  }
0x216: {  	[sflag:s2] =	ssyncset.done $0x0  }
0x217: {  	s22 =	simm.s32 $0x680;
	[sflag:s2] =	ssyncadd.s32 $0xFFFFE000  }
0x218: {  	[tilespmem:s28], [sflag:$0x3] =	stream.indirect.gather [hbm4b:s1+s24], $0x80, s22, s24, $0xb8;
	[tilespmem:$0x1D800] =	vst v63  }
0x219: {  	_ =	swait.ge [sflag:s13], $0x2000  }
0x21a: {  	[sflag:s13] =	ssyncset.done $0x0  }
0x21b: {  	s16 =	simm.s32 $0x1380;
	[sflag:s13] =	ssyncadd.s32 $0xFFFFE000  }
0x21c: {  	[spmem:s3] =	stream.indirect.scatter.add.f32 [tilespmem:s30], [sflag:$0x8], $0x80, s16, s24, $0xb8;
	[tilespmem:$0x1D800] =	vst v63  }
0x21d: {  	_ =	swait.ge [sflag:s2], $0x2000  }
0x21e: {  	[sflag:s2] =	ssyncset.done $0x0  }
0x21f: {  	s22 =	simm.s32 $0x6C0;
	[sflag:s2] =	ssyncadd.s32 $0xFFFFE000  }
0x220: {  	[tilespmem:s30], [sflag:$0x4] =	stream.indirect.gather [hbm4b:s1+s24], $0x80, s22, s24, $0xb8;
	[tilespmem:$0x1D800] =	vst v63  }
0x221: {  	_ =	swait.ge [sflag:s31], $0x2000  }
0x222: {  	[sflag:s31] =	ssyncset.done $0x0  }
0x223: {  	s16 =	simm.s32 $0x1400;
	[sflag:s31] =	ssyncadd.s32 $0xFFFFE000  }
0x224: {  	[spmem:s3] =	stream.indirect.scatter.add.f32 [tilespmem:s25], [sflag:$0x8], $0x80, s16, s24, $0xb8;
	[tilespmem:$0x1D800] =	vst v63  }
0x225: {  	_ =	swait.ge [sflag:s2], $0x2000  }
0x226: {  	[sflag:s2] =	ssyncset.done $0x0  }
0x227: {  	s22 =	simm.s32 $0x700;
	[sflag:s2] =	ssyncadd.s32 $0xFFFFE000  }
0x228: {  	[tilespmem:s25], [sflag:$0x1] =	stream.indirect.gather [hbm4b:s1+s24], $0x80, s22, s24, $0xb8;
	[tilespmem:$0x1D800] =	vst v63  }
0x229: {  	_ =	swait.ge [sflag:s6], $0x2000  }
0x22a: {  	[sflag:s6] =	ssyncset.done $0x0  }
0x22b: {  	s16 =	simm.s32 $0x1480;
	[sflag:s6] =	ssyncadd.s32 $0xFFFFE000  }
0x22c: {  	[spmem:s3] =	stream.indirect.scatter.add.f32 [tilespmem:s26], [sflag:$0x8], $0x80, s16, s24, $0xb8;
	[tilespmem:$0x1D800] =	vst v63  }
0x22d: {  	_ =	swait.ge [sflag:s2], $0x2000  }
0x22e: {  	[sflag:s2] =	ssyncset.done $0x0  }
0x22f: {  	s22 =	simm.s32 $0x740;
	[sflag:s2] =	ssyncadd.s32 $0xFFFFE000  }
0x230: {  	[tilespmem:s26], [sflag:$0x2] =	stream.indirect.gather [hbm4b:s1+s24], $0x80, s22, s24, $0xb8;
	[tilespmem:$0x1D800] =	vst v63  }
0x231: {  	_ =	swait.ge [sflag:s9], $0x2000  }
0x232: {  	[sflag:s9] =	ssyncset.done $0x0  }
0x233: {  	s16 =	simm.s32 $0x1500;
	[sflag:s9] =	ssyncadd.s32 $0xFFFFE000  }
0x234: {  	[spmem:s3] =	stream.indirect.scatter.add.f32 [tilespmem:s28], [sflag:$0x8], $0x80, s16, s24, $0xb8;
	[tilespmem:$0x1D800] =	vst v63  }
0x235: {  	_ =	swait.ge [sflag:s2], $0x2000  }
0x236: {  	[sflag:s2] =	ssyncset.done $0x0  }
0x237: {  	s22 =	simm.s32 $0x780;
	[sflag:s2] =	ssyncadd.s32 $0xFFFFE000  }
0x238: {  	[tilespmem:s28], [sflag:$0x3] =	stream.indirect.gather [hbm4b:s1+s24], $0x80, s22, s24, $0xb8;
	[tilespmem:$0x1D800] =	vst v63  }
0x239: {  	_ =	swait.ge [sflag:s13], $0x2000  }
0x23a: {  	[sflag:s13] =	ssyncset.done $0x0  }
0x23b: {  	s16 =	simm.s32 $0x1580;
	[sflag:s13] =	ssyncadd.s32 $0xFFFFE000  }
0x23c: {  	[spmem:s3] =	stream.indirect.scatter.add.f32 [tilespmem:s30], [sflag:$0x8], $0x80, s16, s24, $0xb8;
	[tilespmem:$0x1D800] =	vst v63  }
0x23d: {  	_ =	swait.ge [sflag:s2], $0x2000  }
0x23e: {  	[sflag:s2] =	ssyncset.done $0x0  }
0x23f: {  	s22 =	simm.s32 $0x7C0;
	[sflag:s2] =	ssyncadd.s32 $0xFFFFE000  }
0x240: {  	[tilespmem:s30], [sflag:$0x4] =	stream.indirect.gather [hbm4b:s1+s24], $0x80, s22, s24, $0xb8;
	[tilespmem:$0x1D800] =	vst v63  }
0x241: {  	_ =	swait.ge [sflag:s31], $0x2000  }
0x242: {  	[sflag:s31] =	ssyncset.done $0x0  }
0x243: {  	s16 =	simm.s32 $0x1600;
	[sflag:s31] =	ssyncadd.s32 $0xFFFFE000  }
0x244: {  	[spmem:s3] =	stream.indirect.scatter.add.f32 [tilespmem:s25], [sflag:$0x8], $0x80, s16, s24, $0xb8;
	[tilespmem:$0x1D800] =	vst v63  }
0x245: {  	_ =	swait.ge [sflag:s2], $0x2000  }
0x246: {  	[sflag:s2] =	ssyncset.done $0x0  }
0x247: {  	[sflag:s2] =	ssyncadd.s32 $0xFFFFE000  }
0x248: {  	_ =	swait.ge [sflag:s23], $0x400  }
0x249: {  	[sflag:s23] =	ssyncset.done $0x0  }
0x24a: {  	[sflag:s23] =	ssyncadd.s32 $0xFFFFFC00  }
0x24b: {  	_ =	swait.ge [sflag:s23], $0x800  }
0x24c: {  	[sflag:s23] =	ssyncset.done $0x0  }
0x24d: {  	[sflag:s23] =	ssyncadd.s32 $0xFFFFF800  }
0x24e: {  	[tilespmem:s25], [sflag:$0x1] =	stream.indirect.gather [hbm4b:s1+s24], $0x80, s4, s24, $0xb8;
	[tilespmem:$0x1D800] =	vst v63  }
0x24f: {  	_ =	swait.ge [sflag:s6], $0x2000  }
0x250: {  	[sflag:s6] =	ssyncset.done $0x0  }
0x251: {  	s22 =	simm.s32 $0x1680;
	[sflag:s6] =	ssyncadd.s32 $0xFFFFE000  }
0x252: {  	[spmem:s3] =	stream.indirect.scatter.add.f32 [tilespmem:s26], [sflag:$0x8], $0x80, s22, s24, $0xb8;
	[tilespmem:$0x1D800] =	vst v63  }
0x253: {  	_ =	swait.ge [sflag:s2], $0x2000  }
0x254: {  	[sflag:s2] =	ssyncset.done $0x0  }
0x255: {  	[sflag:s2] =	ssyncadd.s32 $0xFFFFE000  }
0x256: {  	[tilespmem:s26], [sflag:$0x2] =	stream.indirect.gather [hbm4b:s1+s24], $0x80, s24, s24, $0xb8;
	[tilespmem:$0x1D800] =	vst v63  }
0x257: {  	_ =	swait.ge [sflag:s9], $0x2000  }
0x258: {  	[sflag:s9] =	ssyncset.done $0x0  }
0x259: {  	[sflag:s9] =	ssyncadd.s32 $0xFFFFE000  }
0x25a: {  	[spmem:s3] =	stream.indirect.scatter.add.f32 [tilespmem:s28], [sflag:$0x8], $0x80, s17, s24, $0xb8;
	[tilespmem:$0x1D800] =	vst v63  }
0x25b: {  	_ =	swait.ge [sflag:s2], $0x2000  }
0x25c: {  	[sflag:s2] =	ssyncset.done $0x0  }
0x25d: {  	[sflag:s2] =	ssyncadd.s32 $0xFFFFE000  }
0x25e: {  	[tilespmem:s28], [sflag:$0x3] =	stream.indirect.gather [hbm4b:s1+s24], $0x80, s18, s24, $0xb8;
	[tilespmem:$0x1D800] =	vst v63  }
0x25f: {  	_ =	swait.ge [sflag:s13], $0x2000  }
0x260: {  	[sflag:s13] =	ssyncset.done $0x0  }
0x261: {  	p0 =	sne.s32 s11, $0x600;
	[sflag:s13] =	ssyncadd.s32 $0xFFFFE000  }
0x262: {  	[spmem:s3] =	stream.indirect.scatter.add.f32 [tilespmem:s30], [sflag:$0x8], $0x80, s29, s24, $0xb8;
	[tilespmem:$0x1D800] =	vst v63  }
.Ltmp0:
0x263: {  	s11 =	sadd.s32 $0x200, s11;
	s14 =	sadd.s32 $0x30, s14;
	(pc) =	sbr.rel @p0 .LBB2_2-.Ltmp0, $4  }
0x264: {  	s14 =	sand.u32 $0x70, s14;
	s16 =	sadd.s32 $0x180, s15;
	_ =	swait.ge [sflag:s2], $0x2000  }
0x265: {  	s10 =	sand.u32 $0xFFFFC00, s16;
	s22 =	sadd.s32 s5, s14;
	[sflag:s2] =	ssyncset.done $0x0  }
0x266: {  	s10 =	sadd.s32 s10, s22;
	s14 =	rddreg [dreg:$0x5];
	[sflag:s2] =	ssyncadd.s32 $0xFFFFE000  }
0x267: {  	[tilespmem:s19], [sflag:$0x6] =	stream.strided.gather [hbm4b:s10+s18], $0x400, s19, s18, $0x38;
	[tilespmem:$0x1D800] =	vst v63  }
0x268: {  	s7 =	sadd.s32 s12, s14  }
0x269: {  	[tilespmem:s21], [sflag:$0x6] =	stream.linear.gather [hbm4b:s7+s4], $0x800, $0x38;
	[tilespmem:$0x1D800] =	vst v63  }
0x26a: {  	s15 =	simm.s32 $0xC0  }
0x26b: {  	[tilespmem:s30], [sflag:$0x4] =	stream.indirect.gather [hbm4b:s1+s24], $0x80, s15, s24, $0xb8;
	[tilespmem:$0x1D800] =	vst v63  }
0x26c: {  	_ =	swait.ge [sflag:s31], $0x2000  }
0x26d: {  	[sflag:s31] =	ssyncset.done $0x0  }
0x26e: {  	[sflag:s31] =	ssyncadd.s32 $0xFFFFE000  }
0x26f: {  	[spmem:s3] =	stream.indirect.scatter.add.f32 [tilespmem:s25], [sflag:$0x8], $0x80, s20, s24, $0xb8;
	[tilespmem:$0x1D800] =	vst v63  }
0x270: {  	_ =	swait.ge [sflag:s2], $0x2000  }
0x271: {  	[sflag:s2] =	ssyncset.done $0x0  }
0x272: {  	s16 =	simm.s32 $0x100;
	[sflag:s2] =	ssyncadd.s32 $0xFFFFE000  }
0x273: {  	[tilespmem:s25], [sflag:$0x1] =	stream.indirect.gather [hbm4b:s1+s24], $0x80, s16, s24, $0xb8;
	[tilespmem:$0x1D800] =	vst v63  }
0x274: {  	_ =	swait.ge [sflag:s6], $0x2000  }
0x275: {  	[sflag:s6] =	ssyncset.done $0x0  }
0x276: {  	s22 =	simm.s32 $0x880;
	[sflag:s6] =	ssyncadd.s32 $0xFFFFE000  }
0x277: {  	[spmem:s3] =	stream.indirect.scatter.add.f32 [tilespmem:s26], [sflag:$0x8], $0x80, s22, s24, $0xb8;
	[tilespmem:$0x1D800] =	vst v63  }
0x278: {  	_ =	swait.ge [sflag:s2], $0x2000  }
0x279: {  	[sflag:s2] =	ssyncset.done $0x0  }
0x27a: {  	s8 =	simm.s32 $0x140;
	[sflag:s2] =	ssyncadd.s32 $0xFFFFE000  }
0x27b: {  	[tilespmem:s26], [sflag:$0x2] =	stream.indirect.gather [hbm4b:s1+s24], $0x80, s8, s24, $0xb8;
	[tilespmem:$0x1D800] =	vst v63  }
0x27c: {  	_ =	swait.ge [sflag:s9], $0x2000  }
0x27d: {  	[sflag:s9] =	ssyncset.done $0x0  }
0x27e: {  	s10 =	simm.s32 $0x900;
	[sflag:s9] =	ssyncadd.s32 $0xFFFFE000  }
0x27f: {  	[spmem:s3] =	stream.indirect.scatter.add.f32 [tilespmem:s28], [sflag:$0x8], $0x80, s10, s24, $0xb8;
	[tilespmem:$0x1D800] =	vst v63  }
0x280: {  	_ =	swait.ge [sflag:s2], $0x2000  }
0x281: {  	[sflag:s2] =	ssyncset.done $0x0  }
0x282: {  	s11 =	simm.s32 $0x180;
	[sflag:s2] =	ssyncadd.s32 $0xFFFFE000  }
0x283: {  	[tilespmem:s28], [sflag:$0x3] =	stream.indirect.gather [hbm4b:s1+s24], $0x80, s11, s24, $0xb8;
	[tilespmem:$0x1D800] =	vst v63  }
0x284: {  	_ =	swait.ge [sflag:s13], $0x2000  }
0x285: {  	[sflag:s13] =	ssyncset.done $0x0  }
0x286: {  	s12 =	simm.s32 $0x980;
	[sflag:s13] =	ssyncadd.s32 $0xFFFFE000  }
0x287: {  	[spmem:s3] =	stream.indirect.scatter.add.f32 [tilespmem:s30], [sflag:$0x8], $0x80, s12, s24, $0xb8;
	[tilespmem:$0x1D800] =	vst v63  }
0x288: {  	_ =	swait.ge [sflag:s2], $0x2000  }
0x289: {  	[sflag:s2] =	ssyncset.done $0x0  }
0x28a: {  	s14 =	simm.s32 $0x1C0;
	[sflag:s2] =	ssyncadd.s32 $0xFFFFE000  }
0x28b: {  	[tilespmem:s30], [sflag:$0x4] =	stream.indirect.gather [hbm4b:s1+s24], $0x80, s14, s24, $0xb8;
	[tilespmem:$0x1D800] =	vst v63  }
0x28c: {  	_ =	swait.ge [sflag:s31], $0x2000  }
0x28d: {  	[sflag:s31] =	ssyncset.done $0x0  }
0x28e: {  	s15 =	simm.s32 $0xA00;
	[sflag:s31] =	ssyncadd.s32 $0xFFFFE000  }
0x28f: {  	[spmem:s3] =	stream.indirect.scatter.add.f32 [tilespmem:s25], [sflag:$0x8], $0x80, s15, s24, $0xb8;
	[tilespmem:$0x1D800] =	vst v63  }
0x290: {  	_ =	swait.ge [sflag:s2], $0x2000  }
0x291: {  	[sflag:s2] =	ssyncset.done $0x0  }
0x292: {  	s16 =	simm.s32 $0x200;
	[sflag:s2] =	ssyncadd.s32 $0xFFFFE000  }
0x293: {  	[tilespmem:s25], [sflag:$0x1] =	stream.indirect.gather [hbm4b:s1+s24], $0x80, s16, s24, $0xb8;
	[tilespmem:$0x1D800] =	vst v63  }
0x294: {  	_ =	swait.ge [sflag:s6], $0x2000  }
0x295: {  	[sflag:s6] =	ssyncset.done $0x0  }
0x296: {  	s22 =	simm.s32 $0xA80;
	[sflag:s6] =	ssyncadd.s32 $0xFFFFE000  }
0x297: {  	[spmem:s3] =	stream.indirect.scatter.add.f32 [tilespmem:s26], [sflag:$0x8], $0x80, s22, s24, $0xb8;
	[tilespmem:$0x1D800] =	vst v63  }
0x298: {  	_ =	swait.ge [sflag:s2], $0x2000  }
0x299: {  	[sflag:s2] =	ssyncset.done $0x0  }
0x29a: {  	s8 =	simm.s32 $0x240;
	[sflag:s2] =	ssyncadd.s32 $0xFFFFE000  }
0x29b: {  	[tilespmem:s26], [sflag:$0x2] =	stream.indirect.gather [hbm4b:s1+s24], $0x80, s8, s24, $0xb8;
	[tilespmem:$0x1D800] =	vst v63  }
0x29c: {  	_ =	swait.ge [sflag:s9], $0x2000  }
0x29d: {  	[sflag:s9] =	ssyncset.done $0x0  }
0x29e: {  	s10 =	simm.s32 $0xB00;
	[sflag:s9] =	ssyncadd.s32 $0xFFFFE000  }
0x29f: {  	[spmem:s3] =	stream.indirect.scatter.add.f32 [tilespmem:s28], [sflag:$0x8], $0x80, s10, s24, $0xb8;
	[tilespmem:$0x1D800] =	vst v63  }
0x2a0: {  	_ =	swait.ge [sflag:s2], $0x2000  }
0x2a1: {  	[sflag:s2] =	ssyncset.done $0x0  }
0x2a2: {  	s11 =	simm.s32 $0x280;
	[sflag:s2] =	ssyncadd.s32 $0xFFFFE000  }
0x2a3: {  	[tilespmem:s28], [sflag:$0x3] =	stream.indirect.gather [hbm4b:s1+s24], $0x80, s11, s24, $0xb8;
	[tilespmem:$0x1D800] =	vst v63  }
0x2a4: {  	_ =	swait.ge [sflag:s13], $0x2000  }
0x2a5: {  	[sflag:s13] =	ssyncset.done $0x0  }
0x2a6: {  	s12 =	simm.s32 $0xB80;
	[sflag:s13] =	ssyncadd.s32 $0xFFFFE000  }
0x2a7: {  	[spmem:s3] =	stream.indirect.scatter.add.f32 [tilespmem:s30], [sflag:$0x8], $0x80, s12, s24, $0xb8;
	[tilespmem:$0x1D800] =	vst v63  }
0x2a8: {  	_ =	swait.ge [sflag:s2], $0x2000  }
0x2a9: {  	[sflag:s2] =	ssyncset.done $0x0  }
0x2aa: {  	s14 =	simm.s32 $0x2C0;
	[sflag:s2] =	ssyncadd.s32 $0xFFFFE000  }
0x2ab: {  	[tilespmem:s30], [sflag:$0x4] =	stream.indirect.gather [hbm4b:s1+s24], $0x80, s14, s24, $0xb8;
	[tilespmem:$0x1D800] =	vst v63  }
0x2ac: {  	_ =	swait.ge [sflag:s31], $0x2000  }
0x2ad: {  	[sflag:s31] =	ssyncset.done $0x0  }
0x2ae: {  	s15 =	simm.s32 $0xC00;
	[sflag:s31] =	ssyncadd.s32 $0xFFFFE000  }
0x2af: {  	[spmem:s3] =	stream.indirect.scatter.add.f32 [tilespmem:s25], [sflag:$0x8], $0x80, s15, s24, $0xb8;
	[tilespmem:$0x1D800] =	vst v63  }
0x2b0: {  	_ =	swait.ge [sflag:s2], $0x2000  }
0x2b1: {  	[sflag:s2] =	ssyncset.done $0x0  }
0x2b2: {  	s16 =	simm.s32 $0x300;
	[sflag:s2] =	ssyncadd.s32 $0xFFFFE000  }
0x2b3: {  	[tilespmem:s25], [sflag:$0x1] =	stream.indirect.gather [hbm4b:s1+s24], $0x80, s16, s24, $0xb8;
	[tilespmem:$0x1D800] =	vst v63  }
0x2b4: {  	_ =	swait.ge [sflag:s6], $0x2000  }
0x2b5: {  	[sflag:s6] =	ssyncset.done $0x0  }
0x2b6: {  	s22 =	simm.s32 $0xC80;
	[sflag:s6] =	ssyncadd.s32 $0xFFFFE000  }
0x2b7: {  	[spmem:s3] =	stream.indirect.scatter.add.f32 [tilespmem:s26], [sflag:$0x8], $0x80, s22, s24, $0xb8;
	[tilespmem:$0x1D800] =	vst v63  }
0x2b8: {  	_ =	swait.ge [sflag:s2], $0x2000  }
0x2b9: {  	[sflag:s2] =	ssyncset.done $0x0  }
0x2ba: {  	s8 =	simm.s32 $0x340;
	[sflag:s2] =	ssyncadd.s32 $0xFFFFE000  }
0x2bb: {  	[tilespmem:s26], [sflag:$0x2] =	stream.indirect.gather [hbm4b:s1+s24], $0x80, s8, s24, $0xb8;
	[tilespmem:$0x1D800] =	vst v63  }
0x2bc: {  	_ =	swait.ge [sflag:s9], $0x2000  }
0x2bd: {  	[sflag:s9] =	ssyncset.done $0x0  }
0x2be: {  	s10 =	simm.s32 $0xD00;
	[sflag:s9] =	ssyncadd.s32 $0xFFFFE000  }
0x2bf: {  	[spmem:s3] =	stream.indirect.scatter.add.f32 [tilespmem:s28], [sflag:$0x8], $0x80, s10, s24, $0xb8;
	[tilespmem:$0x1D800] =	vst v63  }
0x2c0: {  	_ =	swait.ge [sflag:s2], $0x2000  }
0x2c1: {  	[sflag:s2] =	ssyncset.done $0x0  }
0x2c2: {  	s11 =	simm.s32 $0x380;
	[sflag:s2] =	ssyncadd.s32 $0xFFFFE000  }
0x2c3: {  	[tilespmem:s28], [sflag:$0x3] =	stream.indirect.gather [hbm4b:s1+s24], $0x80, s11, s24, $0xb8;
	[tilespmem:$0x1D800] =	vst v63  }
0x2c4: {  	_ =	swait.ge [sflag:s13], $0x2000  }
0x2c5: {  	[sflag:s13] =	ssyncset.done $0x0  }
0x2c6: {  	s12 =	simm.s32 $0xD80;
	[sflag:s13] =	ssyncadd.s32 $0xFFFFE000  }
0x2c7: {  	[spmem:s3] =	stream.indirect.scatter.add.f32 [tilespmem:s30], [sflag:$0x8], $0x80, s12, s24, $0xb8;
	[tilespmem:$0x1D800] =	vst v63  }
0x2c8: {  	_ =	swait.ge [sflag:s2], $0x2000  }
0x2c9: {  	[sflag:s2] =	ssyncset.done $0x0  }
0x2ca: {  	s14 =	simm.s32 $0x3C0;
	[sflag:s2] =	ssyncadd.s32 $0xFFFFE000  }
0x2cb: {  	[tilespmem:s30], [sflag:$0x4] =	stream.indirect.gather [hbm4b:s1+s24], $0x80, s14, s24, $0xb8;
	[tilespmem:$0x1D800] =	vst v63  }
0x2cc: {  	_ =	swait.ge [sflag:s31], $0x2000  }
0x2cd: {  	[sflag:s31] =	ssyncset.done $0x0  }
0x2ce: {  	s15 =	simm.s32 $0xE00;
	[sflag:s31] =	ssyncadd.s32 $0xFFFFE000  }
0x2cf: {  	[spmem:s3] =	stream.indirect.scatter.add.f32 [tilespmem:s25], [sflag:$0x8], $0x80, s15, s24, $0xb8;
	[tilespmem:$0x1D800] =	vst v63  }
0x2d0: {  	_ =	swait.ge [sflag:s2], $0x2000  }
0x2d1: {  	[sflag:s2] =	ssyncset.done $0x0  }
0x2d2: {  	[sflag:s2] =	ssyncadd.s32 $0xFFFFE000  }
0x2d3: {  	_ =	swait.ge [sflag:s0], $0x400  }
0x2d4: {  	[sflag:s0] =	ssyncset.done $0x0  }
0x2d5: {  	[sflag:s0] =	ssyncadd.s32 $0xFFFFFC00  }
0x2d6: {  	_ =	swait.ge [sflag:s0], $0x800  }
0x2d7: {  	[sflag:s0] =	ssyncset.done $0x0  }
0x2d8: {  	[sflag:s0] =	ssyncadd.s32 $0xFFFFF800  }
0x2d9: {  	[tilespmem:s25], [sflag:$0x1] =	stream.indirect.gather [hbm4b:s1+s24], $0x80, s19, s24, $0xb8;
	[tilespmem:$0x1D800] =	vst v63  }
0x2da: {  	_ =	swait.ge [sflag:s6], $0x2000  }
0x2db: {  	[sflag:s6] =	ssyncset.done $0x0  }
0x2dc: {  	s16 =	simm.s32 $0xE80;
	[sflag:s6] =	ssyncadd.s32 $0xFFFFE000  }
0x2dd: {  	[spmem:s3] =	stream.indirect.scatter.add.f32 [tilespmem:s26], [sflag:$0x8], $0x80, s16, s24, $0xb8;
	[tilespmem:$0x1D800] =	vst v63  }
0x2de: {  	_ =	swait.ge [sflag:s2], $0x2000  }
0x2df: {  	[sflag:s2] =	ssyncset.done $0x0  }
0x2e0: {  	s22 =	simm.s32 $0x440;
	[sflag:s2] =	ssyncadd.s32 $0xFFFFE000  }
0x2e1: {  	[tilespmem:s26], [sflag:$0x2] =	stream.indirect.gather [hbm4b:s1+s24], $0x80, s22, s24, $0xb8;
	[tilespmem:$0x1D800] =	vst v63  }
0x2e2: {  	_ =	swait.ge [sflag:s9], $0x2000  }
0x2e3: {  	[sflag:s9] =	ssyncset.done $0x0  }
0x2e4: {  	s8 =	simm.s32 $0xF00;
	[sflag:s9] =	ssyncadd.s32 $0xFFFFE000  }
0x2e5: {  	[spmem:s3] =	stream.indirect.scatter.add.f32 [tilespmem:s28], [sflag:$0x8], $0x80, s8, s24, $0xb8;
	[tilespmem:$0x1D800] =	vst v63  }
0x2e6: {  	_ =	swait.ge [sflag:s2], $0x2000  }
0x2e7: {  	[sflag:s2] =	ssyncset.done $0x0  }
0x2e8: {  	s10 =	simm.s32 $0x480;
	[sflag:s2] =	ssyncadd.s32 $0xFFFFE000  }
0x2e9: {  	[tilespmem:s28], [sflag:$0x3] =	stream.indirect.gather [hbm4b:s1+s24], $0x80, s10, s24, $0xb8;
	[tilespmem:$0x1D800] =	vst v63  }
0x2ea: {  	_ =	swait.ge [sflag:s13], $0x2000  }
0x2eb: {  	[sflag:s13] =	ssyncset.done $0x0  }
0x2ec: {  	s11 =	simm.s32 $0xF80;
	[sflag:s13] =	ssyncadd.s32 $0xFFFFE000  }
0x2ed: {  	[spmem:s3] =	stream.indirect.scatter.add.f32 [tilespmem:s30], [sflag:$0x8], $0x80, s11, s24, $0xb8;
	[tilespmem:$0x1D800] =	vst v63  }
0x2ee: {  	_ =	swait.ge [sflag:s2], $0x2000  }
0x2ef: {  	[sflag:s2] =	ssyncset.done $0x0  }
0x2f0: {  	s12 =	simm.s32 $0x4C0;
	[sflag:s2] =	ssyncadd.s32 $0xFFFFE000  }
0x2f1: {  	[tilespmem:s30], [sflag:$0x4] =	stream.indirect.gather [hbm4b:s1+s24], $0x80, s12, s24, $0xb8;
	[tilespmem:$0x1D800] =	vst v63  }
0x2f2: {  	_ =	swait.ge [sflag:s31], $0x2000  }
0x2f3: {  	[sflag:s31] =	ssyncset.done $0x0  }
0x2f4: {  	[sflag:s31] =	ssyncadd.s32 $0xFFFFE000  }
0x2f5: {  	[spmem:s3] =	stream.indirect.scatter.add.f32 [tilespmem:s25], [sflag:$0x8], $0x80, s21, s24, $0xb8;
	[tilespmem:$0x1D800] =	vst v63  }
0x2f6: {  	_ =	swait.ge [sflag:s2], $0x2000  }
0x2f7: {  	[sflag:s2] =	ssyncset.done $0x0  }
0x2f8: {  	s14 =	simm.s32 $0x500;
	[sflag:s2] =	ssyncadd.s32 $0xFFFFE000  }
0x2f9: {  	[tilespmem:s25], [sflag:$0x1] =	stream.indirect.gather [hbm4b:s1+s24], $0x80, s14, s24, $0xb8;
	[tilespmem:$0x1D800] =	vst v63  }
0x2fa: {  	_ =	swait.ge [sflag:s6], $0x2000  }
0x2fb: {  	[sflag:s6] =	ssyncset.done $0x0  }
0x2fc: {  	s15 =	simm.s32 $0x1080;
	[sflag:s6] =	ssyncadd.s32 $0xFFFFE000  }
0x2fd: {  	[spmem:s3] =	stream.indirect.scatter.add.f32 [tilespmem:s26], [sflag:$0x8], $0x80, s15, s24, $0xb8;
	[tilespmem:$0x1D800] =	vst v63  }
0x2fe: {  	_ =	swait.ge [sflag:s2], $0x2000  }
0x2ff: {  	[sflag:s2] =	ssyncset.done $0x0  }
0x300: {  	s16 =	simm.s32 $0x540;
	[sflag:s2] =	ssyncadd.s32 $0xFFFFE000  }
0x301: {  	[tilespmem:s26], [sflag:$0x2] =	stream.indirect.gather [hbm4b:s1+s24], $0x80, s16, s24, $0xb8;
	[tilespmem:$0x1D800] =	vst v63  }
0x302: {  	_ =	swait.ge [sflag:s9], $0x2000  }
0x303: {  	[sflag:s9] =	ssyncset.done $0x0  }
0x304: {  	s22 =	simm.s32 $0x1100;
	[sflag:s9] =	ssyncadd.s32 $0xFFFFE000  }
0x305: {  	[spmem:s3] =	stream.indirect.scatter.add.f32 [tilespmem:s28], [sflag:$0x8], $0x80, s22, s24, $0xb8;
	[tilespmem:$0x1D800] =	vst v63  }
0x306: {  	_ =	swait.ge [sflag:s2], $0x2000  }
0x307: {  	[sflag:s2] =	ssyncset.done $0x0  }
0x308: {  	s8 =	simm.s32 $0x580;
	[sflag:s2] =	ssyncadd.s32 $0xFFFFE000  }
0x309: {  	[tilespmem:s28], [sflag:$0x3] =	stream.indirect.gather [hbm4b:s1+s24], $0x80, s8, s24, $0xb8;
	[tilespmem:$0x1D800] =	vst v63  }
0x30a: {  	_ =	swait.ge [sflag:s13], $0x2000  }
0x30b: {  	[sflag:s13] =	ssyncset.done $0x0  }
0x30c: {  	s10 =	simm.s32 $0x1180;
	[sflag:s13] =	ssyncadd.s32 $0xFFFFE000  }
0x30d: {  	[spmem:s3] =	stream.indirect.scatter.add.f32 [tilespmem:s30], [sflag:$0x8], $0x80, s10, s24, $0xb8;
	[tilespmem:$0x1D800] =	vst v63  }
0x30e: {  	_ =	swait.ge [sflag:s2], $0x2000  }
0x30f: {  	[sflag:s2] =	ssyncset.done $0x0  }
0x310: {  	s11 =	simm.s32 $0x5C0;
	[sflag:s2] =	ssyncadd.s32 $0xFFFFE000  }
0x311: {  	[tilespmem:s30], [sflag:$0x4] =	stream.indirect.gather [hbm4b:s1+s24], $0x80, s11, s24, $0xb8;
	[tilespmem:$0x1D800] =	vst v63  }
0x312: {  	_ =	swait.ge [sflag:s31], $0x2000  }
0x313: {  	[sflag:s31] =	ssyncset.done $0x0  }
0x314: {  	s12 =	simm.s32 $0x1200;
	[sflag:s31] =	ssyncadd.s32 $0xFFFFE000  }
0x315: {  	[spmem:s3] =	stream.indirect.scatter.add.f32 [tilespmem:s25], [sflag:$0x8], $0x80, s12, s24, $0xb8;
	[tilespmem:$0x1D800] =	vst v63  }
0x316: {  	_ =	swait.ge [sflag:s2], $0x2000  }
0x317: {  	[sflag:s2] =	ssyncset.done $0x0  }
0x318: {  	s14 =	simm.s32 $0x600;
	[sflag:s2] =	ssyncadd.s32 $0xFFFFE000  }
0x319: {  	[tilespmem:s25], [sflag:$0x1] =	stream.indirect.gather [hbm4b:s1+s24], $0x80, s14, s24, $0xb8;
	[tilespmem:$0x1D800] =	vst v63  }
0x31a: {  	_ =	swait.ge [sflag:s6], $0x2000  }
0x31b: {  	[sflag:s6] =	ssyncset.done $0x0  }
0x31c: {  	s15 =	simm.s32 $0x1280;
	[sflag:s6] =	ssyncadd.s32 $0xFFFFE000  }
0x31d: {  	[spmem:s3] =	stream.indirect.scatter.add.f32 [tilespmem:s26], [sflag:$0x8], $0x80, s15, s24, $0xb8;
	[tilespmem:$0x1D800] =	vst v63  }
0x31e: {  	_ =	swait.ge [sflag:s2], $0x2000  }
0x31f: {  	[sflag:s2] =	ssyncset.done $0x0  }
0x320: {  	s16 =	simm.s32 $0x640;
	[sflag:s2] =	ssyncadd.s32 $0xFFFFE000  }
0x321: {  	[tilespmem:s26], [sflag:$0x2] =	stream.indirect.gather [hbm4b:s1+s24], $0x80, s16, s24, $0xb8;
	[tilespmem:$0x1D800] =	vst v63  }
0x322: {  	_ =	swait.ge [sflag:s9], $0x2000  }
0x323: {  	[sflag:s9] =	ssyncset.done $0x0  }
0x324: {  	s22 =	simm.s32 $0x1300;
	[sflag:s9] =	ssyncadd.s32 $0xFFFFE000  }
0x325: {  	[spmem:s3] =	stream.indirect.scatter.add.f32 [tilespmem:s28], [sflag:$0x8], $0x80, s22, s24, $0xb8;
	[tilespmem:$0x1D800] =	vst v63  }
0x326: {  	_ =	swait.ge [sflag:s2], $0x2000  }
0x327: {  	[sflag:s2] =	ssyncset.done $0x0  }
0x328: {  	s8 =	simm.s32 $0x680;
	[sflag:s2] =	ssyncadd.s32 $0xFFFFE000  }
0x329: {  	[tilespmem:s28], [sflag:$0x3] =	stream.indirect.gather [hbm4b:s1+s24], $0x80, s8, s24, $0xb8;
	[tilespmem:$0x1D800] =	vst v63  }
0x32a: {  	_ =	swait.ge [sflag:s13], $0x2000  }
0x32b: {  	[sflag:s13] =	ssyncset.done $0x0  }
0x32c: {  	s10 =	simm.s32 $0x1380;
	[sflag:s13] =	ssyncadd.s32 $0xFFFFE000  }
0x32d: {  	[spmem:s3] =	stream.indirect.scatter.add.f32 [tilespmem:s30], [sflag:$0x8], $0x80, s10, s24, $0xb8;
	[tilespmem:$0x1D800] =	vst v63  }
0x32e: {  	_ =	swait.ge [sflag:s2], $0x2000  }
0x32f: {  	[sflag:s2] =	ssyncset.done $0x0  }
0x330: {  	s11 =	simm.s32 $0x6C0;
	[sflag:s2] =	ssyncadd.s32 $0xFFFFE000  }
0x331: {  	[tilespmem:s30], [sflag:$0x4] =	stream.indirect.gather [hbm4b:s1+s24], $0x80, s11, s24, $0xb8;
	[tilespmem:$0x1D800] =	vst v63  }
0x332: {  	_ =	swait.ge [sflag:s31], $0x2000  }
0x333: {  	[sflag:s31] =	ssyncset.done $0x0  }
0x334: {  	s12 =	simm.s32 $0x1400;
	[sflag:s31] =	ssyncadd.s32 $0xFFFFE000  }
0x335: {  	[spmem:s3] =	stream.indirect.scatter.add.f32 [tilespmem:s25], [sflag:$0x8], $0x80, s12, s24, $0xb8;
	[tilespmem:$0x1D800] =	vst v63  }
0x336: {  	_ =	swait.ge [sflag:s2], $0x2000  }
0x337: {  	[sflag:s2] =	ssyncset.done $0x0  }
0x338: {  	s14 =	simm.s32 $0x700;
	[sflag:s2] =	ssyncadd.s32 $0xFFFFE000  }
0x339: {  	[tilespmem:s25], [sflag:$0x1] =	stream.indirect.gather [hbm4b:s1+s24], $0x80, s14, s24, $0xb8;
	[tilespmem:$0x1D800] =	vst v63  }
0x33a: {  	_ =	swait.ge [sflag:s6], $0x2000  }
0x33b: {  	[sflag:s6] =	ssyncset.done $0x0  }
0x33c: {  	s15 =	simm.s32 $0x1480;
	[sflag:s6] =	ssyncadd.s32 $0xFFFFE000  }
0x33d: {  	[spmem:s3] =	stream.indirect.scatter.add.f32 [tilespmem:s26], [sflag:$0x8], $0x80, s15, s24, $0xb8;
	[tilespmem:$0x1D800] =	vst v63  }
0x33e: {  	_ =	swait.ge [sflag:s2], $0x2000  }
0x33f: {  	[sflag:s2] =	ssyncset.done $0x0  }
0x340: {  	s16 =	simm.s32 $0x740;
	[sflag:s2] =	ssyncadd.s32 $0xFFFFE000  }
0x341: {  	[tilespmem:s26], [sflag:$0x2] =	stream.indirect.gather [hbm4b:s1+s24], $0x80, s16, s24, $0xb8;
	[tilespmem:$0x1D800] =	vst v63  }
0x342: {  	_ =	swait.ge [sflag:s9], $0x2000  }
0x343: {  	[sflag:s9] =	ssyncset.done $0x0  }
0x344: {  	s22 =	simm.s32 $0x1500;
	[sflag:s9] =	ssyncadd.s32 $0xFFFFE000  }
0x345: {  	[spmem:s3] =	stream.indirect.scatter.add.f32 [tilespmem:s28], [sflag:$0x8], $0x80, s22, s24, $0xb8;
	[tilespmem:$0x1D800] =	vst v63  }
0x346: {  	_ =	swait.ge [sflag:s2], $0x2000  }
0x347: {  	[sflag:s2] =	ssyncset.done $0x0  }
0x348: {  	s8 =	simm.s32 $0x780;
	[sflag:s2] =	ssyncadd.s32 $0xFFFFE000  }
0x349: {  	[tilespmem:s28], [sflag:$0x3] =	stream.indirect.gather [hbm4b:s1+s24], $0x80, s8, s24, $0xb8;
	[tilespmem:$0x1D800] =	vst v63  }
0x34a: {  	_ =	swait.ge [sflag:s13], $0x2000  }
0x34b: {  	[sflag:s13] =	ssyncset.done $0x0  }
0x34c: {  	s10 =	simm.s32 $0x1580;
	[sflag:s13] =	ssyncadd.s32 $0xFFFFE000  }
0x34d: {  	[spmem:s3] =	stream.indirect.scatter.add.f32 [tilespmem:s30], [sflag:$0x8], $0x80, s10, s24, $0xb8;
	[tilespmem:$0x1D800] =	vst v63  }
0x34e: {  	_ =	swait.ge [sflag:s2], $0x2000  }
0x34f: {  	[sflag:s2] =	ssyncset.done $0x0  }
0x350: {  	s11 =	simm.s32 $0x7C0;
	[sflag:s2] =	ssyncadd.s32 $0xFFFFE000  }
0x351: {  	[tilespmem:s30], [sflag:$0x4] =	stream.indirect.gather [hbm4b:s1+s24], $0x80, s11, s24, $0xb8;
	[tilespmem:$0x1D800] =	vst v63  }
0x352: {  	_ =	swait.ge [sflag:s31], $0x2000  }
0x353: {  	[sflag:s31] =	ssyncset.done $0x0  }
0x354: {  	s12 =	simm.s32 $0x1600;
	[sflag:s31] =	ssyncadd.s32 $0xFFFFE000  }
0x355: {  	[spmem:s3] =	stream.indirect.scatter.add.f32 [tilespmem:s25], [sflag:$0x8], $0x80, s12, s24, $0xb8;
	[tilespmem:$0x1D800] =	vst v63  }
0x356: {  	_ =	swait.ge [sflag:s2], $0x2000  }
0x357: {  	[sflag:s2] =	ssyncset.done $0x0  }
0x358: {  	[sflag:s2] =	ssyncadd.s32 $0xFFFFE000  }
0x359: {  	_ =	swait.ge [sflag:s6], $0x2000  }
0x35a: {  	[sflag:s6] =	ssyncset.done $0x0  }
0x35b: {  	s14 =	simm.s32 $0x1680;
	[sflag:s6] =	ssyncadd.s32 $0xFFFFE000  }
0x35c: {  	[spmem:s3] =	stream.indirect.scatter.add.f32 [tilespmem:s26], [sflag:$0x8], $0x80, s14, s24, $0xb8;
	[tilespmem:$0x1D800] =	vst v63  }
0x35d: {  	_ =	swait.ge [sflag:s2], $0x2000  }
0x35e: {  	[sflag:s2] =	ssyncset.done $0x0  }
0x35f: {  	[sflag:s2] =	ssyncadd.s32 $0xFFFFE000  }
0x360: {  	_ =	swait.ge [sflag:s9], $0x2000  }
0x361: {  	[sflag:s9] =	ssyncset.done $0x0  }
0x362: {  	[sflag:s9] =	ssyncadd.s32 $0xFFFFE000  }
0x363: {  	[spmem:s3] =	stream.indirect.scatter.add.f32 [tilespmem:s28], [sflag:$0x8], $0x80, s17, s24, $0xb8;
	[tilespmem:$0x1D800] =	vst v63  }
0x364: {  	_ =	swait.ge [sflag:s2], $0x2000  }
0x365: {  	[sflag:s2] =	ssyncset.done $0x0  }
0x366: {  	[sflag:s2] =	ssyncadd.s32 $0xFFFFE000  }
0x367: {  	_ =	swait.ge [sflag:s13], $0x2000  }
0x368: {  	[sflag:s13] =	ssyncset.done $0x0  }
0x369: {  	[sflag:s13] =	ssyncadd.s32 $0xFFFFE000  }
0x36a: {  	[spmem:s3] =	stream.indirect.scatter.add.f32 [tilespmem:s30], [sflag:$0x8], $0x80, s29, s24, $0xb8;
	[tilespmem:$0x1D800] =	vst v63  }
0x36b: {  	_ =	swait.ge [sflag:s2], $0x2000  }
0x36c: {  	[sflag:s2] =	ssyncset.done $0x0  }
0x36d: {  	[sflag:s2] =	ssyncadd.s32 $0xFFFFE000  }
0x36e: {  	[bflag:$0x0] =	sbarrier.arrive $0xFFFF  }
0x36f: {  	s15 =	rddreg [dreg:$0xb]  }
0x370: {  	s8 =	rddreg [dreg:$0x10]  }
0x371: {  	s10 =	rddreg [dreg:$0x14];
	s7 =	sor.u32 $0x1C08, s15  }
0x372: {  	[hbm:s8], [sflag:s7] =	dma.local [spmem:s10], $0x2800  }
0x373: {  	_ =	swait.ge [sflag:s2], $0x2800  }
0x374: {  	s16 =	rddreg [dreg:$0x13]  }
0x375: {  	s22 =	rddreg [dreg:$0xf];
	s8 =	sadd.s32 $0x1, s16  }
0x376: {  	p0 =	sne.s32 s8, s22  }
.Ltmp1:
0x377: {  	_ = 	snop;
	(pc) =	sbr.rel @p0 .LBB2_1-.Ltmp1, $3  }
0x378: {  	_ =	sdelay $0x1  }
0x379: {  	[sflag:s2] =	ssyncset.done $0x0  }
0x37a: {  	[sflag:s2] =	ssyncadd.s32 $0xFFFFD800  }
0x37b: {  	_ =	sfence.sel $0x180000  }
0x37c: {  	[bflag:$0x0] =	sbarrier.arrive $0xFFFF  }
0x37d: {  	_ =	strace $0x90000047  }
0x37e: {  	s0 =	stileid.u32;
	[bflag:$0x2] =	sbarrier.arrive $0xFFFF  }
0x37f: {  	p0 =	sne.s32 s0, $0x0;
	s0 =	rddreg [dreg:$0x4]  }
0x380: {  	s0 =	sadd.s32 @!p0 $0x100000, s0  }
0x381: {  	[sflag:s0] =	ssyncadd.tile.s32 @!p0 $0x1;
	_ =	shalt  }
.Lfunc_end2:
_tile_overlayer_lowered:
.L_overlay_start_2:
0x382: {  	(tag) =	ssettag $0x2  }
0x383: {  	s0 =	rddreg [dreg:$0x0];
	s2 =	stileid.u32  }
0x384: {  	s1 =	rddreg [dreg:$0x1];
	p0 =	sne.s32 s2, $0x0  }
0x385: {  	s3 =	rddreg [dreg:$0x2];
	[bflag:$0x3] =	sbarrier.arrive $0xFFFF;
	s2 =	simm.s32 @!p0 $0x1C08  }
0x386: {  	[timem:s3], [sflag:s2] =	dma.local @!p0 [hbm:s0], s1  }
0x387: {  	s0 =	simm.s32 @!p0 $0x8  }
0x388: {  	_ =	swait.ge @!p0 [sflag:s0], s1  }
0x389: {  	s1 =	ssub.s32 @!p0 $0x0, s1;
	[sflag:s0] =	ssyncset.done @!p0 $0x0  }
0x38a: {  	[sflag:s0] =	ssyncadd.s32 @!p0 s1  }
0x38b: {  	[bflag:$0x3] =	sbarrier.arrive $0xFFFF  }
0x38c: {  	_ =	shalt  }

</sc_bundles>
